<compile_context>
chip_gen: v7x
topology: tpu7x:2x2x1
jax: 0.10.2.dev20260603
libtpu: 0.0.44.dev20260713+nightly
codegen_flags: <defaults>
</compile_context>

<pallas_src>
import functools

import jax
import jax.numpy as jnp
from jax import lax
from jax.experimental import pallas as pl
from jax.experimental.pallas import tpu as pltpu
from jax.experimental.pallas import tpu_sc as plsc

B, L, D, DH, MM = 16, 512, 256, 1024, 4096
CHUNK = 128
HALF = MM // 2
NCH = HALF // CHUNK


def _shift_down(h):
    zr = jnp.zeros((1, h.shape[1]), h.dtype)
    return jnp.concatenate([zr, h[:-1, :]], axis=0)


def _shift_up(h):
    zr = jnp.zeros((1, h.shape[1]), h.dtype)
    return jnp.concatenate([h[1:, :], zr], axis=0)


def _conv3(h, w_ref, bias):
    h_hi = h.astype(jnp.bfloat16)
    yn = jnp.dot(h_hi, w_ref[...], preferred_element_type=jnp.float32)
    n = yn.shape[1] // 3
    y = yn[:, n:2 * n] + _shift_down(yn[:, :n]) + _shift_up(yn[:, 2 * n:])
    return y + bias


def _ln(h, g, b):
    mu = jnp.mean(h, axis=-1, keepdims=True)
    xc = h - mu
    var = jnp.mean(xc * xc, axis=-1, keepdims=True)
    return xc * lax.rsqrt(var + 1e-5) * g + b


_BB = 4


def _predictor_body(x_ref, w1a, b1a, w2a, b2a, g1, be1,
                    w1b, b1b, w2b, b2b, g2, be2, wl, bl, dp_ref):
    for i in range(_BB):
        h = x_ref[i]
        h = jax.nn.relu(_conv3(h, w1a, b1a[0]))
        h = jax.nn.relu(_conv3(h, w2a, b2a[0]))
        h = _ln(h, g1[0], be1[0])
        h = jax.nn.relu(_conv3(h, w1b, b1b[0]))
        h = jax.nn.relu(_conv3(h, w2b, b2b[0]))
        h = _ln(h, g2[0], be2[0])
        dp = jnp.dot(h.astype(jnp.bfloat16), wl[...],
                     preferred_element_type=jnp.float32) + bl[0]
        dp_ref[0, i] = dp.reshape(1, L)[0]


def _predictor_call(x, w1a_t, b1a, w2a_t, b2a, g1, be1,
                    w1b_t, b1b, w2b_t, b2b, g2, be2, wl, bl):
    full = lambda shape: pl.BlockSpec(shape, lambda b: (0,) * len(shape))
    return pl.pallas_call(
        _predictor_body,
        grid=(B // _BB,),
        in_specs=[
            pl.BlockSpec((_BB, L, D), lambda b: (b, 0, 0)),
            full((D, 3 * DH)), full((1, DH)),
            full((DH, 3 * D)), full((1, D)),
            full((1, D)), full((1, D)),
            full((D, 3 * DH)), full((1, DH)),
            full((DH, 3 * D)), full((1, D)),
            full((1, D)), full((1, D)),
            full((D, 1)), full((1, 1)),
        ],
        out_specs=pl.BlockSpec((1, _BB, L), lambda b: (b, 0, 0)),
        out_shape=jax.ShapeDtypeStruct((B // _BB, _BB, L), jnp.float32),
    )(x, w1a_t, b1a, w2a_t, b2a, g1, be1,
      w1b_t, b1b, w2b_t, b2b, g2, be2, wl, bl)



def _regulate(x_flat, tgt):
    mesh = plsc.VectorSubcoreMesh(core_axis_name="c", subcore_axis_name="s")

    @functools.partial(
        pl.kernel,
        mesh=mesh,
        out_type=jax.ShapeDtypeStruct((B, MM, D), jnp.float32),
        compiler_params=pltpu.CompilerParams(needs_layout_passes=False),
        scratch_types=[
            pltpu.VMEM((L,), jnp.int32),
            pltpu.VMEM((MM,), jnp.int32),
            pltpu.VMEM((HALF,), jnp.int32),
            [pltpu.VMEM((CHUNK, D), jnp.float32) for _ in range(2)],
            pltpu.VMEM((CHUNK, D), jnp.float32),
            [pltpu.SemaphoreType.DMA for _ in range(2)],
            [pltpu.SemaphoreType.DMA for _ in range(2)],
        ],
    )
    def k(x_hbm, tgt_hbm, out_hbm, dur_v, a_v, idx_v, bufs, zbuf,
          gsems, wsems):
        b_ = lax.axis_index("s")
        h_ = lax.axis_index("c")

        pltpu.sync_copy(tgt_hbm.at[b_], dur_v)

        def z_body(j, carry):
            a_v[pl.ds(j * 16, 16)] = jnp.zeros((16,), jnp.int32)
            return carry
        lax.fori_loop(0, MM // 16, z_body, 0)

        def s_body(i, carry):
            dch = dur_v[pl.ds(i * 16, 16)]
            ech = plsc.cumsum(dch) + carry
            sch = ech - dch
            vals = lax.iota(jnp.int32, 16) + (i * 16 + 1)
            plsc.store_scatter(a_v, [sch], vals, mask=dch > 0)
            return carry + jnp.sum(dch)
        total = lax.fori_loop(0, L // 16, s_body, jnp.int32(0))

        lane0 = lax.iota(jnp.int32, 16) == 0
        plsc.store_scatter(a_v, [jnp.zeros((16,), jnp.int32) + total],
                           jnp.full((16,), L + 1, jnp.int32), mask=lane0)

        base = b_ * L
        def c_body(j, carry):
            a = a_v[pl.ds(j * 16, 16)]
            cm = jnp.maximum(plsc.cummax(a), carry)

            @pl.when(((j >> 3) & 1) == h_)
            def _():
                idx = jnp.where(cm == L + 1, base, base + cm - 1)
                idx_v[pl.ds(((j >> 4) << 7) + ((j & 7) << 4), 16)] = idx
            return jnp.maximum(carry, jnp.max(a))
        lax.fori_loop(0, MM // 16, c_body, jnp.int32(0))

        def f0(c):
            return (2 * c + h_) * CHUNK

        def g_start(g):
            @pl.when(f0(g) < total)
            def _():
                pltpu.async_copy(
                    x_hbm.at[idx_v.at[pl.ds(g * CHUNK, CHUNK)]],
                    bufs[g % 2], gsems[g % 2])

        def g_wait(g):
            @pl.when(f0(g) < total)
            def _():
                pltpu.make_async_copy(
                    x_hbm.at[idx_v.at[pl.ds(g * CHUNK, CHUNK)]],
                    bufs[g % 2], gsems[g % 2]).wait()
                lo = jnp.clip(total - f0(g), 0, CHUNK) * 16

                def zt_body(j, carry):
                    bufs[g % 2][j >> 4, pl.ds((j & 15) * 16, 16)] = (
                        jnp.zeros((16,), jnp.float32))
                    return carry
                lax.fori_loop(lo, CHUNK * 16, zt_body, 0)

        def w_start(c):
            dst = out_hbm.at[b_, pl.ds(f0(c), CHUNK)]

            @pl.when(f0(c) < total)
            def _():
                pltpu.make_async_copy(bufs[c % 2], dst, wsems[c % 2]).start()

            @pl.when(f0(c) >= total)
            def _():
                pltpu.make_async_copy(zbuf, dst, wsems[c % 2]).start()

        def w_wait(c):
            pltpu.make_async_copy(
                bufs[c % 2], out_hbm.at[b_, pl.ds(f0(c), CHUNK)],
                wsems[c % 2]).wait()

        g_start(0)

        def zb_body(j, carry):
            zbuf[j >> 4, pl.ds((j & 15) * 16, 16)] = jnp.zeros((16,),
                                                               jnp.float32)
            return carry
        lax.fori_loop(0, CHUNK * D // 16, zb_body, 0)

        for c in range(NCH):
            g_wait(c)
            w_start(c)
            if c + 1 < NCH:
                if c >= 1:
                    w_wait(c - 1)
                g_start(c + 1)
        w_wait(NCH - 2)
        w_wait(NCH - 1)

    return k(x_flat, tgt)



def kernel(x, target, mel_max_len, W1a, b1a, W2a, b2a, ln1_g, ln1_b,
           W1b, b1b, W2b, b2b, ln2_g, ln2_b, Wlin, blin):
    x = x.astype(jnp.float32)
    tgt = target.astype(jnp.int32)

    out = _regulate(x.reshape(B * L, D), tgt)

    row = lambda v: v.reshape(1, -1)
    tbf = lambda w: jnp.transpose(w.astype(jnp.bfloat16), (1, 2, 0)).reshape(
        w.shape[1], 3 * w.shape[0])
    dp = _predictor_call(
        x,
        tbf(W1a), row(b1a),
        tbf(W2a), row(b2a),
        row(ln1_g), row(ln1_b),
        tbf(W1b), row(b1b),
        tbf(W2b), row(b2b),
        row(ln2_g), row(ln2_b),
        Wlin.astype(jnp.bfloat16), row(blin),
    )
    return out, dp.reshape(B, L)

# --- scband reference (transcript-rebuilt; emitter-appended) ---
"""Pipeline reference for scband-length-regulator-89421219103447 (READ-ONLY COPY).

The authoritative reference and input builder live on the scoring server;
editing this copy changes nothing except your own understanding.
"""

import jax, jax.numpy as jnp
import numpy as np


def layer_norm(x, g, b, eps=1e-5):
    mu = jnp.mean(x, axis=-1, keepdims=True)
    var = jnp.var(x, axis=-1, keepdims=True)
    return (x - mu) / jnp.sqrt(var + eps) * g + b


def conv1d_same(x_ncl, w, b):
    y = jax.lax.conv_general_dilated(x_ncl, w, (1,), 'SAME', dimension_numbers=('NCH', 'OIH', 'NCH'))
    return y + b[None, :, None]


def fft_block(x, W1, b1, W2, b2):
    h = x.transpose(0, 2, 1)
    h = jax.nn.relu(conv1d_same(h, W1, b1))
    h = jax.nn.relu(conv1d_same(h, W2, b2))
    return h.transpose(0, 2, 1)


def setup_inputs(seed: int = 0) -> dict:
    key = jax.random.key(seed)
    ks = jax.random.split(key, 20)
    B, L, d, dh, kk = 16, 512, 256, 1024, 3
    mel_max_len = 4096
    sc1 = 1.0 / np.sqrt(d * kk)
    sc2 = 1.0 / np.sqrt(dh * kk)
    scl = 1.0 / np.sqrt(d)
    inp = {}
    inp['x'] = jax.random.normal(ks[0], (B, L, d), dtype=jnp.float32)
    inp['target'] = jax.random.randint(ks[1], (B, L), 0, 8)
    inp['mel_max_len'] = mel_max_len
    inp['W1a'] = jax.random.uniform(ks[2], (dh, d, kk), jnp.float32, -sc1, sc1)
    inp['b1a'] = jax.random.uniform(ks[3], (dh,), jnp.float32, -sc1, sc1)
    inp['W2a'] = jax.random.uniform(ks[4], (d, dh, kk), jnp.float32, -sc2, sc2)
    inp['b2a'] = jax.random.uniform(ks[5], (d,), jnp.float32, -sc2, sc2)
    inp['ln1_g'] = jnp.ones((d,), jnp.float32)
    inp['ln1_b'] = jnp.zeros((d,), jnp.float32)
    inp['W1b'] = jax.random.uniform(ks[6], (dh, d, kk), jnp.float32, -sc1, sc1)
    inp['b1b'] = jax.random.uniform(ks[7], (dh,), jnp.float32, -sc1, sc1)
    inp['W2b'] = jax.random.uniform(ks[8], (d, dh, kk), jnp.float32, -sc2, sc2)
    inp['b2b'] = jax.random.uniform(ks[9], (d,), jnp.float32, -sc2, sc2)
    inp['ln2_g'] = jnp.ones((d,), jnp.float32)
    inp['ln2_b'] = jnp.zeros((d,), jnp.float32)
    inp['Wlin'] = jax.random.uniform(ks[10], (d, 1), jnp.float32, -scl, scl)
    inp['blin'] = jax.random.uniform(ks[11], (1,), jnp.float32, -scl, scl)
    return inp


def reference(x, target, mel_max_len, W1a, b1a, W2a, b2a, ln1_g, ln1_b, W1b, b1b, W2b, b2b, ln2_g, ln2_b, Wlin, blin):
    # DurationPredictor (dropout is identity in eval)
    h = fft_block(x, W1a, b1a, W2a, b2a)
    h = layer_norm(h, ln1_g, ln1_b)
    h = fft_block(h, W1b, b1b, W2b, b2b)
    h = layer_norm(h, ln2_g, ln2_b)
    dur_preds = (h @ Wlin + blin)[..., 0]
    # Length regulation with ground-truth durations (target path)
    dur = target.astype(jnp.int32)
    ends = jnp.cumsum(dur, axis=-1)
    starts = ends - dur
    zero_off = mel_max_len - mel_max_len
    rows = (jnp.arange(4096) + zero_off)[None, :, None]
    align = ((rows >= starts[:, None, :]) & (rows < ends[:, None, :])).astype(x.dtype)
    # alignment @ x, already padded to mel_max_len (extra rows are all-zero)
    output = jnp.einsum('bml,bld->bmd', align, x)
    return (output, dur_preds)

if __name__ == "__main__":
    import jax
    _d = setup_inputs()
    print(jax.jit(kernel)(*tuple(_d.values())))

</pallas_src>

<mosaic_0001>
#map = affine_map<(d0, d1) -> (0, 0)>
#map1 = affine_map<(d0, d1) -> (0, 0, 0)>
module attributes {stable_mosaic.version = 14 : i64} {
  func.func @k(%arg0: i32, %arg1: i32, %arg2: memref<8192x256xf32, #tpu.memory_space<hbm>>, %arg3: memref<16x512xi32, #tpu.memory_space<hbm>>, %arg4: memref<16x4096x256xf32, #tpu.memory_space<hbm>>, %arg5: memref<512xi32, #tpu.memory_space<vmem>>, %arg6: memref<4096xi32, #tpu.memory_space<vmem>>, %arg7: memref<2048xi32, #tpu.memory_space<vmem>>, %arg8: memref<128x256xf32, #tpu.memory_space<vmem>>, %arg9: memref<128x256xf32, #tpu.memory_space<vmem>>, %arg10: memref<128x256xf32, #tpu.memory_space<vmem>>, %arg11: memref<!tpu.dma_semaphore, #tpu.memory_space<semaphore_mem>>, %arg12: memref<!tpu.dma_semaphore, #tpu.memory_space<semaphore_mem>>, %arg13: memref<!tpu.dma_semaphore, #tpu.memory_space<semaphore_mem>>, %arg14: memref<!tpu.dma_semaphore, #tpu.memory_space<semaphore_mem>>) attributes {dimension_semantics = [#tpu.dimension_semantics<core_parallel>, #tpu.dimension_semantics<subcore_parallel>], iteration_bounds = array<i64: 2, 16>, scalar_prefetch = 0 : i64, scratch_operands = 10 : i64, tpu.core_type = #tpu.core_type<sc_vector_subcore>, window_params = [{transform_indices = #map}, {transform_indices = #map}, {transform_indices = #map1}]} {
    "tpu.region"() ({
      %run_scoped3A = tpu.sem_alloc : memref<!tpu.dma_semaphore, #tpu.memory_space<semaphore_mem>>
      %dma_start3A = arith.constant 0 : i32
      %dma_start3A_763 = tpu.memref_slice %arg3[%arg1, %dma_start3A] : memref<16x512xi32, #tpu.memory_space<hbm>> -> memref<1x512xi32, #tpu.memory_space<hbm>>
      %dma_start3A_764 = tpu.memref_squeeze %dma_start3A_763 : memref<1x512xi32, #tpu.memory_space<hbm>> -> memref<512xi32, #tpu.memory_space<hbm>>
      %dma_start3A_765 = arith.constant 0 : i32
      %dma_start3A_766 = tpu.memref_slice %arg3[%arg1, %dma_start3A_765] : memref<16x512xi32, #tpu.memory_space<hbm>> -> memref<1x512xi32, #tpu.memory_space<hbm>>
      %dma_start3A_767 = tpu.memref_squeeze %dma_start3A_766 : memref<1x512xi32, #tpu.memory_space<hbm>> -> memref<512xi32, #tpu.memory_space<hbm>>
      tpu.enqueue_dma source(%dma_start3A_767 : memref<512xi32, #tpu.memory_space<hbm>>) target(%arg5 : memref<512xi32, #tpu.memory_space<vmem>>) target_semaphore(%run_scoped3A : memref<!tpu.dma_semaphore, #tpu.memory_space<semaphore_mem>>)
      %dma_wait3A_768 = arith.constant 0 : i32
      %dma_wait3A_769 = tpu.memref_slice %arg3[%arg1, %dma_wait3A_768] : memref<16x512xi32, #tpu.memory_space<hbm>> -> memref<1x512xi32, #tpu.memory_space<hbm>>
      %dma_wait3A_770 = tpu.memref_squeeze %dma_wait3A_769 : memref<1x512xi32, #tpu.memory_space<hbm>> -> memref<512xi32, #tpu.memory_space<hbm>>
      %dma_wait3A_771 = arith.constant 0 : i32
      %dma_wait3A_772 = tpu.memref_slice %arg3[%arg1, %dma_wait3A_771] : memref<16x512xi32, #tpu.memory_space<hbm>> -> memref<1x512xi32, #tpu.memory_space<hbm>>
      %dma_wait3A_773 = tpu.memref_squeeze %dma_wait3A_772 : memref<1x512xi32, #tpu.memory_space<hbm>> -> memref<512xi32, #tpu.memory_space<hbm>>
      tpu.wait_dma2 semaphore(%run_scoped3A : memref<!tpu.dma_semaphore, #tpu.memory_space<semaphore_mem>>) src(%dma_wait3A_773 : memref<512xi32, #tpu.memory_space<hbm>>) dst(%arg5 : memref<512xi32, #tpu.memory_space<vmem>>)
      tpu.yield
    }) : () -> ()
    %scan3A = arith.constant 0 : i32
    %scan3A_0 = arith.constant 0 : i32
    %scan3A_1 = arith.constant 256 : i32
    %scan3A_2 = arith.addi %scan3A_0, %scan3A_1 : i32
    %scan3A_3 = arith.constant 1 : i32
    scf.for %scan3A_763 = %scan3A_0 to %scan3A_2 step %scan3A_3  : i32 {
      %broadcast_in_dim3A_764 = arith.constant 0 : i32
      %broadcast_in_dim3A_765 = vector.broadcast %broadcast_in_dim3A_764 : i32 to vector<16xi32>
      %mul3A_766 = arith.constant 16 : i32
      %mul3A_767 = arith.muli %scan3A_763, %mul3A_766 : i32
      %swap3A = arith.index_cast %mul3A_767 : i32 to index
      %swap3A_768 = tpu.vector_load %arg6[%swap3A] {strides = array<i32>} : memref<4096xi32, #tpu.memory_space<vmem>>, vector<16xi32>,
      tpu.vector_store %arg6[%swap3A], %broadcast_in_dim3A_765 {strides = array<i32>} : memref<4096xi32, #tpu.memory_space<vmem>>, vector<16xi32>,
    }
    %scan3A_4 = arith.constant 256 : i32
    %scan3A_5 = arith.constant 0 : i32
    %scan3A_6 = arith.constant 0 : i32
    %scan3A_7 = arith.constant 32 : i32
    %scan3A_8 = arith.addi %scan3A_6, %scan3A_7 : i32
    %scan3A_9 = arith.constant 1 : i32
    %scan3A_10 = scf.for %scan3A_763 = %scan3A_6 to %scan3A_8 step %scan3A_9 iter_args(%scan3A_764 = %scan3A_5) -> (i32)  : i32 {
      %mul3A_765 = arith.constant 16 : i32
      %mul3A_766 = arith.muli %scan3A_763, %mul3A_765 : i32
      %get3A = arith.index_cast %mul3A_766 : i32 to index
      %get3A_767 = tpu.vector_load %arg5[%get3A] {strides = array<i32>} : memref<512xi32, #tpu.memory_space<vmem>>, vector<16xi32>,
      %broadcast_in_dim3A_768 = arith.constant true
      %broadcast_in_dim3A_769 = vector.broadcast %broadcast_in_dim3A_768 : i1 to vector<16xi1>
      %masked_cumsum3A = tpu.scan <sum>, %get3A_767 masked %broadcast_in_dim3A_769 : vector<16xi32>, vector<16xi1> -> vector<16xi32>
      %add3A_770 = vector.broadcast %scan3A_764 : i32 to vector<16xi32>
      %add3A_771 = arith.addi %masked_cumsum3A, %add3A_770 : vector<16xi32>
      %sub3A = arith.subi %add3A_771, %get3A_767 : vector<16xi32>
      %iota3A_772 = tpu.iota {dimensions = array<i32: 0>} : vector<16xi32>
      %mul3A_773 = arith.constant 16 : i32
      %mul3A_774 = arith.muli %scan3A_763, %mul3A_773 : i32
      %add3A_775 = arith.constant 1 : i32
      %add3A_776 = arith.addi %mul3A_774, %add3A_775 : i32
      %add3A_777 = vector.broadcast %add3A_776 : i32 to vector<16xi32>
      %add3A_778 = arith.addi %iota3A_772, %add3A_777 : vector<16xi32>
      %gt3A = arith.constant 0 : i32
      %gt3A_779 = vector.broadcast %gt3A : i32 to vector<16xi32>
      %gt3A_780 = arith.cmpi sgt, %get3A_767, %gt3A_779 : vector<16xi32>
      tpu.vector_store_idx %arg6[%sub3A], %add3A_778 masked %gt3A_780 : memref<4096xi32, #tpu.memory_space<vmem>>[vector<16xi32>], vector<16xi32>, vector<16xi1>
      %reduce_sum3A = arith.constant true
      %reduce_sum3A_781 = vector.broadcast %reduce_sum3A : i1 to vector<16xi1>
      %reduce_sum3A_782 = tpu.scan <sum>, %get3A_767 masked %reduce_sum3A_781 : vector<16xi32>, vector<16xi1> -> vector<16xi32>
      %reduce_sum3A_783 = vector.extract %reduce_sum3A_782[15] : i32 from vector<16xi32>
      %add3A_784 = arith.addi %scan3A_764, %reduce_sum3A_783 : i32
      scf.yield %add3A_784 : i32
    }
    %scan3A_11 = arith.constant 32 : i32
    %iota3A = tpu.iota {dimensions = array<i32: 0>} : vector<16xi32>
    %eq3A = arith.constant 0 : i32
    %eq3A_12 = vector.broadcast %eq3A : i32 to vector<16xi32>
    %eq3A_13 = arith.cmpi eq, %iota3A, %eq3A_12 : vector<16xi32>
    %broadcast_in_dim3A = arith.constant 0 : i32
    %broadcast_in_dim3A_14 = vector.broadcast %broadcast_in_dim3A : i32 to vector<16xi32>
    %add3A = vector.broadcast %scan3A_10 : i32 to vector<16xi32>
    %add3A_15 = arith.addi %broadcast_in_dim3A_14, %add3A : vector<16xi32>
    %broadcast_in_dim3A_16 = arith.constant 513 : i32
    %broadcast_in_dim3A_17 = vector.broadcast %broadcast_in_dim3A_16 : i32 to vector<16xi32>
    tpu.vector_store_idx %arg6[%add3A_15], %broadcast_in_dim3A_17 masked %eq3A_13 : memref<4096xi32, #tpu.memory_space<vmem>>[vector<16xi32>], vector<16xi32>, vector<16xi1>
    %mul3A = arith.constant 512 : i32
    %mul3A_18 = arith.muli %arg1, %mul3A : i32
    %scan3A_19 = arith.constant 0 : i32
    %scan3A_20 = arith.constant 0 : i32
    %scan3A_21 = arith.constant 256 : i32
    %scan3A_22 = arith.addi %scan3A_20, %scan3A_21 : i32
    %scan3A_23 = arith.constant 1 : i32
    %scan3A_24 = scf.for %scan3A_763 = %scan3A_20 to %scan3A_22 step %scan3A_23 iter_args(%scan3A_764 = %scan3A_19) -> (i32)  : i32 {
      %mul3A_765 = arith.constant 16 : i32
      %mul3A_766 = arith.muli %scan3A_763, %mul3A_765 : i32
      %get3A = arith.index_cast %mul3A_766 : i32 to index
      %get3A_767 = tpu.vector_load %arg6[%get3A] {strides = array<i32>} : memref<4096xi32, #tpu.memory_space<vmem>>, vector<16xi32>,
      %broadcast_in_dim3A_768 = arith.constant true
      %broadcast_in_dim3A_769 = vector.broadcast %broadcast_in_dim3A_768 : i1 to vector<16xi1>
      %masked_cummax3A = arith.constant -2147483648 : i32
      %masked_cummax3A_770 = vector.broadcast %masked_cummax3A : i32 to vector<16xi32>
      %masked_cummax3A_771 = arith.xori %get3A_767, %masked_cummax3A_770 : vector<16xi32>
      %masked_cummax3A_772 = tpu.scan <max>, %masked_cummax3A_771 masked %broadcast_in_dim3A_769 : vector<16xi32>, vector<16xi1> -> vector<16xi32>
      %masked_cummax3A_773 = arith.xori %masked_cummax3A_772, %masked_cummax3A_770 : vector<16xi32>
      %max3A = vector.broadcast %scan3A_764 : i32 to vector<16xi32>
      %max3A_774 = arith.maxsi %masked_cummax3A_773, %max3A : vector<16xi32>
      %shift_right_arithmetic3A = arith.constant 3 : i32
      %shift_right_arithmetic3A_775 = arith.shrsi %scan3A_763, %shift_right_arithmetic3A : i32
      %and3A = arith.constant 1 : i32
      %and3A_776 = arith.andi %shift_right_arithmetic3A_775, %and3A : i32
      %eq3A_777 = arith.cmpi eq, %and3A_776, %arg0 : i32
      %convert_element_type3A_778 = arith.extui %eq3A_777 : i1 to i32
      %cond3A_779 = arith.constant 0 : i32
      %cond3A_780 = arith.cmpi ne, %convert_element_type3A_778, %cond3A_779 : i32
      scf.if %cond3A_780 {
        %eq3A_789 = arith.constant 513 : i32
        %eq3A_790 = vector.broadcast %eq3A_789 : i32 to vector<16xi32>
        %eq3A_791 = arith.cmpi eq, %max3A_774, %eq3A_790 : vector<16xi32>
        %add3A_792 = vector.broadcast %mul3A_18 : i32 to vector<16xi32>
        %add3A_793 = arith.addi %add3A_792, %max3A_774 : vector<16xi32>
        %sub3A = arith.constant 1 : i32
        %sub3A_794 = vector.broadcast %sub3A : i32 to vector<16xi32>
        %sub3A_795 = arith.subi %add3A_793, %sub3A_794 : vector<16xi32>
        %broadcast_in_dim3A_796 = vector.broadcast %mul3A_18 : i32 to vector<16xi32>
        %select_n3A = arith.select %eq3A_791, %broadcast_in_dim3A_796, %sub3A_795 : vector<16xi1>, vector<16xi32>
        %shift_right_arithmetic3A_797 = arith.constant 4 : i32
        %shift_right_arithmetic3A_798 = arith.shrsi %scan3A_763, %shift_right_arithmetic3A_797 : i32
        %shift_left3A = arith.constant 7 : i32
        %shift_left3A_799 = arith.shli %shift_right_arithmetic3A_798, %shift_left3A : i32
        %and3A_800 = arith.constant 7 : i32
        %and3A_801 = arith.andi %scan3A_763, %and3A_800 : i32
        %shift_left3A_802 = arith.constant 4 : i32
        %shift_left3A_803 = arith.shli %and3A_801, %shift_left3A_802 : i32
        %add3A_804 = arith.addi %shift_left3A_799, %shift_left3A_803 : i32
        %swap3A = arith.index_cast %add3A_804 : i32 to index
        %swap3A_805 = tpu.vector_load %arg7[%swap3A] {strides = array<i32>} : memref<2048xi32, #tpu.memory_space<vmem>>, vector<16xi32>,
        tpu.vector_store %arg7[%swap3A], %select_n3A {strides = array<i32>} : memref<2048xi32, #tpu.memory_space<vmem>>, vector<16xi32>,
      } else {
      }
      %reduce_max3A = arith.constant true
      %reduce_max3A_781 = vector.broadcast %reduce_max3A : i1 to vector<16xi1>
      %reduce_max3A_782 = arith.constant -2147483648 : i32
      %reduce_max3A_783 = vector.broadcast %reduce_max3A_782 : i32 to vector<16xi32>
      %reduce_max3A_784 = arith.xori %get3A_767, %reduce_max3A_783 : vector<16xi32>
      %reduce_max3A_785 = tpu.scan <max>, %reduce_max3A_784 masked %reduce_max3A_781 : vector<16xi32>, vector<16xi1> -> vector<16xi32>
      %reduce_max3A_786 = arith.xori %reduce_max3A_785, %reduce_max3A_783 : vector<16xi32>
      %reduce_max3A_787 = vector.extract %reduce_max3A_786[15] : i32 from vector<16xi32>
      %max3A_788 = arith.maxsi %scan3A_764, %reduce_max3A_787 : i32
      scf.yield %max3A_788 : i32
    }
    %scan3A_25 = arith.constant 256 : i32
    %add3A_26 = arith.constant 0 : i32
    %add3A_27 = arith.addi %add3A_26, %arg0 : i32
    %mul3A_28 = arith.constant 128 : i32
    %mul3A_29 = arith.muli %add3A_27, %mul3A_28 : i32
    %lt3A = arith.cmpi slt, %mul3A_29, %scan3A_10 : i32
    %convert_element_type3A = arith.extui %lt3A : i1 to i32
    %cond3A = arith.constant 0 : i32
    %cond3A_30 = arith.cmpi ne, %convert_element_type3A, %cond3A : i32
    scf.if %cond3A_30 {
      %dma_start3A = arith.constant 0 : i32
      %dma_start3A_763 = tpu.memref_slice %arg7[%dma_start3A] : memref<2048xi32, #tpu.memory_space<vmem>> -> memref<128xi32, #tpu.memory_space<vmem>>
      %dma_start3A_764 = arith.constant 0 : i32
      %dma_start3A_765 = arith.constant 0 : i32
      %dma_start3A_766 = tpu.memref_slice %arg2[%dma_start3A_764, %dma_start3A_765] : memref<8192x256xf32, #tpu.memory_space<hbm>> -> memref<8192x256xf32, #tpu.memory_space<hbm>>
      tpu.enqueue_indirect_dma source(%dma_start3A_766 : memref<8192x256xf32, #tpu.memory_space<hbm>>) target(%arg8 : memref<128x256xf32, #tpu.memory_space<vmem>>) offsets(%dma_start3A_763 : memref<128xi32, #tpu.memory_space<vmem>>) semaphore(%arg11 : memref<!tpu.dma_semaphore, #tpu.memory_space<semaphore_mem>>)
    } else {
    }
    %scan3A_31 = arith.constant 0 : i32
    %scan3A_32 = arith.constant 0 : i32
    %scan3A_33 = arith.constant 2048 : i32
    %scan3A_34 = arith.addi %scan3A_32, %scan3A_33 : i32
    %scan3A_35 = arith.constant 1 : i32
    scf.for %scan3A_763 = %scan3A_32 to %scan3A_34 step %scan3A_35  : i32 {
      %broadcast_in_dim3A_764 = arith.constant 0.000000e+00 : f32
      %broadcast_in_dim3A_765 = vector.broadcast %broadcast_in_dim3A_764 : f32 to vector<16xf32>
      %shift_right_arithmetic3A = arith.constant 4 : i32
      %shift_right_arithmetic3A_766 = arith.shrsi %scan3A_763, %shift_right_arithmetic3A : i32
      %and3A = arith.constant 15 : i32
      %and3A_767 = arith.andi %scan3A_763, %and3A : i32
      %mul3A_768 = arith.constant 16 : i32
      %mul3A_769 = arith.muli %and3A_767, %mul3A_768 : i32
      %swap3A = arith.index_cast %shift_right_arithmetic3A_766 : i32 to index
      %swap3A_770 = arith.index_cast %mul3A_769 : i32 to index
      %swap3A_771 = tpu.vector_load %arg10[%swap3A, %swap3A_770] {strides = array<i32>} : memref<128x256xf32, #tpu.memory_space<vmem>>, vector<16xf32>,
      tpu.vector_store %arg10[%swap3A, %swap3A_770], %broadcast_in_dim3A_765 {strides = array<i32>} : memref<128x256xf32, #tpu.memory_space<vmem>>, vector<16xf32>,
    }
    %scan3A_36 = arith.constant 2048 : i32
    %add3A_37 = arith.constant 0 : i32
    %add3A_38 = arith.addi %add3A_37, %arg0 : i32
    %mul3A_39 = arith.constant 128 : i32
    %mul3A_40 = arith.muli %add3A_38, %mul3A_39 : i32
    %lt3A_41 = arith.cmpi slt, %mul3A_40, %scan3A_10 : i32
    %convert_element_type3A_42 = arith.extui %lt3A_41 : i1 to i32
    %cond3A_43 = arith.constant 0 : i32
    %cond3A_44 = arith.cmpi ne, %convert_element_type3A_42, %cond3A_43 : i32
    scf.if %cond3A_44 {
      %dma_wait3A_763 = arith.constant 0 : i32
      %dma_wait3A_764 = tpu.memref_slice %arg7[%dma_wait3A_763] : memref<2048xi32, #tpu.memory_space<vmem>> -> memref<128xi32, #tpu.memory_space<vmem>>
      %dma_wait3A_765 = arith.constant 0 : i32
      %dma_wait3A_766 = arith.constant 0 : i32
      %dma_wait3A_767 = tpu.memref_slice %arg2[%dma_wait3A_765, %dma_wait3A_766] : memref<8192x256xf32, #tpu.memory_space<hbm>> -> memref<8192x256xf32, #tpu.memory_space<hbm>>
      tpu.wait_indirect_dma semaphore(%arg11 : memref<!tpu.dma_semaphore, #tpu.memory_space<semaphore_mem>>) src(%dma_wait3A_767 : memref<8192x256xf32, #tpu.memory_space<hbm>>) dst(%arg8 : memref<128x256xf32, #tpu.memory_space<vmem>>)
      %add3A_768 = arith.constant 0 : i32
      %add3A_769 = arith.addi %add3A_768, %arg0 : i32
      %mul3A_770 = arith.constant 128 : i32
      %mul3A_771 = arith.muli %add3A_769, %mul3A_770 : i32
      %sub3A = arith.subi %scan3A_10, %mul3A_771 : i32
      %jit3A = arith.constant 0 : i32
      %jit3A_772 = arith.constant 128 : i32
      %max3A = arith.maxsi %jit3A, %sub3A : i32
      %min3A = arith.minsi %jit3A_772, %max3A : i32
      %mul3A_773 = arith.constant 16 : i32
      %mul3A_774 = arith.muli %min3A, %mul3A_773 : i32
      %while3A = arith.constant 0 : i32
      %while3A_775 = arith.constant 2048 : i32
      %while3A_776 = arith.subi %while3A_775, %mul3A_774 : i32
      %while3A_777 = arith.addi %mul3A_774, %while3A_776 : i32
      %while3A_778 = arith.constant 1 : i32
      %while3A_779 = arith.divsi %while3A_776, %while3A_778 : i32
      %while3A_780 = arith.muli %while3A_779, %while3A_778 : i32
      %while3A_781 = arith.addi %mul3A_774, %while3A_780 : i32
      %while3A_782 = arith.constant 1 : i32
      scf.for %while3A_784 = %mul3A_774 to %while3A_781 step %while3A_782  : i32 {
        %broadcast_in_dim3A_785 = arith.constant 0.000000e+00 : f32
        %broadcast_in_dim3A_786 = vector.broadcast %broadcast_in_dim3A_785 : f32 to vector<16xf32>
        %shift_right_arithmetic3A = arith.constant 4 : i32
        %shift_right_arithmetic3A_787 = arith.shrsi %while3A_784, %shift_right_arithmetic3A : i32
        %and3A = arith.constant 15 : i32
        %and3A_788 = arith.andi %while3A_784, %and3A : i32
        %mul3A_789 = arith.constant 16 : i32
        %mul3A_790 = arith.muli %and3A_788, %mul3A_789 : i32
        %swap3A = arith.index_cast %shift_right_arithmetic3A_787 : i32 to index
        %swap3A_791 = arith.index_cast %mul3A_790 : i32 to index
        %swap3A_792 = tpu.vector_load %arg8[%swap3A, %swap3A_791] {strides = array<i32>} : memref<128x256xf32, #tpu.memory_space<vmem>>, vector<16xf32>,
        tpu.vector_store %arg8[%swap3A, %swap3A_791], %broadcast_in_dim3A_786 {strides = array<i32>} : memref<128x256xf32, #tpu.memory_space<vmem>>, vector<16xf32>,
      }
      %while3A_783 = arith.constant 1 : i32
      scf.for %while3A_784 = %while3A_781 to %while3A_777 step %while3A_783  : i32 {
        %broadcast_in_dim3A_785 = arith.constant 0.000000e+00 : f32
        %broadcast_in_dim3A_786 = vector.broadcast %broadcast_in_dim3A_785 : f32 to vector<16xf32>
        %shift_right_arithmetic3A = arith.constant 4 : i32
        %shift_right_arithmetic3A_787 = arith.shrsi %while3A_784, %shift_right_arithmetic3A : i32
        %and3A = arith.constant 15 : i32
        %and3A_788 = arith.andi %while3A_784, %and3A : i32
        %mul3A_789 = arith.constant 16 : i32
        %mul3A_790 = arith.muli %and3A_788, %mul3A_789 : i32
        %swap3A = arith.index_cast %shift_right_arithmetic3A_787 : i32 to index
        %swap3A_791 = arith.index_cast %mul3A_790 : i32 to index
        %swap3A_792 = tpu.vector_load %arg8[%swap3A, %swap3A_791] {strides = array<i32>} : memref<128x256xf32, #tpu.memory_space<vmem>>, vector<16xf32>,
        tpu.vector_store %arg8[%swap3A, %swap3A_791], %broadcast_in_dim3A_786 {strides = array<i32>} : memref<128x256xf32, #tpu.memory_space<vmem>>, vector<16xf32>,
      }
    } else {
    }
    %add3A_45 = arith.constant 0 : i32
    %add3A_46 = arith.addi %add3A_45, %arg0 : i32
    %mul3A_47 = arith.constant 128 : i32
    %mul3A_48 = arith.muli %add3A_46, %mul3A_47 : i32
    %add3A_49 = arith.constant 0 : i32
    %add3A_50 = arith.addi %add3A_49, %arg0 : i32
    %mul3A_51 = arith.constant 128 : i32
    %mul3A_52 = arith.muli %add3A_50, %mul3A_51 : i32
    %lt3A_53 = arith.cmpi slt, %mul3A_52, %scan3A_10 : i32
    %convert_element_type3A_54 = arith.extui %lt3A_53 : i1 to i32
    %cond3A_55 = arith.constant 0 : i32
    %cond3A_56 = arith.cmpi ne, %convert_element_type3A_54, %cond3A_55 : i32
    scf.if %cond3A_56 {
      %dma_start3A = arith.constant 0 : i32
      %dma_start3A_763 = tpu.memref_slice %arg4[%arg1, %mul3A_48, %dma_start3A] : memref<16x4096x256xf32, #tpu.memory_space<hbm>> -> memref<1x128x256xf32, #tpu.memory_space<hbm>>
      %dma_start3A_764 = tpu.memref_squeeze %dma_start3A_763 : memref<1x128x256xf32, #tpu.memory_space<hbm>> -> memref<128x256xf32, #tpu.memory_space<hbm>>
      %dma_start3A_765 = arith.constant 0 : i32
      %dma_start3A_766 = tpu.memref_slice %arg4[%arg1, %mul3A_48, %dma_start3A_765] : memref<16x4096x256xf32, #tpu.memory_space<hbm>> -> memref<1x128x256xf32, #tpu.memory_space<hbm>>
      %dma_start3A_767 = tpu.memref_squeeze %dma_start3A_766 : memref<1x128x256xf32, #tpu.memory_space<hbm>> -> memref<128x256xf32, #tpu.memory_space<hbm>>
      tpu.enqueue_dma source(%arg8 : memref<128x256xf32, #tpu.memory_space<vmem>>) target(%dma_start3A_767 : memref<128x256xf32, #tpu.memory_space<hbm>>) target_semaphore(%arg13 : memref<!tpu.dma_semaphore, #tpu.memory_space<semaphore_mem>>)
    } else {
    }
    %add3A_57 = arith.constant 0 : i32
    %add3A_58 = arith.addi %add3A_57, %arg0 : i32
    %mul3A_59 = arith.constant 128 : i32
    %mul3A_60 = arith.muli %add3A_58, %mul3A_59 : i32
    %ge3A = arith.cmpi sge, %mul3A_60, %scan3A_10 : i32
    %convert_element_type3A_61 = arith.extui %ge3A : i1 to i32
    %cond3A_62 = arith.constant 0 : i32
    %cond3A_63 = arith.cmpi ne, %convert_element_type3A_61, %cond3A_62 : i32
    scf.if %cond3A_63 {
      %dma_start3A = arith.constant 0 : i32
      %dma_start3A_763 = tpu.memref_slice %arg4[%arg1, %mul3A_48, %dma_start3A] : memref<16x4096x256xf32, #tpu.memory_space<hbm>> -> memref<1x128x256xf32, #tpu.memory_space<hbm>>
      %dma_start3A_764 = tpu.memref_squeeze %dma_start3A_763 : memref<1x128x256xf32, #tpu.memory_space<hbm>> -> memref<128x256xf32, #tpu.memory_space<hbm>>
      %dma_start3A_765 = arith.constant 0 : i32
      %dma_start3A_766 = tpu.memref_slice %arg4[%arg1, %mul3A_48, %dma_start3A_765] : memref<16x4096x256xf32, #tpu.memory_space<hbm>> -> memref<1x128x256xf32, #tpu.memory_space<hbm>>
      %dma_start3A_767 = tpu.memref_squeeze %dma_start3A_766 : memref<1x128x256xf32, #tpu.memory_space<hbm>> -> memref<128x256xf32, #tpu.memory_space<hbm>>
      tpu.enqueue_dma source(%arg10 : memref<128x256xf32, #tpu.memory_space<vmem>>) target(%dma_start3A_767 : memref<128x256xf32, #tpu.memory_space<hbm>>) target_semaphore(%arg13 : memref<!tpu.dma_semaphore, #tpu.memory_space<semaphore_mem>>)
    } else {
    }
    %add3A_64 = arith.constant 2 : i32
    %add3A_65 = arith.addi %add3A_64, %arg0 : i32
    %mul3A_66 = arith.constant 128 : i32
    %mul3A_67 = arith.muli %add3A_65, %mul3A_66 : i32
    %lt3A_68 = arith.cmpi slt, %mul3A_67, %scan3A_10 : i32
    %convert_element_type3A_69 = arith.extui %lt3A_68 : i1 to i32
    %cond3A_70 = arith.constant 0 : i32
    %cond3A_71 = arith.cmpi ne, %convert_element_type3A_69, %cond3A_70 : i32
    scf.if %cond3A_71 {
      %dma_start3A = arith.constant 128 : i32
      %dma_start3A_763 = tpu.memref_slice %arg7[%dma_start3A] : memref<2048xi32, #tpu.memory_space<vmem>> -> memref<128xi32, #tpu.memory_space<vmem>>
      %dma_start3A_764 = arith.constant 0 : i32
      %dma_start3A_765 = arith.constant 0 : i32
      %dma_start3A_766 = tpu.memref_slice %arg2[%dma_start3A_764, %dma_start3A_765] : memref<8192x256xf32, #tpu.memory_space<hbm>> -> memref<8192x256xf32, #tpu.memory_space<hbm>>
      tpu.enqueue_indirect_dma source(%dma_start3A_766 : memref<8192x256xf32, #tpu.memory_space<hbm>>) target(%arg9 : memref<128x256xf32, #tpu.memory_space<vmem>>) offsets(%dma_start3A_763 : memref<128xi32, #tpu.memory_space<vmem>>) semaphore(%arg12 : memref<!tpu.dma_semaphore, #tpu.memory_space<semaphore_mem>>)
    } else {
    }
    %add3A_72 = arith.constant 2 : i32
    %add3A_73 = arith.addi %add3A_72, %arg0 : i32
    %mul3A_74 = arith.constant 128 : i32
    %mul3A_75 = arith.muli %add3A_73, %mul3A_74 : i32
    %lt3A_76 = arith.cmpi slt, %mul3A_75, %scan3A_10 : i32
    %convert_element_type3A_77 = arith.extui %lt3A_76 : i1 to i32
    %cond3A_78 = arith.constant 0 : i32
    %cond3A_79 = arith.cmpi ne, %convert_element_type3A_77, %cond3A_78 : i32
    scf.if %cond3A_79 {
      %dma_wait3A_763 = arith.constant 128 : i32
      %dma_wait3A_764 = tpu.memref_slice %arg7[%dma_wait3A_763] : memref<2048xi32, #tpu.memory_space<vmem>> -> memref<128xi32, #tpu.memory_space<vmem>>
      %dma_wait3A_765 = arith.constant 0 : i32
      %dma_wait3A_766 = arith.constant 0 : i32
      %dma_wait3A_767 = tpu.memref_slice %arg2[%dma_wait3A_765, %dma_wait3A_766] : memref<8192x256xf32, #tpu.memory_space<hbm>> -> memref<8192x256xf32, #tpu.memory_space<hbm>>
      tpu.wait_indirect_dma semaphore(%arg12 : memref<!tpu.dma_semaphore, #tpu.memory_space<semaphore_mem>>) src(%dma_wait3A_767 : memref<8192x256xf32, #tpu.memory_space<hbm>>) dst(%arg9 : memref<128x256xf32, #tpu.memory_space<vmem>>)
      %add3A_768 = arith.constant 2 : i32
      %add3A_769 = arith.addi %add3A_768, %arg0 : i32
      %mul3A_770 = arith.constant 128 : i32
      %mul3A_771 = arith.muli %add3A_769, %mul3A_770 : i32
      %sub3A = arith.subi %scan3A_10, %mul3A_771 : i32
      %jit3A = arith.constant 0 : i32
      %jit3A_772 = arith.constant 128 : i32
      %max3A = arith.maxsi %jit3A, %sub3A : i32
      %min3A = arith.minsi %jit3A_772, %max3A : i32
      %mul3A_773 = arith.constant 16 : i32
      %mul3A_774 = arith.muli %min3A, %mul3A_773 : i32
      %while3A = arith.constant 0 : i32
      %while3A_775 = arith.constant 2048 : i32
      %while3A_776 = arith.subi %while3A_775, %mul3A_774 : i32
      %while3A_777 = arith.addi %mul3A_774, %while3A_776 : i32
      %while3A_778 = arith.constant 1 : i32
      %while3A_779 = arith.divsi %while3A_776, %while3A_778 : i32
      %while3A_780 = arith.muli %while3A_779, %while3A_778 : i32
      %while3A_781 = arith.addi %mul3A_774, %while3A_780 : i32
      %while3A_782 = arith.constant 1 : i32
      scf.for %while3A_784 = %mul3A_774 to %while3A_781 step %while3A_782  : i32 {
        %broadcast_in_dim3A_785 = arith.constant 0.000000e+00 : f32
        %broadcast_in_dim3A_786 = vector.broadcast %broadcast_in_dim3A_785 : f32 to vector<16xf32>
        %shift_right_arithmetic3A = arith.constant 4 : i32
        %shift_right_arithmetic3A_787 = arith.shrsi %while3A_784, %shift_right_arithmetic3A : i32
        %and3A = arith.constant 15 : i32
        %and3A_788 = arith.andi %while3A_784, %and3A : i32
        %mul3A_789 = arith.constant 16 : i32
        %mul3A_790 = arith.muli %and3A_788, %mul3A_789 : i32
        %swap3A = arith.index_cast %shift_right_arithmetic3A_787 : i32 to index
        %swap3A_791 = arith.index_cast %mul3A_790 : i32 to index
        %swap3A_792 = tpu.vector_load %arg9[%swap3A, %swap3A_791] {strides = array<i32>} : memref<128x256xf32, #tpu.memory_space<vmem>>, vector<16xf32>,
        tpu.vector_store %arg9[%swap3A, %swap3A_791], %broadcast_in_dim3A_786 {strides = array<i32>} : memref<128x256xf32, #tpu.memory_space<vmem>>, vector<16xf32>,
      }
      %while3A_783 = arith.constant 1 : i32
      scf.for %while3A_784 = %while3A_781 to %while3A_777 step %while3A_783  : i32 {
        %broadcast_in_dim3A_785 = arith.constant 0.000000e+00 : f32
        %broadcast_in_dim3A_786 = vector.broadcast %broadcast_in_dim3A_785 : f32 to vector<16xf32>
        %shift_right_arithmetic3A = arith.constant 4 : i32
        %shift_right_arithmetic3A_787 = arith.shrsi %while3A_784, %shift_right_arithmetic3A : i32
        %and3A = arith.constant 15 : i32
        %and3A_788 = arith.andi %while3A_784, %and3A : i32
        %mul3A_789 = arith.constant 16 : i32
        %mul3A_790 = arith.muli %and3A_788, %mul3A_789 : i32
        %swap3A = arith.index_cast %shift_right_arithmetic3A_787 : i32 to index
        %swap3A_791 = arith.index_cast %mul3A_790 : i32 to index
        %swap3A_792 = tpu.vector_load %arg9[%swap3A, %swap3A_791] {strides = array<i32>} : memref<128x256xf32, #tpu.memory_space<vmem>>, vector<16xf32>,
        tpu.vector_store %arg9[%swap3A, %swap3A_791], %broadcast_in_dim3A_786 {strides = array<i32>} : memref<128x256xf32, #tpu.memory_space<vmem>>, vector<16xf32>,
      }
    } else {
    }
    %add3A_80 = arith.constant 2 : i32
    %add3A_81 = arith.addi %add3A_80, %arg0 : i32
    %mul3A_82 = arith.constant 128 : i32
    %mul3A_83 = arith.muli %add3A_81, %mul3A_82 : i32
    %add3A_84 = arith.constant 2 : i32
    %add3A_85 = arith.addi %add3A_84, %arg0 : i32
    %mul3A_86 = arith.constant 128 : i32
    %mul3A_87 = arith.muli %add3A_85, %mul3A_86 : i32
    %lt3A_88 = arith.cmpi slt, %mul3A_87, %scan3A_10 : i32
    %convert_element_type3A_89 = arith.extui %lt3A_88 : i1 to i32
    %cond3A_90 = arith.constant 0 : i32
    %cond3A_91 = arith.cmpi ne, %convert_element_type3A_89, %cond3A_90 : i32
    scf.if %cond3A_91 {
      %dma_start3A = arith.constant 0 : i32
      %dma_start3A_763 = tpu.memref_slice %arg4[%arg1, %mul3A_83, %dma_start3A] : memref<16x4096x256xf32, #tpu.memory_space<hbm>> -> memref<1x128x256xf32, #tpu.memory_space<hbm>>
      %dma_start3A_764 = tpu.memref_squeeze %dma_start3A_763 : memref<1x128x256xf32, #tpu.memory_space<hbm>> -> memref<128x256xf32, #tpu.memory_space<hbm>>
      %dma_start3A_765 = arith.constant 0 : i32
      %dma_start3A_766 = tpu.memref_slice %arg4[%arg1, %mul3A_83, %dma_start3A_765] : memref<16x4096x256xf32, #tpu.memory_space<hbm>> -> memref<1x128x256xf32, #tpu.memory_space<hbm>>
      %dma_start3A_767 = tpu.memref_squeeze %dma_start3A_766 : memref<1x128x256xf32, #tpu.memory_space<hbm>> -> memref<128x256xf32, #tpu.memory_space<hbm>>
      tpu.enqueue_dma source(%arg9 : memref<128x256xf32, #tpu.memory_space<vmem>>) target(%dma_start3A_767 : memref<128x256xf32, #tpu.memory_space<hbm>>) target_semaphore(%arg14 : memref<!tpu.dma_semaphore, #tpu.memory_space<semaphore_mem>>)
    } else {
    }
    %add3A_92 = arith.constant 2 : i32
    %add3A_93 = arith.addi %add3A_92, %arg0 : i32
    %mul3A_94 = arith.constant 128 : i32
    %mul3A_95 = arith.muli %add3A_93, %mul3A_94 : i32
    %ge3A_96 = arith.cmpi sge, %mul3A_95, %scan3A_10 : i32
    %convert_element_type3A_97 = arith.extui %ge3A_96 : i1 to i32
    %cond3A_98 = arith.constant 0 : i32
    %cond3A_99 = arith.cmpi ne, %convert_element_type3A_97, %cond3A_98 : i32
    scf.if %cond3A_99 {
      %dma_start3A = arith.constant 0 : i32
      %dma_start3A_763 = tpu.memref_slice %arg4[%arg1, %mul3A_83, %dma_start3A] : memref<16x4096x256xf32, #tpu.memory_space<hbm>> -> memref<1x128x256xf32, #tpu.memory_space<hbm>>
      %dma_start3A_764 = tpu.memref_squeeze %dma_start3A_763 : memref<1x128x256xf32, #tpu.memory_space<hbm>> -> memref<128x256xf32, #tpu.memory_space<hbm>>
      %dma_start3A_765 = arith.constant 0 : i32
      %dma_start3A_766 = tpu.memref_slice %arg4[%arg1, %mul3A_83, %dma_start3A_765] : memref<16x4096x256xf32, #tpu.memory_space<hbm>> -> memref<1x128x256xf32, #tpu.memory_space<hbm>>
      %dma_start3A_767 = tpu.memref_squeeze %dma_start3A_766 : memref<1x128x256xf32, #tpu.memory_space<hbm>> -> memref<128x256xf32, #tpu.memory_space<hbm>>
      tpu.enqueue_dma source(%arg10 : memref<128x256xf32, #tpu.memory_space<vmem>>) target(%dma_start3A_767 : memref<128x256xf32, #tpu.memory_space<hbm>>) target_semaphore(%arg14 : memref<!tpu.dma_semaphore, #tpu.memory_space<semaphore_mem>>)
    } else {
    }
    %add3A_100 = arith.constant 0 : i32
    %add3A_101 = arith.addi %add3A_100, %arg0 : i32
    %mul3A_102 = arith.constant 128 : i32
    %mul3A_103 = arith.muli %add3A_101, %mul3A_102 : i32
    %dma_wait3A = arith.constant 0 : i32
    %dma_wait3A_104 = tpu.memref_slice %arg4[%arg1, %mul3A_103, %dma_wait3A] : memref<16x4096x256xf32, #tpu.memory_space<hbm>> -> memref<1x128x256xf32, #tpu.memory_space<hbm>>
    %dma_wait3A_105 = tpu.memref_squeeze %dma_wait3A_104 : memref<1x128x256xf32, #tpu.memory_space<hbm>> -> memref<128x256xf32, #tpu.memory_space<hbm>>
    %dma_wait3A_106 = arith.constant 0 : i32
    %dma_wait3A_107 = tpu.memref_slice %arg4[%arg1, %mul3A_103, %dma_wait3A_106] : memref<16x4096x256xf32, #tpu.memory_space<hbm>> -> memref<1x128x256xf32, #tpu.memory_space<hbm>>
    %dma_wait3A_108 = tpu.memref_squeeze %dma_wait3A_107 : memref<1x128x256xf32, #tpu.memory_space<hbm>> -> memref<128x256xf32, #tpu.memory_space<hbm>>
    tpu.wait_dma2 semaphore(%arg13 : memref<!tpu.dma_semaphore, #tpu.memory_space<semaphore_mem>>) src(%arg8 : memref<128x256xf32, #tpu.memory_space<vmem>>) dst(%dma_wait3A_108 : memref<128x256xf32, #tpu.memory_space<hbm>>)
    %add3A_109 = arith.constant 4 : i32
    %add3A_110 = arith.addi %add3A_109, %arg0 : i32
    %mul3A_111 = arith.constant 128 : i32
    %mul3A_112 = arith.muli %add3A_110, %mul3A_111 : i32
    %lt3A_113 = arith.cmpi slt, %mul3A_112, %scan3A_10 : i32
    %convert_element_type3A_114 = arith.extui %lt3A_113 : i1 to i32
    %cond3A_115 = arith.constant 0 : i32
    %cond3A_116 = arith.cmpi ne, %convert_element_type3A_114, %cond3A_115 : i32
    scf.if %cond3A_116 {
      %dma_start3A = arith.constant 256 : i32
      %dma_start3A_763 = tpu.memref_slice %arg7[%dma_start3A] : memref<2048xi32, #tpu.memory_space<vmem>> -> memref<128xi32, #tpu.memory_space<vmem>>
      %dma_start3A_764 = arith.constant 0 : i32
      %dma_start3A_765 = arith.constant 0 : i32
      %dma_start3A_766 = tpu.memref_slice %arg2[%dma_start3A_764, %dma_start3A_765] : memref<8192x256xf32, #tpu.memory_space<hbm>> -> memref<8192x256xf32, #tpu.memory_space<hbm>>
      tpu.enqueue_indirect_dma source(%dma_start3A_766 : memref<8192x256xf32, #tpu.memory_space<hbm>>) target(%arg8 : memref<128x256xf32, #tpu.memory_space<vmem>>) offsets(%dma_start3A_763 : memref<128xi32, #tpu.memory_space<vmem>>) semaphore(%arg11 : memref<!tpu.dma_semaphore, #tpu.memory_space<semaphore_mem>>)
    } else {
    }
    %add3A_117 = arith.constant 4 : i32
    %add3A_118 = arith.addi %add3A_117, %arg0 : i32
    %mul3A_119 = arith.constant 128 : i32
    %mul3A_120 = arith.muli %add3A_118, %mul3A_119 : i32
    %lt3A_121 = arith.cmpi slt, %mul3A_120, %scan3A_10 : i32
    %convert_element_type3A_122 = arith.extui %lt3A_121 : i1 to i32
    %cond3A_123 = arith.constant 0 : i32
    %cond3A_124 = arith.cmpi ne, %convert_element_type3A_122, %cond3A_123 : i32
    scf.if %cond3A_124 {
      %dma_wait3A_763 = arith.constant 256 : i32
      %dma_wait3A_764 = tpu.memref_slice %arg7[%dma_wait3A_763] : memref<2048xi32, #tpu.memory_space<vmem>> -> memref<128xi32, #tpu.memory_space<vmem>>
      %dma_wait3A_765 = arith.constant 0 : i32
      %dma_wait3A_766 = arith.constant 0 : i32
      %dma_wait3A_767 = tpu.memref_slice %arg2[%dma_wait3A_765, %dma_wait3A_766] : memref<8192x256xf32, #tpu.memory_space<hbm>> -> memref<8192x256xf32, #tpu.memory_space<hbm>>
      tpu.wait_indirect_dma semaphore(%arg11 : memref<!tpu.dma_semaphore, #tpu.memory_space<semaphore_mem>>) src(%dma_wait3A_767 : memref<8192x256xf32, #tpu.memory_space<hbm>>) dst(%arg8 : memref<128x256xf32, #tpu.memory_space<vmem>>)
      %add3A_768 = arith.constant 4 : i32
      %add3A_769 = arith.addi %add3A_768, %arg0 : i32
      %mul3A_770 = arith.constant 128 : i32
      %mul3A_771 = arith.muli %add3A_769, %mul3A_770 : i32
      %sub3A = arith.subi %scan3A_10, %mul3A_771 : i32
      %jit3A = arith.constant 0 : i32
      %jit3A_772 = arith.constant 128 : i32
      %max3A = arith.maxsi %jit3A, %sub3A : i32
      %min3A = arith.minsi %jit3A_772, %max3A : i32
      %mul3A_773 = arith.constant 16 : i32
      %mul3A_774 = arith.muli %min3A, %mul3A_773 : i32
      %while3A = arith.constant 0 : i32
      %while3A_775 = arith.constant 2048 : i32
      %while3A_776 = arith.subi %while3A_775, %mul3A_774 : i32
      %while3A_777 = arith.addi %mul3A_774, %while3A_776 : i32
      %while3A_778 = arith.constant 1 : i32
      %while3A_779 = arith.divsi %while3A_776, %while3A_778 : i32
      %while3A_780 = arith.muli %while3A_779, %while3A_778 : i32
      %while3A_781 = arith.addi %mul3A_774, %while3A_780 : i32
      %while3A_782 = arith.constant 1 : i32
      scf.for %while3A_784 = %mul3A_774 to %while3A_781 step %while3A_782  : i32 {
        %broadcast_in_dim3A_785 = arith.constant 0.000000e+00 : f32
        %broadcast_in_dim3A_786 = vector.broadcast %broadcast_in_dim3A_785 : f32 to vector<16xf32>
        %shift_right_arithmetic3A = arith.constant 4 : i32
        %shift_right_arithmetic3A_787 = arith.shrsi %while3A_784, %shift_right_arithmetic3A : i32
        %and3A = arith.constant 15 : i32
        %and3A_788 = arith.andi %while3A_784, %and3A : i32
        %mul3A_789 = arith.constant 16 : i32
        %mul3A_790 = arith.muli %and3A_788, %mul3A_789 : i32
        %swap3A = arith.index_cast %shift_right_arithmetic3A_787 : i32 to index
        %swap3A_791 = arith.index_cast %mul3A_790 : i32 to index
        %swap3A_792 = tpu.vector_load %arg8[%swap3A, %swap3A_791] {strides = array<i32>} : memref<128x256xf32, #tpu.memory_space<vmem>>, vector<16xf32>,
        tpu.vector_store %arg8[%swap3A, %swap3A_791], %broadcast_in_dim3A_786 {strides = array<i32>} : memref<128x256xf32, #tpu.memory_space<vmem>>, vector<16xf32>,
      }
      %while3A_783 = arith.constant 1 : i32
      scf.for %while3A_784 = %while3A_781 to %while3A_777 step %while3A_783  : i32 {
        %broadcast_in_dim3A_785 = arith.constant 0.000000e+00 : f32
        %broadcast_in_dim3A_786 = vector.broadcast %broadcast_in_dim3A_785 : f32 to vector<16xf32>
        %shift_right_arithmetic3A = arith.constant 4 : i32
        %shift_right_arithmetic3A_787 = arith.shrsi %while3A_784, %shift_right_arithmetic3A : i32
        %and3A = arith.constant 15 : i32
        %and3A_788 = arith.andi %while3A_784, %and3A : i32
        %mul3A_789 = arith.constant 16 : i32
        %mul3A_790 = arith.muli %and3A_788, %mul3A_789 : i32
        %swap3A = arith.index_cast %shift_right_arithmetic3A_787 : i32 to index
        %swap3A_791 = arith.index_cast %mul3A_790 : i32 to index
        %swap3A_792 = tpu.vector_load %arg8[%swap3A, %swap3A_791] {strides = array<i32>} : memref<128x256xf32, #tpu.memory_space<vmem>>, vector<16xf32>,
        tpu.vector_store %arg8[%swap3A, %swap3A_791], %broadcast_in_dim3A_786 {strides = array<i32>} : memref<128x256xf32, #tpu.memory_space<vmem>>, vector<16xf32>,
      }
    } else {
    }
    %add3A_125 = arith.constant 4 : i32
    %add3A_126 = arith.addi %add3A_125, %arg0 : i32
    %mul3A_127 = arith.constant 128 : i32
    %mul3A_128 = arith.muli %add3A_126, %mul3A_127 : i32
    %add3A_129 = arith.constant 4 : i32
    %add3A_130 = arith.addi %add3A_129, %arg0 : i32
    %mul3A_131 = arith.constant 128 : i32
    %mul3A_132 = arith.muli %add3A_130, %mul3A_131 : i32
    %lt3A_133 = arith.cmpi slt, %mul3A_132, %scan3A_10 : i32
    %convert_element_type3A_134 = arith.extui %lt3A_133 : i1 to i32
    %cond3A_135 = arith.constant 0 : i32
    %cond3A_136 = arith.cmpi ne, %convert_element_type3A_134, %cond3A_135 : i32
    scf.if %cond3A_136 {
      %dma_start3A = arith.constant 0 : i32
      %dma_start3A_763 = tpu.memref_slice %arg4[%arg1, %mul3A_128, %dma_start3A] : memref<16x4096x256xf32, #tpu.memory_space<hbm>> -> memref<1x128x256xf32, #tpu.memory_space<hbm>>
      %dma_start3A_764 = tpu.memref_squeeze %dma_start3A_763 : memref<1x128x256xf32, #tpu.memory_space<hbm>> -> memref<128x256xf32, #tpu.memory_space<hbm>>
      %dma_start3A_765 = arith.constant 0 : i32
      %dma_start3A_766 = tpu.memref_slice %arg4[%arg1, %mul3A_128, %dma_start3A_765] : memref<16x4096x256xf32, #tpu.memory_space<hbm>> -> memref<1x128x256xf32, #tpu.memory_space<hbm>>
      %dma_start3A_767 = tpu.memref_squeeze %dma_start3A_766 : memref<1x128x256xf32, #tpu.memory_space<hbm>> -> memref<128x256xf32, #tpu.memory_space<hbm>>
      tpu.enqueue_dma source(%arg8 : memref<128x256xf32, #tpu.memory_space<vmem>>) target(%dma_start3A_767 : memref<128x256xf32, #tpu.memory_space<hbm>>) target_semaphore(%arg13 : memref<!tpu.dma_semaphore, #tpu.memory_space<semaphore_mem>>)
    } else {
    }
    %add3A_137 = arith.constant 4 : i32
    %add3A_138 = arith.addi %add3A_137, %arg0 : i32
    %mul3A_139 = arith.constant 128 : i32
    %mul3A_140 = arith.muli %add3A_138, %mul3A_139 : i32
    %ge3A_141 = arith.cmpi sge, %mul3A_140, %scan3A_10 : i32
    %convert_element_type3A_142 = arith.extui %ge3A_141 : i1 to i32
    %cond3A_143 = arith.constant 0 : i32
    %cond3A_144 = arith.cmpi ne, %convert_element_type3A_142, %cond3A_143 : i32
    scf.if %cond3A_144 {
      %dma_start3A = arith.constant 0 : i32
      %dma_start3A_763 = tpu.memref_slice %arg4[%arg1, %mul3A_128, %dma_start3A] : memref<16x4096x256xf32, #tpu.memory_space<hbm>> -> memref<1x128x256xf32, #tpu.memory_space<hbm>>
      %dma_start3A_764 = tpu.memref_squeeze %dma_start3A_763 : memref<1x128x256xf32, #tpu.memory_space<hbm>> -> memref<128x256xf32, #tpu.memory_space<hbm>>
      %dma_start3A_765 = arith.constant 0 : i32
      %dma_start3A_766 = tpu.memref_slice %arg4[%arg1, %mul3A_128, %dma_start3A_765] : memref<16x4096x256xf32, #tpu.memory_space<hbm>> -> memref<1x128x256xf32, #tpu.memory_space<hbm>>
      %dma_start3A_767 = tpu.memref_squeeze %dma_start3A_766 : memref<1x128x256xf32, #tpu.memory_space<hbm>> -> memref<128x256xf32, #tpu.memory_space<hbm>>
      tpu.enqueue_dma source(%arg10 : memref<128x256xf32, #tpu.memory_space<vmem>>) target(%dma_start3A_767 : memref<128x256xf32, #tpu.memory_space<hbm>>) target_semaphore(%arg13 : memref<!tpu.dma_semaphore, #tpu.memory_space<semaphore_mem>>)
    } else {
    }
    %add3A_145 = arith.constant 2 : i32
    %add3A_146 = arith.addi %add3A_145, %arg0 : i32
    %mul3A_147 = arith.constant 128 : i32
    %mul3A_148 = arith.muli %add3A_146, %mul3A_147 : i32
    %dma_wait3A_149 = arith.constant 0 : i32
    %dma_wait3A_150 = tpu.memref_slice %arg4[%arg1, %mul3A_148, %dma_wait3A_149] : memref<16x4096x256xf32, #tpu.memory_space<hbm>> -> memref<1x128x256xf32, #tpu.memory_space<hbm>>
    %dma_wait3A_151 = tpu.memref_squeeze %dma_wait3A_150 : memref<1x128x256xf32, #tpu.memory_space<hbm>> -> memref<128x256xf32, #tpu.memory_space<hbm>>
    %dma_wait3A_152 = arith.constant 0 : i32
    %dma_wait3A_153 = tpu.memref_slice %arg4[%arg1, %mul3A_148, %dma_wait3A_152] : memref<16x4096x256xf32, #tpu.memory_space<hbm>> -> memref<1x128x256xf32, #tpu.memory_space<hbm>>
    %dma_wait3A_154 = tpu.memref_squeeze %dma_wait3A_153 : memref<1x128x256xf32, #tpu.memory_space<hbm>> -> memref<128x256xf32, #tpu.memory_space<hbm>>
    tpu.wait_dma2 semaphore(%arg14 : memref<!tpu.dma_semaphore, #tpu.memory_space<semaphore_mem>>) src(%arg9 : memref<128x256xf32, #tpu.memory_space<vmem>>) dst(%dma_wait3A_154 : memref<128x256xf32, #tpu.memory_space<hbm>>)
    %add3A_155 = arith.constant 6 : i32
    %add3A_156 = arith.addi %add3A_155, %arg0 : i32
    %mul3A_157 = arith.constant 128 : i32
    %mul3A_158 = arith.muli %add3A_156, %mul3A_157 : i32
    %lt3A_159 = arith.cmpi slt, %mul3A_158, %scan3A_10 : i32
    %convert_element_type3A_160 = arith.extui %lt3A_159 : i1 to i32
    %cond3A_161 = arith.constant 0 : i32
    %cond3A_162 = arith.cmpi ne, %convert_element_type3A_160, %cond3A_161 : i32
    scf.if %cond3A_162 {
      %dma_start3A = arith.constant 384 : i32
      %dma_start3A_763 = tpu.memref_slice %arg7[%dma_start3A] : memref<2048xi32, #tpu.memory_space<vmem>> -> memref<128xi32, #tpu.memory_space<vmem>>
      %dma_start3A_764 = arith.constant 0 : i32
      %dma_start3A_765 = arith.constant 0 : i32
      %dma_start3A_766 = tpu.memref_slice %arg2[%dma_start3A_764, %dma_start3A_765] : memref<8192x256xf32, #tpu.memory_space<hbm>> -> memref<8192x256xf32, #tpu.memory_space<hbm>>
      tpu.enqueue_indirect_dma source(%dma_start3A_766 : memref<8192x256xf32, #tpu.memory_space<hbm>>) target(%arg9 : memref<128x256xf32, #tpu.memory_space<vmem>>) offsets(%dma_start3A_763 : memref<128xi32, #tpu.memory_space<vmem>>) semaphore(%arg12 : memref<!tpu.dma_semaphore, #tpu.memory_space<semaphore_mem>>)
    } else {
    }
    %add3A_163 = arith.constant 6 : i32
    %add3A_164 = arith.addi %add3A_163, %arg0 : i32
    %mul3A_165 = arith.constant 128 : i32
    %mul3A_166 = arith.muli %add3A_164, %mul3A_165 : i32
    %lt3A_167 = arith.cmpi slt, %mul3A_166, %scan3A_10 : i32
    %convert_element_type3A_168 = arith.extui %lt3A_167 : i1 to i32
    %cond3A_169 = arith.constant 0 : i32
    %cond3A_170 = arith.cmpi ne, %convert_element_type3A_168, %cond3A_169 : i32
    scf.if %cond3A_170 {
      %dma_wait3A_763 = arith.constant 384 : i32
      %dma_wait3A_764 = tpu.memref_slice %arg7[%dma_wait3A_763] : memref<2048xi32, #tpu.memory_space<vmem>> -> memref<128xi32, #tpu.memory_space<vmem>>
      %dma_wait3A_765 = arith.constant 0 : i32
      %dma_wait3A_766 = arith.constant 0 : i32
      %dma_wait3A_767 = tpu.memref_slice %arg2[%dma_wait3A_765, %dma_wait3A_766] : memref<8192x256xf32, #tpu.memory_space<hbm>> -> memref<8192x256xf32, #tpu.memory_space<hbm>>
      tpu.wait_indirect_dma semaphore(%arg12 : memref<!tpu.dma_semaphore, #tpu.memory_space<semaphore_mem>>) src(%dma_wait3A_767 : memref<8192x256xf32, #tpu.memory_space<hbm>>) dst(%arg9 : memref<128x256xf32, #tpu.memory_space<vmem>>)
      %add3A_768 = arith.constant 6 : i32
      %add3A_769 = arith.addi %add3A_768, %arg0 : i32
      %mul3A_770 = arith.constant 128 : i32
      %mul3A_771 = arith.muli %add3A_769, %mul3A_770 : i32
      %sub3A = arith.subi %scan3A_10, %mul3A_771 : i32
      %jit3A = arith.constant 0 : i32
      %jit3A_772 = arith.constant 128 : i32
      %max3A = arith.maxsi %jit3A, %sub3A : i32
      %min3A = arith.minsi %jit3A_772, %max3A : i32
      %mul3A_773 = arith.constant 16 : i32
      %mul3A_774 = arith.muli %min3A, %mul3A_773 : i32
      %while3A = arith.constant 0 : i32
      %while3A_775 = arith.constant 2048 : i32
      %while3A_776 = arith.subi %while3A_775, %mul3A_774 : i32
      %while3A_777 = arith.addi %mul3A_774, %while3A_776 : i32
      %while3A_778 = arith.constant 1 : i32
      %while3A_779 = arith.divsi %while3A_776, %while3A_778 : i32
      %while3A_780 = arith.muli %while3A_779, %while3A_778 : i32
      %while3A_781 = arith.addi %mul3A_774, %while3A_780 : i32
      %while3A_782 = arith.constant 1 : i32
      scf.for %while3A_784 = %mul3A_774 to %while3A_781 step %while3A_782  : i32 {
        %broadcast_in_dim3A_785 = arith.constant 0.000000e+00 : f32
        %broadcast_in_dim3A_786 = vector.broadcast %broadcast_in_dim3A_785 : f32 to vector<16xf32>
        %shift_right_arithmetic3A = arith.constant 4 : i32
        %shift_right_arithmetic3A_787 = arith.shrsi %while3A_784, %shift_right_arithmetic3A : i32
        %and3A = arith.constant 15 : i32
        %and3A_788 = arith.andi %while3A_784, %and3A : i32
        %mul3A_789 = arith.constant 16 : i32
        %mul3A_790 = arith.muli %and3A_788, %mul3A_789 : i32
        %swap3A = arith.index_cast %shift_right_arithmetic3A_787 : i32 to index
        %swap3A_791 = arith.index_cast %mul3A_790 : i32 to index
        %swap3A_792 = tpu.vector_load %arg9[%swap3A, %swap3A_791] {strides = array<i32>} : memref<128x256xf32, #tpu.memory_space<vmem>>, vector<16xf32>,
        tpu.vector_store %arg9[%swap3A, %swap3A_791], %broadcast_in_dim3A_786 {strides = array<i32>} : memref<128x256xf32, #tpu.memory_space<vmem>>, vector<16xf32>,
      }
      %while3A_783 = arith.constant 1 : i32
      scf.for %while3A_784 = %while3A_781 to %while3A_777 step %while3A_783  : i32 {
        %broadcast_in_dim3A_785 = arith.constant 0.000000e+00 : f32
        %broadcast_in_dim3A_786 = vector.broadcast %broadcast_in_dim3A_785 : f32 to vector<16xf32>
        %shift_right_arithmetic3A = arith.constant 4 : i32
        %shift_right_arithmetic3A_787 = arith.shrsi %while3A_784, %shift_right_arithmetic3A : i32
        %and3A = arith.constant 15 : i32
        %and3A_788 = arith.andi %while3A_784, %and3A : i32
        %mul3A_789 = arith.constant 16 : i32
        %mul3A_790 = arith.muli %and3A_788, %mul3A_789 : i32
        %swap3A = arith.index_cast %shift_right_arithmetic3A_787 : i32 to index
        %swap3A_791 = arith.index_cast %mul3A_790 : i32 to index
        %swap3A_792 = tpu.vector_load %arg9[%swap3A, %swap3A_791] {strides = array<i32>} : memref<128x256xf32, #tpu.memory_space<vmem>>, vector<16xf32>,
        tpu.vector_store %arg9[%swap3A, %swap3A_791], %broadcast_in_dim3A_786 {strides = array<i32>} : memref<128x256xf32, #tpu.memory_space<vmem>>, vector<16xf32>,
      }
    } else {
    }
    %add3A_171 = arith.constant 6 : i32
    %add3A_172 = arith.addi %add3A_171, %arg0 : i32
    %mul3A_173 = arith.constant 128 : i32
    %mul3A_174 = arith.muli %add3A_172, %mul3A_173 : i32
    %add3A_175 = arith.constant 6 : i32
    %add3A_176 = arith.addi %add3A_175, %arg0 : i32
    %mul3A_177 = arith.constant 128 : i32
    %mul3A_178 = arith.muli %add3A_176, %mul3A_177 : i32
    %lt3A_179 = arith.cmpi slt, %mul3A_178, %scan3A_10 : i32
    %convert_element_type3A_180 = arith.extui %lt3A_179 : i1 to i32
    %cond3A_181 = arith.constant 0 : i32
    %cond3A_182 = arith.cmpi ne, %convert_element_type3A_180, %cond3A_181 : i32
    scf.if %cond3A_182 {
      %dma_start3A = arith.constant 0 : i32
      %dma_start3A_763 = tpu.memref_slice %arg4[%arg1, %mul3A_174, %dma_start3A] : memref<16x4096x256xf32, #tpu.memory_space<hbm>> -> memref<1x128x256xf32, #tpu.memory_space<hbm>>
      %dma_start3A_764 = tpu.memref_squeeze %dma_start3A_763 : memref<1x128x256xf32, #tpu.memory_space<hbm>> -> memref<128x256xf32, #tpu.memory_space<hbm>>
      %dma_start3A_765 = arith.constant 0 : i32
      %dma_start3A_766 = tpu.memref_slice %arg4[%arg1, %mul3A_174, %dma_start3A_765] : memref<16x4096x256xf32, #tpu.memory_space<hbm>> -> memref<1x128x256xf32, #tpu.memory_space<hbm>>
      %dma_start3A_767 = tpu.memref_squeeze %dma_start3A_766 : memref<1x128x256xf32, #tpu.memory_space<hbm>> -> memref<128x256xf32, #tpu.memory_space<hbm>>
      tpu.enqueue_dma source(%arg9 : memref<128x256xf32, #tpu.memory_space<vmem>>) target(%dma_start3A_767 : memref<128x256xf32, #tpu.memory_space<hbm>>) target_semaphore(%arg14 : memref<!tpu.dma_semaphore, #tpu.memory_space<semaphore_mem>>)
    } else {
    }
    %add3A_183 = arith.constant 6 : i32
    %add3A_184 = arith.addi %add3A_183, %arg0 : i32
    %mul3A_185 = arith.constant 128 : i32
    %mul3A_186 = arith.muli %add3A_184, %mul3A_185 : i32
    %ge3A_187 = arith.cmpi sge, %mul3A_186, %scan3A_10 : i32
    %convert_element_type3A_188 = arith.extui %ge3A_187 : i1 to i32
    %cond3A_189 = arith.constant 0 : i32
    %cond3A_190 = arith.cmpi ne, %convert_element_type3A_188, %cond3A_189 : i32
    scf.if %cond3A_190 {
      %dma_start3A = arith.constant 0 : i32
      %dma_start3A_763 = tpu.memref_slice %arg4[%arg1, %mul3A_174, %dma_start3A] : memref<16x4096x256xf32, #tpu.memory_space<hbm>> -> memref<1x128x256xf32, #tpu.memory_space<hbm>>
      %dma_start3A_764 = tpu.memref_squeeze %dma_start3A_763 : memref<1x128x256xf32, #tpu.memory_space<hbm>> -> memref<128x256xf32, #tpu.memory_space<hbm>>
      %dma_start3A_765 = arith.constant 0 : i32
      %dma_start3A_766 = tpu.memref_slice %arg4[%arg1, %mul3A_174, %dma_start3A_765] : memref<16x4096x256xf32, #tpu.memory_space<hbm>> -> memref<1x128x256xf32, #tpu.memory_space<hbm>>
      %dma_start3A_767 = tpu.memref_squeeze %dma_start3A_766 : memref<1x128x256xf32, #tpu.memory_space<hbm>> -> memref<128x256xf32, #tpu.memory_space<hbm>>
      tpu.enqueue_dma source(%arg10 : memref<128x256xf32, #tpu.memory_space<vmem>>) target(%dma_start3A_767 : memref<128x256xf32, #tpu.memory_space<hbm>>) target_semaphore(%arg14 : memref<!tpu.dma_semaphore, #tpu.memory_space<semaphore_mem>>)
    } else {
    }
    %add3A_191 = arith.constant 4 : i32
    %add3A_192 = arith.addi %add3A_191, %arg0 : i32
    %mul3A_193 = arith.constant 128 : i32
    %mul3A_194 = arith.muli %add3A_192, %mul3A_193 : i32
    %dma_wait3A_195 = arith.constant 0 : i32
    %dma_wait3A_196 = tpu.memref_slice %arg4[%arg1, %mul3A_194, %dma_wait3A_195] : memref<16x4096x256xf32, #tpu.memory_space<hbm>> -> memref<1x128x256xf32, #tpu.memory_space<hbm>>
    %dma_wait3A_197 = tpu.memref_squeeze %dma_wait3A_196 : memref<1x128x256xf32, #tpu.memory_space<hbm>> -> memref<128x256xf32, #tpu.memory_space<hbm>>
    %dma_wait3A_198 = arith.constant 0 : i32
    %dma_wait3A_199 = tpu.memref_slice %arg4[%arg1, %mul3A_194, %dma_wait3A_198] : memref<16x4096x256xf32, #tpu.memory_space<hbm>> -> memref<1x128x256xf32, #tpu.memory_space<hbm>>
    %dma_wait3A_200 = tpu.memref_squeeze %dma_wait3A_199 : memref<1x128x256xf32, #tpu.memory_space<hbm>> -> memref<128x256xf32, #tpu.memory_space<hbm>>
    tpu.wait_dma2 semaphore(%arg13 : memref<!tpu.dma_semaphore, #tpu.memory_space<semaphore_mem>>) src(%arg8 : memref<128x256xf32, #tpu.memory_space<vmem>>) dst(%dma_wait3A_200 : memref<128x256xf32, #tpu.memory_space<hbm>>)
    %add3A_201 = arith.constant 8 : i32
    %add3A_202 = arith.addi %add3A_201, %arg0 : i32
    %mul3A_203 = arith.constant 128 : i32
    %mul3A_204 = arith.muli %add3A_202, %mul3A_203 : i32
    %lt3A_205 = arith.cmpi slt, %mul3A_204, %scan3A_10 : i32
    %convert_element_type3A_206 = arith.extui %lt3A_205 : i1 to i32
    %cond3A_207 = arith.constant 0 : i32
    %cond3A_208 = arith.cmpi ne, %convert_element_type3A_206, %cond3A_207 : i32
    scf.if %cond3A_208 {
      %dma_start3A = arith.constant 512 : i32
      %dma_start3A_763 = tpu.memref_slice %arg7[%dma_start3A] : memref<2048xi32, #tpu.memory_space<vmem>> -> memref<128xi32, #tpu.memory_space<vmem>>
      %dma_start3A_764 = arith.constant 0 : i32
      %dma_start3A_765 = arith.constant 0 : i32
      %dma_start3A_766 = tpu.memref_slice %arg2[%dma_start3A_764, %dma_start3A_765] : memref<8192x256xf32, #tpu.memory_space<hbm>> -> memref<8192x256xf32, #tpu.memory_space<hbm>>
      tpu.enqueue_indirect_dma source(%dma_start3A_766 : memref<8192x256xf32, #tpu.memory_space<hbm>>) target(%arg8 : memref<128x256xf32, #tpu.memory_space<vmem>>) offsets(%dma_start3A_763 : memref<128xi32, #tpu.memory_space<vmem>>) semaphore(%arg11 : memref<!tpu.dma_semaphore, #tpu.memory_space<semaphore_mem>>)
    } else {
    }
    %add3A_209 = arith.constant 8 : i32
    %add3A_210 = arith.addi %add3A_209, %arg0 : i32
    %mul3A_211 = arith.constant 128 : i32
    %mul3A_212 = arith.muli %add3A_210, %mul3A_211 : i32
    %lt3A_213 = arith.cmpi slt, %mul3A_212, %scan3A_10 : i32
    %convert_element_type3A_214 = arith.extui %lt3A_213 : i1 to i32
    %cond3A_215 = arith.constant 0 : i32
    %cond3A_216 = arith.cmpi ne, %convert_element_type3A_214, %cond3A_215 : i32
    scf.if %cond3A_216 {
      %dma_wait3A_763 = arith.constant 512 : i32
      %dma_wait3A_764 = tpu.memref_slice %arg7[%dma_wait3A_763] : memref<2048xi32, #tpu.memory_space<vmem>> -> memref<128xi32, #tpu.memory_space<vmem>>
      %dma_wait3A_765 = arith.constant 0 : i32
      %dma_wait3A_766 = arith.constant 0 : i32
      %dma_wait3A_767 = tpu.memref_slice %arg2[%dma_wait3A_765, %dma_wait3A_766] : memref<8192x256xf32, #tpu.memory_space<hbm>> -> memref<8192x256xf32, #tpu.memory_space<hbm>>
      tpu.wait_indirect_dma semaphore(%arg11 : memref<!tpu.dma_semaphore, #tpu.memory_space<semaphore_mem>>) src(%dma_wait3A_767 : memref<8192x256xf32, #tpu.memory_space<hbm>>) dst(%arg8 : memref<128x256xf32, #tpu.memory_space<vmem>>)
      %add3A_768 = arith.constant 8 : i32
      %add3A_769 = arith.addi %add3A_768, %arg0 : i32
      %mul3A_770 = arith.constant 128 : i32
      %mul3A_771 = arith.muli %add3A_769, %mul3A_770 : i32
      %sub3A = arith.subi %scan3A_10, %mul3A_771 : i32
      %jit3A = arith.constant 0 : i32
      %jit3A_772 = arith.constant 128 : i32
      %max3A = arith.maxsi %jit3A, %sub3A : i32
      %min3A = arith.minsi %jit3A_772, %max3A : i32
      %mul3A_773 = arith.constant 16 : i32
      %mul3A_774 = arith.muli %min3A, %mul3A_773 : i32
      %while3A = arith.constant 0 : i32
      %while3A_775 = arith.constant 2048 : i32
      %while3A_776 = arith.subi %while3A_775, %mul3A_774 : i32
      %while3A_777 = arith.addi %mul3A_774, %while3A_776 : i32
      %while3A_778 = arith.constant 1 : i32
      %while3A_779 = arith.divsi %while3A_776, %while3A_778 : i32
      %while3A_780 = arith.muli %while3A_779, %while3A_778 : i32
      %while3A_781 = arith.addi %mul3A_774, %while3A_780 : i32
      %while3A_782 = arith.constant 1 : i32
      scf.for %while3A_784 = %mul3A_774 to %while3A_781 step %while3A_782  : i32 {
        %broadcast_in_dim3A_785 = arith.constant 0.000000e+00 : f32
        %broadcast_in_dim3A_786 = vector.broadcast %broadcast_in_dim3A_785 : f32 to vector<16xf32>
        %shift_right_arithmetic3A = arith.constant 4 : i32
        %shift_right_arithmetic3A_787 = arith.shrsi %while3A_784, %shift_right_arithmetic3A : i32
        %and3A = arith.constant 15 : i32
        %and3A_788 = arith.andi %while3A_784, %and3A : i32
        %mul3A_789 = arith.constant 16 : i32
        %mul3A_790 = arith.muli %and3A_788, %mul3A_789 : i32
        %swap3A = arith.index_cast %shift_right_arithmetic3A_787 : i32 to index
        %swap3A_791 = arith.index_cast %mul3A_790 : i32 to index
        %swap3A_792 = tpu.vector_load %arg8[%swap3A, %swap3A_791] {strides = array<i32>} : memref<128x256xf32, #tpu.memory_space<vmem>>, vector<16xf32>,
        tpu.vector_store %arg8[%swap3A, %swap3A_791], %broadcast_in_dim3A_786 {strides = array<i32>} : memref<128x256xf32, #tpu.memory_space<vmem>>, vector<16xf32>,
      }
      %while3A_783 = arith.constant 1 : i32
      scf.for %while3A_784 = %while3A_781 to %while3A_777 step %while3A_783  : i32 {
        %broadcast_in_dim3A_785 = arith.constant 0.000000e+00 : f32
        %broadcast_in_dim3A_786 = vector.broadcast %broadcast_in_dim3A_785 : f32 to vector<16xf32>
        %shift_right_arithmetic3A = arith.constant 4 : i32
        %shift_right_arithmetic3A_787 = arith.shrsi %while3A_784, %shift_right_arithmetic3A : i32
        %and3A = arith.constant 15 : i32
        %and3A_788 = arith.andi %while3A_784, %and3A : i32
        %mul3A_789 = arith.constant 16 : i32
        %mul3A_790 = arith.muli %and3A_788, %mul3A_789 : i32
        %swap3A = arith.index_cast %shift_right_arithmetic3A_787 : i32 to index
        %swap3A_791 = arith.index_cast %mul3A_790 : i32 to index
        %swap3A_792 = tpu.vector_load %arg8[%swap3A, %swap3A_791] {strides = array<i32>} : memref<128x256xf32, #tpu.memory_space<vmem>>, vector<16xf32>,
        tpu.vector_store %arg8[%swap3A, %swap3A_791], %broadcast_in_dim3A_786 {strides = array<i32>} : memref<128x256xf32, #tpu.memory_space<vmem>>, vector<16xf32>,
      }
    } else {
    }
    %add3A_217 = arith.constant 8 : i32
    %add3A_218 = arith.addi %add3A_217, %arg0 : i32
    %mul3A_219 = arith.constant 128 : i32
    %mul3A_220 = arith.muli %add3A_218, %mul3A_219 : i32
    %add3A_221 = arith.constant 8 : i32
    %add3A_222 = arith.addi %add3A_221, %arg0 : i32
    %mul3A_223 = arith.constant 128 : i32
    %mul3A_224 = arith.muli %add3A_222, %mul3A_223 : i32
    %lt3A_225 = arith.cmpi slt, %mul3A_224, %scan3A_10 : i32
    %convert_element_type3A_226 = arith.extui %lt3A_225 : i1 to i32
    %cond3A_227 = arith.constant 0 : i32
    %cond3A_228 = arith.cmpi ne, %convert_element_type3A_226, %cond3A_227 : i32
    scf.if %cond3A_228 {
      %dma_start3A = arith.constant 0 : i32
      %dma_start3A_763 = tpu.memref_slice %arg4[%arg1, %mul3A_220, %dma_start3A] : memref<16x4096x256xf32, #tpu.memory_space<hbm>> -> memref<1x128x256xf32, #tpu.memory_space<hbm>>
      %dma_start3A_764 = tpu.memref_squeeze %dma_start3A_763 : memref<1x128x256xf32, #tpu.memory_space<hbm>> -> memref<128x256xf32, #tpu.memory_space<hbm>>
      %dma_start3A_765 = arith.constant 0 : i32
      %dma_start3A_766 = tpu.memref_slice %arg4[%arg1, %mul3A_220, %dma_start3A_765] : memref<16x4096x256xf32, #tpu.memory_space<hbm>> -> memref<1x128x256xf32, #tpu.memory_space<hbm>>
      %dma_start3A_767 = tpu.memref_squeeze %dma_start3A_766 : memref<1x128x256xf32, #tpu.memory_space<hbm>> -> memref<128x256xf32, #tpu.memory_space<hbm>>
      tpu.enqueue_dma source(%arg8 : memref<128x256xf32, #tpu.memory_space<vmem>>) target(%dma_start3A_767 : memref<128x256xf32, #tpu.memory_space<hbm>>) target_semaphore(%arg13 : memref<!tpu.dma_semaphore, #tpu.memory_space<semaphore_mem>>)
    } else {
    }
    %add3A_229 = arith.constant 8 : i32
    %add3A_230 = arith.addi %add3A_229, %arg0 : i32
    %mul3A_231 = arith.constant 128 : i32
    %mul3A_232 = arith.muli %add3A_230, %mul3A_231 : i32
    %ge3A_233 = arith.cmpi sge, %mul3A_232, %scan3A_10 : i32
    %convert_element_type3A_234 = arith.extui %ge3A_233 : i1 to i32
    %cond3A_235 = arith.constant 0 : i32
    %cond3A_236 = arith.cmpi ne, %convert_element_type3A_234, %cond3A_235 : i32
    scf.if %cond3A_236 {
      %dma_start3A = arith.constant 0 : i32
      %dma_start3A_763 = tpu.memref_slice %arg4[%arg1, %mul3A_220, %dma_start3A] : memref<16x4096x256xf32, #tpu.memory_space<hbm>> -> memref<1x128x256xf32, #tpu.memory_space<hbm>>
      %dma_start3A_764 = tpu.memref_squeeze %dma_start3A_763 : memref<1x128x256xf32, #tpu.memory_space<hbm>> -> memref<128x256xf32, #tpu.memory_space<hbm>>
      %dma_start3A_765 = arith.constant 0 : i32
      %dma_start3A_766 = tpu.memref_slice %arg4[%arg1, %mul3A_220, %dma_start3A_765] : memref<16x4096x256xf32, #tpu.memory_space<hbm>> -> memref<1x128x256xf32, #tpu.memory_space<hbm>>
      %dma_start3A_767 = tpu.memref_squeeze %dma_start3A_766 : memref<1x128x256xf32, #tpu.memory_space<hbm>> -> memref<128x256xf32, #tpu.memory_space<hbm>>
      tpu.enqueue_dma source(%arg10 : memref<128x256xf32, #tpu.memory_space<vmem>>) target(%dma_start3A_767 : memref<128x256xf32, #tpu.memory_space<hbm>>) target_semaphore(%arg13 : memref<!tpu.dma_semaphore, #tpu.memory_space<semaphore_mem>>)
    } else {
    }
    %add3A_237 = arith.constant 6 : i32
    %add3A_238 = arith.addi %add3A_237, %arg0 : i32
    %mul3A_239 = arith.constant 128 : i32
    %mul3A_240 = arith.muli %add3A_238, %mul3A_239 : i32
    %dma_wait3A_241 = arith.constant 0 : i32
    %dma_wait3A_242 = tpu.memref_slice %arg4[%arg1, %mul3A_240, %dma_wait3A_241] : memref<16x4096x256xf32, #tpu.memory_space<hbm>> -> memref<1x128x256xf32, #tpu.memory_space<hbm>>
    %dma_wait3A_243 = tpu.memref_squeeze %dma_wait3A_242 : memref<1x128x256xf32, #tpu.memory_space<hbm>> -> memref<128x256xf32, #tpu.memory_space<hbm>>
    %dma_wait3A_244 = arith.constant 0 : i32
    %dma_wait3A_245 = tpu.memref_slice %arg4[%arg1, %mul3A_240, %dma_wait3A_244] : memref<16x4096x256xf32, #tpu.memory_space<hbm>> -> memref<1x128x256xf32, #tpu.memory_space<hbm>>
    %dma_wait3A_246 = tpu.memref_squeeze %dma_wait3A_245 : memref<1x128x256xf32, #tpu.memory_space<hbm>> -> memref<128x256xf32, #tpu.memory_space<hbm>>
    tpu.wait_dma2 semaphore(%arg14 : memref<!tpu.dma_semaphore, #tpu.memory_space<semaphore_mem>>) src(%arg9 : memref<128x256xf32, #tpu.memory_space<vmem>>) dst(%dma_wait3A_246 : memref<128x256xf32, #tpu.memory_space<hbm>>)
    %add3A_247 = arith.constant 10 : i32
    %add3A_248 = arith.addi %add3A_247, %arg0 : i32
    %mul3A_249 = arith.constant 128 : i32
    %mul3A_250 = arith.muli %add3A_248, %mul3A_249 : i32
    %lt3A_251 = arith.cmpi slt, %mul3A_250, %scan3A_10 : i32
    %convert_element_type3A_252 = arith.extui %lt3A_251 : i1 to i32
    %cond3A_253 = arith.constant 0 : i32
    %cond3A_254 = arith.cmpi ne, %convert_element_type3A_252, %cond3A_253 : i32
    scf.if %cond3A_254 {
      %dma_start3A = arith.constant 640 : i32
      %dma_start3A_763 = tpu.memref_slice %arg7[%dma_start3A] : memref<2048xi32, #tpu.memory_space<vmem>> -> memref<128xi32, #tpu.memory_space<vmem>>
      %dma_start3A_764 = arith.constant 0 : i32
      %dma_start3A_765 = arith.constant 0 : i32
      %dma_start3A_766 = tpu.memref_slice %arg2[%dma_start3A_764, %dma_start3A_765] : memref<8192x256xf32, #tpu.memory_space<hbm>> -> memref<8192x256xf32, #tpu.memory_space<hbm>>
      tpu.enqueue_indirect_dma source(%dma_start3A_766 : memref<8192x256xf32, #tpu.memory_space<hbm>>) target(%arg9 : memref<128x256xf32, #tpu.memory_space<vmem>>) offsets(%dma_start3A_763 : memref<128xi32, #tpu.memory_space<vmem>>) semaphore(%arg12 : memref<!tpu.dma_semaphore, #tpu.memory_space<semaphore_mem>>)
    } else {
    }
    %add3A_255 = arith.constant 10 : i32
    %add3A_256 = arith.addi %add3A_255, %arg0 : i32
    %mul3A_257 = arith.constant 128 : i32
    %mul3A_258 = arith.muli %add3A_256, %mul3A_257 : i32
    %lt3A_259 = arith.cmpi slt, %mul3A_258, %scan3A_10 : i32
    %convert_element_type3A_260 = arith.extui %lt3A_259 : i1 to i32
    %cond3A_261 = arith.constant 0 : i32
    %cond3A_262 = arith.cmpi ne, %convert_element_type3A_260, %cond3A_261 : i32
    scf.if %cond3A_262 {
      %dma_wait3A_763 = arith.constant 640 : i32
      %dma_wait3A_764 = tpu.memref_slice %arg7[%dma_wait3A_763] : memref<2048xi32, #tpu.memory_space<vmem>> -> memref<128xi32, #tpu.memory_space<vmem>>
      %dma_wait3A_765 = arith.constant 0 : i32
      %dma_wait3A_766 = arith.constant 0 : i32
      %dma_wait3A_767 = tpu.memref_slice %arg2[%dma_wait3A_765, %dma_wait3A_766] : memref<8192x256xf32, #tpu.memory_space<hbm>> -> memref<8192x256xf32, #tpu.memory_space<hbm>>
      tpu.wait_indirect_dma semaphore(%arg12 : memref<!tpu.dma_semaphore, #tpu.memory_space<semaphore_mem>>) src(%dma_wait3A_767 : memref<8192x256xf32, #tpu.memory_space<hbm>>) dst(%arg9 : memref<128x256xf32, #tpu.memory_space<vmem>>)
      %add3A_768 = arith.constant 10 : i32
      %add3A_769 = arith.addi %add3A_768, %arg0 : i32
      %mul3A_770 = arith.constant 128 : i32
      %mul3A_771 = arith.muli %add3A_769, %mul3A_770 : i32
      %sub3A = arith.subi %scan3A_10, %mul3A_771 : i32
      %jit3A = arith.constant 0 : i32
      %jit3A_772 = arith.constant 128 : i32
      %max3A = arith.maxsi %jit3A, %sub3A : i32
      %min3A = arith.minsi %jit3A_772, %max3A : i32
      %mul3A_773 = arith.constant 16 : i32
      %mul3A_774 = arith.muli %min3A, %mul3A_773 : i32
      %while3A = arith.constant 0 : i32
      %while3A_775 = arith.constant 2048 : i32
      %while3A_776 = arith.subi %while3A_775, %mul3A_774 : i32
      %while3A_777 = arith.addi %mul3A_774, %while3A_776 : i32
      %while3A_778 = arith.constant 1 : i32
      %while3A_779 = arith.divsi %while3A_776, %while3A_778 : i32
      %while3A_780 = arith.muli %while3A_779, %while3A_778 : i32
      %while3A_781 = arith.addi %mul3A_774, %while3A_780 : i32
      %while3A_782 = arith.constant 1 : i32
      scf.for %while3A_784 = %mul3A_774 to %while3A_781 step %while3A_782  : i32 {
        %broadcast_in_dim3A_785 = arith.constant 0.000000e+00 : f32
        %broadcast_in_dim3A_786 = vector.broadcast %broadcast_in_dim3A_785 : f32 to vector<16xf32>
        %shift_right_arithmetic3A = arith.constant 4 : i32
        %shift_right_arithmetic3A_787 = arith.shrsi %while3A_784, %shift_right_arithmetic3A : i32
        %and3A = arith.constant 15 : i32
        %and3A_788 = arith.andi %while3A_784, %and3A : i32
        %mul3A_789 = arith.constant 16 : i32
        %mul3A_790 = arith.muli %and3A_788, %mul3A_789 : i32
        %swap3A = arith.index_cast %shift_right_arithmetic3A_787 : i32 to index
        %swap3A_791 = arith.index_cast %mul3A_790 : i32 to index
        %swap3A_792 = tpu.vector_load %arg9[%swap3A, %swap3A_791] {strides = array<i32>} : memref<128x256xf32, #tpu.memory_space<vmem>>, vector<16xf32>,
        tpu.vector_store %arg9[%swap3A, %swap3A_791], %broadcast_in_dim3A_786 {strides = array<i32>} : memref<128x256xf32, #tpu.memory_space<vmem>>, vector<16xf32>,
      }
      %while3A_783 = arith.constant 1 : i32
      scf.for %while3A_784 = %while3A_781 to %while3A_777 step %while3A_783  : i32 {
        %broadcast_in_dim3A_785 = arith.constant 0.000000e+00 : f32
        %broadcast_in_dim3A_786 = vector.broadcast %broadcast_in_dim3A_785 : f32 to vector<16xf32>
        %shift_right_arithmetic3A = arith.constant 4 : i32
        %shift_right_arithmetic3A_787 = arith.shrsi %while3A_784, %shift_right_arithmetic3A : i32
        %and3A = arith.constant 15 : i32
        %and3A_788 = arith.andi %while3A_784, %and3A : i32
        %mul3A_789 = arith.constant 16 : i32
        %mul3A_790 = arith.muli %and3A_788, %mul3A_789 : i32
        %swap3A = arith.index_cast %shift_right_arithmetic3A_787 : i32 to index
        %swap3A_791 = arith.index_cast %mul3A_790 : i32 to index
        %swap3A_792 = tpu.vector_load %arg9[%swap3A, %swap3A_791] {strides = array<i32>} : memref<128x256xf32, #tpu.memory_space<vmem>>, vector<16xf32>,
        tpu.vector_store %arg9[%swap3A, %swap3A_791], %broadcast_in_dim3A_786 {strides = array<i32>} : memref<128x256xf32, #tpu.memory_space<vmem>>, vector<16xf32>,
      }
    } else {
    }
    %add3A_263 = arith.constant 10 : i32
    %add3A_264 = arith.addi %add3A_263, %arg0 : i32
    %mul3A_265 = arith.constant 128 : i32
    %mul3A_266 = arith.muli %add3A_264, %mul3A_265 : i32
    %add3A_267 = arith.constant 10 : i32
    %add3A_268 = arith.addi %add3A_267, %arg0 : i32
    %mul3A_269 = arith.constant 128 : i32
    %mul3A_270 = arith.muli %add3A_268, %mul3A_269 : i32
    %lt3A_271 = arith.cmpi slt, %mul3A_270, %scan3A_10 : i32
    %convert_element_type3A_272 = arith.extui %lt3A_271 : i1 to i32
    %cond3A_273 = arith.constant 0 : i32
    %cond3A_274 = arith.cmpi ne, %convert_element_type3A_272, %cond3A_273 : i32
    scf.if %cond3A_274 {
      %dma_start3A = arith.constant 0 : i32
      %dma_start3A_763 = tpu.memref_slice %arg4[%arg1, %mul3A_266, %dma_start3A] : memref<16x4096x256xf32, #tpu.memory_space<hbm>> -> memref<1x128x256xf32, #tpu.memory_space<hbm>>
      %dma_start3A_764 = tpu.memref_squeeze %dma_start3A_763 : memref<1x128x256xf32, #tpu.memory_space<hbm>> -> memref<128x256xf32, #tpu.memory_space<hbm>>
      %dma_start3A_765 = arith.constant 0 : i32
      %dma_start3A_766 = tpu.memref_slice %arg4[%arg1, %mul3A_266, %dma_start3A_765] : memref<16x4096x256xf32, #tpu.memory_space<hbm>> -> memref<1x128x256xf32, #tpu.memory_space<hbm>>
      %dma_start3A_767 = tpu.memref_squeeze %dma_start3A_766 : memref<1x128x256xf32, #tpu.memory_space<hbm>> -> memref<128x256xf32, #tpu.memory_space<hbm>>
      tpu.enqueue_dma source(%arg9 : memref<128x256xf32, #tpu.memory_space<vmem>>) target(%dma_start3A_767 : memref<128x256xf32, #tpu.memory_space<hbm>>) target_semaphore(%arg14 : memref<!tpu.dma_semaphore, #tpu.memory_space<semaphore_mem>>)
    } else {
    }
    %add3A_275 = arith.constant 10 : i32
    %add3A_276 = arith.addi %add3A_275, %arg0 : i32
    %mul3A_277 = arith.constant 128 : i32
    %mul3A_278 = arith.muli %add3A_276, %mul3A_277 : i32
    %ge3A_279 = arith.cmpi sge, %mul3A_278, %scan3A_10 : i32
    %convert_element_type3A_280 = arith.extui %ge3A_279 : i1 to i32
    %cond3A_281 = arith.constant 0 : i32
    %cond3A_282 = arith.cmpi ne, %convert_element_type3A_280, %cond3A_281 : i32
    scf.if %cond3A_282 {
      %dma_start3A = arith.constant 0 : i32
      %dma_start3A_763 = tpu.memref_slice %arg4[%arg1, %mul3A_266, %dma_start3A] : memref<16x4096x256xf32, #tpu.memory_space<hbm>> -> memref<1x128x256xf32, #tpu.memory_space<hbm>>
      %dma_start3A_764 = tpu.memref_squeeze %dma_start3A_763 : memref<1x128x256xf32, #tpu.memory_space<hbm>> -> memref<128x256xf32, #tpu.memory_space<hbm>>
      %dma_start3A_765 = arith.constant 0 : i32
      %dma_start3A_766 = tpu.memref_slice %arg4[%arg1, %mul3A_266, %dma_start3A_765] : memref<16x4096x256xf32, #tpu.memory_space<hbm>> -> memref<1x128x256xf32, #tpu.memory_space<hbm>>
      %dma_start3A_767 = tpu.memref_squeeze %dma_start3A_766 : memref<1x128x256xf32, #tpu.memory_space<hbm>> -> memref<128x256xf32, #tpu.memory_space<hbm>>
      tpu.enqueue_dma source(%arg10 : memref<128x256xf32, #tpu.memory_space<vmem>>) target(%dma_start3A_767 : memref<128x256xf32, #tpu.memory_space<hbm>>) target_semaphore(%arg14 : memref<!tpu.dma_semaphore, #tpu.memory_space<semaphore_mem>>)
    } else {
    }
    %add3A_283 = arith.constant 8 : i32
    %add3A_284 = arith.addi %add3A_283, %arg0 : i32
    %mul3A_285 = arith.constant 128 : i32
    %mul3A_286 = arith.muli %add3A_284, %mul3A_285 : i32
    %dma_wait3A_287 = arith.constant 0 : i32
    %dma_wait3A_288 = tpu.memref_slice %arg4[%arg1, %mul3A_286, %dma_wait3A_287] : memref<16x4096x256xf32, #tpu.memory_space<hbm>> -> memref<1x128x256xf32, #tpu.memory_space<hbm>>
    %dma_wait3A_289 = tpu.memref_squeeze %dma_wait3A_288 : memref<1x128x256xf32, #tpu.memory_space<hbm>> -> memref<128x256xf32, #tpu.memory_space<hbm>>
    %dma_wait3A_290 = arith.constant 0 : i32
    %dma_wait3A_291 = tpu.memref_slice %arg4[%arg1, %mul3A_286, %dma_wait3A_290] : memref<16x4096x256xf32, #tpu.memory_space<hbm>> -> memref<1x128x256xf32, #tpu.memory_space<hbm>>
    %dma_wait3A_292 = tpu.memref_squeeze %dma_wait3A_291 : memref<1x128x256xf32, #tpu.memory_space<hbm>> -> memref<128x256xf32, #tpu.memory_space<hbm>>
    tpu.wait_dma2 semaphore(%arg13 : memref<!tpu.dma_semaphore, #tpu.memory_space<semaphore_mem>>) src(%arg8 : memref<128x256xf32, #tpu.memory_space<vmem>>) dst(%dma_wait3A_292 : memref<128x256xf32, #tpu.memory_space<hbm>>)
    %add3A_293 = arith.constant 12 : i32
    %add3A_294 = arith.addi %add3A_293, %arg0 : i32
    %mul3A_295 = arith.constant 128 : i32
    %mul3A_296 = arith.muli %add3A_294, %mul3A_295 : i32
    %lt3A_297 = arith.cmpi slt, %mul3A_296, %scan3A_10 : i32
    %convert_element_type3A_298 = arith.extui %lt3A_297 : i1 to i32
    %cond3A_299 = arith.constant 0 : i32
    %cond3A_300 = arith.cmpi ne, %convert_element_type3A_298, %cond3A_299 : i32
    scf.if %cond3A_300 {
      %dma_start3A = arith.constant 768 : i32
      %dma_start3A_763 = tpu.memref_slice %arg7[%dma_start3A] : memref<2048xi32, #tpu.memory_space<vmem>> -> memref<128xi32, #tpu.memory_space<vmem>>
      %dma_start3A_764 = arith.constant 0 : i32
      %dma_start3A_765 = arith.constant 0 : i32
      %dma_start3A_766 = tpu.memref_slice %arg2[%dma_start3A_764, %dma_start3A_765] : memref<8192x256xf32, #tpu.memory_space<hbm>> -> memref<8192x256xf32, #tpu.memory_space<hbm>>
      tpu.enqueue_indirect_dma source(%dma_start3A_766 : memref<8192x256xf32, #tpu.memory_space<hbm>>) target(%arg8 : memref<128x256xf32, #tpu.memory_space<vmem>>) offsets(%dma_start3A_763 : memref<128xi32, #tpu.memory_space<vmem>>) semaphore(%arg11 : memref<!tpu.dma_semaphore, #tpu.memory_space<semaphore_mem>>)
    } else {
    }
    %add3A_301 = arith.constant 12 : i32
    %add3A_302 = arith.addi %add3A_301, %arg0 : i32
    %mul3A_303 = arith.constant 128 : i32
    %mul3A_304 = arith.muli %add3A_302, %mul3A_303 : i32
    %lt3A_305 = arith.cmpi slt, %mul3A_304, %scan3A_10 : i32
    %convert_element_type3A_306 = arith.extui %lt3A_305 : i1 to i32
    %cond3A_307 = arith.constant 0 : i32
    %cond3A_308 = arith.cmpi ne, %convert_element_type3A_306, %cond3A_307 : i32
    scf.if %cond3A_308 {
      %dma_wait3A_763 = arith.constant 768 : i32
      %dma_wait3A_764 = tpu.memref_slice %arg7[%dma_wait3A_763] : memref<2048xi32, #tpu.memory_space<vmem>> -> memref<128xi32, #tpu.memory_space<vmem>>
      %dma_wait3A_765 = arith.constant 0 : i32
      %dma_wait3A_766 = arith.constant 0 : i32
      %dma_wait3A_767 = tpu.memref_slice %arg2[%dma_wait3A_765, %dma_wait3A_766] : memref<8192x256xf32, #tpu.memory_space<hbm>> -> memref<8192x256xf32, #tpu.memory_space<hbm>>
      tpu.wait_indirect_dma semaphore(%arg11 : memref<!tpu.dma_semaphore, #tpu.memory_space<semaphore_mem>>) src(%dma_wait3A_767 : memref<8192x256xf32, #tpu.memory_space<hbm>>) dst(%arg8 : memref<128x256xf32, #tpu.memory_space<vmem>>)
      %add3A_768 = arith.constant 12 : i32
      %add3A_769 = arith.addi %add3A_768, %arg0 : i32
      %mul3A_770 = arith.constant 128 : i32
      %mul3A_771 = arith.muli %add3A_769, %mul3A_770 : i32
      %sub3A = arith.subi %scan3A_10, %mul3A_771 : i32
      %jit3A = arith.constant 0 : i32
      %jit3A_772 = arith.constant 128 : i32
      %max3A = arith.maxsi %jit3A, %sub3A : i32
      %min3A = arith.minsi %jit3A_772, %max3A : i32
      %mul3A_773 = arith.constant 16 : i32
      %mul3A_774 = arith.muli %min3A, %mul3A_773 : i32
      %while3A = arith.constant 0 : i32
      %while3A_775 = arith.constant 2048 : i32
      %while3A_776 = arith.subi %while3A_775, %mul3A_774 : i32
      %while3A_777 = arith.addi %mul3A_774, %while3A_776 : i32
      %while3A_778 = arith.constant 1 : i32
      %while3A_779 = arith.divsi %while3A_776, %while3A_778 : i32
      %while3A_780 = arith.muli %while3A_779, %while3A_778 : i32
      %while3A_781 = arith.addi %mul3A_774, %while3A_780 : i32
      %while3A_782 = arith.constant 1 : i32
      scf.for %while3A_784 = %mul3A_774 to %while3A_781 step %while3A_782  : i32 {
        %broadcast_in_dim3A_785 = arith.constant 0.000000e+00 : f32
        %broadcast_in_dim3A_786 = vector.broadcast %broadcast_in_dim3A_785 : f32 to vector<16xf32>
        %shift_right_arithmetic3A = arith.constant 4 : i32
        %shift_right_arithmetic3A_787 = arith.shrsi %while3A_784, %shift_right_arithmetic3A : i32
        %and3A = arith.constant 15 : i32
        %and3A_788 = arith.andi %while3A_784, %and3A : i32
        %mul3A_789 = arith.constant 16 : i32
        %mul3A_790 = arith.muli %and3A_788, %mul3A_789 : i32
        %swap3A = arith.index_cast %shift_right_arithmetic3A_787 : i32 to index
        %swap3A_791 = arith.index_cast %mul3A_790 : i32 to index
        %swap3A_792 = tpu.vector_load %arg8[%swap3A, %swap3A_791] {strides = array<i32>} : memref<128x256xf32, #tpu.memory_space<vmem>>, vector<16xf32>,
        tpu.vector_store %arg8[%swap3A, %swap3A_791], %broadcast_in_dim3A_786 {strides = array<i32>} : memref<128x256xf32, #tpu.memory_space<vmem>>, vector<16xf32>,
      }
      %while3A_783 = arith.constant 1 : i32
      scf.for %while3A_784 = %while3A_781 to %while3A_777 step %while3A_783  : i32 {
        %broadcast_in_dim3A_785 = arith.constant 0.000000e+00 : f32
        %broadcast_in_dim3A_786 = vector.broadcast %broadcast_in_dim3A_785 : f32 to vector<16xf32>
        %shift_right_arithmetic3A = arith.constant 4 : i32
        %shift_right_arithmetic3A_787 = arith.shrsi %while3A_784, %shift_right_arithmetic3A : i32
        %and3A = arith.constant 15 : i32
        %and3A_788 = arith.andi %while3A_784, %and3A : i32
        %mul3A_789 = arith.constant 16 : i32
        %mul3A_790 = arith.muli %and3A_788, %mul3A_789 : i32
        %swap3A = arith.index_cast %shift_right_arithmetic3A_787 : i32 to index
        %swap3A_791 = arith.index_cast %mul3A_790 : i32 to index
        %swap3A_792 = tpu.vector_load %arg8[%swap3A, %swap3A_791] {strides = array<i32>} : memref<128x256xf32, #tpu.memory_space<vmem>>, vector<16xf32>,
        tpu.vector_store %arg8[%swap3A, %swap3A_791], %broadcast_in_dim3A_786 {strides = array<i32>} : memref<128x256xf32, #tpu.memory_space<vmem>>, vector<16xf32>,
      }
    } else {
    }
    %add3A_309 = arith.constant 12 : i32
    %add3A_310 = arith.addi %add3A_309, %arg0 : i32
    %mul3A_311 = arith.constant 128 : i32
    %mul3A_312 = arith.muli %add3A_310, %mul3A_311 : i32
    %add3A_313 = arith.constant 12 : i32
    %add3A_314 = arith.addi %add3A_313, %arg0 : i32
    %mul3A_315 = arith.constant 128 : i32
    %mul3A_316 = arith.muli %add3A_314, %mul3A_315 : i32
    %lt3A_317 = arith.cmpi slt, %mul3A_316, %scan3A_10 : i32
    %convert_element_type3A_318 = arith.extui %lt3A_317 : i1 to i32
    %cond3A_319 = arith.constant 0 : i32
    %cond3A_320 = arith.cmpi ne, %convert_element_type3A_318, %cond3A_319 : i32
    scf.if %cond3A_320 {
      %dma_start3A = arith.constant 0 : i32
      %dma_start3A_763 = tpu.memref_slice %arg4[%arg1, %mul3A_312, %dma_start3A] : memref<16x4096x256xf32, #tpu.memory_space<hbm>> -> memref<1x128x256xf32, #tpu.memory_space<hbm>>
      %dma_start3A_764 = tpu.memref_squeeze %dma_start3A_763 : memref<1x128x256xf32, #tpu.memory_space<hbm>> -> memref<128x256xf32, #tpu.memory_space<hbm>>
      %dma_start3A_765 = arith.constant 0 : i32
      %dma_start3A_766 = tpu.memref_slice %arg4[%arg1, %mul3A_312, %dma_start3A_765] : memref<16x4096x256xf32, #tpu.memory_space<hbm>> -> memref<1x128x256xf32, #tpu.memory_space<hbm>>
      %dma_start3A_767 = tpu.memref_squeeze %dma_start3A_766 : memref<1x128x256xf32, #tpu.memory_space<hbm>> -> memref<128x256xf32, #tpu.memory_space<hbm>>
      tpu.enqueue_dma source(%arg8 : memref<128x256xf32, #tpu.memory_space<vmem>>) target(%dma_start3A_767 : memref<128x256xf32, #tpu.memory_space<hbm>>) target_semaphore(%arg13 : memref<!tpu.dma_semaphore, #tpu.memory_space<semaphore_mem>>)
    } else {
    }
    %add3A_321 = arith.constant 12 : i32
    %add3A_322 = arith.addi %add3A_321, %arg0 : i32
    %mul3A_323 = arith.constant 128 : i32
    %mul3A_324 = arith.muli %add3A_322, %mul3A_323 : i32
    %ge3A_325 = arith.cmpi sge, %mul3A_324, %scan3A_10 : i32
    %convert_element_type3A_326 = arith.extui %ge3A_325 : i1 to i32
    %cond3A_327 = arith.constant 0 : i32
    %cond3A_328 = arith.cmpi ne, %convert_element_type3A_326, %cond3A_327 : i32
    scf.if %cond3A_328 {
      %dma_start3A = arith.constant 0 : i32
      %dma_start3A_763 = tpu.memref_slice %arg4[%arg1, %mul3A_312, %dma_start3A] : memref<16x4096x256xf32, #tpu.memory_space<hbm>> -> memref<1x128x256xf32, #tpu.memory_space<hbm>>
      %dma_start3A_764 = tpu.memref_squeeze %dma_start3A_763 : memref<1x128x256xf32, #tpu.memory_space<hbm>> -> memref<128x256xf32, #tpu.memory_space<hbm>>
      %dma_start3A_765 = arith.constant 0 : i32
      %dma_start3A_766 = tpu.memref_slice %arg4[%arg1, %mul3A_312, %dma_start3A_765] : memref<16x4096x256xf32, #tpu.memory_space<hbm>> -> memref<1x128x256xf32, #tpu.memory_space<hbm>>
      %dma_start3A_767 = tpu.memref_squeeze %dma_start3A_766 : memref<1x128x256xf32, #tpu.memory_space<hbm>> -> memref<128x256xf32, #tpu.memory_space<hbm>>
      tpu.enqueue_dma source(%arg10 : memref<128x256xf32, #tpu.memory_space<vmem>>) target(%dma_start3A_767 : memref<128x256xf32, #tpu.memory_space<hbm>>) target_semaphore(%arg13 : memref<!tpu.dma_semaphore, #tpu.memory_space<semaphore_mem>>)
    } else {
    }
    %add3A_329 = arith.constant 10 : i32
    %add3A_330 = arith.addi %add3A_329, %arg0 : i32
    %mul3A_331 = arith.constant 128 : i32
    %mul3A_332 = arith.muli %add3A_330, %mul3A_331 : i32
    %dma_wait3A_333 = arith.constant 0 : i32
    %dma_wait3A_334 = tpu.memref_slice %arg4[%arg1, %mul3A_332, %dma_wait3A_333] : memref<16x4096x256xf32, #tpu.memory_space<hbm>> -> memref<1x128x256xf32, #tpu.memory_space<hbm>>
    %dma_wait3A_335 = tpu.memref_squeeze %dma_wait3A_334 : memref<1x128x256xf32, #tpu.memory_space<hbm>> -> memref<128x256xf32, #tpu.memory_space<hbm>>
    %dma_wait3A_336 = arith.constant 0 : i32
    %dma_wait3A_337 = tpu.memref_slice %arg4[%arg1, %mul3A_332, %dma_wait3A_336] : memref<16x4096x256xf32, #tpu.memory_space<hbm>> -> memref<1x128x256xf32, #tpu.memory_space<hbm>>
    %dma_wait3A_338 = tpu.memref_squeeze %dma_wait3A_337 : memref<1x128x256xf32, #tpu.memory_space<hbm>> -> memref<128x256xf32, #tpu.memory_space<hbm>>
    tpu.wait_dma2 semaphore(%arg14 : memref<!tpu.dma_semaphore, #tpu.memory_space<semaphore_mem>>) src(%arg9 : memref<128x256xf32, #tpu.memory_space<vmem>>) dst(%dma_wait3A_338 : memref<128x256xf32, #tpu.memory_space<hbm>>)
    %add3A_339 = arith.constant 14 : i32
    %add3A_340 = arith.addi %add3A_339, %arg0 : i32
    %mul3A_341 = arith.constant 128 : i32
    %mul3A_342 = arith.muli %add3A_340, %mul3A_341 : i32
    %lt3A_343 = arith.cmpi slt, %mul3A_342, %scan3A_10 : i32
    %convert_element_type3A_344 = arith.extui %lt3A_343 : i1 to i32
    %cond3A_345 = arith.constant 0 : i32
    %cond3A_346 = arith.cmpi ne, %convert_element_type3A_344, %cond3A_345 : i32
    scf.if %cond3A_346 {
      %dma_start3A = arith.constant 896 : i32
      %dma_start3A_763 = tpu.memref_slice %arg7[%dma_start3A] : memref<2048xi32, #tpu.memory_space<vmem>> -> memref<128xi32, #tpu.memory_space<vmem>>
      %dma_start3A_764 = arith.constant 0 : i32
      %dma_start3A_765 = arith.constant 0 : i32
      %dma_start3A_766 = tpu.memref_slice %arg2[%dma_start3A_764, %dma_start3A_765] : memref<8192x256xf32, #tpu.memory_space<hbm>> -> memref<8192x256xf32, #tpu.memory_space<hbm>>
      tpu.enqueue_indirect_dma source(%dma_start3A_766 : memref<8192x256xf32, #tpu.memory_space<hbm>>) target(%arg9 : memref<128x256xf32, #tpu.memory_space<vmem>>) offsets(%dma_start3A_763 : memref<128xi32, #tpu.memory_space<vmem>>) semaphore(%arg12 : memref<!tpu.dma_semaphore, #tpu.memory_space<semaphore_mem>>)
    } else {
    }
    %add3A_347 = arith.constant 14 : i32
    %add3A_348 = arith.addi %add3A_347, %arg0 : i32
    %mul3A_349 = arith.constant 128 : i32
    %mul3A_350 = arith.muli %add3A_348, %mul3A_349 : i32
    %lt3A_351 = arith.cmpi slt, %mul3A_350, %scan3A_10 : i32
    %convert_element_type3A_352 = arith.extui %lt3A_351 : i1 to i32
    %cond3A_353 = arith.constant 0 : i32
    %cond3A_354 = arith.cmpi ne, %convert_element_type3A_352, %cond3A_353 : i32
    scf.if %cond3A_354 {
      %dma_wait3A_763 = arith.constant 896 : i32
      %dma_wait3A_764 = tpu.memref_slice %arg7[%dma_wait3A_763] : memref<2048xi32, #tpu.memory_space<vmem>> -> memref<128xi32, #tpu.memory_space<vmem>>
      %dma_wait3A_765 = arith.constant 0 : i32
      %dma_wait3A_766 = arith.constant 0 : i32
      %dma_wait3A_767 = tpu.memref_slice %arg2[%dma_wait3A_765, %dma_wait3A_766] : memref<8192x256xf32, #tpu.memory_space<hbm>> -> memref<8192x256xf32, #tpu.memory_space<hbm>>
      tpu.wait_indirect_dma semaphore(%arg12 : memref<!tpu.dma_semaphore, #tpu.memory_space<semaphore_mem>>) src(%dma_wait3A_767 : memref<8192x256xf32, #tpu.memory_space<hbm>>) dst(%arg9 : memref<128x256xf32, #tpu.memory_space<vmem>>)
      %add3A_768 = arith.constant 14 : i32
      %add3A_769 = arith.addi %add3A_768, %arg0 : i32
      %mul3A_770 = arith.constant 128 : i32
      %mul3A_771 = arith.muli %add3A_769, %mul3A_770 : i32
      %sub3A = arith.subi %scan3A_10, %mul3A_771 : i32
      %jit3A = arith.constant 0 : i32
      %jit3A_772 = arith.constant 128 : i32
      %max3A = arith.maxsi %jit3A, %sub3A : i32
      %min3A = arith.minsi %jit3A_772, %max3A : i32
      %mul3A_773 = arith.constant 16 : i32
      %mul3A_774 = arith.muli %min3A, %mul3A_773 : i32
      %while3A = arith.constant 0 : i32
      %while3A_775 = arith.constant 2048 : i32
      %while3A_776 = arith.subi %while3A_775, %mul3A_774 : i32
      %while3A_777 = arith.addi %mul3A_774, %while3A_776 : i32
      %while3A_778 = arith.constant 1 : i32
      %while3A_779 = arith.divsi %while3A_776, %while3A_778 : i32
      %while3A_780 = arith.muli %while3A_779, %while3A_778 : i32
      %while3A_781 = arith.addi %mul3A_774, %while3A_780 : i32
      %while3A_782 = arith.constant 1 : i32
      scf.for %while3A_784 = %mul3A_774 to %while3A_781 step %while3A_782  : i32 {
        %broadcast_in_dim3A_785 = arith.constant 0.000000e+00 : f32
        %broadcast_in_dim3A_786 = vector.broadcast %broadcast_in_dim3A_785 : f32 to vector<16xf32>
        %shift_right_arithmetic3A = arith.constant 4 : i32
        %shift_right_arithmetic3A_787 = arith.shrsi %while3A_784, %shift_right_arithmetic3A : i32
        %and3A = arith.constant 15 : i32
        %and3A_788 = arith.andi %while3A_784, %and3A : i32
        %mul3A_789 = arith.constant 16 : i32
        %mul3A_790 = arith.muli %and3A_788, %mul3A_789 : i32
        %swap3A = arith.index_cast %shift_right_arithmetic3A_787 : i32 to index
        %swap3A_791 = arith.index_cast %mul3A_790 : i32 to index
        %swap3A_792 = tpu.vector_load %arg9[%swap3A, %swap3A_791] {strides = array<i32>} : memref<128x256xf32, #tpu.memory_space<vmem>>, vector<16xf32>,
        tpu.vector_store %arg9[%swap3A, %swap3A_791], %broadcast_in_dim3A_786 {strides = array<i32>} : memref<128x256xf32, #tpu.memory_space<vmem>>, vector<16xf32>,
      }
      %while3A_783 = arith.constant 1 : i32
      scf.for %while3A_784 = %while3A_781 to %while3A_777 step %while3A_783  : i32 {
        %broadcast_in_dim3A_785 = arith.constant 0.000000e+00 : f32
        %broadcast_in_dim3A_786 = vector.broadcast %broadcast_in_dim3A_785 : f32 to vector<16xf32>
        %shift_right_arithmetic3A = arith.constant 4 : i32
        %shift_right_arithmetic3A_787 = arith.shrsi %while3A_784, %shift_right_arithmetic3A : i32
        %and3A = arith.constant 15 : i32
        %and3A_788 = arith.andi %while3A_784, %and3A : i32
        %mul3A_789 = arith.constant 16 : i32
        %mul3A_790 = arith.muli %and3A_788, %mul3A_789 : i32
        %swap3A = arith.index_cast %shift_right_arithmetic3A_787 : i32 to index
        %swap3A_791 = arith.index_cast %mul3A_790 : i32 to index
        %swap3A_792 = tpu.vector_load %arg9[%swap3A, %swap3A_791] {strides = array<i32>} : memref<128x256xf32, #tpu.memory_space<vmem>>, vector<16xf32>,
        tpu.vector_store %arg9[%swap3A, %swap3A_791], %broadcast_in_dim3A_786 {strides = array<i32>} : memref<128x256xf32, #tpu.memory_space<vmem>>, vector<16xf32>,
      }
    } else {
    }
    %add3A_355 = arith.constant 14 : i32
    %add3A_356 = arith.addi %add3A_355, %arg0 : i32
    %mul3A_357 = arith.constant 128 : i32
    %mul3A_358 = arith.muli %add3A_356, %mul3A_357 : i32
    %add3A_359 = arith.constant 14 : i32
    %add3A_360 = arith.addi %add3A_359, %arg0 : i32
    %mul3A_361 = arith.constant 128 : i32
    %mul3A_362 = arith.muli %add3A_360, %mul3A_361 : i32
    %lt3A_363 = arith.cmpi slt, %mul3A_362, %scan3A_10 : i32
    %convert_element_type3A_364 = arith.extui %lt3A_363 : i1 to i32
    %cond3A_365 = arith.constant 0 : i32
    %cond3A_366 = arith.cmpi ne, %convert_element_type3A_364, %cond3A_365 : i32
    scf.if %cond3A_366 {
      %dma_start3A = arith.constant 0 : i32
      %dma_start3A_763 = tpu.memref_slice %arg4[%arg1, %mul3A_358, %dma_start3A] : memref<16x4096x256xf32, #tpu.memory_space<hbm>> -> memref<1x128x256xf32, #tpu.memory_space<hbm>>
      %dma_start3A_764 = tpu.memref_squeeze %dma_start3A_763 : memref<1x128x256xf32, #tpu.memory_space<hbm>> -> memref<128x256xf32, #tpu.memory_space<hbm>>
      %dma_start3A_765 = arith.constant 0 : i32
      %dma_start3A_766 = tpu.memref_slice %arg4[%arg1, %mul3A_358, %dma_start3A_765] : memref<16x4096x256xf32, #tpu.memory_space<hbm>> -> memref<1x128x256xf32, #tpu.memory_space<hbm>>
      %dma_start3A_767 = tpu.memref_squeeze %dma_start3A_766 : memref<1x128x256xf32, #tpu.memory_space<hbm>> -> memref<128x256xf32, #tpu.memory_space<hbm>>
      tpu.enqueue_dma source(%arg9 : memref<128x256xf32, #tpu.memory_space<vmem>>) target(%dma_start3A_767 : memref<128x256xf32, #tpu.memory_space<hbm>>) target_semaphore(%arg14 : memref<!tpu.dma_semaphore, #tpu.memory_space<semaphore_mem>>)
    } else {
    }
    %add3A_367 = arith.constant 14 : i32
    %add3A_368 = arith.addi %add3A_367, %arg0 : i32
    %mul3A_369 = arith.constant 128 : i32
    %mul3A_370 = arith.muli %add3A_368, %mul3A_369 : i32
    %ge3A_371 = arith.cmpi sge, %mul3A_370, %scan3A_10 : i32
    %convert_element_type3A_372 = arith.extui %ge3A_371 : i1 to i32
    %cond3A_373 = arith.constant 0 : i32
    %cond3A_374 = arith.cmpi ne, %convert_element_type3A_372, %cond3A_373 : i32
    scf.if %cond3A_374 {
      %dma_start3A = arith.constant 0 : i32
      %dma_start3A_763 = tpu.memref_slice %arg4[%arg1, %mul3A_358, %dma_start3A] : memref<16x4096x256xf32, #tpu.memory_space<hbm>> -> memref<1x128x256xf32, #tpu.memory_space<hbm>>
      %dma_start3A_764 = tpu.memref_squeeze %dma_start3A_763 : memref<1x128x256xf32, #tpu.memory_space<hbm>> -> memref<128x256xf32, #tpu.memory_space<hbm>>
      %dma_start3A_765 = arith.constant 0 : i32
      %dma_start3A_766 = tpu.memref_slice %arg4[%arg1, %mul3A_358, %dma_start3A_765] : memref<16x4096x256xf32, #tpu.memory_space<hbm>> -> memref<1x128x256xf32, #tpu.memory_space<hbm>>
      %dma_start3A_767 = tpu.memref_squeeze %dma_start3A_766 : memref<1x128x256xf32, #tpu.memory_space<hbm>> -> memref<128x256xf32, #tpu.memory_space<hbm>>
      tpu.enqueue_dma source(%arg10 : memref<128x256xf32, #tpu.memory_space<vmem>>) target(%dma_start3A_767 : memref<128x256xf32, #tpu.memory_space<hbm>>) target_semaphore(%arg14 : memref<!tpu.dma_semaphore, #tpu.memory_space<semaphore_mem>>)
    } else {
    }
    %add3A_375 = arith.constant 12 : i32
    %add3A_376 = arith.addi %add3A_375, %arg0 : i32
    %mul3A_377 = arith.constant 128 : i32
    %mul3A_378 = arith.muli %add3A_376, %mul3A_377 : i32
    %dma_wait3A_379 = arith.constant 0 : i32
    %dma_wait3A_380 = tpu.memref_slice %arg4[%arg1, %mul3A_378, %dma_wait3A_379] : memref<16x4096x256xf32, #tpu.memory_space<hbm>> -> memref<1x128x256xf32, #tpu.memory_space<hbm>>
    %dma_wait3A_381 = tpu.memref_squeeze %dma_wait3A_380 : memref<1x128x256xf32, #tpu.memory_space<hbm>> -> memref<128x256xf32, #tpu.memory_space<hbm>>
    %dma_wait3A_382 = arith.constant 0 : i32
    %dma_wait3A_383 = tpu.memref_slice %arg4[%arg1, %mul3A_378, %dma_wait3A_382] : memref<16x4096x256xf32, #tpu.memory_space<hbm>> -> memref<1x128x256xf32, #tpu.memory_space<hbm>>
    %dma_wait3A_384 = tpu.memref_squeeze %dma_wait3A_383 : memref<1x128x256xf32, #tpu.memory_space<hbm>> -> memref<128x256xf32, #tpu.memory_space<hbm>>
    tpu.wait_dma2 semaphore(%arg13 : memref<!tpu.dma_semaphore, #tpu.memory_space<semaphore_mem>>) src(%arg8 : memref<128x256xf32, #tpu.memory_space<vmem>>) dst(%dma_wait3A_384 : memref<128x256xf32, #tpu.memory_space<hbm>>)
    %add3A_385 = arith.constant 16 : i32
    %add3A_386 = arith.addi %add3A_385, %arg0 : i32
    %mul3A_387 = arith.constant 128 : i32
    %mul3A_388 = arith.muli %add3A_386, %mul3A_387 : i32
    %lt3A_389 = arith.cmpi slt, %mul3A_388, %scan3A_10 : i32
    %convert_element_type3A_390 = arith.extui %lt3A_389 : i1 to i32
    %cond3A_391 = arith.constant 0 : i32
    %cond3A_392 = arith.cmpi ne, %convert_element_type3A_390, %cond3A_391 : i32
    scf.if %cond3A_392 {
      %dma_start3A = arith.constant 1024 : i32
      %dma_start3A_763 = tpu.memref_slice %arg7[%dma_start3A] : memref<2048xi32, #tpu.memory_space<vmem>> -> memref<128xi32, #tpu.memory_space<vmem>>
      %dma_start3A_764 = arith.constant 0 : i32
      %dma_start3A_765 = arith.constant 0 : i32
      %dma_start3A_766 = tpu.memref_slice %arg2[%dma_start3A_764, %dma_start3A_765] : memref<8192x256xf32, #tpu.memory_space<hbm>> -> memref<8192x256xf32, #tpu.memory_space<hbm>>
      tpu.enqueue_indirect_dma source(%dma_start3A_766 : memref<8192x256xf32, #tpu.memory_space<hbm>>) target(%arg8 : memref<128x256xf32, #tpu.memory_space<vmem>>) offsets(%dma_start3A_763 : memref<128xi32, #tpu.memory_space<vmem>>) semaphore(%arg11 : memref<!tpu.dma_semaphore, #tpu.memory_space<semaphore_mem>>)
    } else {
    }
    %add3A_393 = arith.constant 16 : i32
    %add3A_394 = arith.addi %add3A_393, %arg0 : i32
    %mul3A_395 = arith.constant 128 : i32
    %mul3A_396 = arith.muli %add3A_394, %mul3A_395 : i32
    %lt3A_397 = arith.cmpi slt, %mul3A_396, %scan3A_10 : i32
    %convert_element_type3A_398 = arith.extui %lt3A_397 : i1 to i32
    %cond3A_399 = arith.constant 0 : i32
    %cond3A_400 = arith.cmpi ne, %convert_element_type3A_398, %cond3A_399 : i32
    scf.if %cond3A_400 {
      %dma_wait3A_763 = arith.constant 1024 : i32
      %dma_wait3A_764 = tpu.memref_slice %arg7[%dma_wait3A_763] : memref<2048xi32, #tpu.memory_space<vmem>> -> memref<128xi32, #tpu.memory_space<vmem>>
      %dma_wait3A_765 = arith.constant 0 : i32
      %dma_wait3A_766 = arith.constant 0 : i32
      %dma_wait3A_767 = tpu.memref_slice %arg2[%dma_wait3A_765, %dma_wait3A_766] : memref<8192x256xf32, #tpu.memory_space<hbm>> -> memref<8192x256xf32, #tpu.memory_space<hbm>>
      tpu.wait_indirect_dma semaphore(%arg11 : memref<!tpu.dma_semaphore, #tpu.memory_space<semaphore_mem>>) src(%dma_wait3A_767 : memref<8192x256xf32, #tpu.memory_space<hbm>>) dst(%arg8 : memref<128x256xf32, #tpu.memory_space<vmem>>)
      %add3A_768 = arith.constant 16 : i32
      %add3A_769 = arith.addi %add3A_768, %arg0 : i32
      %mul3A_770 = arith.constant 128 : i32
      %mul3A_771 = arith.muli %add3A_769, %mul3A_770 : i32
      %sub3A = arith.subi %scan3A_10, %mul3A_771 : i32
      %jit3A = arith.constant 0 : i32
      %jit3A_772 = arith.constant 128 : i32
      %max3A = arith.maxsi %jit3A, %sub3A : i32
      %min3A = arith.minsi %jit3A_772, %max3A : i32
      %mul3A_773 = arith.constant 16 : i32
      %mul3A_774 = arith.muli %min3A, %mul3A_773 : i32
      %while3A = arith.constant 0 : i32
      %while3A_775 = arith.constant 2048 : i32
      %while3A_776 = arith.subi %while3A_775, %mul3A_774 : i32
      %while3A_777 = arith.addi %mul3A_774, %while3A_776 : i32
      %while3A_778 = arith.constant 1 : i32
      %while3A_779 = arith.divsi %while3A_776, %while3A_778 : i32
      %while3A_780 = arith.muli %while3A_779, %while3A_778 : i32
      %while3A_781 = arith.addi %mul3A_774, %while3A_780 : i32
      %while3A_782 = arith.constant 1 : i32
      scf.for %while3A_784 = %mul3A_774 to %while3A_781 step %while3A_782  : i32 {
        %broadcast_in_dim3A_785 = arith.constant 0.000000e+00 : f32
        %broadcast_in_dim3A_786 = vector.broadcast %broadcast_in_dim3A_785 : f32 to vector<16xf32>
        %shift_right_arithmetic3A = arith.constant 4 : i32
        %shift_right_arithmetic3A_787 = arith.shrsi %while3A_784, %shift_right_arithmetic3A : i32
        %and3A = arith.constant 15 : i32
        %and3A_788 = arith.andi %while3A_784, %and3A : i32
        %mul3A_789 = arith.constant 16 : i32
        %mul3A_790 = arith.muli %and3A_788, %mul3A_789 : i32
        %swap3A = arith.index_cast %shift_right_arithmetic3A_787 : i32 to index
        %swap3A_791 = arith.index_cast %mul3A_790 : i32 to index
        %swap3A_792 = tpu.vector_load %arg8[%swap3A, %swap3A_791] {strides = array<i32>} : memref<128x256xf32, #tpu.memory_space<vmem>>, vector<16xf32>,
        tpu.vector_store %arg8[%swap3A, %swap3A_791], %broadcast_in_dim3A_786 {strides = array<i32>} : memref<128x256xf32, #tpu.memory_space<vmem>>, vector<16xf32>,
      }
      %while3A_783 = arith.constant 1 : i32
      scf.for %while3A_784 = %while3A_781 to %while3A_777 step %while3A_783  : i32 {
        %broadcast_in_dim3A_785 = arith.constant 0.000000e+00 : f32
        %broadcast_in_dim3A_786 = vector.broadcast %broadcast_in_dim3A_785 : f32 to vector<16xf32>
        %shift_right_arithmetic3A = arith.constant 4 : i32
        %shift_right_arithmetic3A_787 = arith.shrsi %while3A_784, %shift_right_arithmetic3A : i32
        %and3A = arith.constant 15 : i32
        %and3A_788 = arith.andi %while3A_784, %and3A : i32
        %mul3A_789 = arith.constant 16 : i32
        %mul3A_790 = arith.muli %and3A_788, %mul3A_789 : i32
        %swap3A = arith.index_cast %shift_right_arithmetic3A_787 : i32 to index
        %swap3A_791 = arith.index_cast %mul3A_790 : i32 to index
        %swap3A_792 = tpu.vector_load %arg8[%swap3A, %swap3A_791] {strides = array<i32>} : memref<128x256xf32, #tpu.memory_space<vmem>>, vector<16xf32>,
        tpu.vector_store %arg8[%swap3A, %swap3A_791], %broadcast_in_dim3A_786 {strides = array<i32>} : memref<128x256xf32, #tpu.memory_space<vmem>>, vector<16xf32>,
      }
    } else {
    }
    %add3A_401 = arith.constant 16 : i32
    %add3A_402 = arith.addi %add3A_401, %arg0 : i32
    %mul3A_403 = arith.constant 128 : i32
    %mul3A_404 = arith.muli %add3A_402, %mul3A_403 : i32
    %add3A_405 = arith.constant 16 : i32
    %add3A_406 = arith.addi %add3A_405, %arg0 : i32
    %mul3A_407 = arith.constant 128 : i32
    %mul3A_408 = arith.muli %add3A_406, %mul3A_407 : i32
    %lt3A_409 = arith.cmpi slt, %mul3A_408, %scan3A_10 : i32
    %convert_element_type3A_410 = arith.extui %lt3A_409 : i1 to i32
    %cond3A_411 = arith.constant 0 : i32
    %cond3A_412 = arith.cmpi ne, %convert_element_type3A_410, %cond3A_411 : i32
    scf.if %cond3A_412 {
      %dma_start3A = arith.constant 0 : i32
      %dma_start3A_763 = tpu.memref_slice %arg4[%arg1, %mul3A_404, %dma_start3A] : memref<16x4096x256xf32, #tpu.memory_space<hbm>> -> memref<1x128x256xf32, #tpu.memory_space<hbm>>
      %dma_start3A_764 = tpu.memref_squeeze %dma_start3A_763 : memref<1x128x256xf32, #tpu.memory_space<hbm>> -> memref<128x256xf32, #tpu.memory_space<hbm>>
      %dma_start3A_765 = arith.constant 0 : i32
      %dma_start3A_766 = tpu.memref_slice %arg4[%arg1, %mul3A_404, %dma_start3A_765] : memref<16x4096x256xf32, #tpu.memory_space<hbm>> -> memref<1x128x256xf32, #tpu.memory_space<hbm>>
      %dma_start3A_767 = tpu.memref_squeeze %dma_start3A_766 : memref<1x128x256xf32, #tpu.memory_space<hbm>> -> memref<128x256xf32, #tpu.memory_space<hbm>>
      tpu.enqueue_dma source(%arg8 : memref<128x256xf32, #tpu.memory_space<vmem>>) target(%dma_start3A_767 : memref<128x256xf32, #tpu.memory_space<hbm>>) target_semaphore(%arg13 : memref<!tpu.dma_semaphore, #tpu.memory_space<semaphore_mem>>)
    } else {
    }
    %add3A_413 = arith.constant 16 : i32
    %add3A_414 = arith.addi %add3A_413, %arg0 : i32
    %mul3A_415 = arith.constant 128 : i32
    %mul3A_416 = arith.muli %add3A_414, %mul3A_415 : i32
    %ge3A_417 = arith.cmpi sge, %mul3A_416, %scan3A_10 : i32
    %convert_element_type3A_418 = arith.extui %ge3A_417 : i1 to i32
    %cond3A_419 = arith.constant 0 : i32
    %cond3A_420 = arith.cmpi ne, %convert_element_type3A_418, %cond3A_419 : i32
    scf.if %cond3A_420 {
      %dma_start3A = arith.constant 0 : i32
      %dma_start3A_763 = tpu.memref_slice %arg4[%arg1, %mul3A_404, %dma_start3A] : memref<16x4096x256xf32, #tpu.memory_space<hbm>> -> memref<1x128x256xf32, #tpu.memory_space<hbm>>
      %dma_start3A_764 = tpu.memref_squeeze %dma_start3A_763 : memref<1x128x256xf32, #tpu.memory_space<hbm>> -> memref<128x256xf32, #tpu.memory_space<hbm>>
      %dma_start3A_765 = arith.constant 0 : i32
      %dma_start3A_766 = tpu.memref_slice %arg4[%arg1, %mul3A_404, %dma_start3A_765] : memref<16x4096x256xf32, #tpu.memory_space<hbm>> -> memref<1x128x256xf32, #tpu.memory_space<hbm>>
      %dma_start3A_767 = tpu.memref_squeeze %dma_start3A_766 : memref<1x128x256xf32, #tpu.memory_space<hbm>> -> memref<128x256xf32, #tpu.memory_space<hbm>>
      tpu.enqueue_dma source(%arg10 : memref<128x256xf32, #tpu.memory_space<vmem>>) target(%dma_start3A_767 : memref<128x256xf32, #tpu.memory_space<hbm>>) target_semaphore(%arg13 : memref<!tpu.dma_semaphore, #tpu.memory_space<semaphore_mem>>)
    } else {
    }
    %add3A_421 = arith.constant 14 : i32
    %add3A_422 = arith.addi %add3A_421, %arg0 : i32
    %mul3A_423 = arith.constant 128 : i32
    %mul3A_424 = arith.muli %add3A_422, %mul3A_423 : i32
    %dma_wait3A_425 = arith.constant 0 : i32
    %dma_wait3A_426 = tpu.memref_slice %arg4[%arg1, %mul3A_424, %dma_wait3A_425] : memref<16x4096x256xf32, #tpu.memory_space<hbm>> -> memref<1x128x256xf32, #tpu.memory_space<hbm>>
    %dma_wait3A_427 = tpu.memref_squeeze %dma_wait3A_426 : memref<1x128x256xf32, #tpu.memory_space<hbm>> -> memref<128x256xf32, #tpu.memory_space<hbm>>
    %dma_wait3A_428 = arith.constant 0 : i32
    %dma_wait3A_429 = tpu.memref_slice %arg4[%arg1, %mul3A_424, %dma_wait3A_428] : memref<16x4096x256xf32, #tpu.memory_space<hbm>> -> memref<1x128x256xf32, #tpu.memory_space<hbm>>
    %dma_wait3A_430 = tpu.memref_squeeze %dma_wait3A_429 : memref<1x128x256xf32, #tpu.memory_space<hbm>> -> memref<128x256xf32, #tpu.memory_space<hbm>>
    tpu.wait_dma2 semaphore(%arg14 : memref<!tpu.dma_semaphore, #tpu.memory_space<semaphore_mem>>) src(%arg9 : memref<128x256xf32, #tpu.memory_space<vmem>>) dst(%dma_wait3A_430 : memref<128x256xf32, #tpu.memory_space<hbm>>)
    %add3A_431 = arith.constant 18 : i32
    %add3A_432 = arith.addi %add3A_431, %arg0 : i32
    %mul3A_433 = arith.constant 128 : i32
    %mul3A_434 = arith.muli %add3A_432, %mul3A_433 : i32
    %lt3A_435 = arith.cmpi slt, %mul3A_434, %scan3A_10 : i32
    %convert_element_type3A_436 = arith.extui %lt3A_435 : i1 to i32
    %cond3A_437 = arith.constant 0 : i32
    %cond3A_438 = arith.cmpi ne, %convert_element_type3A_436, %cond3A_437 : i32
    scf.if %cond3A_438 {
      %dma_start3A = arith.constant 1152 : i32
      %dma_start3A_763 = tpu.memref_slice %arg7[%dma_start3A] : memref<2048xi32, #tpu.memory_space<vmem>> -> memref<128xi32, #tpu.memory_space<vmem>>
      %dma_start3A_764 = arith.constant 0 : i32
      %dma_start3A_765 = arith.constant 0 : i32
      %dma_start3A_766 = tpu.memref_slice %arg2[%dma_start3A_764, %dma_start3A_765] : memref<8192x256xf32, #tpu.memory_space<hbm>> -> memref<8192x256xf32, #tpu.memory_space<hbm>>
      tpu.enqueue_indirect_dma source(%dma_start3A_766 : memref<8192x256xf32, #tpu.memory_space<hbm>>) target(%arg9 : memref<128x256xf32, #tpu.memory_space<vmem>>) offsets(%dma_start3A_763 : memref<128xi32, #tpu.memory_space<vmem>>) semaphore(%arg12 : memref<!tpu.dma_semaphore, #tpu.memory_space<semaphore_mem>>)
    } else {
    }
    %add3A_439 = arith.constant 18 : i32
    %add3A_440 = arith.addi %add3A_439, %arg0 : i32
    %mul3A_441 = arith.constant 128 : i32
    %mul3A_442 = arith.muli %add3A_440, %mul3A_441 : i32
    %lt3A_443 = arith.cmpi slt, %mul3A_442, %scan3A_10 : i32
    %convert_element_type3A_444 = arith.extui %lt3A_443 : i1 to i32
    %cond3A_445 = arith.constant 0 : i32
    %cond3A_446 = arith.cmpi ne, %convert_element_type3A_444, %cond3A_445 : i32
    scf.if %cond3A_446 {
      %dma_wait3A_763 = arith.constant 1152 : i32
      %dma_wait3A_764 = tpu.memref_slice %arg7[%dma_wait3A_763] : memref<2048xi32, #tpu.memory_space<vmem>> -> memref<128xi32, #tpu.memory_space<vmem>>
      %dma_wait3A_765 = arith.constant 0 : i32
      %dma_wait3A_766 = arith.constant 0 : i32
      %dma_wait3A_767 = tpu.memref_slice %arg2[%dma_wait3A_765, %dma_wait3A_766] : memref<8192x256xf32, #tpu.memory_space<hbm>> -> memref<8192x256xf32, #tpu.memory_space<hbm>>
      tpu.wait_indirect_dma semaphore(%arg12 : memref<!tpu.dma_semaphore, #tpu.memory_space<semaphore_mem>>) src(%dma_wait3A_767 : memref<8192x256xf32, #tpu.memory_space<hbm>>) dst(%arg9 : memref<128x256xf32, #tpu.memory_space<vmem>>)
      %add3A_768 = arith.constant 18 : i32
      %add3A_769 = arith.addi %add3A_768, %arg0 : i32
      %mul3A_770 = arith.constant 128 : i32
      %mul3A_771 = arith.muli %add3A_769, %mul3A_770 : i32
      %sub3A = arith.subi %scan3A_10, %mul3A_771 : i32
      %jit3A = arith.constant 0 : i32
      %jit3A_772 = arith.constant 128 : i32
      %max3A = arith.maxsi %jit3A, %sub3A : i32
      %min3A = arith.minsi %jit3A_772, %max3A : i32
      %mul3A_773 = arith.constant 16 : i32
      %mul3A_774 = arith.muli %min3A, %mul3A_773 : i32
      %while3A = arith.constant 0 : i32
      %while3A_775 = arith.constant 2048 : i32
      %while3A_776 = arith.subi %while3A_775, %mul3A_774 : i32
      %while3A_777 = arith.addi %mul3A_774, %while3A_776 : i32
      %while3A_778 = arith.constant 1 : i32
      %while3A_779 = arith.divsi %while3A_776, %while3A_778 : i32
      %while3A_780 = arith.muli %while3A_779, %while3A_778 : i32
      %while3A_781 = arith.addi %mul3A_774, %while3A_780 : i32
      %while3A_782 = arith.constant 1 : i32
      scf.for %while3A_784 = %mul3A_774 to %while3A_781 step %while3A_782  : i32 {
        %broadcast_in_dim3A_785 = arith.constant 0.000000e+00 : f32
        %broadcast_in_dim3A_786 = vector.broadcast %broadcast_in_dim3A_785 : f32 to vector<16xf32>
        %shift_right_arithmetic3A = arith.constant 4 : i32
        %shift_right_arithmetic3A_787 = arith.shrsi %while3A_784, %shift_right_arithmetic3A : i32
        %and3A = arith.constant 15 : i32
        %and3A_788 = arith.andi %while3A_784, %and3A : i32
        %mul3A_789 = arith.constant 16 : i32
        %mul3A_790 = arith.muli %and3A_788, %mul3A_789 : i32
        %swap3A = arith.index_cast %shift_right_arithmetic3A_787 : i32 to index
        %swap3A_791 = arith.index_cast %mul3A_790 : i32 to index
        %swap3A_792 = tpu.vector_load %arg9[%swap3A, %swap3A_791] {strides = array<i32>} : memref<128x256xf32, #tpu.memory_space<vmem>>, vector<16xf32>,
        tpu.vector_store %arg9[%swap3A, %swap3A_791], %broadcast_in_dim3A_786 {strides = array<i32>} : memref<128x256xf32, #tpu.memory_space<vmem>>, vector<16xf32>,
      }
      %while3A_783 = arith.constant 1 : i32
      scf.for %while3A_784 = %while3A_781 to %while3A_777 step %while3A_783  : i32 {
        %broadcast_in_dim3A_785 = arith.constant 0.000000e+00 : f32
        %broadcast_in_dim3A_786 = vector.broadcast %broadcast_in_dim3A_785 : f32 to vector<16xf32>
        %shift_right_arithmetic3A = arith.constant 4 : i32
        %shift_right_arithmetic3A_787 = arith.shrsi %while3A_784, %shift_right_arithmetic3A : i32
        %and3A = arith.constant 15 : i32
        %and3A_788 = arith.andi %while3A_784, %and3A : i32
        %mul3A_789 = arith.constant 16 : i32
        %mul3A_790 = arith.muli %and3A_788, %mul3A_789 : i32
        %swap3A = arith.index_cast %shift_right_arithmetic3A_787 : i32 to index
        %swap3A_791 = arith.index_cast %mul3A_790 : i32 to index
        %swap3A_792 = tpu.vector_load %arg9[%swap3A, %swap3A_791] {strides = array<i32>} : memref<128x256xf32, #tpu.memory_space<vmem>>, vector<16xf32>,
        tpu.vector_store %arg9[%swap3A, %swap3A_791], %broadcast_in_dim3A_786 {strides = array<i32>} : memref<128x256xf32, #tpu.memory_space<vmem>>, vector<16xf32>,
      }
    } else {
    }
    %add3A_447 = arith.constant 18 : i32
    %add3A_448 = arith.addi %add3A_447, %arg0 : i32
    %mul3A_449 = arith.constant 128 : i32
    %mul3A_450 = arith.muli %add3A_448, %mul3A_449 : i32
    %add3A_451 = arith.constant 18 : i32
    %add3A_452 = arith.addi %add3A_451, %arg0 : i32
    %mul3A_453 = arith.constant 128 : i32
    %mul3A_454 = arith.muli %add3A_452, %mul3A_453 : i32
    %lt3A_455 = arith.cmpi slt, %mul3A_454, %scan3A_10 : i32
    %convert_element_type3A_456 = arith.extui %lt3A_455 : i1 to i32
    %cond3A_457 = arith.constant 0 : i32
    %cond3A_458 = arith.cmpi ne, %convert_element_type3A_456, %cond3A_457 : i32
    scf.if %cond3A_458 {
      %dma_start3A = arith.constant 0 : i32
      %dma_start3A_763 = tpu.memref_slice %arg4[%arg1, %mul3A_450, %dma_start3A] : memref<16x4096x256xf32, #tpu.memory_space<hbm>> -> memref<1x128x256xf32, #tpu.memory_space<hbm>>
      %dma_start3A_764 = tpu.memref_squeeze %dma_start3A_763 : memref<1x128x256xf32, #tpu.memory_space<hbm>> -> memref<128x256xf32, #tpu.memory_space<hbm>>
      %dma_start3A_765 = arith.constant 0 : i32
      %dma_start3A_766 = tpu.memref_slice %arg4[%arg1, %mul3A_450, %dma_start3A_765] : memref<16x4096x256xf32, #tpu.memory_space<hbm>> -> memref<1x128x256xf32, #tpu.memory_space<hbm>>
      %dma_start3A_767 = tpu.memref_squeeze %dma_start3A_766 : memref<1x128x256xf32, #tpu.memory_space<hbm>> -> memref<128x256xf32, #tpu.memory_space<hbm>>
      tpu.enqueue_dma source(%arg9 : memref<128x256xf32, #tpu.memory_space<vmem>>) target(%dma_start3A_767 : memref<128x256xf32, #tpu.memory_space<hbm>>) target_semaphore(%arg14 : memref<!tpu.dma_semaphore, #tpu.memory_space<semaphore_mem>>)
    } else {
    }
    %add3A_459 = arith.constant 18 : i32
    %add3A_460 = arith.addi %add3A_459, %arg0 : i32
    %mul3A_461 = arith.constant 128 : i32
    %mul3A_462 = arith.muli %add3A_460, %mul3A_461 : i32
    %ge3A_463 = arith.cmpi sge, %mul3A_462, %scan3A_10 : i32
    %convert_element_type3A_464 = arith.extui %ge3A_463 : i1 to i32
    %cond3A_465 = arith.constant 0 : i32
    %cond3A_466 = arith.cmpi ne, %convert_element_type3A_464, %cond3A_465 : i32
    scf.if %cond3A_466 {
      %dma_start3A = arith.constant 0 : i32
      %dma_start3A_763 = tpu.memref_slice %arg4[%arg1, %mul3A_450, %dma_start3A] : memref<16x4096x256xf32, #tpu.memory_space<hbm>> -> memref<1x128x256xf32, #tpu.memory_space<hbm>>
      %dma_start3A_764 = tpu.memref_squeeze %dma_start3A_763 : memref<1x128x256xf32, #tpu.memory_space<hbm>> -> memref<128x256xf32, #tpu.memory_space<hbm>>
      %dma_start3A_765 = arith.constant 0 : i32
      %dma_start3A_766 = tpu.memref_slice %arg4[%arg1, %mul3A_450, %dma_start3A_765] : memref<16x4096x256xf32, #tpu.memory_space<hbm>> -> memref<1x128x256xf32, #tpu.memory_space<hbm>>
      %dma_start3A_767 = tpu.memref_squeeze %dma_start3A_766 : memref<1x128x256xf32, #tpu.memory_space<hbm>> -> memref<128x256xf32, #tpu.memory_space<hbm>>
      tpu.enqueue_dma source(%arg10 : memref<128x256xf32, #tpu.memory_space<vmem>>) target(%dma_start3A_767 : memref<128x256xf32, #tpu.memory_space<hbm>>) target_semaphore(%arg14 : memref<!tpu.dma_semaphore, #tpu.memory_space<semaphore_mem>>)
    } else {
    }
    %add3A_467 = arith.constant 16 : i32
    %add3A_468 = arith.addi %add3A_467, %arg0 : i32
    %mul3A_469 = arith.constant 128 : i32
    %mul3A_470 = arith.muli %add3A_468, %mul3A_469 : i32
    %dma_wait3A_471 = arith.constant 0 : i32
    %dma_wait3A_472 = tpu.memref_slice %arg4[%arg1, %mul3A_470, %dma_wait3A_471] : memref<16x4096x256xf32, #tpu.memory_space<hbm>> -> memref<1x128x256xf32, #tpu.memory_space<hbm>>
    %dma_wait3A_473 = tpu.memref_squeeze %dma_wait3A_472 : memref<1x128x256xf32, #tpu.memory_space<hbm>> -> memref<128x256xf32, #tpu.memory_space<hbm>>
    %dma_wait3A_474 = arith.constant 0 : i32
    %dma_wait3A_475 = tpu.memref_slice %arg4[%arg1, %mul3A_470, %dma_wait3A_474] : memref<16x4096x256xf32, #tpu.memory_space<hbm>> -> memref<1x128x256xf32, #tpu.memory_space<hbm>>
    %dma_wait3A_476 = tpu.memref_squeeze %dma_wait3A_475 : memref<1x128x256xf32, #tpu.memory_space<hbm>> -> memref<128x256xf32, #tpu.memory_space<hbm>>
    tpu.wait_dma2 semaphore(%arg13 : memref<!tpu.dma_semaphore, #tpu.memory_space<semaphore_mem>>) src(%arg8 : memref<128x256xf32, #tpu.memory_space<vmem>>) dst(%dma_wait3A_476 : memref<128x256xf32, #tpu.memory_space<hbm>>)
    %add3A_477 = arith.constant 20 : i32
    %add3A_478 = arith.addi %add3A_477, %arg0 : i32
    %mul3A_479 = arith.constant 128 : i32
    %mul3A_480 = arith.muli %add3A_478, %mul3A_479 : i32
    %lt3A_481 = arith.cmpi slt, %mul3A_480, %scan3A_10 : i32
    %convert_element_type3A_482 = arith.extui %lt3A_481 : i1 to i32
    %cond3A_483 = arith.constant 0 : i32
    %cond3A_484 = arith.cmpi ne, %convert_element_type3A_482, %cond3A_483 : i32
    scf.if %cond3A_484 {
      %dma_start3A = arith.constant 1280 : i32
      %dma_start3A_763 = tpu.memref_slice %arg7[%dma_start3A] : memref<2048xi32, #tpu.memory_space<vmem>> -> memref<128xi32, #tpu.memory_space<vmem>>
      %dma_start3A_764 = arith.constant 0 : i32
      %dma_start3A_765 = arith.constant 0 : i32
      %dma_start3A_766 = tpu.memref_slice %arg2[%dma_start3A_764, %dma_start3A_765] : memref<8192x256xf32, #tpu.memory_space<hbm>> -> memref<8192x256xf32, #tpu.memory_space<hbm>>
      tpu.enqueue_indirect_dma source(%dma_start3A_766 : memref<8192x256xf32, #tpu.memory_space<hbm>>) target(%arg8 : memref<128x256xf32, #tpu.memory_space<vmem>>) offsets(%dma_start3A_763 : memref<128xi32, #tpu.memory_space<vmem>>) semaphore(%arg11 : memref<!tpu.dma_semaphore, #tpu.memory_space<semaphore_mem>>)
    } else {
    }
    %add3A_485 = arith.constant 20 : i32
    %add3A_486 = arith.addi %add3A_485, %arg0 : i32
    %mul3A_487 = arith.constant 128 : i32
    %mul3A_488 = arith.muli %add3A_486, %mul3A_487 : i32
    %lt3A_489 = arith.cmpi slt, %mul3A_488, %scan3A_10 : i32
    %convert_element_type3A_490 = arith.extui %lt3A_489 : i1 to i32
    %cond3A_491 = arith.constant 0 : i32
    %cond3A_492 = arith.cmpi ne, %convert_element_type3A_490, %cond3A_491 : i32
    scf.if %cond3A_492 {
      %dma_wait3A_763 = arith.constant 1280 : i32
      %dma_wait3A_764 = tpu.memref_slice %arg7[%dma_wait3A_763] : memref<2048xi32, #tpu.memory_space<vmem>> -> memref<128xi32, #tpu.memory_space<vmem>>
      %dma_wait3A_765 = arith.constant 0 : i32
      %dma_wait3A_766 = arith.constant 0 : i32
      %dma_wait3A_767 = tpu.memref_slice %arg2[%dma_wait3A_765, %dma_wait3A_766] : memref<8192x256xf32, #tpu.memory_space<hbm>> -> memref<8192x256xf32, #tpu.memory_space<hbm>>
      tpu.wait_indirect_dma semaphore(%arg11 : memref<!tpu.dma_semaphore, #tpu.memory_space<semaphore_mem>>) src(%dma_wait3A_767 : memref<8192x256xf32, #tpu.memory_space<hbm>>) dst(%arg8 : memref<128x256xf32, #tpu.memory_space<vmem>>)
      %add3A_768 = arith.constant 20 : i32
      %add3A_769 = arith.addi %add3A_768, %arg0 : i32
      %mul3A_770 = arith.constant 128 : i32
      %mul3A_771 = arith.muli %add3A_769, %mul3A_770 : i32
      %sub3A = arith.subi %scan3A_10, %mul3A_771 : i32
      %jit3A = arith.constant 0 : i32
      %jit3A_772 = arith.constant 128 : i32
      %max3A = arith.maxsi %jit3A, %sub3A : i32
      %min3A = arith.minsi %jit3A_772, %max3A : i32
      %mul3A_773 = arith.constant 16 : i32
      %mul3A_774 = arith.muli %min3A, %mul3A_773 : i32
      %while3A = arith.constant 0 : i32
      %while3A_775 = arith.constant 2048 : i32
      %while3A_776 = arith.subi %while3A_775, %mul3A_774 : i32
      %while3A_777 = arith.addi %mul3A_774, %while3A_776 : i32
      %while3A_778 = arith.constant 1 : i32
      %while3A_779 = arith.divsi %while3A_776, %while3A_778 : i32
      %while3A_780 = arith.muli %while3A_779, %while3A_778 : i32
      %while3A_781 = arith.addi %mul3A_774, %while3A_780 : i32
      %while3A_782 = arith.constant 1 : i32
      scf.for %while3A_784 = %mul3A_774 to %while3A_781 step %while3A_782  : i32 {
        %broadcast_in_dim3A_785 = arith.constant 0.000000e+00 : f32
        %broadcast_in_dim3A_786 = vector.broadcast %broadcast_in_dim3A_785 : f32 to vector<16xf32>
        %shift_right_arithmetic3A = arith.constant 4 : i32
        %shift_right_arithmetic3A_787 = arith.shrsi %while3A_784, %shift_right_arithmetic3A : i32
        %and3A = arith.constant 15 : i32
        %and3A_788 = arith.andi %while3A_784, %and3A : i32
        %mul3A_789 = arith.constant 16 : i32
        %mul3A_790 = arith.muli %and3A_788, %mul3A_789 : i32
        %swap3A = arith.index_cast %shift_right_arithmetic3A_787 : i32 to index
        %swap3A_791 = arith.index_cast %mul3A_790 : i32 to index
        %swap3A_792 = tpu.vector_load %arg8[%swap3A, %swap3A_791] {strides = array<i32>} : memref<128x256xf32, #tpu.memory_space<vmem>>, vector<16xf32>,
        tpu.vector_store %arg8[%swap3A, %swap3A_791], %broadcast_in_dim3A_786 {strides = array<i32>} : memref<128x256xf32, #tpu.memory_space<vmem>>, vector<16xf32>,
      }
      %while3A_783 = arith.constant 1 : i32
      scf.for %while3A_784 = %while3A_781 to %while3A_777 step %while3A_783  : i32 {
        %broadcast_in_dim3A_785 = arith.constant 0.000000e+00 : f32
        %broadcast_in_dim3A_786 = vector.broadcast %broadcast_in_dim3A_785 : f32 to vector<16xf32>
        %shift_right_arithmetic3A = arith.constant 4 : i32
        %shift_right_arithmetic3A_787 = arith.shrsi %while3A_784, %shift_right_arithmetic3A : i32
        %and3A = arith.constant 15 : i32
        %and3A_788 = arith.andi %while3A_784, %and3A : i32
        %mul3A_789 = arith.constant 16 : i32
        %mul3A_790 = arith.muli %and3A_788, %mul3A_789 : i32
        %swap3A = arith.index_cast %shift_right_arithmetic3A_787 : i32 to index
        %swap3A_791 = arith.index_cast %mul3A_790 : i32 to index
        %swap3A_792 = tpu.vector_load %arg8[%swap3A, %swap3A_791] {strides = array<i32>} : memref<128x256xf32, #tpu.memory_space<vmem>>, vector<16xf32>,
        tpu.vector_store %arg8[%swap3A, %swap3A_791], %broadcast_in_dim3A_786 {strides = array<i32>} : memref<128x256xf32, #tpu.memory_space<vmem>>, vector<16xf32>,
      }
    } else {
    }
    %add3A_493 = arith.constant 20 : i32
    %add3A_494 = arith.addi %add3A_493, %arg0 : i32
    %mul3A_495 = arith.constant 128 : i32
    %mul3A_496 = arith.muli %add3A_494, %mul3A_495 : i32
    %add3A_497 = arith.constant 20 : i32
    %add3A_498 = arith.addi %add3A_497, %arg0 : i32
    %mul3A_499 = arith.constant 128 : i32
    %mul3A_500 = arith.muli %add3A_498, %mul3A_499 : i32
    %lt3A_501 = arith.cmpi slt, %mul3A_500, %scan3A_10 : i32
    %convert_element_type3A_502 = arith.extui %lt3A_501 : i1 to i32
    %cond3A_503 = arith.constant 0 : i32
    %cond3A_504 = arith.cmpi ne, %convert_element_type3A_502, %cond3A_503 : i32
    scf.if %cond3A_504 {
      %dma_start3A = arith.constant 0 : i32
      %dma_start3A_763 = tpu.memref_slice %arg4[%arg1, %mul3A_496, %dma_start3A] : memref<16x4096x256xf32, #tpu.memory_space<hbm>> -> memref<1x128x256xf32, #tpu.memory_space<hbm>>
      %dma_start3A_764 = tpu.memref_squeeze %dma_start3A_763 : memref<1x128x256xf32, #tpu.memory_space<hbm>> -> memref<128x256xf32, #tpu.memory_space<hbm>>
      %dma_start3A_765 = arith.constant 0 : i32
      %dma_start3A_766 = tpu.memref_slice %arg4[%arg1, %mul3A_496, %dma_start3A_765] : memref<16x4096x256xf32, #tpu.memory_space<hbm>> -> memref<1x128x256xf32, #tpu.memory_space<hbm>>
      %dma_start3A_767 = tpu.memref_squeeze %dma_start3A_766 : memref<1x128x256xf32, #tpu.memory_space<hbm>> -> memref<128x256xf32, #tpu.memory_space<hbm>>
      tpu.enqueue_dma source(%arg8 : memref<128x256xf32, #tpu.memory_space<vmem>>) target(%dma_start3A_767 : memref<128x256xf32, #tpu.memory_space<hbm>>) target_semaphore(%arg13 : memref<!tpu.dma_semaphore, #tpu.memory_space<semaphore_mem>>)
    } else {
    }
    %add3A_505 = arith.constant 20 : i32
    %add3A_506 = arith.addi %add3A_505, %arg0 : i32
    %mul3A_507 = arith.constant 128 : i32
    %mul3A_508 = arith.muli %add3A_506, %mul3A_507 : i32
    %ge3A_509 = arith.cmpi sge, %mul3A_508, %scan3A_10 : i32
    %convert_element_type3A_510 = arith.extui %ge3A_509 : i1 to i32
    %cond3A_511 = arith.constant 0 : i32
    %cond3A_512 = arith.cmpi ne, %convert_element_type3A_510, %cond3A_511 : i32
    scf.if %cond3A_512 {
      %dma_start3A = arith.constant 0 : i32
      %dma_start3A_763 = tpu.memref_slice %arg4[%arg1, %mul3A_496, %dma_start3A] : memref<16x4096x256xf32, #tpu.memory_space<hbm>> -> memref<1x128x256xf32, #tpu.memory_space<hbm>>
      %dma_start3A_764 = tpu.memref_squeeze %dma_start3A_763 : memref<1x128x256xf32, #tpu.memory_space<hbm>> -> memref<128x256xf32, #tpu.memory_space<hbm>>
      %dma_start3A_765 = arith.constant 0 : i32
      %dma_start3A_766 = tpu.memref_slice %arg4[%arg1, %mul3A_496, %dma_start3A_765] : memref<16x4096x256xf32, #tpu.memory_space<hbm>> -> memref<1x128x256xf32, #tpu.memory_space<hbm>>
      %dma_start3A_767 = tpu.memref_squeeze %dma_start3A_766 : memref<1x128x256xf32, #tpu.memory_space<hbm>> -> memref<128x256xf32, #tpu.memory_space<hbm>>
      tpu.enqueue_dma source(%arg10 : memref<128x256xf32, #tpu.memory_space<vmem>>) target(%dma_start3A_767 : memref<128x256xf32, #tpu.memory_space<hbm>>) target_semaphore(%arg13 : memref<!tpu.dma_semaphore, #tpu.memory_space<semaphore_mem>>)
    } else {
    }
    %add3A_513 = arith.constant 18 : i32
    %add3A_514 = arith.addi %add3A_513, %arg0 : i32
    %mul3A_515 = arith.constant 128 : i32
    %mul3A_516 = arith.muli %add3A_514, %mul3A_515 : i32
    %dma_wait3A_517 = arith.constant 0 : i32
    %dma_wait3A_518 = tpu.memref_slice %arg4[%arg1, %mul3A_516, %dma_wait3A_517] : memref<16x4096x256xf32, #tpu.memory_space<hbm>> -> memref<1x128x256xf32, #tpu.memory_space<hbm>>
    %dma_wait3A_519 = tpu.memref_squeeze %dma_wait3A_518 : memref<1x128x256xf32, #tpu.memory_space<hbm>> -> memref<128x256xf32, #tpu.memory_space<hbm>>
    %dma_wait3A_520 = arith.constant 0 : i32
    %dma_wait3A_521 = tpu.memref_slice %arg4[%arg1, %mul3A_516, %dma_wait3A_520] : memref<16x4096x256xf32, #tpu.memory_space<hbm>> -> memref<1x128x256xf32, #tpu.memory_space<hbm>>
    %dma_wait3A_522 = tpu.memref_squeeze %dma_wait3A_521 : memref<1x128x256xf32, #tpu.memory_space<hbm>> -> memref<128x256xf32, #tpu.memory_space<hbm>>
    tpu.wait_dma2 semaphore(%arg14 : memref<!tpu.dma_semaphore, #tpu.memory_space<semaphore_mem>>) src(%arg9 : memref<128x256xf32, #tpu.memory_space<vmem>>) dst(%dma_wait3A_522 : memref<128x256xf32, #tpu.memory_space<hbm>>)
    %add3A_523 = arith.constant 22 : i32
    %add3A_524 = arith.addi %add3A_523, %arg0 : i32
    %mul3A_525 = arith.constant 128 : i32
    %mul3A_526 = arith.muli %add3A_524, %mul3A_525 : i32
    %lt3A_527 = arith.cmpi slt, %mul3A_526, %scan3A_10 : i32
    %convert_element_type3A_528 = arith.extui %lt3A_527 : i1 to i32
    %cond3A_529 = arith.constant 0 : i32
    %cond3A_530 = arith.cmpi ne, %convert_element_type3A_528, %cond3A_529 : i32
    scf.if %cond3A_530 {
      %dma_start3A = arith.constant 1408 : i32
      %dma_start3A_763 = tpu.memref_slice %arg7[%dma_start3A] : memref<2048xi32, #tpu.memory_space<vmem>> -> memref<128xi32, #tpu.memory_space<vmem>>
      %dma_start3A_764 = arith.constant 0 : i32
      %dma_start3A_765 = arith.constant 0 : i32
      %dma_start3A_766 = tpu.memref_slice %arg2[%dma_start3A_764, %dma_start3A_765] : memref<8192x256xf32, #tpu.memory_space<hbm>> -> memref<8192x256xf32, #tpu.memory_space<hbm>>
      tpu.enqueue_indirect_dma source(%dma_start3A_766 : memref<8192x256xf32, #tpu.memory_space<hbm>>) target(%arg9 : memref<128x256xf32, #tpu.memory_space<vmem>>) offsets(%dma_start3A_763 : memref<128xi32, #tpu.memory_space<vmem>>) semaphore(%arg12 : memref<!tpu.dma_semaphore, #tpu.memory_space<semaphore_mem>>)
    } else {
    }
    %add3A_531 = arith.constant 22 : i32
    %add3A_532 = arith.addi %add3A_531, %arg0 : i32
    %mul3A_533 = arith.constant 128 : i32
    %mul3A_534 = arith.muli %add3A_532, %mul3A_533 : i32
    %lt3A_535 = arith.cmpi slt, %mul3A_534, %scan3A_10 : i32
    %convert_element_type3A_536 = arith.extui %lt3A_535 : i1 to i32
    %cond3A_537 = arith.constant 0 : i32
    %cond3A_538 = arith.cmpi ne, %convert_element_type3A_536, %cond3A_537 : i32
    scf.if %cond3A_538 {
      %dma_wait3A_763 = arith.constant 1408 : i32
      %dma_wait3A_764 = tpu.memref_slice %arg7[%dma_wait3A_763] : memref<2048xi32, #tpu.memory_space<vmem>> -> memref<128xi32, #tpu.memory_space<vmem>>
      %dma_wait3A_765 = arith.constant 0 : i32
      %dma_wait3A_766 = arith.constant 0 : i32
      %dma_wait3A_767 = tpu.memref_slice %arg2[%dma_wait3A_765, %dma_wait3A_766] : memref<8192x256xf32, #tpu.memory_space<hbm>> -> memref<8192x256xf32, #tpu.memory_space<hbm>>
      tpu.wait_indirect_dma semaphore(%arg12 : memref<!tpu.dma_semaphore, #tpu.memory_space<semaphore_mem>>) src(%dma_wait3A_767 : memref<8192x256xf32, #tpu.memory_space<hbm>>) dst(%arg9 : memref<128x256xf32, #tpu.memory_space<vmem>>)
      %add3A_768 = arith.constant 22 : i32
      %add3A_769 = arith.addi %add3A_768, %arg0 : i32
      %mul3A_770 = arith.constant 128 : i32
      %mul3A_771 = arith.muli %add3A_769, %mul3A_770 : i32
      %sub3A = arith.subi %scan3A_10, %mul3A_771 : i32
      %jit3A = arith.constant 0 : i32
      %jit3A_772 = arith.constant 128 : i32
      %max3A = arith.maxsi %jit3A, %sub3A : i32
      %min3A = arith.minsi %jit3A_772, %max3A : i32
      %mul3A_773 = arith.constant 16 : i32
      %mul3A_774 = arith.muli %min3A, %mul3A_773 : i32
      %while3A = arith.constant 0 : i32
      %while3A_775 = arith.constant 2048 : i32
      %while3A_776 = arith.subi %while3A_775, %mul3A_774 : i32
      %while3A_777 = arith.addi %mul3A_774, %while3A_776 : i32
      %while3A_778 = arith.constant 1 : i32
      %while3A_779 = arith.divsi %while3A_776, %while3A_778 : i32
      %while3A_780 = arith.muli %while3A_779, %while3A_778 : i32
      %while3A_781 = arith.addi %mul3A_774, %while3A_780 : i32
      %while3A_782 = arith.constant 1 : i32
      scf.for %while3A_784 = %mul3A_774 to %while3A_781 step %while3A_782  : i32 {
        %broadcast_in_dim3A_785 = arith.constant 0.000000e+00 : f32
        %broadcast_in_dim3A_786 = vector.broadcast %broadcast_in_dim3A_785 : f32 to vector<16xf32>
        %shift_right_arithmetic3A = arith.constant 4 : i32
        %shift_right_arithmetic3A_787 = arith.shrsi %while3A_784, %shift_right_arithmetic3A : i32
        %and3A = arith.constant 15 : i32
        %and3A_788 = arith.andi %while3A_784, %and3A : i32
        %mul3A_789 = arith.constant 16 : i32
        %mul3A_790 = arith.muli %and3A_788, %mul3A_789 : i32
        %swap3A = arith.index_cast %shift_right_arithmetic3A_787 : i32 to index
        %swap3A_791 = arith.index_cast %mul3A_790 : i32 to index
        %swap3A_792 = tpu.vector_load %arg9[%swap3A, %swap3A_791] {strides = array<i32>} : memref<128x256xf32, #tpu.memory_space<vmem>>, vector<16xf32>,
        tpu.vector_store %arg9[%swap3A, %swap3A_791], %broadcast_in_dim3A_786 {strides = array<i32>} : memref<128x256xf32, #tpu.memory_space<vmem>>, vector<16xf32>,
      }
      %while3A_783 = arith.constant 1 : i32
      scf.for %while3A_784 = %while3A_781 to %while3A_777 step %while3A_783  : i32 {
        %broadcast_in_dim3A_785 = arith.constant 0.000000e+00 : f32
        %broadcast_in_dim3A_786 = vector.broadcast %broadcast_in_dim3A_785 : f32 to vector<16xf32>
        %shift_right_arithmetic3A = arith.constant 4 : i32
        %shift_right_arithmetic3A_787 = arith.shrsi %while3A_784, %shift_right_arithmetic3A : i32
        %and3A = arith.constant 15 : i32
        %and3A_788 = arith.andi %while3A_784, %and3A : i32
        %mul3A_789 = arith.constant 16 : i32
        %mul3A_790 = arith.muli %and3A_788, %mul3A_789 : i32
        %swap3A = arith.index_cast %shift_right_arithmetic3A_787 : i32 to index
        %swap3A_791 = arith.index_cast %mul3A_790 : i32 to index
        %swap3A_792 = tpu.vector_load %arg9[%swap3A, %swap3A_791] {strides = array<i32>} : memref<128x256xf32, #tpu.memory_space<vmem>>, vector<16xf32>,
        tpu.vector_store %arg9[%swap3A, %swap3A_791], %broadcast_in_dim3A_786 {strides = array<i32>} : memref<128x256xf32, #tpu.memory_space<vmem>>, vector<16xf32>,
      }
    } else {
    }
    %add3A_539 = arith.constant 22 : i32
    %add3A_540 = arith.addi %add3A_539, %arg0 : i32
    %mul3A_541 = arith.constant 128 : i32
    %mul3A_542 = arith.muli %add3A_540, %mul3A_541 : i32
    %add3A_543 = arith.constant 22 : i32
    %add3A_544 = arith.addi %add3A_543, %arg0 : i32
    %mul3A_545 = arith.constant 128 : i32
    %mul3A_546 = arith.muli %add3A_544, %mul3A_545 : i32
    %lt3A_547 = arith.cmpi slt, %mul3A_546, %scan3A_10 : i32
    %convert_element_type3A_548 = arith.extui %lt3A_547 : i1 to i32
    %cond3A_549 = arith.constant 0 : i32
    %cond3A_550 = arith.cmpi ne, %convert_element_type3A_548, %cond3A_549 : i32
    scf.if %cond3A_550 {
      %dma_start3A = arith.constant 0 : i32
      %dma_start3A_763 = tpu.memref_slice %arg4[%arg1, %mul3A_542, %dma_start3A] : memref<16x4096x256xf32, #tpu.memory_space<hbm>> -> memref<1x128x256xf32, #tpu.memory_space<hbm>>
      %dma_start3A_764 = tpu.memref_squeeze %dma_start3A_763 : memref<1x128x256xf32, #tpu.memory_space<hbm>> -> memref<128x256xf32, #tpu.memory_space<hbm>>
      %dma_start3A_765 = arith.constant 0 : i32
      %dma_start3A_766 = tpu.memref_slice %arg4[%arg1, %mul3A_542, %dma_start3A_765] : memref<16x4096x256xf32, #tpu.memory_space<hbm>> -> memref<1x128x256xf32, #tpu.memory_space<hbm>>
      %dma_start3A_767 = tpu.memref_squeeze %dma_start3A_766 : memref<1x128x256xf32, #tpu.memory_space<hbm>> -> memref<128x256xf32, #tpu.memory_space<hbm>>
      tpu.enqueue_dma source(%arg9 : memref<128x256xf32, #tpu.memory_space<vmem>>) target(%dma_start3A_767 : memref<128x256xf32, #tpu.memory_space<hbm>>) target_semaphore(%arg14 : memref<!tpu.dma_semaphore, #tpu.memory_space<semaphore_mem>>)
    } else {
    }
    %add3A_551 = arith.constant 22 : i32
    %add3A_552 = arith.addi %add3A_551, %arg0 : i32
    %mul3A_553 = arith.constant 128 : i32
    %mul3A_554 = arith.muli %add3A_552, %mul3A_553 : i32
    %ge3A_555 = arith.cmpi sge, %mul3A_554, %scan3A_10 : i32
    %convert_element_type3A_556 = arith.extui %ge3A_555 : i1 to i32
    %cond3A_557 = arith.constant 0 : i32
    %cond3A_558 = arith.cmpi ne, %convert_element_type3A_556, %cond3A_557 : i32
    scf.if %cond3A_558 {
      %dma_start3A = arith.constant 0 : i32
      %dma_start3A_763 = tpu.memref_slice %arg4[%arg1, %mul3A_542, %dma_start3A] : memref<16x4096x256xf32, #tpu.memory_space<hbm>> -> memref<1x128x256xf32, #tpu.memory_space<hbm>>
      %dma_start3A_764 = tpu.memref_squeeze %dma_start3A_763 : memref<1x128x256xf32, #tpu.memory_space<hbm>> -> memref<128x256xf32, #tpu.memory_space<hbm>>
      %dma_start3A_765 = arith.constant 0 : i32
      %dma_start3A_766 = tpu.memref_slice %arg4[%arg1, %mul3A_542, %dma_start3A_765] : memref<16x4096x256xf32, #tpu.memory_space<hbm>> -> memref<1x128x256xf32, #tpu.memory_space<hbm>>
      %dma_start3A_767 = tpu.memref_squeeze %dma_start3A_766 : memref<1x128x256xf32, #tpu.memory_space<hbm>> -> memref<128x256xf32, #tpu.memory_space<hbm>>
      tpu.enqueue_dma source(%arg10 : memref<128x256xf32, #tpu.memory_space<vmem>>) target(%dma_start3A_767 : memref<128x256xf32, #tpu.memory_space<hbm>>) target_semaphore(%arg14 : memref<!tpu.dma_semaphore, #tpu.memory_space<semaphore_mem>>)
    } else {
    }
    %add3A_559 = arith.constant 20 : i32
    %add3A_560 = arith.addi %add3A_559, %arg0 : i32
    %mul3A_561 = arith.constant 128 : i32
    %mul3A_562 = arith.muli %add3A_560, %mul3A_561 : i32
    %dma_wait3A_563 = arith.constant 0 : i32
    %dma_wait3A_564 = tpu.memref_slice %arg4[%arg1, %mul3A_562, %dma_wait3A_563] : memref<16x4096x256xf32, #tpu.memory_space<hbm>> -> memref<1x128x256xf32, #tpu.memory_space<hbm>>
    %dma_wait3A_565 = tpu.memref_squeeze %dma_wait3A_564 : memref<1x128x256xf32, #tpu.memory_space<hbm>> -> memref<128x256xf32, #tpu.memory_space<hbm>>
    %dma_wait3A_566 = arith.constant 0 : i32
    %dma_wait3A_567 = tpu.memref_slice %arg4[%arg1, %mul3A_562, %dma_wait3A_566] : memref<16x4096x256xf32, #tpu.memory_space<hbm>> -> memref<1x128x256xf32, #tpu.memory_space<hbm>>
    %dma_wait3A_568 = tpu.memref_squeeze %dma_wait3A_567 : memref<1x128x256xf32, #tpu.memory_space<hbm>> -> memref<128x256xf32, #tpu.memory_space<hbm>>
    tpu.wait_dma2 semaphore(%arg13 : memref<!tpu.dma_semaphore, #tpu.memory_space<semaphore_mem>>) src(%arg8 : memref<128x256xf32, #tpu.memory_space<vmem>>) dst(%dma_wait3A_568 : memref<128x256xf32, #tpu.memory_space<hbm>>)
    %add3A_569 = arith.constant 24 : i32
    %add3A_570 = arith.addi %add3A_569, %arg0 : i32
    %mul3A_571 = arith.constant 128 : i32
    %mul3A_572 = arith.muli %add3A_570, %mul3A_571 : i32
    %lt3A_573 = arith.cmpi slt, %mul3A_572, %scan3A_10 : i32
    %convert_element_type3A_574 = arith.extui %lt3A_573 : i1 to i32
    %cond3A_575 = arith.constant 0 : i32
    %cond3A_576 = arith.cmpi ne, %convert_element_type3A_574, %cond3A_575 : i32
    scf.if %cond3A_576 {
      %dma_start3A = arith.constant 1536 : i32
      %dma_start3A_763 = tpu.memref_slice %arg7[%dma_start3A] : memref<2048xi32, #tpu.memory_space<vmem>> -> memref<128xi32, #tpu.memory_space<vmem>>
      %dma_start3A_764 = arith.constant 0 : i32
      %dma_start3A_765 = arith.constant 0 : i32
      %dma_start3A_766 = tpu.memref_slice %arg2[%dma_start3A_764, %dma_start3A_765] : memref<8192x256xf32, #tpu.memory_space<hbm>> -> memref<8192x256xf32, #tpu.memory_space<hbm>>
      tpu.enqueue_indirect_dma source(%dma_start3A_766 : memref<8192x256xf32, #tpu.memory_space<hbm>>) target(%arg8 : memref<128x256xf32, #tpu.memory_space<vmem>>) offsets(%dma_start3A_763 : memref<128xi32, #tpu.memory_space<vmem>>) semaphore(%arg11 : memref<!tpu.dma_semaphore, #tpu.memory_space<semaphore_mem>>)
    } else {
    }
    %add3A_577 = arith.constant 24 : i32
    %add3A_578 = arith.addi %add3A_577, %arg0 : i32
    %mul3A_579 = arith.constant 128 : i32
    %mul3A_580 = arith.muli %add3A_578, %mul3A_579 : i32
    %lt3A_581 = arith.cmpi slt, %mul3A_580, %scan3A_10 : i32
    %convert_element_type3A_582 = arith.extui %lt3A_581 : i1 to i32
    %cond3A_583 = arith.constant 0 : i32
    %cond3A_584 = arith.cmpi ne, %convert_element_type3A_582, %cond3A_583 : i32
    scf.if %cond3A_584 {
      %dma_wait3A_763 = arith.constant 1536 : i32
      %dma_wait3A_764 = tpu.memref_slice %arg7[%dma_wait3A_763] : memref<2048xi32, #tpu.memory_space<vmem>> -> memref<128xi32, #tpu.memory_space<vmem>>
      %dma_wait3A_765 = arith.constant 0 : i32
      %dma_wait3A_766 = arith.constant 0 : i32
      %dma_wait3A_767 = tpu.memref_slice %arg2[%dma_wait3A_765, %dma_wait3A_766] : memref<8192x256xf32, #tpu.memory_space<hbm>> -> memref<8192x256xf32, #tpu.memory_space<hbm>>
      tpu.wait_indirect_dma semaphore(%arg11 : memref<!tpu.dma_semaphore, #tpu.memory_space<semaphore_mem>>) src(%dma_wait3A_767 : memref<8192x256xf32, #tpu.memory_space<hbm>>) dst(%arg8 : memref<128x256xf32, #tpu.memory_space<vmem>>)
      %add3A_768 = arith.constant 24 : i32
      %add3A_769 = arith.addi %add3A_768, %arg0 : i32
      %mul3A_770 = arith.constant 128 : i32
      %mul3A_771 = arith.muli %add3A_769, %mul3A_770 : i32
      %sub3A = arith.subi %scan3A_10, %mul3A_771 : i32
      %jit3A = arith.constant 0 : i32
      %jit3A_772 = arith.constant 128 : i32
      %max3A = arith.maxsi %jit3A, %sub3A : i32
      %min3A = arith.minsi %jit3A_772, %max3A : i32
      %mul3A_773 = arith.constant 16 : i32
      %mul3A_774 = arith.muli %min3A, %mul3A_773 : i32
      %while3A = arith.constant 0 : i32
      %while3A_775 = arith.constant 2048 : i32
      %while3A_776 = arith.subi %while3A_775, %mul3A_774 : i32
      %while3A_777 = arith.addi %mul3A_774, %while3A_776 : i32
      %while3A_778 = arith.constant 1 : i32
      %while3A_779 = arith.divsi %while3A_776, %while3A_778 : i32
      %while3A_780 = arith.muli %while3A_779, %while3A_778 : i32
      %while3A_781 = arith.addi %mul3A_774, %while3A_780 : i32
      %while3A_782 = arith.constant 1 : i32
      scf.for %while3A_784 = %mul3A_774 to %while3A_781 step %while3A_782  : i32 {
        %broadcast_in_dim3A_785 = arith.constant 0.000000e+00 : f32
        %broadcast_in_dim3A_786 = vector.broadcast %broadcast_in_dim3A_785 : f32 to vector<16xf32>
        %shift_right_arithmetic3A = arith.constant 4 : i32
        %shift_right_arithmetic3A_787 = arith.shrsi %while3A_784, %shift_right_arithmetic3A : i32
        %and3A = arith.constant 15 : i32
        %and3A_788 = arith.andi %while3A_784, %and3A : i32
        %mul3A_789 = arith.constant 16 : i32
        %mul3A_790 = arith.muli %and3A_788, %mul3A_789 : i32
        %swap3A = arith.index_cast %shift_right_arithmetic3A_787 : i32 to index
        %swap3A_791 = arith.index_cast %mul3A_790 : i32 to index
        %swap3A_792 = tpu.vector_load %arg8[%swap3A, %swap3A_791] {strides = array<i32>} : memref<128x256xf32, #tpu.memory_space<vmem>>, vector<16xf32>,
        tpu.vector_store %arg8[%swap3A, %swap3A_791], %broadcast_in_dim3A_786 {strides = array<i32>} : memref<128x256xf32, #tpu.memory_space<vmem>>, vector<16xf32>,
      }
      %while3A_783 = arith.constant 1 : i32
      scf.for %while3A_784 = %while3A_781 to %while3A_777 step %while3A_783  : i32 {
        %broadcast_in_dim3A_785 = arith.constant 0.000000e+00 : f32
        %broadcast_in_dim3A_786 = vector.broadcast %broadcast_in_dim3A_785 : f32 to vector<16xf32>
        %shift_right_arithmetic3A = arith.constant 4 : i32
        %shift_right_arithmetic3A_787 = arith.shrsi %while3A_784, %shift_right_arithmetic3A : i32
        %and3A = arith.constant 15 : i32
        %and3A_788 = arith.andi %while3A_784, %and3A : i32
        %mul3A_789 = arith.constant 16 : i32
        %mul3A_790 = arith.muli %and3A_788, %mul3A_789 : i32
        %swap3A = arith.index_cast %shift_right_arithmetic3A_787 : i32 to index
        %swap3A_791 = arith.index_cast %mul3A_790 : i32 to index
        %swap3A_792 = tpu.vector_load %arg8[%swap3A, %swap3A_791] {strides = array<i32>} : memref<128x256xf32, #tpu.memory_space<vmem>>, vector<16xf32>,
        tpu.vector_store %arg8[%swap3A, %swap3A_791], %broadcast_in_dim3A_786 {strides = array<i32>} : memref<128x256xf32, #tpu.memory_space<vmem>>, vector<16xf32>,
      }
    } else {
    }
    %add3A_585 = arith.constant 24 : i32
    %add3A_586 = arith.addi %add3A_585, %arg0 : i32
    %mul3A_587 = arith.constant 128 : i32
    %mul3A_588 = arith.muli %add3A_586, %mul3A_587 : i32
    %add3A_589 = arith.constant 24 : i32
    %add3A_590 = arith.addi %add3A_589, %arg0 : i32
    %mul3A_591 = arith.constant 128 : i32
    %mul3A_592 = arith.muli %add3A_590, %mul3A_591 : i32
    %lt3A_593 = arith.cmpi slt, %mul3A_592, %scan3A_10 : i32
    %convert_element_type3A_594 = arith.extui %lt3A_593 : i1 to i32
    %cond3A_595 = arith.constant 0 : i32
    %cond3A_596 = arith.cmpi ne, %convert_element_type3A_594, %cond3A_595 : i32
    scf.if %cond3A_596 {
      %dma_start3A = arith.constant 0 : i32
      %dma_start3A_763 = tpu.memref_slice %arg4[%arg1, %mul3A_588, %dma_start3A] : memref<16x4096x256xf32, #tpu.memory_space<hbm>> -> memref<1x128x256xf32, #tpu.memory_space<hbm>>
      %dma_start3A_764 = tpu.memref_squeeze %dma_start3A_763 : memref<1x128x256xf32, #tpu.memory_space<hbm>> -> memref<128x256xf32, #tpu.memory_space<hbm>>
      %dma_start3A_765 = arith.constant 0 : i32
      %dma_start3A_766 = tpu.memref_slice %arg4[%arg1, %mul3A_588, %dma_start3A_765] : memref<16x4096x256xf32, #tpu.memory_space<hbm>> -> memref<1x128x256xf32, #tpu.memory_space<hbm>>
      %dma_start3A_767 = tpu.memref_squeeze %dma_start3A_766 : memref<1x128x256xf32, #tpu.memory_space<hbm>> -> memref<128x256xf32, #tpu.memory_space<hbm>>
      tpu.enqueue_dma source(%arg8 : memref<128x256xf32, #tpu.memory_space<vmem>>) target(%dma_start3A_767 : memref<128x256xf32, #tpu.memory_space<hbm>>) target_semaphore(%arg13 : memref<!tpu.dma_semaphore, #tpu.memory_space<semaphore_mem>>)
    } else {
    }
    %add3A_597 = arith.constant 24 : i32
    %add3A_598 = arith.addi %add3A_597, %arg0 : i32
    %mul3A_599 = arith.constant 128 : i32
    %mul3A_600 = arith.muli %add3A_598, %mul3A_599 : i32
    %ge3A_601 = arith.cmpi sge, %mul3A_600, %scan3A_10 : i32
    %convert_element_type3A_602 = arith.extui %ge3A_601 : i1 to i32
    %cond3A_603 = arith.constant 0 : i32
    %cond3A_604 = arith.cmpi ne, %convert_element_type3A_602, %cond3A_603 : i32
    scf.if %cond3A_604 {
      %dma_start3A = arith.constant 0 : i32
      %dma_start3A_763 = tpu.memref_slice %arg4[%arg1, %mul3A_588, %dma_start3A] : memref<16x4096x256xf32, #tpu.memory_space<hbm>> -> memref<1x128x256xf32, #tpu.memory_space<hbm>>
      %dma_start3A_764 = tpu.memref_squeeze %dma_start3A_763 : memref<1x128x256xf32, #tpu.memory_space<hbm>> -> memref<128x256xf32, #tpu.memory_space<hbm>>
      %dma_start3A_765 = arith.constant 0 : i32
      %dma_start3A_766 = tpu.memref_slice %arg4[%arg1, %mul3A_588, %dma_start3A_765] : memref<16x4096x256xf32, #tpu.memory_space<hbm>> -> memref<1x128x256xf32, #tpu.memory_space<hbm>>
      %dma_start3A_767 = tpu.memref_squeeze %dma_start3A_766 : memref<1x128x256xf32, #tpu.memory_space<hbm>> -> memref<128x256xf32, #tpu.memory_space<hbm>>
      tpu.enqueue_dma source(%arg10 : memref<128x256xf32, #tpu.memory_space<vmem>>) target(%dma_start3A_767 : memref<128x256xf32, #tpu.memory_space<hbm>>) target_semaphore(%arg13 : memref<!tpu.dma_semaphore, #tpu.memory_space<semaphore_mem>>)
    } else {
    }
    %add3A_605 = arith.constant 22 : i32
    %add3A_606 = arith.addi %add3A_605, %arg0 : i32
    %mul3A_607 = arith.constant 128 : i32
    %mul3A_608 = arith.muli %add3A_606, %mul3A_607 : i32
    %dma_wait3A_609 = arith.constant 0 : i32
    %dma_wait3A_610 = tpu.memref_slice %arg4[%arg1, %mul3A_608, %dma_wait3A_609] : memref<16x4096x256xf32, #tpu.memory_space<hbm>> -> memref<1x128x256xf32, #tpu.memory_space<hbm>>
    %dma_wait3A_611 = tpu.memref_squeeze %dma_wait3A_610 : memref<1x128x256xf32, #tpu.memory_space<hbm>> -> memref<128x256xf32, #tpu.memory_space<hbm>>
    %dma_wait3A_612 = arith.constant 0 : i32
    %dma_wait3A_613 = tpu.memref_slice %arg4[%arg1, %mul3A_608, %dma_wait3A_612] : memref<16x4096x256xf32, #tpu.memory_space<hbm>> -> memref<1x128x256xf32, #tpu.memory_space<hbm>>
    %dma_wait3A_614 = tpu.memref_squeeze %dma_wait3A_613 : memref<1x128x256xf32, #tpu.memory_space<hbm>> -> memref<128x256xf32, #tpu.memory_space<hbm>>
    tpu.wait_dma2 semaphore(%arg14 : memref<!tpu.dma_semaphore, #tpu.memory_space<semaphore_mem>>) src(%arg9 : memref<128x256xf32, #tpu.memory_space<vmem>>) dst(%dma_wait3A_614 : memref<128x256xf32, #tpu.memory_space<hbm>>)
    %add3A_615 = arith.constant 26 : i32
    %add3A_616 = arith.addi %add3A_615, %arg0 : i32
    %mul3A_617 = arith.constant 128 : i32
    %mul3A_618 = arith.muli %add3A_616, %mul3A_617 : i32
    %lt3A_619 = arith.cmpi slt, %mul3A_618, %scan3A_10 : i32
    %convert_element_type3A_620 = arith.extui %lt3A_619 : i1 to i32
    %cond3A_621 = arith.constant 0 : i32
    %cond3A_622 = arith.cmpi ne, %convert_element_type3A_620, %cond3A_621 : i32
    scf.if %cond3A_622 {
      %dma_start3A = arith.constant 1664 : i32
      %dma_start3A_763 = tpu.memref_slice %arg7[%dma_start3A] : memref<2048xi32, #tpu.memory_space<vmem>> -> memref<128xi32, #tpu.memory_space<vmem>>
      %dma_start3A_764 = arith.constant 0 : i32
      %dma_start3A_765 = arith.constant 0 : i32
      %dma_start3A_766 = tpu.memref_slice %arg2[%dma_start3A_764, %dma_start3A_765] : memref<8192x256xf32, #tpu.memory_space<hbm>> -> memref<8192x256xf32, #tpu.memory_space<hbm>>
      tpu.enqueue_indirect_dma source(%dma_start3A_766 : memref<8192x256xf32, #tpu.memory_space<hbm>>) target(%arg9 : memref<128x256xf32, #tpu.memory_space<vmem>>) offsets(%dma_start3A_763 : memref<128xi32, #tpu.memory_space<vmem>>) semaphore(%arg12 : memref<!tpu.dma_semaphore, #tpu.memory_space<semaphore_mem>>)
    } else {
    }
    %add3A_623 = arith.constant 26 : i32
    %add3A_624 = arith.addi %add3A_623, %arg0 : i32
    %mul3A_625 = arith.constant 128 : i32
    %mul3A_626 = arith.muli %add3A_624, %mul3A_625 : i32
    %lt3A_627 = arith.cmpi slt, %mul3A_626, %scan3A_10 : i32
    %convert_element_type3A_628 = arith.extui %lt3A_627 : i1 to i32
    %cond3A_629 = arith.constant 0 : i32
    %cond3A_630 = arith.cmpi ne, %convert_element_type3A_628, %cond3A_629 : i32
    scf.if %cond3A_630 {
      %dma_wait3A_763 = arith.constant 1664 : i32
      %dma_wait3A_764 = tpu.memref_slice %arg7[%dma_wait3A_763] : memref<2048xi32, #tpu.memory_space<vmem>> -> memref<128xi32, #tpu.memory_space<vmem>>
      %dma_wait3A_765 = arith.constant 0 : i32
      %dma_wait3A_766 = arith.constant 0 : i32
      %dma_wait3A_767 = tpu.memref_slice %arg2[%dma_wait3A_765, %dma_wait3A_766] : memref<8192x256xf32, #tpu.memory_space<hbm>> -> memref<8192x256xf32, #tpu.memory_space<hbm>>
      tpu.wait_indirect_dma semaphore(%arg12 : memref<!tpu.dma_semaphore, #tpu.memory_space<semaphore_mem>>) src(%dma_wait3A_767 : memref<8192x256xf32, #tpu.memory_space<hbm>>) dst(%arg9 : memref<128x256xf32, #tpu.memory_space<vmem>>)
      %add3A_768 = arith.constant 26 : i32
      %add3A_769 = arith.addi %add3A_768, %arg0 : i32
      %mul3A_770 = arith.constant 128 : i32
      %mul3A_771 = arith.muli %add3A_769, %mul3A_770 : i32
      %sub3A = arith.subi %scan3A_10, %mul3A_771 : i32
      %jit3A = arith.constant 0 : i32
      %jit3A_772 = arith.constant 128 : i32
      %max3A = arith.maxsi %jit3A, %sub3A : i32
      %min3A = arith.minsi %jit3A_772, %max3A : i32
      %mul3A_773 = arith.constant 16 : i32
      %mul3A_774 = arith.muli %min3A, %mul3A_773 : i32
      %while3A = arith.constant 0 : i32
      %while3A_775 = arith.constant 2048 : i32
      %while3A_776 = arith.subi %while3A_775, %mul3A_774 : i32
      %while3A_777 = arith.addi %mul3A_774, %while3A_776 : i32
      %while3A_778 = arith.constant 1 : i32
      %while3A_779 = arith.divsi %while3A_776, %while3A_778 : i32
      %while3A_780 = arith.muli %while3A_779, %while3A_778 : i32
      %while3A_781 = arith.addi %mul3A_774, %while3A_780 : i32
      %while3A_782 = arith.constant 1 : i32
      scf.for %while3A_784 = %mul3A_774 to %while3A_781 step %while3A_782  : i32 {
        %broadcast_in_dim3A_785 = arith.constant 0.000000e+00 : f32
        %broadcast_in_dim3A_786 = vector.broadcast %broadcast_in_dim3A_785 : f32 to vector<16xf32>
        %shift_right_arithmetic3A = arith.constant 4 : i32
        %shift_right_arithmetic3A_787 = arith.shrsi %while3A_784, %shift_right_arithmetic3A : i32
        %and3A = arith.constant 15 : i32
        %and3A_788 = arith.andi %while3A_784, %and3A : i32
        %mul3A_789 = arith.constant 16 : i32
        %mul3A_790 = arith.muli %and3A_788, %mul3A_789 : i32
        %swap3A = arith.index_cast %shift_right_arithmetic3A_787 : i32 to index
        %swap3A_791 = arith.index_cast %mul3A_790 : i32 to index
        %swap3A_792 = tpu.vector_load %arg9[%swap3A, %swap3A_791] {strides = array<i32>} : memref<128x256xf32, #tpu.memory_space<vmem>>, vector<16xf32>,
        tpu.vector_store %arg9[%swap3A, %swap3A_791], %broadcast_in_dim3A_786 {strides = array<i32>} : memref<128x256xf32, #tpu.memory_space<vmem>>, vector<16xf32>,
      }
      %while3A_783 = arith.constant 1 : i32
      scf.for %while3A_784 = %while3A_781 to %while3A_777 step %while3A_783  : i32 {
        %broadcast_in_dim3A_785 = arith.constant 0.000000e+00 : f32
        %broadcast_in_dim3A_786 = vector.broadcast %broadcast_in_dim3A_785 : f32 to vector<16xf32>
        %shift_right_arithmetic3A = arith.constant 4 : i32
        %shift_right_arithmetic3A_787 = arith.shrsi %while3A_784, %shift_right_arithmetic3A : i32
        %and3A = arith.constant 15 : i32
        %and3A_788 = arith.andi %while3A_784, %and3A : i32
        %mul3A_789 = arith.constant 16 : i32
        %mul3A_790 = arith.muli %and3A_788, %mul3A_789 : i32
        %swap3A = arith.index_cast %shift_right_arithmetic3A_787 : i32 to index
        %swap3A_791 = arith.index_cast %mul3A_790 : i32 to index
        %swap3A_792 = tpu.vector_load %arg9[%swap3A, %swap3A_791] {strides = array<i32>} : memref<128x256xf32, #tpu.memory_space<vmem>>, vector<16xf32>,
        tpu.vector_store %arg9[%swap3A, %swap3A_791], %broadcast_in_dim3A_786 {strides = array<i32>} : memref<128x256xf32, #tpu.memory_space<vmem>>, vector<16xf32>,
      }
    } else {
    }
    %add3A_631 = arith.constant 26 : i32
    %add3A_632 = arith.addi %add3A_631, %arg0 : i32
    %mul3A_633 = arith.constant 128 : i32
    %mul3A_634 = arith.muli %add3A_632, %mul3A_633 : i32
    %add3A_635 = arith.constant 26 : i32
    %add3A_636 = arith.addi %add3A_635, %arg0 : i32
    %mul3A_637 = arith.constant 128 : i32
    %mul3A_638 = arith.muli %add3A_636, %mul3A_637 : i32
    %lt3A_639 = arith.cmpi slt, %mul3A_638, %scan3A_10 : i32
    %convert_element_type3A_640 = arith.extui %lt3A_639 : i1 to i32
    %cond3A_641 = arith.constant 0 : i32
    %cond3A_642 = arith.cmpi ne, %convert_element_type3A_640, %cond3A_641 : i32
    scf.if %cond3A_642 {
      %dma_start3A = arith.constant 0 : i32
      %dma_start3A_763 = tpu.memref_slice %arg4[%arg1, %mul3A_634, %dma_start3A] : memref<16x4096x256xf32, #tpu.memory_space<hbm>> -> memref<1x128x256xf32, #tpu.memory_space<hbm>>
      %dma_start3A_764 = tpu.memref_squeeze %dma_start3A_763 : memref<1x128x256xf32, #tpu.memory_space<hbm>> -> memref<128x256xf32, #tpu.memory_space<hbm>>
      %dma_start3A_765 = arith.constant 0 : i32
      %dma_start3A_766 = tpu.memref_slice %arg4[%arg1, %mul3A_634, %dma_start3A_765] : memref<16x4096x256xf32, #tpu.memory_space<hbm>> -> memref<1x128x256xf32, #tpu.memory_space<hbm>>
      %dma_start3A_767 = tpu.memref_squeeze %dma_start3A_766 : memref<1x128x256xf32, #tpu.memory_space<hbm>> -> memref<128x256xf32, #tpu.memory_space<hbm>>
      tpu.enqueue_dma source(%arg9 : memref<128x256xf32, #tpu.memory_space<vmem>>) target(%dma_start3A_767 : memref<128x256xf32, #tpu.memory_space<hbm>>) target_semaphore(%arg14 : memref<!tpu.dma_semaphore, #tpu.memory_space<semaphore_mem>>)
    } else {
    }
    %add3A_643 = arith.constant 26 : i32
    %add3A_644 = arith.addi %add3A_643, %arg0 : i32
    %mul3A_645 = arith.constant 128 : i32
    %mul3A_646 = arith.muli %add3A_644, %mul3A_645 : i32
    %ge3A_647 = arith.cmpi sge, %mul3A_646, %scan3A_10 : i32
    %convert_element_type3A_648 = arith.extui %ge3A_647 : i1 to i32
    %cond3A_649 = arith.constant 0 : i32
    %cond3A_650 = arith.cmpi ne, %convert_element_type3A_648, %cond3A_649 : i32
    scf.if %cond3A_650 {
      %dma_start3A = arith.constant 0 : i32
      %dma_start3A_763 = tpu.memref_slice %arg4[%arg1, %mul3A_634, %dma_start3A] : memref<16x4096x256xf32, #tpu.memory_space<hbm>> -> memref<1x128x256xf32, #tpu.memory_space<hbm>>
      %dma_start3A_764 = tpu.memref_squeeze %dma_start3A_763 : memref<1x128x256xf32, #tpu.memory_space<hbm>> -> memref<128x256xf32, #tpu.memory_space<hbm>>
      %dma_start3A_765 = arith.constant 0 : i32
      %dma_start3A_766 = tpu.memref_slice %arg4[%arg1, %mul3A_634, %dma_start3A_765] : memref<16x4096x256xf32, #tpu.memory_space<hbm>> -> memref<1x128x256xf32, #tpu.memory_space<hbm>>
      %dma_start3A_767 = tpu.memref_squeeze %dma_start3A_766 : memref<1x128x256xf32, #tpu.memory_space<hbm>> -> memref<128x256xf32, #tpu.memory_space<hbm>>
      tpu.enqueue_dma source(%arg10 : memref<128x256xf32, #tpu.memory_space<vmem>>) target(%dma_start3A_767 : memref<128x256xf32, #tpu.memory_space<hbm>>) target_semaphore(%arg14 : memref<!tpu.dma_semaphore, #tpu.memory_space<semaphore_mem>>)
    } else {
    }
    %add3A_651 = arith.constant 24 : i32
    %add3A_652 = arith.addi %add3A_651, %arg0 : i32
    %mul3A_653 = arith.constant 128 : i32
    %mul3A_654 = arith.muli %add3A_652, %mul3A_653 : i32
    %dma_wait3A_655 = arith.constant 0 : i32
    %dma_wait3A_656 = tpu.memref_slice %arg4[%arg1, %mul3A_654, %dma_wait3A_655] : memref<16x4096x256xf32, #tpu.memory_space<hbm>> -> memref<1x128x256xf32, #tpu.memory_space<hbm>>
    %dma_wait3A_657 = tpu.memref_squeeze %dma_wait3A_656 : memref<1x128x256xf32, #tpu.memory_space<hbm>> -> memref<128x256xf32, #tpu.memory_space<hbm>>
    %dma_wait3A_658 = arith.constant 0 : i32
    %dma_wait3A_659 = tpu.memref_slice %arg4[%arg1, %mul3A_654, %dma_wait3A_658] : memref<16x4096x256xf32, #tpu.memory_space<hbm>> -> memref<1x128x256xf32, #tpu.memory_space<hbm>>
    %dma_wait3A_660 = tpu.memref_squeeze %dma_wait3A_659 : memref<1x128x256xf32, #tpu.memory_space<hbm>> -> memref<128x256xf32, #tpu.memory_space<hbm>>
    tpu.wait_dma2 semaphore(%arg13 : memref<!tpu.dma_semaphore, #tpu.memory_space<semaphore_mem>>) src(%arg8 : memref<128x256xf32, #tpu.memory_space<vmem>>) dst(%dma_wait3A_660 : memref<128x256xf32, #tpu.memory_space<hbm>>)
    %add3A_661 = arith.constant 28 : i32
    %add3A_662 = arith.addi %add3A_661, %arg0 : i32
    %mul3A_663 = arith.constant 128 : i32
    %mul3A_664 = arith.muli %add3A_662, %mul3A_663 : i32
    %lt3A_665 = arith.cmpi slt, %mul3A_664, %scan3A_10 : i32
    %convert_element_type3A_666 = arith.extui %lt3A_665 : i1 to i32
    %cond3A_667 = arith.constant 0 : i32
    %cond3A_668 = arith.cmpi ne, %convert_element_type3A_666, %cond3A_667 : i32
    scf.if %cond3A_668 {
      %dma_start3A = arith.constant 1792 : i32
      %dma_start3A_763 = tpu.memref_slice %arg7[%dma_start3A] : memref<2048xi32, #tpu.memory_space<vmem>> -> memref<128xi32, #tpu.memory_space<vmem>>
      %dma_start3A_764 = arith.constant 0 : i32
      %dma_start3A_765 = arith.constant 0 : i32
      %dma_start3A_766 = tpu.memref_slice %arg2[%dma_start3A_764, %dma_start3A_765] : memref<8192x256xf32, #tpu.memory_space<hbm>> -> memref<8192x256xf32, #tpu.memory_space<hbm>>
      tpu.enqueue_indirect_dma source(%dma_start3A_766 : memref<8192x256xf32, #tpu.memory_space<hbm>>) target(%arg8 : memref<128x256xf32, #tpu.memory_space<vmem>>) offsets(%dma_start3A_763 : memref<128xi32, #tpu.memory_space<vmem>>) semaphore(%arg11 : memref<!tpu.dma_semaphore, #tpu.memory_space<semaphore_mem>>)
    } else {
    }
    %add3A_669 = arith.constant 28 : i32
    %add3A_670 = arith.addi %add3A_669, %arg0 : i32
    %mul3A_671 = arith.constant 128 : i32
    %mul3A_672 = arith.muli %add3A_670, %mul3A_671 : i32
    %lt3A_673 = arith.cmpi slt, %mul3A_672, %scan3A_10 : i32
    %convert_element_type3A_674 = arith.extui %lt3A_673 : i1 to i32
    %cond3A_675 = arith.constant 0 : i32
    %cond3A_676 = arith.cmpi ne, %convert_element_type3A_674, %cond3A_675 : i32
    scf.if %cond3A_676 {
      %dma_wait3A_763 = arith.constant 1792 : i32
      %dma_wait3A_764 = tpu.memref_slice %arg7[%dma_wait3A_763] : memref<2048xi32, #tpu.memory_space<vmem>> -> memref<128xi32, #tpu.memory_space<vmem>>
      %dma_wait3A_765 = arith.constant 0 : i32
      %dma_wait3A_766 = arith.constant 0 : i32
      %dma_wait3A_767 = tpu.memref_slice %arg2[%dma_wait3A_765, %dma_wait3A_766] : memref<8192x256xf32, #tpu.memory_space<hbm>> -> memref<8192x256xf32, #tpu.memory_space<hbm>>
      tpu.wait_indirect_dma semaphore(%arg11 : memref<!tpu.dma_semaphore, #tpu.memory_space<semaphore_mem>>) src(%dma_wait3A_767 : memref<8192x256xf32, #tpu.memory_space<hbm>>) dst(%arg8 : memref<128x256xf32, #tpu.memory_space<vmem>>)
      %add3A_768 = arith.constant 28 : i32
      %add3A_769 = arith.addi %add3A_768, %arg0 : i32
      %mul3A_770 = arith.constant 128 : i32
      %mul3A_771 = arith.muli %add3A_769, %mul3A_770 : i32
      %sub3A = arith.subi %scan3A_10, %mul3A_771 : i32
      %jit3A = arith.constant 0 : i32
      %jit3A_772 = arith.constant 128 : i32
      %max3A = arith.maxsi %jit3A, %sub3A : i32
      %min3A = arith.minsi %jit3A_772, %max3A : i32
      %mul3A_773 = arith.constant 16 : i32
      %mul3A_774 = arith.muli %min3A, %mul3A_773 : i32
      %while3A = arith.constant 0 : i32
      %while3A_775 = arith.constant 2048 : i32
      %while3A_776 = arith.subi %while3A_775, %mul3A_774 : i32
      %while3A_777 = arith.addi %mul3A_774, %while3A_776 : i32
      %while3A_778 = arith.constant 1 : i32
      %while3A_779 = arith.divsi %while3A_776, %while3A_778 : i32
      %while3A_780 = arith.muli %while3A_779, %while3A_778 : i32
      %while3A_781 = arith.addi %mul3A_774, %while3A_780 : i32
      %while3A_782 = arith.constant 1 : i32
      scf.for %while3A_784 = %mul3A_774 to %while3A_781 step %while3A_782  : i32 {
        %broadcast_in_dim3A_785 = arith.constant 0.000000e+00 : f32
        %broadcast_in_dim3A_786 = vector.broadcast %broadcast_in_dim3A_785 : f32 to vector<16xf32>
        %shift_right_arithmetic3A = arith.constant 4 : i32
        %shift_right_arithmetic3A_787 = arith.shrsi %while3A_784, %shift_right_arithmetic3A : i32
        %and3A = arith.constant 15 : i32
        %and3A_788 = arith.andi %while3A_784, %and3A : i32
        %mul3A_789 = arith.constant 16 : i32
        %mul3A_790 = arith.muli %and3A_788, %mul3A_789 : i32
        %swap3A = arith.index_cast %shift_right_arithmetic3A_787 : i32 to index
        %swap3A_791 = arith.index_cast %mul3A_790 : i32 to index
        %swap3A_792 = tpu.vector_load %arg8[%swap3A, %swap3A_791] {strides = array<i32>} : memref<128x256xf32, #tpu.memory_space<vmem>>, vector<16xf32>,
        tpu.vector_store %arg8[%swap3A, %swap3A_791], %broadcast_in_dim3A_786 {strides = array<i32>} : memref<128x256xf32, #tpu.memory_space<vmem>>, vector<16xf32>,
      }
      %while3A_783 = arith.constant 1 : i32
      scf.for %while3A_784 = %while3A_781 to %while3A_777 step %while3A_783  : i32 {
        %broadcast_in_dim3A_785 = arith.constant 0.000000e+00 : f32
        %broadcast_in_dim3A_786 = vector.broadcast %broadcast_in_dim3A_785 : f32 to vector<16xf32>
        %shift_right_arithmetic3A = arith.constant 4 : i32
        %shift_right_arithmetic3A_787 = arith.shrsi %while3A_784, %shift_right_arithmetic3A : i32
        %and3A = arith.constant 15 : i32
        %and3A_788 = arith.andi %while3A_784, %and3A : i32
        %mul3A_789 = arith.constant 16 : i32
        %mul3A_790 = arith.muli %and3A_788, %mul3A_789 : i32
        %swap3A = arith.index_cast %shift_right_arithmetic3A_787 : i32 to index
        %swap3A_791 = arith.index_cast %mul3A_790 : i32 to index
        %swap3A_792 = tpu.vector_load %arg8[%swap3A, %swap3A_791] {strides = array<i32>} : memref<128x256xf32, #tpu.memory_space<vmem>>, vector<16xf32>,
        tpu.vector_store %arg8[%swap3A, %swap3A_791], %broadcast_in_dim3A_786 {strides = array<i32>} : memref<128x256xf32, #tpu.memory_space<vmem>>, vector<16xf32>,
      }
    } else {
    }
    %add3A_677 = arith.constant 28 : i32
    %add3A_678 = arith.addi %add3A_677, %arg0 : i32
    %mul3A_679 = arith.constant 128 : i32
    %mul3A_680 = arith.muli %add3A_678, %mul3A_679 : i32
    %add3A_681 = arith.constant 28 : i32
    %add3A_682 = arith.addi %add3A_681, %arg0 : i32
    %mul3A_683 = arith.constant 128 : i32
    %mul3A_684 = arith.muli %add3A_682, %mul3A_683 : i32
    %lt3A_685 = arith.cmpi slt, %mul3A_684, %scan3A_10 : i32
    %convert_element_type3A_686 = arith.extui %lt3A_685 : i1 to i32
    %cond3A_687 = arith.constant 0 : i32
    %cond3A_688 = arith.cmpi ne, %convert_element_type3A_686, %cond3A_687 : i32
    scf.if %cond3A_688 {
      %dma_start3A = arith.constant 0 : i32
      %dma_start3A_763 = tpu.memref_slice %arg4[%arg1, %mul3A_680, %dma_start3A] : memref<16x4096x256xf32, #tpu.memory_space<hbm>> -> memref<1x128x256xf32, #tpu.memory_space<hbm>>
      %dma_start3A_764 = tpu.memref_squeeze %dma_start3A_763 : memref<1x128x256xf32, #tpu.memory_space<hbm>> -> memref<128x256xf32, #tpu.memory_space<hbm>>
      %dma_start3A_765 = arith.constant 0 : i32
      %dma_start3A_766 = tpu.memref_slice %arg4[%arg1, %mul3A_680, %dma_start3A_765] : memref<16x4096x256xf32, #tpu.memory_space<hbm>> -> memref<1x128x256xf32, #tpu.memory_space<hbm>>
      %dma_start3A_767 = tpu.memref_squeeze %dma_start3A_766 : memref<1x128x256xf32, #tpu.memory_space<hbm>> -> memref<128x256xf32, #tpu.memory_space<hbm>>
      tpu.enqueue_dma source(%arg8 : memref<128x256xf32, #tpu.memory_space<vmem>>) target(%dma_start3A_767 : memref<128x256xf32, #tpu.memory_space<hbm>>) target_semaphore(%arg13 : memref<!tpu.dma_semaphore, #tpu.memory_space<semaphore_mem>>)
    } else {
    }
    %add3A_689 = arith.constant 28 : i32
    %add3A_690 = arith.addi %add3A_689, %arg0 : i32
    %mul3A_691 = arith.constant 128 : i32
    %mul3A_692 = arith.muli %add3A_690, %mul3A_691 : i32
    %ge3A_693 = arith.cmpi sge, %mul3A_692, %scan3A_10 : i32
    %convert_element_type3A_694 = arith.extui %ge3A_693 : i1 to i32
    %cond3A_695 = arith.constant 0 : i32
    %cond3A_696 = arith.cmpi ne, %convert_element_type3A_694, %cond3A_695 : i32
    scf.if %cond3A_696 {
      %dma_start3A = arith.constant 0 : i32
      %dma_start3A_763 = tpu.memref_slice %arg4[%arg1, %mul3A_680, %dma_start3A] : memref<16x4096x256xf32, #tpu.memory_space<hbm>> -> memref<1x128x256xf32, #tpu.memory_space<hbm>>
      %dma_start3A_764 = tpu.memref_squeeze %dma_start3A_763 : memref<1x128x256xf32, #tpu.memory_space<hbm>> -> memref<128x256xf32, #tpu.memory_space<hbm>>
      %dma_start3A_765 = arith.constant 0 : i32
      %dma_start3A_766 = tpu.memref_slice %arg4[%arg1, %mul3A_680, %dma_start3A_765] : memref<16x4096x256xf32, #tpu.memory_space<hbm>> -> memref<1x128x256xf32, #tpu.memory_space<hbm>>
      %dma_start3A_767 = tpu.memref_squeeze %dma_start3A_766 : memref<1x128x256xf32, #tpu.memory_space<hbm>> -> memref<128x256xf32, #tpu.memory_space<hbm>>
      tpu.enqueue_dma source(%arg10 : memref<128x256xf32, #tpu.memory_space<vmem>>) target(%dma_start3A_767 : memref<128x256xf32, #tpu.memory_space<hbm>>) target_semaphore(%arg13 : memref<!tpu.dma_semaphore, #tpu.memory_space<semaphore_mem>>)
    } else {
    }
    %add3A_697 = arith.constant 26 : i32
    %add3A_698 = arith.addi %add3A_697, %arg0 : i32
    %mul3A_699 = arith.constant 128 : i32
    %mul3A_700 = arith.muli %add3A_698, %mul3A_699 : i32
    %dma_wait3A_701 = arith.constant 0 : i32
    %dma_wait3A_702 = tpu.memref_slice %arg4[%arg1, %mul3A_700, %dma_wait3A_701] : memref<16x4096x256xf32, #tpu.memory_space<hbm>> -> memref<1x128x256xf32, #tpu.memory_space<hbm>>
    %dma_wait3A_703 = tpu.memref_squeeze %dma_wait3A_702 : memref<1x128x256xf32, #tpu.memory_space<hbm>> -> memref<128x256xf32, #tpu.memory_space<hbm>>
    %dma_wait3A_704 = arith.constant 0 : i32
    %dma_wait3A_705 = tpu.memref_slice %arg4[%arg1, %mul3A_700, %dma_wait3A_704] : memref<16x4096x256xf32, #tpu.memory_space<hbm>> -> memref<1x128x256xf32, #tpu.memory_space<hbm>>
    %dma_wait3A_706 = tpu.memref_squeeze %dma_wait3A_705 : memref<1x128x256xf32, #tpu.memory_space<hbm>> -> memref<128x256xf32, #tpu.memory_space<hbm>>
    tpu.wait_dma2 semaphore(%arg14 : memref<!tpu.dma_semaphore, #tpu.memory_space<semaphore_mem>>) src(%arg9 : memref<128x256xf32, #tpu.memory_space<vmem>>) dst(%dma_wait3A_706 : memref<128x256xf32, #tpu.memory_space<hbm>>)
    %add3A_707 = arith.constant 30 : i32
    %add3A_708 = arith.addi %add3A_707, %arg0 : i32
    %mul3A_709 = arith.constant 128 : i32
    %mul3A_710 = arith.muli %add3A_708, %mul3A_709 : i32
    %lt3A_711 = arith.cmpi slt, %mul3A_710, %scan3A_10 : i32
    %convert_element_type3A_712 = arith.extui %lt3A_711 : i1 to i32
    %cond3A_713 = arith.constant 0 : i32
    %cond3A_714 = arith.cmpi ne, %convert_element_type3A_712, %cond3A_713 : i32
    scf.if %cond3A_714 {
      %dma_start3A = arith.constant 1920 : i32
      %dma_start3A_763 = tpu.memref_slice %arg7[%dma_start3A] : memref<2048xi32, #tpu.memory_space<vmem>> -> memref<128xi32, #tpu.memory_space<vmem>>
      %dma_start3A_764 = arith.constant 0 : i32
      %dma_start3A_765 = arith.constant 0 : i32
      %dma_start3A_766 = tpu.memref_slice %arg2[%dma_start3A_764, %dma_start3A_765] : memref<8192x256xf32, #tpu.memory_space<hbm>> -> memref<8192x256xf32, #tpu.memory_space<hbm>>
      tpu.enqueue_indirect_dma source(%dma_start3A_766 : memref<8192x256xf32, #tpu.memory_space<hbm>>) target(%arg9 : memref<128x256xf32, #tpu.memory_space<vmem>>) offsets(%dma_start3A_763 : memref<128xi32, #tpu.memory_space<vmem>>) semaphore(%arg12 : memref<!tpu.dma_semaphore, #tpu.memory_space<semaphore_mem>>)
    } else {
    }
    %add3A_715 = arith.constant 30 : i32
    %add3A_716 = arith.addi %add3A_715, %arg0 : i32
    %mul3A_717 = arith.constant 128 : i32
    %mul3A_718 = arith.muli %add3A_716, %mul3A_717 : i32
    %lt3A_719 = arith.cmpi slt, %mul3A_718, %scan3A_10 : i32
    %convert_element_type3A_720 = arith.extui %lt3A_719 : i1 to i32
    %cond3A_721 = arith.constant 0 : i32
    %cond3A_722 = arith.cmpi ne, %convert_element_type3A_720, %cond3A_721 : i32
    scf.if %cond3A_722 {
      %dma_wait3A_763 = arith.constant 1920 : i32
      %dma_wait3A_764 = tpu.memref_slice %arg7[%dma_wait3A_763] : memref<2048xi32, #tpu.memory_space<vmem>> -> memref<128xi32, #tpu.memory_space<vmem>>
      %dma_wait3A_765 = arith.constant 0 : i32
      %dma_wait3A_766 = arith.constant 0 : i32
      %dma_wait3A_767 = tpu.memref_slice %arg2[%dma_wait3A_765, %dma_wait3A_766] : memref<8192x256xf32, #tpu.memory_space<hbm>> -> memref<8192x256xf32, #tpu.memory_space<hbm>>
      tpu.wait_indirect_dma semaphore(%arg12 : memref<!tpu.dma_semaphore, #tpu.memory_space<semaphore_mem>>) src(%dma_wait3A_767 : memref<8192x256xf32, #tpu.memory_space<hbm>>) dst(%arg9 : memref<128x256xf32, #tpu.memory_space<vmem>>)
      %add3A_768 = arith.constant 30 : i32
      %add3A_769 = arith.addi %add3A_768, %arg0 : i32
      %mul3A_770 = arith.constant 128 : i32
      %mul3A_771 = arith.muli %add3A_769, %mul3A_770 : i32
      %sub3A = arith.subi %scan3A_10, %mul3A_771 : i32
      %jit3A = arith.constant 0 : i32
      %jit3A_772 = arith.constant 128 : i32
      %max3A = arith.maxsi %jit3A, %sub3A : i32
      %min3A = arith.minsi %jit3A_772, %max3A : i32
      %mul3A_773 = arith.constant 16 : i32
      %mul3A_774 = arith.muli %min3A, %mul3A_773 : i32
      %while3A = arith.constant 0 : i32
      %while3A_775 = arith.constant 2048 : i32
      %while3A_776 = arith.subi %while3A_775, %mul3A_774 : i32
      %while3A_777 = arith.addi %mul3A_774, %while3A_776 : i32
      %while3A_778 = arith.constant 1 : i32
      %while3A_779 = arith.divsi %while3A_776, %while3A_778 : i32
      %while3A_780 = arith.muli %while3A_779, %while3A_778 : i32
      %while3A_781 = arith.addi %mul3A_774, %while3A_780 : i32
      %while3A_782 = arith.constant 1 : i32
      scf.for %while3A_784 = %mul3A_774 to %while3A_781 step %while3A_782  : i32 {
        %broadcast_in_dim3A_785 = arith.constant 0.000000e+00 : f32
        %broadcast_in_dim3A_786 = vector.broadcast %broadcast_in_dim3A_785 : f32 to vector<16xf32>
        %shift_right_arithmetic3A = arith.constant 4 : i32
        %shift_right_arithmetic3A_787 = arith.shrsi %while3A_784, %shift_right_arithmetic3A : i32
        %and3A = arith.constant 15 : i32
        %and3A_788 = arith.andi %while3A_784, %and3A : i32
        %mul3A_789 = arith.constant 16 : i32
        %mul3A_790 = arith.muli %and3A_788, %mul3A_789 : i32
        %swap3A = arith.index_cast %shift_right_arithmetic3A_787 : i32 to index
        %swap3A_791 = arith.index_cast %mul3A_790 : i32 to index
        %swap3A_792 = tpu.vector_load %arg9[%swap3A, %swap3A_791] {strides = array<i32>} : memref<128x256xf32, #tpu.memory_space<vmem>>, vector<16xf32>,
        tpu.vector_store %arg9[%swap3A, %swap3A_791], %broadcast_in_dim3A_786 {strides = array<i32>} : memref<128x256xf32, #tpu.memory_space<vmem>>, vector<16xf32>,
      }
      %while3A_783 = arith.constant 1 : i32
      scf.for %while3A_784 = %while3A_781 to %while3A_777 step %while3A_783  : i32 {
        %broadcast_in_dim3A_785 = arith.constant 0.000000e+00 : f32
        %broadcast_in_dim3A_786 = vector.broadcast %broadcast_in_dim3A_785 : f32 to vector<16xf32>
        %shift_right_arithmetic3A = arith.constant 4 : i32
        %shift_right_arithmetic3A_787 = arith.shrsi %while3A_784, %shift_right_arithmetic3A : i32
        %and3A = arith.constant 15 : i32
        %and3A_788 = arith.andi %while3A_784, %and3A : i32
        %mul3A_789 = arith.constant 16 : i32
        %mul3A_790 = arith.muli %and3A_788, %mul3A_789 : i32
        %swap3A = arith.index_cast %shift_right_arithmetic3A_787 : i32 to index
        %swap3A_791 = arith.index_cast %mul3A_790 : i32 to index
        %swap3A_792 = tpu.vector_load %arg9[%swap3A, %swap3A_791] {strides = array<i32>} : memref<128x256xf32, #tpu.memory_space<vmem>>, vector<16xf32>,
        tpu.vector_store %arg9[%swap3A, %swap3A_791], %broadcast_in_dim3A_786 {strides = array<i32>} : memref<128x256xf32, #tpu.memory_space<vmem>>, vector<16xf32>,
      }
    } else {
    }
    %add3A_723 = arith.constant 30 : i32
    %add3A_724 = arith.addi %add3A_723, %arg0 : i32
    %mul3A_725 = arith.constant 128 : i32
    %mul3A_726 = arith.muli %add3A_724, %mul3A_725 : i32
    %add3A_727 = arith.constant 30 : i32
    %add3A_728 = arith.addi %add3A_727, %arg0 : i32
    %mul3A_729 = arith.constant 128 : i32
    %mul3A_730 = arith.muli %add3A_728, %mul3A_729 : i32
    %lt3A_731 = arith.cmpi slt, %mul3A_730, %scan3A_10 : i32
    %convert_element_type3A_732 = arith.extui %lt3A_731 : i1 to i32
    %cond3A_733 = arith.constant 0 : i32
    %cond3A_734 = arith.cmpi ne, %convert_element_type3A_732, %cond3A_733 : i32
    scf.if %cond3A_734 {
      %dma_start3A = arith.constant 0 : i32
      %dma_start3A_763 = tpu.memref_slice %arg4[%arg1, %mul3A_726, %dma_start3A] : memref<16x4096x256xf32, #tpu.memory_space<hbm>> -> memref<1x128x256xf32, #tpu.memory_space<hbm>>
      %dma_start3A_764 = tpu.memref_squeeze %dma_start3A_763 : memref<1x128x256xf32, #tpu.memory_space<hbm>> -> memref<128x256xf32, #tpu.memory_space<hbm>>
      %dma_start3A_765 = arith.constant 0 : i32
      %dma_start3A_766 = tpu.memref_slice %arg4[%arg1, %mul3A_726, %dma_start3A_765] : memref<16x4096x256xf32, #tpu.memory_space<hbm>> -> memref<1x128x256xf32, #tpu.memory_space<hbm>>
      %dma_start3A_767 = tpu.memref_squeeze %dma_start3A_766 : memref<1x128x256xf32, #tpu.memory_space<hbm>> -> memref<128x256xf32, #tpu.memory_space<hbm>>
      tpu.enqueue_dma source(%arg9 : memref<128x256xf32, #tpu.memory_space<vmem>>) target(%dma_start3A_767 : memref<128x256xf32, #tpu.memory_space<hbm>>) target_semaphore(%arg14 : memref<!tpu.dma_semaphore, #tpu.memory_space<semaphore_mem>>)
    } else {
    }
    %add3A_735 = arith.constant 30 : i32
    %add3A_736 = arith.addi %add3A_735, %arg0 : i32
    %mul3A_737 = arith.constant 128 : i32
    %mul3A_738 = arith.muli %add3A_736, %mul3A_737 : i32
    %ge3A_739 = arith.cmpi sge, %mul3A_738, %scan3A_10 : i32
    %convert_element_type3A_740 = arith.extui %ge3A_739 : i1 to i32
    %cond3A_741 = arith.constant 0 : i32
    %cond3A_742 = arith.cmpi ne, %convert_element_type3A_740, %cond3A_741 : i32
    scf.if %cond3A_742 {
      %dma_start3A = arith.constant 0 : i32
      %dma_start3A_763 = tpu.memref_slice %arg4[%arg1, %mul3A_726, %dma_start3A] : memref<16x4096x256xf32, #tpu.memory_space<hbm>> -> memref<1x128x256xf32, #tpu.memory_space<hbm>>
      %dma_start3A_764 = tpu.memref_squeeze %dma_start3A_763 : memref<1x128x256xf32, #tpu.memory_space<hbm>> -> memref<128x256xf32, #tpu.memory_space<hbm>>
      %dma_start3A_765 = arith.constant 0 : i32
      %dma_start3A_766 = tpu.memref_slice %arg4[%arg1, %mul3A_726, %dma_start3A_765] : memref<16x4096x256xf32, #tpu.memory_space<hbm>> -> memref<1x128x256xf32, #tpu.memory_space<hbm>>
      %dma_start3A_767 = tpu.memref_squeeze %dma_start3A_766 : memref<1x128x256xf32, #tpu.memory_space<hbm>> -> memref<128x256xf32, #tpu.memory_space<hbm>>
      tpu.enqueue_dma source(%arg10 : memref<128x256xf32, #tpu.memory_space<vmem>>) target(%dma_start3A_767 : memref<128x256xf32, #tpu.memory_space<hbm>>) target_semaphore(%arg14 : memref<!tpu.dma_semaphore, #tpu.memory_space<semaphore_mem>>)
    } else {
    }
    %add3A_743 = arith.constant 28 : i32
    %add3A_744 = arith.addi %add3A_743, %arg0 : i32
    %mul3A_745 = arith.constant 128 : i32
    %mul3A_746 = arith.muli %add3A_744, %mul3A_745 : i32
    %dma_wait3A_747 = arith.constant 0 : i32
    %dma_wait3A_748 = tpu.memref_slice %arg4[%arg1, %mul3A_746, %dma_wait3A_747] : memref<16x4096x256xf32, #tpu.memory_space<hbm>> -> memref<1x128x256xf32, #tpu.memory_space<hbm>>
    %dma_wait3A_749 = tpu.memref_squeeze %dma_wait3A_748 : memref<1x128x256xf32, #tpu.memory_space<hbm>> -> memref<128x256xf32, #tpu.memory_space<hbm>>
    %dma_wait3A_750 = arith.constant 0 : i32
    %dma_wait3A_751 = tpu.memref_slice %arg4[%arg1, %mul3A_746, %dma_wait3A_750] : memref<16x4096x256xf32, #tpu.memory_space<hbm>> -> memref<1x128x256xf32, #tpu.memory_space<hbm>>
    %dma_wait3A_752 = tpu.memref_squeeze %dma_wait3A_751 : memref<1x128x256xf32, #tpu.memory_space<hbm>> -> memref<128x256xf32, #tpu.memory_space<hbm>>
    tpu.wait_dma2 semaphore(%arg13 : memref<!tpu.dma_semaphore, #tpu.memory_space<semaphore_mem>>) src(%arg8 : memref<128x256xf32, #tpu.memory_space<vmem>>) dst(%dma_wait3A_752 : memref<128x256xf32, #tpu.memory_space<hbm>>)
    %add3A_753 = arith.constant 30 : i32
    %add3A_754 = arith.addi %add3A_753, %arg0 : i32
    %mul3A_755 = arith.constant 128 : i32
    %mul3A_756 = arith.muli %add3A_754, %mul3A_755 : i32
    %dma_wait3A_757 = arith.constant 0 : i32
    %dma_wait3A_758 = tpu.memref_slice %arg4[%arg1, %mul3A_756, %dma_wait3A_757] : memref<16x4096x256xf32, #tpu.memory_space<hbm>> -> memref<1x128x256xf32, #tpu.memory_space<hbm>>
    %dma_wait3A_759 = tpu.memref_squeeze %dma_wait3A_758 : memref<1x128x256xf32, #tpu.memory_space<hbm>> -> memref<128x256xf32, #tpu.memory_space<hbm>>
    %dma_wait3A_760 = arith.constant 0 : i32
    %dma_wait3A_761 = tpu.memref_slice %arg4[%arg1, %mul3A_756, %dma_wait3A_760] : memref<16x4096x256xf32, #tpu.memory_space<hbm>> -> memref<1x128x256xf32, #tpu.memory_space<hbm>>
    %dma_wait3A_762 = tpu.memref_squeeze %dma_wait3A_761 : memref<1x128x256xf32, #tpu.memory_space<hbm>> -> memref<128x256xf32, #tpu.memory_space<hbm>>
    tpu.wait_dma2 semaphore(%arg14 : memref<!tpu.dma_semaphore, #tpu.memory_space<semaphore_mem>>) src(%arg9 : memref<128x256xf32, #tpu.memory_space<vmem>>) dst(%dma_wait3A_762 : memref<128x256xf32, #tpu.memory_space<hbm>>)
    return
  }
}

module attributes {stable_mosaic.version = 14 : i64} {
  func.func @_predictor_body(%arg0: i32, %arg1: memref<4x512x256xf32, #tpu.memory_space<vmem>>, %arg2: memref<256x3072xbf16, #tpu.memory_space<vmem>>, %arg3: memref<1x1024xf32, #tpu.memory_space<vmem>>, %arg4: memref<1024x768xbf16, #tpu.memory_space<vmem>>, %arg5: memref<1x256xf32, #tpu.memory_space<vmem>>, %arg6: memref<1x256xf32, #tpu.memory_space<vmem>>, %arg7: memref<1x256xf32, #tpu.memory_space<vmem>>, %arg8: memref<256x3072xbf16, #tpu.memory_space<vmem>>, %arg9: memref<1x1024xf32, #tpu.memory_space<vmem>>, %arg10: memref<1024x768xbf16, #tpu.memory_space<vmem>>, %arg11: memref<1x256xf32, #tpu.memory_space<vmem>>, %arg12: memref<1x256xf32, #tpu.memory_space<vmem>>, %arg13: memref<1x256xf32, #tpu.memory_space<vmem>>, %arg14: memref<256x1xbf16, #tpu.memory_space<vmem>>, %arg15: memref<1x1xf32, #tpu.memory_space<vmem>>, %arg16: memref<1x4x512xf32, #tpu.memory_space<vmem>>) attributes {dimension_semantics = [#tpu.dimension_semantics<arbitrary>], iteration_bounds = array<i64: 4>, scalar_prefetch = 0 : i64, scratch_operands = 0 : i64, tpu.core_type = #tpu.core_type<tc>, window_params = [{transform_indices = @transform_0, window_bounds = array<i64: 4, 512, 256>}, {pipeline_mode = #tpu.pipeline_mode<synchronous>, transform_indices = @transform_1, window_bounds = array<i64: 256, 3072>}, {pipeline_mode = #tpu.pipeline_mode<synchronous>, transform_indices = @transform_2, window_bounds = array<i64: 1, 1024>}, {pipeline_mode = #tpu.pipeline_mode<synchronous>, transform_indices = @transform_3, window_bounds = array<i64: 1024, 768>}, {pipeline_mode = #tpu.pipeline_mode<synchronous>, transform_indices = @transform_4, window_bounds = array<i64: 1, 256>}, {pipeline_mode = #tpu.pipeline_mode<synchronous>, transform_indices = @transform_5, window_bounds = array<i64: 1, 256>}, {pipeline_mode = #tpu.pipeline_mode<synchronous>, transform_indices = @transform_6, window_bounds = array<i64: 1, 256>}, {pipeline_mode = #tpu.pipeline_mode<synchronous>, transform_indices = @transform_7, window_bounds = array<i64: 256, 3072>}, {pipeline_mode = #tpu.pipeline_mode<synchronous>, transform_indices = @transform_8, window_bounds = array<i64: 1, 1024>}, {pipeline_mode = #tpu.pipeline_mode<synchronous>, transform_indices = @transform_9, window_bounds = array<i64: 1024, 768>}, {pipeline_mode = #tpu.pipeline_mode<synchronous>, transform_indices = @transform_10, window_bounds = array<i64: 1, 256>}, {pipeline_mode = #tpu.pipeline_mode<synchronous>, transform_indices = @transform_11, window_bounds = array<i64: 1, 256>}, {pipeline_mode = #tpu.pipeline_mode<synchronous>, transform_indices = @transform_12, window_bounds = array<i64: 1, 256>}, {pipeline_mode = #tpu.pipeline_mode<synchronous>, transform_indices = @transform_13, window_bounds = array<i64: 256, 1>}, {pipeline_mode = #tpu.pipeline_mode<synchronous>, transform_indices = @transform_14, window_bounds = array<i64: 1, 1>}, {transform_indices = @transform_15, window_bounds = array<i64: 1, 4, 512>}]} {
    %get3A = arith.constant 0 : index
    %get3A_0 = arith.constant 0 : index
    %get3A_1 = arith.constant 0 : index
    %get3A_2 = vector.load %arg1[%get3A, %get3A_0, %get3A_1] : memref<4x512x256xf32, #tpu.memory_space<vmem>>, vector<1x512x256xf32>
    %get3A_3 = vector.shape_cast %get3A_2 : vector<1x512x256xf32> to vector<512x256xf32>
    %get3A_4 = arith.constant 0 : index
    %get3A_5 = arith.constant 0 : index
    %get3A_6 = vector.load %arg3[%get3A_4, %get3A_5] : memref<1x1024xf32, #tpu.memory_space<vmem>>, vector<1x1024xf32>
    %get3A_7 = vector.shape_cast %get3A_6 : vector<1x1024xf32> to vector<1024xf32>
    %convert_element_type3A = arith.truncf %get3A_3 : vector<512x256xf32> to vector<512x256xbf16>
    %get3A_8 = arith.constant 0 : index
    %get3A_9 = arith.constant 0 : index
    %get3A_10 = vector.load %arg2[%get3A_8, %get3A_9] : memref<256x3072xbf16, #tpu.memory_space<vmem>>, vector<256x3072xbf16>
    %dot_general3A = arith.constant dense<0.000000e+00> : vector<512x3072xf32>
    %dot_general3A_11 = tpu.matmul %convert_element_type3A, %get3A_10, %dot_general3A {dimension_numbers = #tpu.dot_dimension_numbers<[1], [0], [0], [1], [0, 0, 1, 1], [], []>, transpose_lhs_hint = false} : vector<512x256xbf16>, vector<256x3072xbf16>, vector<512x3072xf32> -> vector<512x3072xf32>
    %slice3A = vector.extract_strided_slice %dot_general3A_11 {offsets = [0, 1024], sizes = [512, 1024], strides = [1, 1]} : vector<512x3072xf32> to vector<512x1024xf32>
    %slice3A_12 = vector.extract_strided_slice %dot_general3A_11 {offsets = [0, 0], sizes = [512, 1024], strides = [1, 1]} : vector<512x3072xf32> to vector<512x1024xf32>
    %broadcast_in_dim3A = arith.constant 0.000000e+00 : f32
    %broadcast_in_dim3A_13 = vector.broadcast %broadcast_in_dim3A : f32 to vector<1x1024xf32>
    %slice3A_14 = vector.extract_strided_slice %slice3A_12 {offsets = [0, 0], sizes = [511, 1024], strides = [1, 1]} : vector<512x1024xf32> to vector<511x1024xf32>
    %concatenate3A = tpu.concatenate %broadcast_in_dim3A_13, %slice3A_14 in 0 : vector<1x1024xf32>, vector<511x1024xf32> -> vector<512x1024xf32>
    %add3A = arith.addf %slice3A, %concatenate3A : vector<512x1024xf32>
    %slice3A_15 = vector.extract_strided_slice %dot_general3A_11 {offsets = [0, 2048], sizes = [512, 1024], strides = [1, 1]} : vector<512x3072xf32> to vector<512x1024xf32>
    %broadcast_in_dim3A_16 = arith.constant 0.000000e+00 : f32
    %broadcast_in_dim3A_17 = vector.broadcast %broadcast_in_dim3A_16 : f32 to vector<1x1024xf32>
    %slice3A_18 = vector.extract_strided_slice %slice3A_15 {offsets = [1, 0], sizes = [511, 1024], strides = [1, 1]} : vector<512x1024xf32> to vector<511x1024xf32>
    %concatenate3A_19 = tpu.concatenate %slice3A_18, %broadcast_in_dim3A_17 in 0 : vector<511x1024xf32>, vector<1x1024xf32> -> vector<512x1024xf32>
    %add3A_20 = arith.addf %add3A, %concatenate3A_19 : vector<512x1024xf32>
    %broadcast_in_dim3A_21 = vector.shape_cast %get3A_7 : vector<1024xf32> to vector<1x1024xf32>
    %add3A_22 = vector.broadcast %broadcast_in_dim3A_21 : vector<1x1024xf32> to vector<512x1024xf32>
    %add3A_23 = arith.addf %add3A_20, %add3A_22 : vector<512x1024xf32>
    %max3A = arith.constant 0.000000e+00 : f32
    %max3A_24 = vector.broadcast %max3A : f32 to vector<512x1024xf32>
    %max3A_25 = arith.maximumf %add3A_23, %max3A_24 : vector<512x1024xf32>
    %get3A_26 = arith.constant 0 : index
    %get3A_27 = arith.constant 0 : index
    %get3A_28 = vector.load %arg5[%get3A_26, %get3A_27] : memref<1x256xf32, #tpu.memory_space<vmem>>, vector<1x256xf32>
    %get3A_29 = vector.shape_cast %get3A_28 : vector<1x256xf32> to vector<256xf32>
    %convert_element_type3A_30 = arith.truncf %max3A_25 : vector<512x1024xf32> to vector<512x1024xbf16>
    %get3A_31 = arith.constant 0 : index
    %get3A_32 = arith.constant 0 : index
    %get3A_33 = vector.load %arg4[%get3A_31, %get3A_32] : memref<1024x768xbf16, #tpu.memory_space<vmem>>, vector<1024x768xbf16>
    %dot_general3A_34 = arith.constant dense<0.000000e+00> : vector<512x768xf32>
    %dot_general3A_35 = tpu.matmul %convert_element_type3A_30, %get3A_33, %dot_general3A_34 {dimension_numbers = #tpu.dot_dimension_numbers<[1], [0], [0], [1], [0, 0, 1, 1], [], []>, transpose_lhs_hint = false} : vector<512x1024xbf16>, vector<1024x768xbf16>, vector<512x768xf32> -> vector<512x768xf32>
    %slice3A_36 = vector.extract_strided_slice %dot_general3A_35 {offsets = [0, 256], sizes = [512, 256], strides = [1, 1]} : vector<512x768xf32> to vector<512x256xf32>
    %slice3A_37 = vector.extract_strided_slice %dot_general3A_35 {offsets = [0, 0], sizes = [512, 256], strides = [1, 1]} : vector<512x768xf32> to vector<512x256xf32>
    %broadcast_in_dim3A_38 = arith.constant 0.000000e+00 : f32
    %broadcast_in_dim3A_39 = vector.broadcast %broadcast_in_dim3A_38 : f32 to vector<1x256xf32>
    %slice3A_40 = vector.extract_strided_slice %slice3A_37 {offsets = [0, 0], sizes = [511, 256], strides = [1, 1]} : vector<512x256xf32> to vector<511x256xf32>
    %concatenate3A_41 = tpu.concatenate %broadcast_in_dim3A_39, %slice3A_40 in 0 : vector<1x256xf32>, vector<511x256xf32> -> vector<512x256xf32>
    %add3A_42 = arith.addf %slice3A_36, %concatenate3A_41 : vector<512x256xf32>
    %slice3A_43 = vector.extract_strided_slice %dot_general3A_35 {offsets = [0, 512], sizes = [512, 256], strides = [1, 1]} : vector<512x768xf32> to vector<512x256xf32>
    %broadcast_in_dim3A_44 = arith.constant 0.000000e+00 : f32
    %broadcast_in_dim3A_45 = vector.broadcast %broadcast_in_dim3A_44 : f32 to vector<1x256xf32>
    %slice3A_46 = vector.extract_strided_slice %slice3A_43 {offsets = [1, 0], sizes = [511, 256], strides = [1, 1]} : vector<512x256xf32> to vector<511x256xf32>
    %concatenate3A_47 = tpu.concatenate %slice3A_46, %broadcast_in_dim3A_45 in 0 : vector<511x256xf32>, vector<1x256xf32> -> vector<512x256xf32>
    %add3A_48 = arith.addf %add3A_42, %concatenate3A_47 : vector<512x256xf32>
    %broadcast_in_dim3A_49 = vector.shape_cast %get3A_29 : vector<256xf32> to vector<1x256xf32>
    %add3A_50 = vector.broadcast %broadcast_in_dim3A_49 : vector<1x256xf32> to vector<512x256xf32>
    %add3A_51 = arith.addf %add3A_48, %add3A_50 : vector<512x256xf32>
    %max3A_52 = arith.constant 0.000000e+00 : f32
    %max3A_53 = vector.broadcast %max3A_52 : f32 to vector<512x256xf32>
    %max3A_54 = arith.maximumf %add3A_51, %max3A_53 : vector<512x256xf32>
    %get3A_55 = arith.constant 0 : index
    %get3A_56 = arith.constant 0 : index
    %get3A_57 = vector.load %arg6[%get3A_55, %get3A_56] : memref<1x256xf32, #tpu.memory_space<vmem>>, vector<1x256xf32>
    %get3A_58 = vector.shape_cast %get3A_57 : vector<1x256xf32> to vector<256xf32>
    %get3A_59 = arith.constant 0 : index
    %get3A_60 = arith.constant 0 : index
    %get3A_61 = vector.load %arg7[%get3A_59, %get3A_60] : memref<1x256xf32, #tpu.memory_space<vmem>>, vector<1x256xf32>
    %get3A_62 = vector.shape_cast %get3A_61 : vector<1x256xf32> to vector<256xf32>
    %reduce_sum3A = arith.constant dense<0.000000e+00> : vector<512xf32>
    %reduce_sum3A_63 = vector.multi_reduction <add>, %max3A_54, %reduce_sum3A [1] : vector<512x256xf32> to vector<512xf32>
    %broadcast_in_dim3A_64 = vector.shape_cast %reduce_sum3A_63 : vector<512xf32> to vector<512x1xf32>
    %div3A = arith.constant 2.560000e+02 : f32
    %div3A_65 = vector.broadcast %div3A : f32 to vector<512x1xf32>
    %div3A_66 = arith.divf %broadcast_in_dim3A_64, %div3A_65 : vector<512x1xf32>
    %sub3A = vector.broadcast %div3A_66 : vector<512x1xf32> to vector<512x256xf32>
    %sub3A_67 = arith.subf %max3A_54, %sub3A : vector<512x256xf32>
    %mul3A = arith.mulf %sub3A_67, %sub3A_67 : vector<512x256xf32>
    %reduce_sum3A_68 = arith.constant dense<0.000000e+00> : vector<512xf32>
    %reduce_sum3A_69 = vector.multi_reduction <add>, %mul3A, %reduce_sum3A_68 [1] : vector<512x256xf32> to vector<512xf32>
    %broadcast_in_dim3A_70 = vector.shape_cast %reduce_sum3A_69 : vector<512xf32> to vector<512x1xf32>
    %div3A_71 = arith.constant 2.560000e+02 : f32
    %div3A_72 = vector.broadcast %div3A_71 : f32 to vector<512x1xf32>
    %div3A_73 = arith.divf %broadcast_in_dim3A_70, %div3A_72 : vector<512x1xf32>
    %add3A_74 = arith.constant 9.99999974E-6 : f32
    %add3A_75 = vector.broadcast %add3A_74 : f32 to vector<512x1xf32>
    %add3A_76 = arith.addf %div3A_73, %add3A_75 : vector<512x1xf32>
    %rsqrt3A = math.rsqrt %add3A_76 : vector<512x1xf32>
    %mul3A_77 = vector.broadcast %rsqrt3A : vector<512x1xf32> to vector<512x256xf32>
    %mul3A_78 = arith.mulf %sub3A_67, %mul3A_77 : vector<512x256xf32>
    %broadcast_in_dim3A_79 = vector.shape_cast %get3A_58 : vector<256xf32> to vector<1x256xf32>
    %mul3A_80 = vector.broadcast %broadcast_in_dim3A_79 : vector<1x256xf32> to vector<512x256xf32>
    %mul3A_81 = arith.mulf %mul3A_78, %mul3A_80 : vector<512x256xf32>
    %broadcast_in_dim3A_82 = vector.shape_cast %get3A_62 : vector<256xf32> to vector<1x256xf32>
    %add3A_83 = vector.broadcast %broadcast_in_dim3A_82 : vector<1x256xf32> to vector<512x256xf32>
    %add3A_84 = arith.addf %mul3A_81, %add3A_83 : vector<512x256xf32>
    %get3A_85 = arith.constant 0 : index
    %get3A_86 = arith.constant 0 : index
    %get3A_87 = vector.load %arg9[%get3A_85, %get3A_86] : memref<1x1024xf32, #tpu.memory_space<vmem>>, vector<1x1024xf32>
    %get3A_88 = vector.shape_cast %get3A_87 : vector<1x1024xf32> to vector<1024xf32>
    %convert_element_type3A_89 = arith.truncf %add3A_84 : vector<512x256xf32> to vector<512x256xbf16>
    %get3A_90 = arith.constant 0 : index
    %get3A_91 = arith.constant 0 : index
    %get3A_92 = vector.load %arg8[%get3A_90, %get3A_91] : memref<256x3072xbf16, #tpu.memory_space<vmem>>, vector<256x3072xbf16>
    %dot_general3A_93 = arith.constant dense<0.000000e+00> : vector<512x3072xf32>
    %dot_general3A_94 = tpu.matmul %convert_element_type3A_89, %get3A_92, %dot_general3A_93 {dimension_numbers = #tpu.dot_dimension_numbers<[1], [0], [0], [1], [0, 0, 1, 1], [], []>, transpose_lhs_hint = false} : vector<512x256xbf16>, vector<256x3072xbf16>, vector<512x3072xf32> -> vector<512x3072xf32>
    %slice3A_95 = vector.extract_strided_slice %dot_general3A_94 {offsets = [0, 1024], sizes = [512, 1024], strides = [1, 1]} : vector<512x3072xf32> to vector<512x1024xf32>
    %slice3A_96 = vector.extract_strided_slice %dot_general3A_94 {offsets = [0, 0], sizes = [512, 1024], strides = [1, 1]} : vector<512x3072xf32> to vector<512x1024xf32>
    %broadcast_in_dim3A_97 = arith.constant 0.000000e+00 : f32
    %broadcast_in_dim3A_98 = vector.broadcast %broadcast_in_dim3A_97 : f32 to vector<1x1024xf32>
    %slice3A_99 = vector.extract_strided_slice %slice3A_96 {offsets = [0, 0], sizes = [511, 1024], strides = [1, 1]} : vector<512x1024xf32> to vector<511x1024xf32>
    %concatenate3A_100 = tpu.concatenate %broadcast_in_dim3A_98, %slice3A_99 in 0 : vector<1x1024xf32>, vector<511x1024xf32> -> vector<512x1024xf32>
    %add3A_101 = arith.addf %slice3A_95, %concatenate3A_100 : vector<512x1024xf32>
    %slice3A_102 = vector.extract_strided_slice %dot_general3A_94 {offsets = [0, 2048], sizes = [512, 1024], strides = [1, 1]} : vector<512x3072xf32> to vector<512x1024xf32>
    %broadcast_in_dim3A_103 = arith.constant 0.000000e+00 : f32
    %broadcast_in_dim3A_104 = vector.broadcast %broadcast_in_dim3A_103 : f32 to vector<1x1024xf32>
    %slice3A_105 = vector.extract_strided_slice %slice3A_102 {offsets = [1, 0], sizes = [511, 1024], strides = [1, 1]} : vector<512x1024xf32> to vector<511x1024xf32>
    %concatenate3A_106 = tpu.concatenate %slice3A_105, %broadcast_in_dim3A_104 in 0 : vector<511x1024xf32>, vector<1x1024xf32> -> vector<512x1024xf32>
    %add3A_107 = arith.addf %add3A_101, %concatenate3A_106 : vector<512x1024xf32>
    %broadcast_in_dim3A_108 = vector.shape_cast %get3A_88 : vector<1024xf32> to vector<1x1024xf32>
    %add3A_109 = vector.broadcast %broadcast_in_dim3A_108 : vector<1x1024xf32> to vector<512x1024xf32>
    %add3A_110 = arith.addf %add3A_107, %add3A_109 : vector<512x1024xf32>
    %max3A_111 = arith.constant 0.000000e+00 : f32
    %max3A_112 = vector.broadcast %max3A_111 : f32 to vector<512x1024xf32>
    %max3A_113 = arith.maximumf %add3A_110, %max3A_112 : vector<512x1024xf32>
    %get3A_114 = arith.constant 0 : index
    %get3A_115 = arith.constant 0 : index
    %get3A_116 = vector.load %arg11[%get3A_114, %get3A_115] : memref<1x256xf32, #tpu.memory_space<vmem>>, vector<1x256xf32>
    %get3A_117 = vector.shape_cast %get3A_116 : vector<1x256xf32> to vector<256xf32>
    %convert_element_type3A_118 = arith.truncf %max3A_113 : vector<512x1024xf32> to vector<512x1024xbf16>
    %get3A_119 = arith.constant 0 : index
    %get3A_120 = arith.constant 0 : index
    %get3A_121 = vector.load %arg10[%get3A_119, %get3A_120] : memref<1024x768xbf16, #tpu.memory_space<vmem>>, vector<1024x768xbf16>
    %dot_general3A_122 = arith.constant dense<0.000000e+00> : vector<512x768xf32>
    %dot_general3A_123 = tpu.matmul %convert_element_type3A_118, %get3A_121, %dot_general3A_122 {dimension_numbers = #tpu.dot_dimension_numbers<[1], [0], [0], [1], [0, 0, 1, 1], [], []>, transpose_lhs_hint = false} : vector<512x1024xbf16>, vector<1024x768xbf16>, vector<512x768xf32> -> vector<512x768xf32>
    %slice3A_124 = vector.extract_strided_slice %dot_general3A_123 {offsets = [0, 256], sizes = [512, 256], strides = [1, 1]} : vector<512x768xf32> to vector<512x256xf32>
    %slice3A_125 = vector.extract_strided_slice %dot_general3A_123 {offsets = [0, 0], sizes = [512, 256], strides = [1, 1]} : vector<512x768xf32> to vector<512x256xf32>
    %broadcast_in_dim3A_126 = arith.constant 0.000000e+00 : f32
    %broadcast_in_dim3A_127 = vector.broadcast %broadcast_in_dim3A_126 : f32 to vector<1x256xf32>
    %slice3A_128 = vector.extract_strided_slice %slice3A_125 {offsets = [0, 0], sizes = [511, 256], strides = [1, 1]} : vector<512x256xf32> to vector<511x256xf32>
    %concatenate3A_129 = tpu.concatenate %broadcast_in_dim3A_127, %slice3A_128 in 0 : vector<1x256xf32>, vector<511x256xf32> -> vector<512x256xf32>
    %add3A_130 = arith.addf %slice3A_124, %concatenate3A_129 : vector<512x256xf32>
    %slice3A_131 = vector.extract_strided_slice %dot_general3A_123 {offsets = [0, 512], sizes = [512, 256], strides = [1, 1]} : vector<512x768xf32> to vector<512x256xf32>
    %broadcast_in_dim3A_132 = arith.constant 0.000000e+00 : f32
    %broadcast_in_dim3A_133 = vector.broadcast %broadcast_in_dim3A_132 : f32 to vector<1x256xf32>
    %slice3A_134 = vector.extract_strided_slice %slice3A_131 {offsets = [1, 0], sizes = [511, 256], strides = [1, 1]} : vector<512x256xf32> to vector<511x256xf32>
    %concatenate3A_135 = tpu.concatenate %slice3A_134, %broadcast_in_dim3A_133 in 0 : vector<511x256xf32>, vector<1x256xf32> -> vector<512x256xf32>
    %add3A_136 = arith.addf %add3A_130, %concatenate3A_135 : vector<512x256xf32>
    %broadcast_in_dim3A_137 = vector.shape_cast %get3A_117 : vector<256xf32> to vector<1x256xf32>
    %add3A_138 = vector.broadcast %broadcast_in_dim3A_137 : vector<1x256xf32> to vector<512x256xf32>
    %add3A_139 = arith.addf %add3A_136, %add3A_138 : vector<512x256xf32>
    %max3A_140 = arith.constant 0.000000e+00 : f32
    %max3A_141 = vector.broadcast %max3A_140 : f32 to vector<512x256xf32>
    %max3A_142 = arith.maximumf %add3A_139, %max3A_141 : vector<512x256xf32>
    %get3A_143 = arith.constant 0 : index
    %get3A_144 = arith.constant 0 : index
    %get3A_145 = vector.load %arg12[%get3A_143, %get3A_144] : memref<1x256xf32, #tpu.memory_space<vmem>>, vector<1x256xf32>
    %get3A_146 = vector.shape_cast %get3A_145 : vector<1x256xf32> to vector<256xf32>
    %get3A_147 = arith.constant 0 : index
    %get3A_148 = arith.constant 0 : index
    %get3A_149 = vector.load %arg13[%get3A_147, %get3A_148] : memref<1x256xf32, #tpu.memory_space<vmem>>, vector<1x256xf32>
    %get3A_150 = vector.shape_cast %get3A_149 : vector<1x256xf32> to vector<256xf32>
    %reduce_sum3A_151 = arith.constant dense<0.000000e+00> : vector<512xf32>
    %reduce_sum3A_152 = vector.multi_reduction <add>, %max3A_142, %reduce_sum3A_151 [1] : vector<512x256xf32> to vector<512xf32>
    %broadcast_in_dim3A_153 = vector.shape_cast %reduce_sum3A_152 : vector<512xf32> to vector<512x1xf32>
    %div3A_154 = arith.constant 2.560000e+02 : f32
    %div3A_155 = vector.broadcast %div3A_154 : f32 to vector<512x1xf32>
    %div3A_156 = arith.divf %broadcast_in_dim3A_153, %div3A_155 : vector<512x1xf32>
    %sub3A_157 = vector.broadcast %div3A_156 : vector<512x1xf32> to vector<512x256xf32>
    %sub3A_158 = arith.subf %max3A_142, %sub3A_157 : vector<512x256xf32>
    %mul3A_159 = arith.mulf %sub3A_158, %sub3A_158 : vector<512x256xf32>
    %reduce_sum3A_160 = arith.constant dense<0.000000e+00> : vector<512xf32>
    %reduce_sum3A_161 = vector.multi_reduction <add>, %mul3A_159, %reduce_sum3A_160 [1] : vector<512x256xf32> to vector<512xf32>
    %broadcast_in_dim3A_162 = vector.shape_cast %reduce_sum3A_161 : vector<512xf32> to vector<512x1xf32>
    %div3A_163 = arith.constant 2.560000e+02 : f32
    %div3A_164 = vector.broadcast %div3A_163 : f32 to vector<512x1xf32>
    %div3A_165 = arith.divf %broadcast_in_dim3A_162, %div3A_164 : vector<512x1xf32>
    %add3A_166 = arith.constant 9.99999974E-6 : f32
    %add3A_167 = vector.broadcast %add3A_166 : f32 to vector<512x1xf32>
    %add3A_168 = arith.addf %div3A_165, %add3A_167 : vector<512x1xf32>
    %rsqrt3A_169 = math.rsqrt %add3A_168 : vector<512x1xf32>
    %mul3A_170 = vector.broadcast %rsqrt3A_169 : vector<512x1xf32> to vector<512x256xf32>
    %mul3A_171 = arith.mulf %sub3A_158, %mul3A_170 : vector<512x256xf32>
    %broadcast_in_dim3A_172 = vector.shape_cast %get3A_146 : vector<256xf32> to vector<1x256xf32>
    %mul3A_173 = vector.broadcast %broadcast_in_dim3A_172 : vector<1x256xf32> to vector<512x256xf32>
    %mul3A_174 = arith.mulf %mul3A_171, %mul3A_173 : vector<512x256xf32>
    %broadcast_in_dim3A_175 = vector.shape_cast %get3A_150 : vector<256xf32> to vector<1x256xf32>
    %add3A_176 = vector.broadcast %broadcast_in_dim3A_175 : vector<1x256xf32> to vector<512x256xf32>
    %add3A_177 = arith.addf %mul3A_174, %add3A_176 : vector<512x256xf32>
    %convert_element_type3A_178 = arith.truncf %add3A_177 : vector<512x256xf32> to vector<512x256xbf16>
    %get3A_179 = arith.constant 0 : index
    %get3A_180 = arith.constant 0 : index
    %get3A_181 = vector.load %arg14[%get3A_179, %get3A_180] : memref<256x1xbf16, #tpu.memory_space<vmem>>, vector<256x1xbf16>
    %dot_general3A_182 = arith.constant dense<0.000000e+00> : vector<512x1xf32>
    %dot_general3A_183 = tpu.matmul %convert_element_type3A_178, %get3A_181, %dot_general3A_182 {dimension_numbers = #tpu.dot_dimension_numbers<[1], [0], [0], [1], [0, 0, 1, 1], [], []>, transpose_lhs_hint = false} : vector<512x256xbf16>, vector<256x1xbf16>, vector<512x1xf32> -> vector<512x1xf32>
    %get3A_184 = arith.constant 0 : index
    %get3A_185 = arith.constant 0 : index
    %get3A_186 = vector.load %arg15[%get3A_184, %get3A_185] : memref<1x1xf32, #tpu.memory_space<vmem>>, vector<1x1xf32>
    %get3A_187 = vector.shape_cast %get3A_186 : vector<1x1xf32> to vector<1xf32>
    %broadcast_in_dim3A_188 = vector.shape_cast %get3A_187 : vector<1xf32> to vector<1x1xf32>
    %add3A_189 = vector.broadcast %broadcast_in_dim3A_188 : vector<1x1xf32> to vector<512x1xf32>
    %add3A_190 = arith.addf %dot_general3A_183, %add3A_189 : vector<512x1xf32>
    %reshape3A = vector.shape_cast %add3A_190 : vector<512x1xf32> to vector<1x512xf32>
    %squeeze3A = vector.shape_cast %reshape3A : vector<1x512xf32> to vector<512xf32>
    %swap3A = arith.constant 0 : index
    %swap3A_191 = arith.constant 0 : index
    %swap3A_192 = arith.constant 0 : index
    %swap3A_193 = vector.load %arg16[%swap3A, %swap3A_191, %swap3A_192] : memref<1x4x512xf32, #tpu.memory_space<vmem>>, vector<1x1x512xf32>
    %swap3A_194 = vector.shape_cast %swap3A_193 : vector<1x1x512xf32> to vector<512xf32>
    %swap3A_195 = vector.shape_cast %squeeze3A : vector<512xf32> to vector<1x1x512xf32>
    tpu.vector_store %arg16[%swap3A, %swap3A_191, %swap3A_192], %swap3A_195 {strides = array<i32>} : memref<1x4x512xf32, #tpu.memory_space<vmem>>, vector<1x1x512xf32>,
    %get3A_196 = arith.constant 1 : index
    %get3A_197 = arith.constant 0 : index
    %get3A_198 = arith.constant 0 : index
    %get3A_199 = vector.load %arg1[%get3A_196, %get3A_197, %get3A_198] : memref<4x512x256xf32, #tpu.memory_space<vmem>>, vector<1x512x256xf32>
    %get3A_200 = vector.shape_cast %get3A_199 : vector<1x512x256xf32> to vector<512x256xf32>
    %get3A_201 = arith.constant 0 : index
    %get3A_202 = arith.constant 0 : index
    %get3A_203 = vector.load %arg3[%get3A_201, %get3A_202] : memref<1x1024xf32, #tpu.memory_space<vmem>>, vector<1x1024xf32>
    %get3A_204 = vector.shape_cast %get3A_203 : vector<1x1024xf32> to vector<1024xf32>
    %convert_element_type3A_205 = arith.truncf %get3A_200 : vector<512x256xf32> to vector<512x256xbf16>
    %get3A_206 = arith.constant 0 : index
    %get3A_207 = arith.constant 0 : index
    %get3A_208 = vector.load %arg2[%get3A_206, %get3A_207] : memref<256x3072xbf16, #tpu.memory_space<vmem>>, vector<256x3072xbf16>
    %dot_general3A_209 = arith.constant dense<0.000000e+00> : vector<512x3072xf32>
    %dot_general3A_210 = tpu.matmul %convert_element_type3A_205, %get3A_208, %dot_general3A_209 {dimension_numbers = #tpu.dot_dimension_numbers<[1], [0], [0], [1], [0, 0, 1, 1], [], []>, transpose_lhs_hint = false} : vector<512x256xbf16>, vector<256x3072xbf16>, vector<512x3072xf32> -> vector<512x3072xf32>
    %slice3A_211 = vector.extract_strided_slice %dot_general3A_210 {offsets = [0, 1024], sizes = [512, 1024], strides = [1, 1]} : vector<512x3072xf32> to vector<512x1024xf32>
    %slice3A_212 = vector.extract_strided_slice %dot_general3A_210 {offsets = [0, 0], sizes = [512, 1024], strides = [1, 1]} : vector<512x3072xf32> to vector<512x1024xf32>
    %broadcast_in_dim3A_213 = arith.constant 0.000000e+00 : f32
    %broadcast_in_dim3A_214 = vector.broadcast %broadcast_in_dim3A_213 : f32 to vector<1x1024xf32>
    %slice3A_215 = vector.extract_strided_slice %slice3A_212 {offsets = [0, 0], sizes = [511, 1024], strides = [1, 1]} : vector<512x1024xf32> to vector<511x1024xf32>
    %concatenate3A_216 = tpu.concatenate %broadcast_in_dim3A_214, %slice3A_215 in 0 : vector<1x1024xf32>, vector<511x1024xf32> -> vector<512x1024xf32>
    %add3A_217 = arith.addf %slice3A_211, %concatenate3A_216 : vector<512x1024xf32>
    %slice3A_218 = vector.extract_strided_slice %dot_general3A_210 {offsets = [0, 2048], sizes = [512, 1024], strides = [1, 1]} : vector<512x3072xf32> to vector<512x1024xf32>
    %broadcast_in_dim3A_219 = arith.constant 0.000000e+00 : f32
    %broadcast_in_dim3A_220 = vector.broadcast %broadcast_in_dim3A_219 : f32 to vector<1x1024xf32>
    %slice3A_221 = vector.extract_strided_slice %slice3A_218 {offsets = [1, 0], sizes = [511, 1024], strides = [1, 1]} : vector<512x1024xf32> to vector<511x1024xf32>
    %concatenate3A_222 = tpu.concatenate %slice3A_221, %broadcast_in_dim3A_220 in 0 : vector<511x1024xf32>, vector<1x1024xf32> -> vector<512x1024xf32>
    %add3A_223 = arith.addf %add3A_217, %concatenate3A_222 : vector<512x1024xf32>
    %broadcast_in_dim3A_224 = vector.shape_cast %get3A_204 : vector<1024xf32> to vector<1x1024xf32>
    %add3A_225 = vector.broadcast %broadcast_in_dim3A_224 : vector<1x1024xf32> to vector<512x1024xf32>
    %add3A_226 = arith.addf %add3A_223, %add3A_225 : vector<512x1024xf32>
    %max3A_227 = arith.constant 0.000000e+00 : f32
    %max3A_228 = vector.broadcast %max3A_227 : f32 to vector<512x1024xf32>
    %max3A_229 = arith.maximumf %add3A_226, %max3A_228 : vector<512x1024xf32>
    %get3A_230 = arith.constant 0 : index
    %get3A_231 = arith.constant 0 : index
    %get3A_232 = vector.load %arg5[%get3A_230, %get3A_231] : memref<1x256xf32, #tpu.memory_space<vmem>>, vector<1x256xf32>
    %get3A_233 = vector.shape_cast %get3A_232 : vector<1x256xf32> to vector<256xf32>
    %convert_element_type3A_234 = arith.truncf %max3A_229 : vector<512x1024xf32> to vector<512x1024xbf16>
    %get3A_235 = arith.constant 0 : index
    %get3A_236 = arith.constant 0 : index
    %get3A_237 = vector.load %arg4[%get3A_235, %get3A_236] : memref<1024x768xbf16, #tpu.memory_space<vmem>>, vector<1024x768xbf16>
    %dot_general3A_238 = arith.constant dense<0.000000e+00> : vector<512x768xf32>
    %dot_general3A_239 = tpu.matmul %convert_element_type3A_234, %get3A_237, %dot_general3A_238 {dimension_numbers = #tpu.dot_dimension_numbers<[1], [0], [0], [1], [0, 0, 1, 1], [], []>, transpose_lhs_hint = false} : vector<512x1024xbf16>, vector<1024x768xbf16>, vector<512x768xf32> -> vector<512x768xf32>
    %slice3A_240 = vector.extract_strided_slice %dot_general3A_239 {offsets = [0, 256], sizes = [512, 256], strides = [1, 1]} : vector<512x768xf32> to vector<512x256xf32>
    %slice3A_241 = vector.extract_strided_slice %dot_general3A_239 {offsets = [0, 0], sizes = [512, 256], strides = [1, 1]} : vector<512x768xf32> to vector<512x256xf32>
    %broadcast_in_dim3A_242 = arith.constant 0.000000e+00 : f32
    %broadcast_in_dim3A_243 = vector.broadcast %broadcast_in_dim3A_242 : f32 to vector<1x256xf32>
    %slice3A_244 = vector.extract_strided_slice %slice3A_241 {offsets = [0, 0], sizes = [511, 256], strides = [1, 1]} : vector<512x256xf32> to vector<511x256xf32>
    %concatenate3A_245 = tpu.concatenate %broadcast_in_dim3A_243, %slice3A_244 in 0 : vector<1x256xf32>, vector<511x256xf32> -> vector<512x256xf32>
    %add3A_246 = arith.addf %slice3A_240, %concatenate3A_245 : vector<512x256xf32>
    %slice3A_247 = vector.extract_strided_slice %dot_general3A_239 {offsets = [0, 512], sizes = [512, 256], strides = [1, 1]} : vector<512x768xf32> to vector<512x256xf32>
    %broadcast_in_dim3A_248 = arith.constant 0.000000e+00 : f32
    %broadcast_in_dim3A_249 = vector.broadcast %broadcast_in_dim3A_248 : f32 to vector<1x256xf32>
    %slice3A_250 = vector.extract_strided_slice %slice3A_247 {offsets = [1, 0], sizes = [511, 256], strides = [1, 1]} : vector<512x256xf32> to vector<511x256xf32>
    %concatenate3A_251 = tpu.concatenate %slice3A_250, %broadcast_in_dim3A_249 in 0 : vector<511x256xf32>, vector<1x256xf32> -> vector<512x256xf32>
    %add3A_252 = arith.addf %add3A_246, %concatenate3A_251 : vector<512x256xf32>
    %broadcast_in_dim3A_253 = vector.shape_cast %get3A_233 : vector<256xf32> to vector<1x256xf32>
    %add3A_254 = vector.broadcast %broadcast_in_dim3A_253 : vector<1x256xf32> to vector<512x256xf32>
    %add3A_255 = arith.addf %add3A_252, %add3A_254 : vector<512x256xf32>
    %max3A_256 = arith.constant 0.000000e+00 : f32
    %max3A_257 = vector.broadcast %max3A_256 : f32 to vector<512x256xf32>
    %max3A_258 = arith.maximumf %add3A_255, %max3A_257 : vector<512x256xf32>
    %get3A_259 = arith.constant 0 : index
    %get3A_260 = arith.constant 0 : index
    %get3A_261 = vector.load %arg6[%get3A_259, %get3A_260] : memref<1x256xf32, #tpu.memory_space<vmem>>, vector<1x256xf32>
    %get3A_262 = vector.shape_cast %get3A_261 : vector<1x256xf32> to vector<256xf32>
    %get3A_263 = arith.constant 0 : index
    %get3A_264 = arith.constant 0 : index
    %get3A_265 = vector.load %arg7[%get3A_263, %get3A_264] : memref<1x256xf32, #tpu.memory_space<vmem>>, vector<1x256xf32>
    %get3A_266 = vector.shape_cast %get3A_265 : vector<1x256xf32> to vector<256xf32>
    %reduce_sum3A_267 = arith.constant dense<0.000000e+00> : vector<512xf32>
    %reduce_sum3A_268 = vector.multi_reduction <add>, %max3A_258, %reduce_sum3A_267 [1] : vector<512x256xf32> to vector<512xf32>
    %broadcast_in_dim3A_269 = vector.shape_cast %reduce_sum3A_268 : vector<512xf32> to vector<512x1xf32>
    %div3A_270 = arith.constant 2.560000e+02 : f32
    %div3A_271 = vector.broadcast %div3A_270 : f32 to vector<512x1xf32>
    %div3A_272 = arith.divf %broadcast_in_dim3A_269, %div3A_271 : vector<512x1xf32>
    %sub3A_273 = vector.broadcast %div3A_272 : vector<512x1xf32> to vector<512x256xf32>
    %sub3A_274 = arith.subf %max3A_258, %sub3A_273 : vector<512x256xf32>
    %mul3A_275 = arith.mulf %sub3A_274, %sub3A_274 : vector<512x256xf32>
    %reduce_sum3A_276 = arith.constant dense<0.000000e+00> : vector<512xf32>
    %reduce_sum3A_277 = vector.multi_reduction <add>, %mul3A_275, %reduce_sum3A_276 [1] : vector<512x256xf32> to vector<512xf32>
    %broadcast_in_dim3A_278 = vector.shape_cast %reduce_sum3A_277 : vector<512xf32> to vector<512x1xf32>
    %div3A_279 = arith.constant 2.560000e+02 : f32
    %div3A_280 = vector.broadcast %div3A_279 : f32 to vector<512x1xf32>
    %div3A_281 = arith.divf %broadcast_in_dim3A_278, %div3A_280 : vector<512x1xf32>
    %add3A_282 = arith.constant 9.99999974E-6 : f32
    %add3A_283 = vector.broadcast %add3A_282 : f32 to vector<512x1xf32>
    %add3A_284 = arith.addf %div3A_281, %add3A_283 : vector<512x1xf32>
    %rsqrt3A_285 = math.rsqrt %add3A_284 : vector<512x1xf32>
    %mul3A_286 = vector.broadcast %rsqrt3A_285 : vector<512x1xf32> to vector<512x256xf32>
    %mul3A_287 = arith.mulf %sub3A_274, %mul3A_286 : vector<512x256xf32>
    %broadcast_in_dim3A_288 = vector.shape_cast %get3A_262 : vector<256xf32> to vector<1x256xf32>
    %mul3A_289 = vector.broadcast %broadcast_in_dim3A_288 : vector<1x256xf32> to vector<512x256xf32>
    %mul3A_290 = arith.mulf %mul3A_287, %mul3A_289 : vector<512x256xf32>
    %broadcast_in_dim3A_291 = vector.shape_cast %get3A_266 : vector<256xf32> to vector<1x256xf32>
    %add3A_292 = vector.broadcast %broadcast_in_dim3A_291 : vector<1x256xf32> to vector<512x256xf32>
    %add3A_293 = arith.addf %mul3A_290, %add3A_292 : vector<512x256xf32>
    %get3A_294 = arith.constant 0 : index
    %get3A_295 = arith.constant 0 : index
    %get3A_296 = vector.load %arg9[%get3A_294, %get3A_295] : memref<1x1024xf32, #tpu.memory_space<vmem>>, vector<1x1024xf32>
    %get3A_297 = vector.shape_cast %get3A_296 : vector<1x1024xf32> to vector<1024xf32>
    %convert_element_type3A_298 = arith.truncf %add3A_293 : vector<512x256xf32> to vector<512x256xbf16>
    %get3A_299 = arith.constant 0 : index
    %get3A_300 = arith.constant 0 : index
    %get3A_301 = vector.load %arg8[%get3A_299, %get3A_300] : memref<256x3072xbf16, #tpu.memory_space<vmem>>, vector<256x3072xbf16>
    %dot_general3A_302 = arith.constant dense<0.000000e+00> : vector<512x3072xf32>
    %dot_general3A_303 = tpu.matmul %convert_element_type3A_298, %get3A_301, %dot_general3A_302 {dimension_numbers = #tpu.dot_dimension_numbers<[1], [0], [0], [1], [0, 0, 1, 1], [], []>, transpose_lhs_hint = false} : vector<512x256xbf16>, vector<256x3072xbf16>, vector<512x3072xf32> -> vector<512x3072xf32>
    %slice3A_304 = vector.extract_strided_slice %dot_general3A_303 {offsets = [0, 1024], sizes = [512, 1024], strides = [1, 1]} : vector<512x3072xf32> to vector<512x1024xf32>
    %slice3A_305 = vector.extract_strided_slice %dot_general3A_303 {offsets = [0, 0], sizes = [512, 1024], strides = [1, 1]} : vector<512x3072xf32> to vector<512x1024xf32>
    %broadcast_in_dim3A_306 = arith.constant 0.000000e+00 : f32
    %broadcast_in_dim3A_307 = vector.broadcast %broadcast_in_dim3A_306 : f32 to vector<1x1024xf32>
    %slice3A_308 = vector.extract_strided_slice %slice3A_305 {offsets = [0, 0], sizes = [511, 1024], strides = [1, 1]} : vector<512x1024xf32> to vector<511x1024xf32>
    %concatenate3A_309 = tpu.concatenate %broadcast_in_dim3A_307, %slice3A_308 in 0 : vector<1x1024xf32>, vector<511x1024xf32> -> vector<512x1024xf32>
    %add3A_310 = arith.addf %slice3A_304, %concatenate3A_309 : vector<512x1024xf32>
    %slice3A_311 = vector.extract_strided_slice %dot_general3A_303 {offsets = [0, 2048], sizes = [512, 1024], strides = [1, 1]} : vector<512x3072xf32> to vector<512x1024xf32>
    %broadcast_in_dim3A_312 = arith.constant 0.000000e+00 : f32
    %broadcast_in_dim3A_313 = vector.broadcast %broadcast_in_dim3A_312 : f32 to vector<1x1024xf32>
    %slice3A_314 = vector.extract_strided_slice %slice3A_311 {offsets = [1, 0], sizes = [511, 1024], strides = [1, 1]} : vector<512x1024xf32> to vector<511x1024xf32>
    %concatenate3A_315 = tpu.concatenate %slice3A_314, %broadcast_in_dim3A_313 in 0 : vector<511x1024xf32>, vector<1x1024xf32> -> vector<512x1024xf32>
    %add3A_316 = arith.addf %add3A_310, %concatenate3A_315 : vector<512x1024xf32>
    %broadcast_in_dim3A_317 = vector.shape_cast %get3A_297 : vector<1024xf32> to vector<1x1024xf32>
    %add3A_318 = vector.broadcast %broadcast_in_dim3A_317 : vector<1x1024xf32> to vector<512x1024xf32>
    %add3A_319 = arith.addf %add3A_316, %add3A_318 : vector<512x1024xf32>
    %max3A_320 = arith.constant 0.000000e+00 : f32
    %max3A_321 = vector.broadcast %max3A_320 : f32 to vector<512x1024xf32>
    %max3A_322 = arith.maximumf %add3A_319, %max3A_321 : vector<512x1024xf32>
    %get3A_323 = arith.constant 0 : index
    %get3A_324 = arith.constant 0 : index
    %get3A_325 = vector.load %arg11[%get3A_323, %get3A_324] : memref<1x256xf32, #tpu.memory_space<vmem>>, vector<1x256xf32>
    %get3A_326 = vector.shape_cast %get3A_325 : vector<1x256xf32> to vector<256xf32>
    %convert_element_type3A_327 = arith.truncf %max3A_322 : vector<512x1024xf32> to vector<512x1024xbf16>
    %get3A_328 = arith.constant 0 : index
    %get3A_329 = arith.constant 0 : index
    %get3A_330 = vector.load %arg10[%get3A_328, %get3A_329] : memref<1024x768xbf16, #tpu.memory_space<vmem>>, vector<1024x768xbf16>
    %dot_general3A_331 = arith.constant dense<0.000000e+00> : vector<512x768xf32>
    %dot_general3A_332 = tpu.matmul %convert_element_type3A_327, %get3A_330, %dot_general3A_331 {dimension_numbers = #tpu.dot_dimension_numbers<[1], [0], [0], [1], [0, 0, 1, 1], [], []>, transpose_lhs_hint = false} : vector<512x1024xbf16>, vector<1024x768xbf16>, vector<512x768xf32> -> vector<512x768xf32>
    %slice3A_333 = vector.extract_strided_slice %dot_general3A_332 {offsets = [0, 256], sizes = [512, 256], strides = [1, 1]} : vector<512x768xf32> to vector<512x256xf32>
    %slice3A_334 = vector.extract_strided_slice %dot_general3A_332 {offsets = [0, 0], sizes = [512, 256], strides = [1, 1]} : vector<512x768xf32> to vector<512x256xf32>
    %broadcast_in_dim3A_335 = arith.constant 0.000000e+00 : f32
    %broadcast_in_dim3A_336 = vector.broadcast %broadcast_in_dim3A_335 : f32 to vector<1x256xf32>
    %slice3A_337 = vector.extract_strided_slice %slice3A_334 {offsets = [0, 0], sizes = [511, 256], strides = [1, 1]} : vector<512x256xf32> to vector<511x256xf32>
    %concatenate3A_338 = tpu.concatenate %broadcast_in_dim3A_336, %slice3A_337 in 0 : vector<1x256xf32>, vector<511x256xf32> -> vector<512x256xf32>
    %add3A_339 = arith.addf %slice3A_333, %concatenate3A_338 : vector<512x256xf32>
    %slice3A_340 = vector.extract_strided_slice %dot_general3A_332 {offsets = [0, 512], sizes = [512, 256], strides = [1, 1]} : vector<512x768xf32> to vector<512x256xf32>
    %broadcast_in_dim3A_341 = arith.constant 0.000000e+00 : f32
    %broadcast_in_dim3A_342 = vector.broadcast %broadcast_in_dim3A_341 : f32 to vector<1x256xf32>
    %slice3A_343 = vector.extract_strided_slice %slice3A_340 {offsets = [1, 0], sizes = [511, 256], strides = [1, 1]} : vector<512x256xf32> to vector<511x256xf32>
    %concatenate3A_344 = tpu.concatenate %slice3A_343, %broadcast_in_dim3A_342 in 0 : vector<511x256xf32>, vector<1x256xf32> -> vector<512x256xf32>
    %add3A_345 = arith.addf %add3A_339, %concatenate3A_344 : vector<512x256xf32>
    %broadcast_in_dim3A_346 = vector.shape_cast %get3A_326 : vector<256xf32> to vector<1x256xf32>
    %add3A_347 = vector.broadcast %broadcast_in_dim3A_346 : vector<1x256xf32> to vector<512x256xf32>
    %add3A_348 = arith.addf %add3A_345, %add3A_347 : vector<512x256xf32>
    %max3A_349 = arith.constant 0.000000e+00 : f32
    %max3A_350 = vector.broadcast %max3A_349 : f32 to vector<512x256xf32>
    %max3A_351 = arith.maximumf %add3A_348, %max3A_350 : vector<512x256xf32>
    %get3A_352 = arith.constant 0 : index
    %get3A_353 = arith.constant 0 : index
    %get3A_354 = vector.load %arg12[%get3A_352, %get3A_353] : memref<1x256xf32, #tpu.memory_space<vmem>>, vector<1x256xf32>
    %get3A_355 = vector.shape_cast %get3A_354 : vector<1x256xf32> to vector<256xf32>
    %get3A_356 = arith.constant 0 : index
    %get3A_357 = arith.constant 0 : index
    %get3A_358 = vector.load %arg13[%get3A_356, %get3A_357] : memref<1x256xf32, #tpu.memory_space<vmem>>, vector<1x256xf32>
    %get3A_359 = vector.shape_cast %get3A_358 : vector<1x256xf32> to vector<256xf32>
    %reduce_sum3A_360 = arith.constant dense<0.000000e+00> : vector<512xf32>
    %reduce_sum3A_361 = vector.multi_reduction <add>, %max3A_351, %reduce_sum3A_360 [1] : vector<512x256xf32> to vector<512xf32>
    %broadcast_in_dim3A_362 = vector.shape_cast %reduce_sum3A_361 : vector<512xf32> to vector<512x1xf32>
    %div3A_363 = arith.constant 2.560000e+02 : f32
    %div3A_364 = vector.broadcast %div3A_363 : f32 to vector<512x1xf32>
    %div3A_365 = arith.divf %broadcast_in_dim3A_362, %div3A_364 : vector<512x1xf32>
    %sub3A_366 = vector.broadcast %div3A_365 : vector<512x1xf32> to vector<512x256xf32>
    %sub3A_367 = arith.subf %max3A_351, %sub3A_366 : vector<512x256xf32>
    %mul3A_368 = arith.mulf %sub3A_367, %sub3A_367 : vector<512x256xf32>
    %reduce_sum3A_369 = arith.constant dense<0.000000e+00> : vector<512xf32>
    %reduce_sum3A_370 = vector.multi_reduction <add>, %mul3A_368, %reduce_sum3A_369 [1] : vector<512x256xf32> to vector<512xf32>
    %broadcast_in_dim3A_371 = vector.shape_cast %reduce_sum3A_370 : vector<512xf32> to vector<512x1xf32>
    %div3A_372 = arith.constant 2.560000e+02 : f32
    %div3A_373 = vector.broadcast %div3A_372 : f32 to vector<512x1xf32>
    %div3A_374 = arith.divf %broadcast_in_dim3A_371, %div3A_373 : vector<512x1xf32>
    %add3A_375 = arith.constant 9.99999974E-6 : f32
    %add3A_376 = vector.broadcast %add3A_375 : f32 to vector<512x1xf32>
    %add3A_377 = arith.addf %div3A_374, %add3A_376 : vector<512x1xf32>
    %rsqrt3A_378 = math.rsqrt %add3A_377 : vector<512x1xf32>
    %mul3A_379 = vector.broadcast %rsqrt3A_378 : vector<512x1xf32> to vector<512x256xf32>
    %mul3A_380 = arith.mulf %sub3A_367, %mul3A_379 : vector<512x256xf32>
    %broadcast_in_dim3A_381 = vector.shape_cast %get3A_355 : vector<256xf32> to vector<1x256xf32>
    %mul3A_382 = vector.broadcast %broadcast_in_dim3A_381 : vector<1x256xf32> to vector<512x256xf32>
    %mul3A_383 = arith.mulf %mul3A_380, %mul3A_382 : vector<512x256xf32>
    %broadcast_in_dim3A_384 = vector.shape_cast %get3A_359 : vector<256xf32> to vector<1x256xf32>
    %add3A_385 = vector.broadcast %broadcast_in_dim3A_384 : vector<1x256xf32> to vector<512x256xf32>
    %add3A_386 = arith.addf %mul3A_383, %add3A_385 : vector<512x256xf32>
    %convert_element_type3A_387 = arith.truncf %add3A_386 : vector<512x256xf32> to vector<512x256xbf16>
    %get3A_388 = arith.constant 0 : index
    %get3A_389 = arith.constant 0 : index
    %get3A_390 = vector.load %arg14[%get3A_388, %get3A_389] : memref<256x1xbf16, #tpu.memory_space<vmem>>, vector<256x1xbf16>
    %dot_general3A_391 = arith.constant dense<0.000000e+00> : vector<512x1xf32>
    %dot_general3A_392 = tpu.matmul %convert_element_type3A_387, %get3A_390, %dot_general3A_391 {dimension_numbers = #tpu.dot_dimension_numbers<[1], [0], [0], [1], [0, 0, 1, 1], [], []>, transpose_lhs_hint = false} : vector<512x256xbf16>, vector<256x1xbf16>, vector<512x1xf32> -> vector<512x1xf32>
    %get3A_393 = arith.constant 0 : index
    %get3A_394 = arith.constant 0 : index
    %get3A_395 = vector.load %arg15[%get3A_393, %get3A_394] : memref<1x1xf32, #tpu.memory_space<vmem>>, vector<1x1xf32>
    %get3A_396 = vector.shape_cast %get3A_395 : vector<1x1xf32> to vector<1xf32>
    %broadcast_in_dim3A_397 = vector.shape_cast %get3A_396 : vector<1xf32> to vector<1x1xf32>
    %add3A_398 = vector.broadcast %broadcast_in_dim3A_397 : vector<1x1xf32> to vector<512x1xf32>
    %add3A_399 = arith.addf %dot_general3A_392, %add3A_398 : vector<512x1xf32>
    %reshape3A_400 = vector.shape_cast %add3A_399 : vector<512x1xf32> to vector<1x512xf32>
    %squeeze3A_401 = vector.shape_cast %reshape3A_400 : vector<1x512xf32> to vector<512xf32>
    %swap3A_402 = arith.constant 0 : index
    %swap3A_403 = arith.constant 1 : index
    %swap3A_404 = arith.constant 0 : index
    %swap3A_405 = vector.load %arg16[%swap3A_402, %swap3A_403, %swap3A_404] : memref<1x4x512xf32, #tpu.memory_space<vmem>>, vector<1x1x512xf32>
    %swap3A_406 = vector.shape_cast %swap3A_405 : vector<1x1x512xf32> to vector<512xf32>
    %swap3A_407 = vector.shape_cast %squeeze3A_401 : vector<512xf32> to vector<1x1x512xf32>
    tpu.vector_store %arg16[%swap3A_402, %swap3A_403, %swap3A_404], %swap3A_407 {strides = array<i32>} : memref<1x4x512xf32, #tpu.memory_space<vmem>>, vector<1x1x512xf32>,
    %get3A_408 = arith.constant 2 : index
    %get3A_409 = arith.constant 0 : index
    %get3A_410 = arith.constant 0 : index
    %get3A_411 = vector.load %arg1[%get3A_408, %get3A_409, %get3A_410] : memref<4x512x256xf32, #tpu.memory_space<vmem>>, vector<1x512x256xf32>
    %get3A_412 = vector.shape_cast %get3A_411 : vector<1x512x256xf32> to vector<512x256xf32>
    %get3A_413 = arith.constant 0 : index
    %get3A_414 = arith.constant 0 : index
    %get3A_415 = vector.load %arg3[%get3A_413, %get3A_414] : memref<1x1024xf32, #tpu.memory_space<vmem>>, vector<1x1024xf32>
    %get3A_416 = vector.shape_cast %get3A_415 : vector<1x1024xf32> to vector<1024xf32>
    %convert_element_type3A_417 = arith.truncf %get3A_412 : vector<512x256xf32> to vector<512x256xbf16>
    %get3A_418 = arith.constant 0 : index
    %get3A_419 = arith.constant 0 : index
    %get3A_420 = vector.load %arg2[%get3A_418, %get3A_419] : memref<256x3072xbf16, #tpu.memory_space<vmem>>, vector<256x3072xbf16>
    %dot_general3A_421 = arith.constant dense<0.000000e+00> : vector<512x3072xf32>
    %dot_general3A_422 = tpu.matmul %convert_element_type3A_417, %get3A_420, %dot_general3A_421 {dimension_numbers = #tpu.dot_dimension_numbers<[1], [0], [0], [1], [0, 0, 1, 1], [], []>, transpose_lhs_hint = false} : vector<512x256xbf16>, vector<256x3072xbf16>, vector<512x3072xf32> -> vector<512x3072xf32>
    %slice3A_423 = vector.extract_strided_slice %dot_general3A_422 {offsets = [0, 1024], sizes = [512, 1024], strides = [1, 1]} : vector<512x3072xf32> to vector<512x1024xf32>
    %slice3A_424 = vector.extract_strided_slice %dot_general3A_422 {offsets = [0, 0], sizes = [512, 1024], strides = [1, 1]} : vector<512x3072xf32> to vector<512x1024xf32>
    %broadcast_in_dim3A_425 = arith.constant 0.000000e+00 : f32
    %broadcast_in_dim3A_426 = vector.broadcast %broadcast_in_dim3A_425 : f32 to vector<1x1024xf32>
    %slice3A_427 = vector.extract_strided_slice %slice3A_424 {offsets = [0, 0], sizes = [511, 1024], strides = [1, 1]} : vector<512x1024xf32> to vector<511x1024xf32>
    %concatenate3A_428 = tpu.concatenate %broadcast_in_dim3A_426, %slice3A_427 in 0 : vector<1x1024xf32>, vector<511x1024xf32> -> vector<512x1024xf32>
    %add3A_429 = arith.addf %slice3A_423, %concatenate3A_428 : vector<512x1024xf32>
    %slice3A_430 = vector.extract_strided_slice %dot_general3A_422 {offsets = [0, 2048], sizes = [512, 1024], strides = [1, 1]} : vector<512x3072xf32> to vector<512x1024xf32>
    %broadcast_in_dim3A_431 = arith.constant 0.000000e+00 : f32
    %broadcast_in_dim3A_432 = vector.broadcast %broadcast_in_dim3A_431 : f32 to vector<1x1024xf32>
    %slice3A_433 = vector.extract_strided_slice %slice3A_430 {offsets = [1, 0], sizes = [511, 1024], strides = [1, 1]} : vector<512x1024xf32> to vector<511x1024xf32>
    %concatenate3A_434 = tpu.concatenate %slice3A_433, %broadcast_in_dim3A_432 in 0 : vector<511x1024xf32>, vector<1x1024xf32> -> vector<512x1024xf32>
    %add3A_435 = arith.addf %add3A_429, %concatenate3A_434 : vector<512x1024xf32>
    %broadcast_in_dim3A_436 = vector.shape_cast %get3A_416 : vector<1024xf32> to vector<1x1024xf32>
    %add3A_437 = vector.broadcast %broadcast_in_dim3A_436 : vector<1x1024xf32> to vector<512x1024xf32>
    %add3A_438 = arith.addf %add3A_435, %add3A_437 : vector<512x1024xf32>
    %max3A_439 = arith.constant 0.000000e+00 : f32
    %max3A_440 = vector.broadcast %max3A_439 : f32 to vector<512x1024xf32>
    %max3A_441 = arith.maximumf %add3A_438, %max3A_440 : vector<512x1024xf32>
    %get3A_442 = arith.constant 0 : index
    %get3A_443 = arith.constant 0 : index
    %get3A_444 = vector.load %arg5[%get3A_442, %get3A_443] : memref<1x256xf32, #tpu.memory_space<vmem>>, vector<1x256xf32>
    %get3A_445 = vector.shape_cast %get3A_444 : vector<1x256xf32> to vector<256xf32>
    %convert_element_type3A_446 = arith.truncf %max3A_441 : vector<512x1024xf32> to vector<512x1024xbf16>
    %get3A_447 = arith.constant 0 : index
    %get3A_448 = arith.constant 0 : index
    %get3A_449 = vector.load %arg4[%get3A_447, %get3A_448] : memref<1024x768xbf16, #tpu.memory_space<vmem>>, vector<1024x768xbf16>
    %dot_general3A_450 = arith.constant dense<0.000000e+00> : vector<512x768xf32>
    %dot_general3A_451 = tpu.matmul %convert_element_type3A_446, %get3A_449, %dot_general3A_450 {dimension_numbers = #tpu.dot_dimension_numbers<[1], [0], [0], [1], [0, 0, 1, 1], [], []>, transpose_lhs_hint = false} : vector<512x1024xbf16>, vector<1024x768xbf16>, vector<512x768xf32> -> vector<512x768xf32>
    %slice3A_452 = vector.extract_strided_slice %dot_general3A_451 {offsets = [0, 256], sizes = [512, 256], strides = [1, 1]} : vector<512x768xf32> to vector<512x256xf32>
    %slice3A_453 = vector.extract_strided_slice %dot_general3A_451 {offsets = [0, 0], sizes = [512, 256], strides = [1, 1]} : vector<512x768xf32> to vector<512x256xf32>
    %broadcast_in_dim3A_454 = arith.constant 0.000000e+00 : f32
    %broadcast_in_dim3A_455 = vector.broadcast %broadcast_in_dim3A_454 : f32 to vector<1x256xf32>
    %slice3A_456 = vector.extract_strided_slice %slice3A_453 {offsets = [0, 0], sizes = [511, 256], strides = [1, 1]} : vector<512x256xf32> to vector<511x256xf32>
    %concatenate3A_457 = tpu.concatenate %broadcast_in_dim3A_455, %slice3A_456 in 0 : vector<1x256xf32>, vector<511x256xf32> -> vector<512x256xf32>
    %add3A_458 = arith.addf %slice3A_452, %concatenate3A_457 : vector<512x256xf32>
    %slice3A_459 = vector.extract_strided_slice %dot_general3A_451 {offsets = [0, 512], sizes = [512, 256], strides = [1, 1]} : vector<512x768xf32> to vector<512x256xf32>
    %broadcast_in_dim3A_460 = arith.constant 0.000000e+00 : f32
    %broadcast_in_dim3A_461 = vector.broadcast %broadcast_in_dim3A_460 : f32 to vector<1x256xf32>
    %slice3A_462 = vector.extract_strided_slice %slice3A_459 {offsets = [1, 0], sizes = [511, 256], strides = [1, 1]} : vector<512x256xf32> to vector<511x256xf32>
    %concatenate3A_463 = tpu.concatenate %slice3A_462, %broadcast_in_dim3A_461 in 0 : vector<511x256xf32>, vector<1x256xf32> -> vector<512x256xf32>
    %add3A_464 = arith.addf %add3A_458, %concatenate3A_463 : vector<512x256xf32>
    %broadcast_in_dim3A_465 = vector.shape_cast %get3A_445 : vector<256xf32> to vector<1x256xf32>
    %add3A_466 = vector.broadcast %broadcast_in_dim3A_465 : vector<1x256xf32> to vector<512x256xf32>
    %add3A_467 = arith.addf %add3A_464, %add3A_466 : vector<512x256xf32>
    %max3A_468 = arith.constant 0.000000e+00 : f32
    %max3A_469 = vector.broadcast %max3A_468 : f32 to vector<512x256xf32>
    %max3A_470 = arith.maximumf %add3A_467, %max3A_469 : vector<512x256xf32>
    %get3A_471 = arith.constant 0 : index
    %get3A_472 = arith.constant 0 : index
    %get3A_473 = vector.load %arg6[%get3A_471, %get3A_472] : memref<1x256xf32, #tpu.memory_space<vmem>>, vector<1x256xf32>
    %get3A_474 = vector.shape_cast %get3A_473 : vector<1x256xf32> to vector<256xf32>
    %get3A_475 = arith.constant 0 : index
    %get3A_476 = arith.constant 0 : index
    %get3A_477 = vector.load %arg7[%get3A_475, %get3A_476] : memref<1x256xf32, #tpu.memory_space<vmem>>, vector<1x256xf32>
    %get3A_478 = vector.shape_cast %get3A_477 : vector<1x256xf32> to vector<256xf32>
    %reduce_sum3A_479 = arith.constant dense<0.000000e+00> : vector<512xf32>
    %reduce_sum3A_480 = vector.multi_reduction <add>, %max3A_470, %reduce_sum3A_479 [1] : vector<512x256xf32> to vector<512xf32>
    %broadcast_in_dim3A_481 = vector.shape_cast %reduce_sum3A_480 : vector<512xf32> to vector<512x1xf32>
    %div3A_482 = arith.constant 2.560000e+02 : f32
    %div3A_483 = vector.broadcast %div3A_482 : f32 to vector<512x1xf32>
    %div3A_484 = arith.divf %broadcast_in_dim3A_481, %div3A_483 : vector<512x1xf32>
    %sub3A_485 = vector.broadcast %div3A_484 : vector<512x1xf32> to vector<512x256xf32>
    %sub3A_486 = arith.subf %max3A_470, %sub3A_485 : vector<512x256xf32>
    %mul3A_487 = arith.mulf %sub3A_486, %sub3A_486 : vector<512x256xf32>
    %reduce_sum3A_488 = arith.constant dense<0.000000e+00> : vector<512xf32>
    %reduce_sum3A_489 = vector.multi_reduction <add>, %mul3A_487, %reduce_sum3A_488 [1] : vector<512x256xf32> to vector<512xf32>
    %broadcast_in_dim3A_490 = vector.shape_cast %reduce_sum3A_489 : vector<512xf32> to vector<512x1xf32>
    %div3A_491 = arith.constant 2.560000e+02 : f32
    %div3A_492 = vector.broadcast %div3A_491 : f32 to vector<512x1xf32>
    %div3A_493 = arith.divf %broadcast_in_dim3A_490, %div3A_492 : vector<512x1xf32>
    %add3A_494 = arith.constant 9.99999974E-6 : f32
    %add3A_495 = vector.broadcast %add3A_494 : f32 to vector<512x1xf32>
    %add3A_496 = arith.addf %div3A_493, %add3A_495 : vector<512x1xf32>
    %rsqrt3A_497 = math.rsqrt %add3A_496 : vector<512x1xf32>
    %mul3A_498 = vector.broadcast %rsqrt3A_497 : vector<512x1xf32> to vector<512x256xf32>
    %mul3A_499 = arith.mulf %sub3A_486, %mul3A_498 : vector<512x256xf32>
    %broadcast_in_dim3A_500 = vector.shape_cast %get3A_474 : vector<256xf32> to vector<1x256xf32>
    %mul3A_501 = vector.broadcast %broadcast_in_dim3A_500 : vector<1x256xf32> to vector<512x256xf32>
    %mul3A_502 = arith.mulf %mul3A_499, %mul3A_501 : vector<512x256xf32>
    %broadcast_in_dim3A_503 = vector.shape_cast %get3A_478 : vector<256xf32> to vector<1x256xf32>
    %add3A_504 = vector.broadcast %broadcast_in_dim3A_503 : vector<1x256xf32> to vector<512x256xf32>
    %add3A_505 = arith.addf %mul3A_502, %add3A_504 : vector<512x256xf32>
    %get3A_506 = arith.constant 0 : index
    %get3A_507 = arith.constant 0 : index
    %get3A_508 = vector.load %arg9[%get3A_506, %get3A_507] : memref<1x1024xf32, #tpu.memory_space<vmem>>, vector<1x1024xf32>
    %get3A_509 = vector.shape_cast %get3A_508 : vector<1x1024xf32> to vector<1024xf32>
    %convert_element_type3A_510 = arith.truncf %add3A_505 : vector<512x256xf32> to vector<512x256xbf16>
    %get3A_511 = arith.constant 0 : index
    %get3A_512 = arith.constant 0 : index
    %get3A_513 = vector.load %arg8[%get3A_511, %get3A_512] : memref<256x3072xbf16, #tpu.memory_space<vmem>>, vector<256x3072xbf16>
    %dot_general3A_514 = arith.constant dense<0.000000e+00> : vector<512x3072xf32>
    %dot_general3A_515 = tpu.matmul %convert_element_type3A_510, %get3A_513, %dot_general3A_514 {dimension_numbers = #tpu.dot_dimension_numbers<[1], [0], [0], [1], [0, 0, 1, 1], [], []>, transpose_lhs_hint = false} : vector<512x256xbf16>, vector<256x3072xbf16>, vector<512x3072xf32> -> vector<512x3072xf32>
    %slice3A_516 = vector.extract_strided_slice %dot_general3A_515 {offsets = [0, 1024], sizes = [512, 1024], strides = [1, 1]} : vector<512x3072xf32> to vector<512x1024xf32>
    %slice3A_517 = vector.extract_strided_slice %dot_general3A_515 {offsets = [0, 0], sizes = [512, 1024], strides = [1, 1]} : vector<512x3072xf32> to vector<512x1024xf32>
    %broadcast_in_dim3A_518 = arith.constant 0.000000e+00 : f32
    %broadcast_in_dim3A_519 = vector.broadcast %broadcast_in_dim3A_518 : f32 to vector<1x1024xf32>
    %slice3A_520 = vector.extract_strided_slice %slice3A_517 {offsets = [0, 0], sizes = [511, 1024], strides = [1, 1]} : vector<512x1024xf32> to vector<511x1024xf32>
    %concatenate3A_521 = tpu.concatenate %broadcast_in_dim3A_519, %slice3A_520 in 0 : vector<1x1024xf32>, vector<511x1024xf32> -> vector<512x1024xf32>
    %add3A_522 = arith.addf %slice3A_516, %concatenate3A_521 : vector<512x1024xf32>
    %slice3A_523 = vector.extract_strided_slice %dot_general3A_515 {offsets = [0, 2048], sizes = [512, 1024], strides = [1, 1]} : vector<512x3072xf32> to vector<512x1024xf32>
    %broadcast_in_dim3A_524 = arith.constant 0.000000e+00 : f32
    %broadcast_in_dim3A_525 = vector.broadcast %broadcast_in_dim3A_524 : f32 to vector<1x1024xf32>
    %slice3A_526 = vector.extract_strided_slice %slice3A_523 {offsets = [1, 0], sizes = [511, 1024], strides = [1, 1]} : vector<512x1024xf32> to vector<511x1024xf32>
    %concatenate3A_527 = tpu.concatenate %slice3A_526, %broadcast_in_dim3A_525 in 0 : vector<511x1024xf32>, vector<1x1024xf32> -> vector<512x1024xf32>
    %add3A_528 = arith.addf %add3A_522, %concatenate3A_527 : vector<512x1024xf32>
    %broadcast_in_dim3A_529 = vector.shape_cast %get3A_509 : vector<1024xf32> to vector<1x1024xf32>
    %add3A_530 = vector.broadcast %broadcast_in_dim3A_529 : vector<1x1024xf32> to vector<512x1024xf32>
    %add3A_531 = arith.addf %add3A_528, %add3A_530 : vector<512x1024xf32>
    %max3A_532 = arith.constant 0.000000e+00 : f32
    %max3A_533 = vector.broadcast %max3A_532 : f32 to vector<512x1024xf32>
    %max3A_534 = arith.maximumf %add3A_531, %max3A_533 : vector<512x1024xf32>
    %get3A_535 = arith.constant 0 : index
    %get3A_536 = arith.constant 0 : index
    %get3A_537 = vector.load %arg11[%get3A_535, %get3A_536] : memref<1x256xf32, #tpu.memory_space<vmem>>, vector<1x256xf32>
    %get3A_538 = vector.shape_cast %get3A_537 : vector<1x256xf32> to vector<256xf32>
    %convert_element_type3A_539 = arith.truncf %max3A_534 : vector<512x1024xf32> to vector<512x1024xbf16>
    %get3A_540 = arith.constant 0 : index
    %get3A_541 = arith.constant 0 : index
    %get3A_542 = vector.load %arg10[%get3A_540, %get3A_541] : memref<1024x768xbf16, #tpu.memory_space<vmem>>, vector<1024x768xbf16>
    %dot_general3A_543 = arith.constant dense<0.000000e+00> : vector<512x768xf32>
    %dot_general3A_544 = tpu.matmul %convert_element_type3A_539, %get3A_542, %dot_general3A_543 {dimension_numbers = #tpu.dot_dimension_numbers<[1], [0], [0], [1], [0, 0, 1, 1], [], []>, transpose_lhs_hint = false} : vector<512x1024xbf16>, vector<1024x768xbf16>, vector<512x768xf32> -> vector<512x768xf32>
    %slice3A_545 = vector.extract_strided_slice %dot_general3A_544 {offsets = [0, 256], sizes = [512, 256], strides = [1, 1]} : vector<512x768xf32> to vector<512x256xf32>
    %slice3A_546 = vector.extract_strided_slice %dot_general3A_544 {offsets = [0, 0], sizes = [512, 256], strides = [1, 1]} : vector<512x768xf32> to vector<512x256xf32>
    %broadcast_in_dim3A_547 = arith.constant 0.000000e+00 : f32
    %broadcast_in_dim3A_548 = vector.broadcast %broadcast_in_dim3A_547 : f32 to vector<1x256xf32>
    %slice3A_549 = vector.extract_strided_slice %slice3A_546 {offsets = [0, 0], sizes = [511, 256], strides = [1, 1]} : vector<512x256xf32> to vector<511x256xf32>
    %concatenate3A_550 = tpu.concatenate %broadcast_in_dim3A_548, %slice3A_549 in 0 : vector<1x256xf32>, vector<511x256xf32> -> vector<512x256xf32>
    %add3A_551 = arith.addf %slice3A_545, %concatenate3A_550 : vector<512x256xf32>
    %slice3A_552 = vector.extract_strided_slice %dot_general3A_544 {offsets = [0, 512], sizes = [512, 256], strides = [1, 1]} : vector<512x768xf32> to vector<512x256xf32>
    %broadcast_in_dim3A_553 = arith.constant 0.000000e+00 : f32
    %broadcast_in_dim3A_554 = vector.broadcast %broadcast_in_dim3A_553 : f32 to vector<1x256xf32>
    %slice3A_555 = vector.extract_strided_slice %slice3A_552 {offsets = [1, 0], sizes = [511, 256], strides = [1, 1]} : vector<512x256xf32> to vector<511x256xf32>
    %concatenate3A_556 = tpu.concatenate %slice3A_555, %broadcast_in_dim3A_554 in 0 : vector<511x256xf32>, vector<1x256xf32> -> vector<512x256xf32>
    %add3A_557 = arith.addf %add3A_551, %concatenate3A_556 : vector<512x256xf32>
    %broadcast_in_dim3A_558 = vector.shape_cast %get3A_538 : vector<256xf32> to vector<1x256xf32>
    %add3A_559 = vector.broadcast %broadcast_in_dim3A_558 : vector<1x256xf32> to vector<512x256xf32>
    %add3A_560 = arith.addf %add3A_557, %add3A_559 : vector<512x256xf32>
    %max3A_561 = arith.constant 0.000000e+00 : f32
    %max3A_562 = vector.broadcast %max3A_561 : f32 to vector<512x256xf32>
    %max3A_563 = arith.maximumf %add3A_560, %max3A_562 : vector<512x256xf32>
    %get3A_564 = arith.constant 0 : index
    %get3A_565 = arith.constant 0 : index
    %get3A_566 = vector.load %arg12[%get3A_564, %get3A_565] : memref<1x256xf32, #tpu.memory_space<vmem>>, vector<1x256xf32>
    %get3A_567 = vector.shape_cast %get3A_566 : vector<1x256xf32> to vector<256xf32>
    %get3A_568 = arith.constant 0 : index
    %get3A_569 = arith.constant 0 : index
    %get3A_570 = vector.load %arg13[%get3A_568, %get3A_569] : memref<1x256xf32, #tpu.memory_space<vmem>>, vector<1x256xf32>
    %get3A_571 = vector.shape_cast %get3A_570 : vector<1x256xf32> to vector<256xf32>
    %reduce_sum3A_572 = arith.constant dense<0.000000e+00> : vector<512xf32>
    %reduce_sum3A_573 = vector.multi_reduction <add>, %max3A_563, %reduce_sum3A_572 [1] : vector<512x256xf32> to vector<512xf32>
    %broadcast_in_dim3A_574 = vector.shape_cast %reduce_sum3A_573 : vector<512xf32> to vector<512x1xf32>
    %div3A_575 = arith.constant 2.560000e+02 : f32
    %div3A_576 = vector.broadcast %div3A_575 : f32 to vector<512x1xf32>
    %div3A_577 = arith.divf %broadcast_in_dim3A_574, %div3A_576 : vector<512x1xf32>
    %sub3A_578 = vector.broadcast %div3A_577 : vector<512x1xf32> to vector<512x256xf32>
    %sub3A_579 = arith.subf %max3A_563, %sub3A_578 : vector<512x256xf32>
    %mul3A_580 = arith.mulf %sub3A_579, %sub3A_579 : vector<512x256xf32>
    %reduce_sum3A_581 = arith.constant dense<0.000000e+00> : vector<512xf32>
    %reduce_sum3A_582 = vector.multi_reduction <add>, %mul3A_580, %reduce_sum3A_581 [1] : vector<512x256xf32> to vector<512xf32>
    %broadcast_in_dim3A_583 = vector.shape_cast %reduce_sum3A_582 : vector<512xf32> to vector<512x1xf32>
    %div3A_584 = arith.constant 2.560000e+02 : f32
    %div3A_585 = vector.broadcast %div3A_584 : f32 to vector<512x1xf32>
    %div3A_586 = arith.divf %broadcast_in_dim3A_583, %div3A_585 : vector<512x1xf32>
    %add3A_587 = arith.constant 9.99999974E-6 : f32
    %add3A_588 = vector.broadcast %add3A_587 : f32 to vector<512x1xf32>
    %add3A_589 = arith.addf %div3A_586, %add3A_588 : vector<512x1xf32>
    %rsqrt3A_590 = math.rsqrt %add3A_589 : vector<512x1xf32>
    %mul3A_591 = vector.broadcast %rsqrt3A_590 : vector<512x1xf32> to vector<512x256xf32>
    %mul3A_592 = arith.mulf %sub3A_579, %mul3A_591 : vector<512x256xf32>
    %broadcast_in_dim3A_593 = vector.shape_cast %get3A_567 : vector<256xf32> to vector<1x256xf32>
    %mul3A_594 = vector.broadcast %broadcast_in_dim3A_593 : vector<1x256xf32> to vector<512x256xf32>
    %mul3A_595 = arith.mulf %mul3A_592, %mul3A_594 : vector<512x256xf32>
    %broadcast_in_dim3A_596 = vector.shape_cast %get3A_571 : vector<256xf32> to vector<1x256xf32>
    %add3A_597 = vector.broadcast %broadcast_in_dim3A_596 : vector<1x256xf32> to vector<512x256xf32>
    %add3A_598 = arith.addf %mul3A_595, %add3A_597 : vector<512x256xf32>
    %convert_element_type3A_599 = arith.truncf %add3A_598 : vector<512x256xf32> to vector<512x256xbf16>
    %get3A_600 = arith.constant 0 : index
    %get3A_601 = arith.constant 0 : index
    %get3A_602 = vector.load %arg14[%get3A_600, %get3A_601] : memref<256x1xbf16, #tpu.memory_space<vmem>>, vector<256x1xbf16>
    %dot_general3A_603 = arith.constant dense<0.000000e+00> : vector<512x1xf32>
    %dot_general3A_604 = tpu.matmul %convert_element_type3A_599, %get3A_602, %dot_general3A_603 {dimension_numbers = #tpu.dot_dimension_numbers<[1], [0], [0], [1], [0, 0, 1, 1], [], []>, transpose_lhs_hint = false} : vector<512x256xbf16>, vector<256x1xbf16>, vector<512x1xf32> -> vector<512x1xf32>
    %get3A_605 = arith.constant 0 : index
    %get3A_606 = arith.constant 0 : index
    %get3A_607 = vector.load %arg15[%get3A_605, %get3A_606] : memref<1x1xf32, #tpu.memory_space<vmem>>, vector<1x1xf32>
    %get3A_608 = vector.shape_cast %get3A_607 : vector<1x1xf32> to vector<1xf32>
    %broadcast_in_dim3A_609 = vector.shape_cast %get3A_608 : vector<1xf32> to vector<1x1xf32>
    %add3A_610 = vector.broadcast %broadcast_in_dim3A_609 : vector<1x1xf32> to vector<512x1xf32>
    %add3A_611 = arith.addf %dot_general3A_604, %add3A_610 : vector<512x1xf32>
    %reshape3A_612 = vector.shape_cast %add3A_611 : vector<512x1xf32> to vector<1x512xf32>
    %squeeze3A_613 = vector.shape_cast %reshape3A_612 : vector<1x512xf32> to vector<512xf32>
    %swap3A_614 = arith.constant 0 : index
    %swap3A_615 = arith.constant 2 : index
    %swap3A_616 = arith.constant 0 : index
    %swap3A_617 = vector.load %arg16[%swap3A_614, %swap3A_615, %swap3A_616] : memref<1x4x512xf32, #tpu.memory_space<vmem>>, vector<1x1x512xf32>
    %swap3A_618 = vector.shape_cast %swap3A_617 : vector<1x1x512xf32> to vector<512xf32>
    %swap3A_619 = vector.shape_cast %squeeze3A_613 : vector<512xf32> to vector<1x1x512xf32>
    tpu.vector_store %arg16[%swap3A_614, %swap3A_615, %swap3A_616], %swap3A_619 {strides = array<i32>} : memref<1x4x512xf32, #tpu.memory_space<vmem>>, vector<1x1x512xf32>,
    %get3A_620 = arith.constant 3 : index
    %get3A_621 = arith.constant 0 : index
    %get3A_622 = arith.constant 0 : index
    %get3A_623 = vector.load %arg1[%get3A_620, %get3A_621, %get3A_622] : memref<4x512x256xf32, #tpu.memory_space<vmem>>, vector<1x512x256xf32>
    %get3A_624 = vector.shape_cast %get3A_623 : vector<1x512x256xf32> to vector<512x256xf32>
    %get3A_625 = arith.constant 0 : index
    %get3A_626 = arith.constant 0 : index
    %get3A_627 = vector.load %arg3[%get3A_625, %get3A_626] : memref<1x1024xf32, #tpu.memory_space<vmem>>, vector<1x1024xf32>
    %get3A_628 = vector.shape_cast %get3A_627 : vector<1x1024xf32> to vector<1024xf32>
    %convert_element_type3A_629 = arith.truncf %get3A_624 : vector<512x256xf32> to vector<512x256xbf16>
    %get3A_630 = arith.constant 0 : index
    %get3A_631 = arith.constant 0 : index
    %get3A_632 = vector.load %arg2[%get3A_630, %get3A_631] : memref<256x3072xbf16, #tpu.memory_space<vmem>>, vector<256x3072xbf16>
    %dot_general3A_633 = arith.constant dense<0.000000e+00> : vector<512x3072xf32>
    %dot_general3A_634 = tpu.matmul %convert_element_type3A_629, %get3A_632, %dot_general3A_633 {dimension_numbers = #tpu.dot_dimension_numbers<[1], [0], [0], [1], [0, 0, 1, 1], [], []>, transpose_lhs_hint = false} : vector<512x256xbf16>, vector<256x3072xbf16>, vector<512x3072xf32> -> vector<512x3072xf32>
    %slice3A_635 = vector.extract_strided_slice %dot_general3A_634 {offsets = [0, 1024], sizes = [512, 1024], strides = [1, 1]} : vector<512x3072xf32> to vector<512x1024xf32>
    %slice3A_636 = vector.extract_strided_slice %dot_general3A_634 {offsets = [0, 0], sizes = [512, 1024], strides = [1, 1]} : vector<512x3072xf32> to vector<512x1024xf32>
    %broadcast_in_dim3A_637 = arith.constant 0.000000e+00 : f32
    %broadcast_in_dim3A_638 = vector.broadcast %broadcast_in_dim3A_637 : f32 to vector<1x1024xf32>
    %slice3A_639 = vector.extract_strided_slice %slice3A_636 {offsets = [0, 0], sizes = [511, 1024], strides = [1, 1]} : vector<512x1024xf32> to vector<511x1024xf32>
    %concatenate3A_640 = tpu.concatenate %broadcast_in_dim3A_638, %slice3A_639 in 0 : vector<1x1024xf32>, vector<511x1024xf32> -> vector<512x1024xf32>
    %add3A_641 = arith.addf %slice3A_635, %concatenate3A_640 : vector<512x1024xf32>
    %slice3A_642 = vector.extract_strided_slice %dot_general3A_634 {offsets = [0, 2048], sizes = [512, 1024], strides = [1, 1]} : vector<512x3072xf32> to vector<512x1024xf32>
    %broadcast_in_dim3A_643 = arith.constant 0.000000e+00 : f32
    %broadcast_in_dim3A_644 = vector.broadcast %broadcast_in_dim3A_643 : f32 to vector<1x1024xf32>
    %slice3A_645 = vector.extract_strided_slice %slice3A_642 {offsets = [1, 0], sizes = [511, 1024], strides = [1, 1]} : vector<512x1024xf32> to vector<511x1024xf32>
    %concatenate3A_646 = tpu.concatenate %slice3A_645, %broadcast_in_dim3A_644 in 0 : vector<511x1024xf32>, vector<1x1024xf32> -> vector<512x1024xf32>
    %add3A_647 = arith.addf %add3A_641, %concatenate3A_646 : vector<512x1024xf32>
    %broadcast_in_dim3A_648 = vector.shape_cast %get3A_628 : vector<1024xf32> to vector<1x1024xf32>
    %add3A_649 = vector.broadcast %broadcast_in_dim3A_648 : vector<1x1024xf32> to vector<512x1024xf32>
    %add3A_650 = arith.addf %add3A_647, %add3A_649 : vector<512x1024xf32>
    %max3A_651 = arith.constant 0.000000e+00 : f32
    %max3A_652 = vector.broadcast %max3A_651 : f32 to vector<512x1024xf32>
    %max3A_653 = arith.maximumf %add3A_650, %max3A_652 : vector<512x1024xf32>
    %get3A_654 = arith.constant 0 : index
    %get3A_655 = arith.constant 0 : index
    %get3A_656 = vector.load %arg5[%get3A_654, %get3A_655] : memref<1x256xf32, #tpu.memory_space<vmem>>, vector<1x256xf32>
    %get3A_657 = vector.shape_cast %get3A_656 : vector<1x256xf32> to vector<256xf32>
    %convert_element_type3A_658 = arith.truncf %max3A_653 : vector<512x1024xf32> to vector<512x1024xbf16>
    %get3A_659 = arith.constant 0 : index
    %get3A_660 = arith.constant 0 : index
    %get3A_661 = vector.load %arg4[%get3A_659, %get3A_660] : memref<1024x768xbf16, #tpu.memory_space<vmem>>, vector<1024x768xbf16>
    %dot_general3A_662 = arith.constant dense<0.000000e+00> : vector<512x768xf32>
    %dot_general3A_663 = tpu.matmul %convert_element_type3A_658, %get3A_661, %dot_general3A_662 {dimension_numbers = #tpu.dot_dimension_numbers<[1], [0], [0], [1], [0, 0, 1, 1], [], []>, transpose_lhs_hint = false} : vector<512x1024xbf16>, vector<1024x768xbf16>, vector<512x768xf32> -> vector<512x768xf32>
    %slice3A_664 = vector.extract_strided_slice %dot_general3A_663 {offsets = [0, 256], sizes = [512, 256], strides = [1, 1]} : vector<512x768xf32> to vector<512x256xf32>
    %slice3A_665 = vector.extract_strided_slice %dot_general3A_663 {offsets = [0, 0], sizes = [512, 256], strides = [1, 1]} : vector<512x768xf32> to vector<512x256xf32>
    %broadcast_in_dim3A_666 = arith.constant 0.000000e+00 : f32
    %broadcast_in_dim3A_667 = vector.broadcast %broadcast_in_dim3A_666 : f32 to vector<1x256xf32>
    %slice3A_668 = vector.extract_strided_slice %slice3A_665 {offsets = [0, 0], sizes = [511, 256], strides = [1, 1]} : vector<512x256xf32> to vector<511x256xf32>
    %concatenate3A_669 = tpu.concatenate %broadcast_in_dim3A_667, %slice3A_668 in 0 : vector<1x256xf32>, vector<511x256xf32> -> vector<512x256xf32>
    %add3A_670 = arith.addf %slice3A_664, %concatenate3A_669 : vector<512x256xf32>
    %slice3A_671 = vector.extract_strided_slice %dot_general3A_663 {offsets = [0, 512], sizes = [512, 256], strides = [1, 1]} : vector<512x768xf32> to vector<512x256xf32>
    %broadcast_in_dim3A_672 = arith.constant 0.000000e+00 : f32
    %broadcast_in_dim3A_673 = vector.broadcast %broadcast_in_dim3A_672 : f32 to vector<1x256xf32>
    %slice3A_674 = vector.extract_strided_slice %slice3A_671 {offsets = [1, 0], sizes = [511, 256], strides = [1, 1]} : vector<512x256xf32> to vector<511x256xf32>
    %concatenate3A_675 = tpu.concatenate %slice3A_674, %broadcast_in_dim3A_673 in 0 : vector<511x256xf32>, vector<1x256xf32> -> vector<512x256xf32>
    %add3A_676 = arith.addf %add3A_670, %concatenate3A_675 : vector<512x256xf32>
    %broadcast_in_dim3A_677 = vector.shape_cast %get3A_657 : vector<256xf32> to vector<1x256xf32>
    %add3A_678 = vector.broadcast %broadcast_in_dim3A_677 : vector<1x256xf32> to vector<512x256xf32>
    %add3A_679 = arith.addf %add3A_676, %add3A_678 : vector<512x256xf32>
    %max3A_680 = arith.constant 0.000000e+00 : f32
    %max3A_681 = vector.broadcast %max3A_680 : f32 to vector<512x256xf32>
    %max3A_682 = arith.maximumf %add3A_679, %max3A_681 : vector<512x256xf32>
    %get3A_683 = arith.constant 0 : index
    %get3A_684 = arith.constant 0 : index
    %get3A_685 = vector.load %arg6[%get3A_683, %get3A_684] : memref<1x256xf32, #tpu.memory_space<vmem>>, vector<1x256xf32>
    %get3A_686 = vector.shape_cast %get3A_685 : vector<1x256xf32> to vector<256xf32>
    %get3A_687 = arith.constant 0 : index
    %get3A_688 = arith.constant 0 : index
    %get3A_689 = vector.load %arg7[%get3A_687, %get3A_688] : memref<1x256xf32, #tpu.memory_space<vmem>>, vector<1x256xf32>
    %get3A_690 = vector.shape_cast %get3A_689 : vector<1x256xf32> to vector<256xf32>
    %reduce_sum3A_691 = arith.constant dense<0.000000e+00> : vector<512xf32>
    %reduce_sum3A_692 = vector.multi_reduction <add>, %max3A_682, %reduce_sum3A_691 [1] : vector<512x256xf32> to vector<512xf32>
    %broadcast_in_dim3A_693 = vector.shape_cast %reduce_sum3A_692 : vector<512xf32> to vector<512x1xf32>
    %div3A_694 = arith.constant 2.560000e+02 : f32
    %div3A_695 = vector.broadcast %div3A_694 : f32 to vector<512x1xf32>
    %div3A_696 = arith.divf %broadcast_in_dim3A_693, %div3A_695 : vector<512x1xf32>
    %sub3A_697 = vector.broadcast %div3A_696 : vector<512x1xf32> to vector<512x256xf32>
    %sub3A_698 = arith.subf %max3A_682, %sub3A_697 : vector<512x256xf32>
    %mul3A_699 = arith.mulf %sub3A_698, %sub3A_698 : vector<512x256xf32>
    %reduce_sum3A_700 = arith.constant dense<0.000000e+00> : vector<512xf32>
    %reduce_sum3A_701 = vector.multi_reduction <add>, %mul3A_699, %reduce_sum3A_700 [1] : vector<512x256xf32> to vector<512xf32>
    %broadcast_in_dim3A_702 = vector.shape_cast %reduce_sum3A_701 : vector<512xf32> to vector<512x1xf32>
    %div3A_703 = arith.constant 2.560000e+02 : f32
    %div3A_704 = vector.broadcast %div3A_703 : f32 to vector<512x1xf32>
    %div3A_705 = arith.divf %broadcast_in_dim3A_702, %div3A_704 : vector<512x1xf32>
    %add3A_706 = arith.constant 9.99999974E-6 : f32
    %add3A_707 = vector.broadcast %add3A_706 : f32 to vector<512x1xf32>
    %add3A_708 = arith.addf %div3A_705, %add3A_707 : vector<512x1xf32>
    %rsqrt3A_709 = math.rsqrt %add3A_708 : vector<512x1xf32>
    %mul3A_710 = vector.broadcast %rsqrt3A_709 : vector<512x1xf32> to vector<512x256xf32>
    %mul3A_711 = arith.mulf %sub3A_698, %mul3A_710 : vector<512x256xf32>
    %broadcast_in_dim3A_712 = vector.shape_cast %get3A_686 : vector<256xf32> to vector<1x256xf32>
    %mul3A_713 = vector.broadcast %broadcast_in_dim3A_712 : vector<1x256xf32> to vector<512x256xf32>
    %mul3A_714 = arith.mulf %mul3A_711, %mul3A_713 : vector<512x256xf32>
    %broadcast_in_dim3A_715 = vector.shape_cast %get3A_690 : vector<256xf32> to vector<1x256xf32>
    %add3A_716 = vector.broadcast %broadcast_in_dim3A_715 : vector<1x256xf32> to vector<512x256xf32>
    %add3A_717 = arith.addf %mul3A_714, %add3A_716 : vector<512x256xf32>
    %get3A_718 = arith.constant 0 : index
    %get3A_719 = arith.constant 0 : index
    %get3A_720 = vector.load %arg9[%get3A_718, %get3A_719] : memref<1x1024xf32, #tpu.memory_space<vmem>>, vector<1x1024xf32>
    %get3A_721 = vector.shape_cast %get3A_720 : vector<1x1024xf32> to vector<1024xf32>
    %convert_element_type3A_722 = arith.truncf %add3A_717 : vector<512x256xf32> to vector<512x256xbf16>
    %get3A_723 = arith.constant 0 : index
    %get3A_724 = arith.constant 0 : index
    %get3A_725 = vector.load %arg8[%get3A_723, %get3A_724] : memref<256x3072xbf16, #tpu.memory_space<vmem>>, vector<256x3072xbf16>
    %dot_general3A_726 = arith.constant dense<0.000000e+00> : vector<512x3072xf32>
    %dot_general3A_727 = tpu.matmul %convert_element_type3A_722, %get3A_725, %dot_general3A_726 {dimension_numbers = #tpu.dot_dimension_numbers<[1], [0], [0], [1], [0, 0, 1, 1], [], []>, transpose_lhs_hint = false} : vector<512x256xbf16>, vector<256x3072xbf16>, vector<512x3072xf32> -> vector<512x3072xf32>
    %slice3A_728 = vector.extract_strided_slice %dot_general3A_727 {offsets = [0, 1024], sizes = [512, 1024], strides = [1, 1]} : vector<512x3072xf32> to vector<512x1024xf32>
    %slice3A_729 = vector.extract_strided_slice %dot_general3A_727 {offsets = [0, 0], sizes = [512, 1024], strides = [1, 1]} : vector<512x3072xf32> to vector<512x1024xf32>
    %broadcast_in_dim3A_730 = arith.constant 0.000000e+00 : f32
    %broadcast_in_dim3A_731 = vector.broadcast %broadcast_in_dim3A_730 : f32 to vector<1x1024xf32>
    %slice3A_732 = vector.extract_strided_slice %slice3A_729 {offsets = [0, 0], sizes = [511, 1024], strides = [1, 1]} : vector<512x1024xf32> to vector<511x1024xf32>
    %concatenate3A_733 = tpu.concatenate %broadcast_in_dim3A_731, %slice3A_732 in 0 : vector<1x1024xf32>, vector<511x1024xf32> -> vector<512x1024xf32>
    %add3A_734 = arith.addf %slice3A_728, %concatenate3A_733 : vector<512x1024xf32>
    %slice3A_735 = vector.extract_strided_slice %dot_general3A_727 {offsets = [0, 2048], sizes = [512, 1024], strides = [1, 1]} : vector<512x3072xf32> to vector<512x1024xf32>
    %broadcast_in_dim3A_736 = arith.constant 0.000000e+00 : f32
    %broadcast_in_dim3A_737 = vector.broadcast %broadcast_in_dim3A_736 : f32 to vector<1x1024xf32>
    %slice3A_738 = vector.extract_strided_slice %slice3A_735 {offsets = [1, 0], sizes = [511, 1024], strides = [1, 1]} : vector<512x1024xf32> to vector<511x1024xf32>
    %concatenate3A_739 = tpu.concatenate %slice3A_738, %broadcast_in_dim3A_737 in 0 : vector<511x1024xf32>, vector<1x1024xf32> -> vector<512x1024xf32>
    %add3A_740 = arith.addf %add3A_734, %concatenate3A_739 : vector<512x1024xf32>
    %broadcast_in_dim3A_741 = vector.shape_cast %get3A_721 : vector<1024xf32> to vector<1x1024xf32>
    %add3A_742 = vector.broadcast %broadcast_in_dim3A_741 : vector<1x1024xf32> to vector<512x1024xf32>
    %add3A_743 = arith.addf %add3A_740, %add3A_742 : vector<512x1024xf32>
    %max3A_744 = arith.constant 0.000000e+00 : f32
    %max3A_745 = vector.broadcast %max3A_744 : f32 to vector<512x1024xf32>
    %max3A_746 = arith.maximumf %add3A_743, %max3A_745 : vector<512x1024xf32>
    %get3A_747 = arith.constant 0 : index
    %get3A_748 = arith.constant 0 : index
    %get3A_749 = vector.load %arg11[%get3A_747, %get3A_748] : memref<1x256xf32, #tpu.memory_space<vmem>>, vector<1x256xf32>
    %get3A_750 = vector.shape_cast %get3A_749 : vector<1x256xf32> to vector<256xf32>
    %convert_element_type3A_751 = arith.truncf %max3A_746 : vector<512x1024xf32> to vector<512x1024xbf16>
    %get3A_752 = arith.constant 0 : index
    %get3A_753 = arith.constant 0 : index
    %get3A_754 = vector.load %arg10[%get3A_752, %get3A_753] : memref<1024x768xbf16, #tpu.memory_space<vmem>>, vector<1024x768xbf16>
    %dot_general3A_755 = arith.constant dense<0.000000e+00> : vector<512x768xf32>
    %dot_general3A_756 = tpu.matmul %convert_element_type3A_751, %get3A_754, %dot_general3A_755 {dimension_numbers = #tpu.dot_dimension_numbers<[1], [0], [0], [1], [0, 0, 1, 1], [], []>, transpose_lhs_hint = false} : vector<512x1024xbf16>, vector<1024x768xbf16>, vector<512x768xf32> -> vector<512x768xf32>
    %slice3A_757 = vector.extract_strided_slice %dot_general3A_756 {offsets = [0, 256], sizes = [512, 256], strides = [1, 1]} : vector<512x768xf32> to vector<512x256xf32>
    %slice3A_758 = vector.extract_strided_slice %dot_general3A_756 {offsets = [0, 0], sizes = [512, 256], strides = [1, 1]} : vector<512x768xf32> to vector<512x256xf32>
    %broadcast_in_dim3A_759 = arith.constant 0.000000e+00 : f32
    %broadcast_in_dim3A_760 = vector.broadcast %broadcast_in_dim3A_759 : f32 to vector<1x256xf32>
    %slice3A_761 = vector.extract_strided_slice %slice3A_758 {offsets = [0, 0], sizes = [511, 256], strides = [1, 1]} : vector<512x256xf32> to vector<511x256xf32>
    %concatenate3A_762 = tpu.concatenate %broadcast_in_dim3A_760, %slice3A_761 in 0 : vector<1x256xf32>, vector<511x256xf32> -> vector<512x256xf32>
    %add3A_763 = arith.addf %slice3A_757, %concatenate3A_762 : vector<512x256xf32>
    %slice3A_764 = vector.extract_strided_slice %dot_general3A_756 {offsets = [0, 512], sizes = [512, 256], strides = [1, 1]} : vector<512x768xf32> to vector<512x256xf32>
    %broadcast_in_dim3A_765 = arith.constant 0.000000e+00 : f32
    %broadcast_in_dim3A_766 = vector.broadcast %broadcast_in_dim3A_765 : f32 to vector<1x256xf32>
    %slice3A_767 = vector.extract_strided_slice %slice3A_764 {offsets = [1, 0], sizes = [511, 256], strides = [1, 1]} : vector<512x256xf32> to vector<511x256xf32>
    %concatenate3A_768 = tpu.concatenate %slice3A_767, %broadcast_in_dim3A_766 in 0 : vector<511x256xf32>, vector<1x256xf32> -> vector<512x256xf32>
    %add3A_769 = arith.addf %add3A_763, %concatenate3A_768 : vector<512x256xf32>
    %broadcast_in_dim3A_770 = vector.shape_cast %get3A_750 : vector<256xf32> to vector<1x256xf32>
    %add3A_771 = vector.broadcast %broadcast_in_dim3A_770 : vector<1x256xf32> to vector<512x256xf32>
    %add3A_772 = arith.addf %add3A_769, %add3A_771 : vector<512x256xf32>
    %max3A_773 = arith.constant 0.000000e+00 : f32
    %max3A_774 = vector.broadcast %max3A_773 : f32 to vector<512x256xf32>
    %max3A_775 = arith.maximumf %add3A_772, %max3A_774 : vector<512x256xf32>
    %get3A_776 = arith.constant 0 : index
    %get3A_777 = arith.constant 0 : index
    %get3A_778 = vector.load %arg12[%get3A_776, %get3A_777] : memref<1x256xf32, #tpu.memory_space<vmem>>, vector<1x256xf32>
    %get3A_779 = vector.shape_cast %get3A_778 : vector<1x256xf32> to vector<256xf32>
    %get3A_780 = arith.constant 0 : index
    %get3A_781 = arith.constant 0 : index
    %get3A_782 = vector.load %arg13[%get3A_780, %get3A_781] : memref<1x256xf32, #tpu.memory_space<vmem>>, vector<1x256xf32>
    %get3A_783 = vector.shape_cast %get3A_782 : vector<1x256xf32> to vector<256xf32>
    %reduce_sum3A_784 = arith.constant dense<0.000000e+00> : vector<512xf32>
    %reduce_sum3A_785 = vector.multi_reduction <add>, %max3A_775, %reduce_sum3A_784 [1] : vector<512x256xf32> to vector<512xf32>
    %broadcast_in_dim3A_786 = vector.shape_cast %reduce_sum3A_785 : vector<512xf32> to vector<512x1xf32>
    %div3A_787 = arith.constant 2.560000e+02 : f32
    %div3A_788 = vector.broadcast %div3A_787 : f32 to vector<512x1xf32>
    %div3A_789 = arith.divf %broadcast_in_dim3A_786, %div3A_788 : vector<512x1xf32>
    %sub3A_790 = vector.broadcast %div3A_789 : vector<512x1xf32> to vector<512x256xf32>
    %sub3A_791 = arith.subf %max3A_775, %sub3A_790 : vector<512x256xf32>
    %mul3A_792 = arith.mulf %sub3A_791, %sub3A_791 : vector<512x256xf32>
    %reduce_sum3A_793 = arith.constant dense<0.000000e+00> : vector<512xf32>
    %reduce_sum3A_794 = vector.multi_reduction <add>, %mul3A_792, %reduce_sum3A_793 [1] : vector<512x256xf32> to vector<512xf32>
    %broadcast_in_dim3A_795 = vector.shape_cast %reduce_sum3A_794 : vector<512xf32> to vector<512x1xf32>
    %div3A_796 = arith.constant 2.560000e+02 : f32
    %div3A_797 = vector.broadcast %div3A_796 : f32 to vector<512x1xf32>
    %div3A_798 = arith.divf %broadcast_in_dim3A_795, %div3A_797 : vector<512x1xf32>
    %add3A_799 = arith.constant 9.99999974E-6 : f32
    %add3A_800 = vector.broadcast %add3A_799 : f32 to vector<512x1xf32>
    %add3A_801 = arith.addf %div3A_798, %add3A_800 : vector<512x1xf32>
    %rsqrt3A_802 = math.rsqrt %add3A_801 : vector<512x1xf32>
    %mul3A_803 = vector.broadcast %rsqrt3A_802 : vector<512x1xf32> to vector<512x256xf32>
    %mul3A_804 = arith.mulf %sub3A_791, %mul3A_803 : vector<512x256xf32>
    %broadcast_in_dim3A_805 = vector.shape_cast %get3A_779 : vector<256xf32> to vector<1x256xf32>
    %mul3A_806 = vector.broadcast %broadcast_in_dim3A_805 : vector<1x256xf32> to vector<512x256xf32>
    %mul3A_807 = arith.mulf %mul3A_804, %mul3A_806 : vector<512x256xf32>
    %broadcast_in_dim3A_808 = vector.shape_cast %get3A_783 : vector<256xf32> to vector<1x256xf32>
    %add3A_809 = vector.broadcast %broadcast_in_dim3A_808 : vector<1x256xf32> to vector<512x256xf32>
    %add3A_810 = arith.addf %mul3A_807, %add3A_809 : vector<512x256xf32>
    %convert_element_type3A_811 = arith.truncf %add3A_810 : vector<512x256xf32> to vector<512x256xbf16>
    %get3A_812 = arith.constant 0 : index
    %get3A_813 = arith.constant 0 : index
    %get3A_814 = vector.load %arg14[%get3A_812, %get3A_813] : memref<256x1xbf16, #tpu.memory_space<vmem>>, vector<256x1xbf16>
    %dot_general3A_815 = arith.constant dense<0.000000e+00> : vector<512x1xf32>
    %dot_general3A_816 = tpu.matmul %convert_element_type3A_811, %get3A_814, %dot_general3A_815 {dimension_numbers = #tpu.dot_dimension_numbers<[1], [0], [0], [1], [0, 0, 1, 1], [], []>, transpose_lhs_hint = false} : vector<512x256xbf16>, vector<256x1xbf16>, vector<512x1xf32> -> vector<512x1xf32>
    %get3A_817 = arith.constant 0 : index
    %get3A_818 = arith.constant 0 : index
    %get3A_819 = vector.load %arg15[%get3A_817, %get3A_818] : memref<1x1xf32, #tpu.memory_space<vmem>>, vector<1x1xf32>
    %get3A_820 = vector.shape_cast %get3A_819 : vector<1x1xf32> to vector<1xf32>
    %broadcast_in_dim3A_821 = vector.shape_cast %get3A_820 : vector<1xf32> to vector<1x1xf32>
    %add3A_822 = vector.broadcast %broadcast_in_dim3A_821 : vector<1x1xf32> to vector<512x1xf32>
    %add3A_823 = arith.addf %dot_general3A_816, %add3A_822 : vector<512x1xf32>
    %reshape3A_824 = vector.shape_cast %add3A_823 : vector<512x1xf32> to vector<1x512xf32>
    %squeeze3A_825 = vector.shape_cast %reshape3A_824 : vector<1x512xf32> to vector<512xf32>
    %swap3A_826 = arith.constant 0 : index
    %swap3A_827 = arith.constant 3 : index
    %swap3A_828 = arith.constant 0 : index
    %swap3A_829 = vector.load %arg16[%swap3A_826, %swap3A_827, %swap3A_828] : memref<1x4x512xf32, #tpu.memory_space<vmem>>, vector<1x1x512xf32>
    %swap3A_830 = vector.shape_cast %swap3A_829 : vector<1x1x512xf32> to vector<512xf32>
    %swap3A_831 = vector.shape_cast %squeeze3A_825 : vector<512xf32> to vector<1x1x512xf32>
    tpu.vector_store %arg16[%swap3A_826, %swap3A_827, %swap3A_828], %swap3A_831 {strides = array<i32>} : memref<1x4x512xf32, #tpu.memory_space<vmem>>, vector<1x1x512xf32>,
    return
  }
  func.func @transform_0(%arg0: i32) -> (i32, i32, i32) {
    %c0_i32 = arith.constant 0 : i32
    %c0_i32_0 = arith.constant 0 : i32
    %c0_i32_1 = arith.constant 0 : i32
    return %arg0, %c0_i32, %c0_i32_0 : i32, i32, i32
  }
  func.func @transform_1(%arg0: i32) -> (i32, i32) {
    %c0_i32 = arith.constant 0 : i32
    %c0_i32_0 = arith.constant 0 : i32
    %c0_i32_1 = arith.constant 0 : i32
    return %c0_i32, %c0_i32_0 : i32, i32
  }
  func.func @transform_2(%arg0: i32) -> (i32, i32) {
    %c0_i32 = arith.constant 0 : i32
    %c0_i32_0 = arith.constant 0 : i32
    %c0_i32_1 = arith.constant 0 : i32
    return %c0_i32, %c0_i32_0 : i32, i32
  }
  func.func @transform_3(%arg0: i32) -> (i32, i32) {
    %c0_i32 = arith.constant 0 : i32
    %c0_i32_0 = arith.constant 0 : i32
    %c0_i32_1 = arith.constant 0 : i32
    return %c0_i32, %c0_i32_0 : i32, i32
  }
  func.func @transform_4(%arg0: i32) -> (i32, i32) {
    %c0_i32 = arith.constant 0 : i32
    %c0_i32_0 = arith.constant 0 : i32
    %c0_i32_1 = arith.constant 0 : i32
    return %c0_i32, %c0_i32_0 : i32, i32
  }
  func.func @transform_5(%arg0: i32) -> (i32, i32) {
    %c0_i32 = arith.constant 0 : i32
    %c0_i32_0 = arith.constant 0 : i32
    %c0_i32_1 = arith.constant 0 : i32
    return %c0_i32, %c0_i32_0 : i32, i32
  }
  func.func @transform_6(%arg0: i32) -> (i32, i32) {
    %c0_i32 = arith.constant 0 : i32
    %c0_i32_0 = arith.constant 0 : i32
    %c0_i32_1 = arith.constant 0 : i32
    return %c0_i32, %c0_i32_0 : i32, i32
  }
  func.func @transform_7(%arg0: i32) -> (i32, i32) {
    %c0_i32 = arith.constant 0 : i32
    %c0_i32_0 = arith.constant 0 : i32
    %c0_i32_1 = arith.constant 0 : i32
    return %c0_i32, %c0_i32_0 : i32, i32
  }
  func.func @transform_8(%arg0: i32) -> (i32, i32) {
    %c0_i32 = arith.constant 0 : i32
    %c0_i32_0 = arith.constant 0 : i32
    %c0_i32_1 = arith.constant 0 : i32
    return %c0_i32, %c0_i32_0 : i32, i32
  }
  func.func @transform_9(%arg0: i32) -> (i32, i32) {
    %c0_i32 = arith.constant 0 : i32
    %c0_i32_0 = arith.constant 0 : i32
    %c0_i32_1 = arith.constant 0 : i32
    return %c0_i32, %c0_i32_0 : i32, i32
  }
  func.func @transform_10(%arg0: i32) -> (i32, i32) {
    %c0_i32 = arith.constant 0 : i32
    %c0_i32_0 = arith.constant 0 : i32
    %c0_i32_1 = arith.constant 0 : i32
    return %c0_i32, %c0_i32_0 : i32, i32
  }
  func.func @transform_11(%arg0: i32) -> (i32, i32) {
    %c0_i32 = arith.constant 0 : i32
    %c0_i32_0 = arith.constant 0 : i32
    %c0_i32_1 = arith.constant 0 : i32
    return %c0_i32, %c0_i32_0 : i32, i32
  }
  func.func @transform_12(%arg0: i32) -> (i32, i32) {
    %c0_i32 = arith.constant 0 : i32
    %c0_i32_0 = arith.constant 0 : i32
    %c0_i32_1 = arith.constant 0 : i32
    return %c0_i32, %c0_i32_0 : i32, i32
  }
  func.func @transform_13(%arg0: i32) -> (i32, i32) {
    %c0_i32 = arith.constant 0 : i32
    %c0_i32_0 = arith.constant 0 : i32
    %c0_i32_1 = arith.constant 0 : i32
    return %c0_i32, %c0_i32_0 : i32, i32
  }
  func.func @transform_14(%arg0: i32) -> (i32, i32) {
    %c0_i32 = arith.constant 0 : i32
    %c0_i32_0 = arith.constant 0 : i32
    %c0_i32_1 = arith.constant 0 : i32
    return %c0_i32, %c0_i32_0 : i32, i32
  }
  func.func @transform_15(%arg0: i32) -> (i32, i32, i32) {
    %c0_i32 = arith.constant 0 : i32
    %c0_i32_0 = arith.constant 0 : i32
    %c0_i32_1 = arith.constant 0 : i32
    return %arg0, %c0_i32, %c0_i32_0 : i32, i32, i32
  }
}

</mosaic_0001>

<sc_bundles>
// kernel: kernel.4.cloned.1.call-start
scs
__scs_entry_jumppad:
0x0: {  	(pc) =	sbr.rel $0x88, $3  }
0x1: {  	(tag) =	ssettag $0x0;
	lr =	simm.s32 $0x1  }
0x2: {  	[smem:$0x3F91] =	sst lr;
	_ =	strace $0xD0000000  }
0x3: {  	_ = 	snop  }
0x4: {  	_ = 	snop  }
0x5: {  	_ = 	snop  }
0x6: {  	_ = 	snop  }
0x7: {  	_ = 	snop  }
__scs_overlays_trampoline_lowered:
0x8: {  	[smem:$0x3FA0] =	sst s0  }
0x9: {  	[smem:$0x3FA1] =	sst s1  }
0xa: {  	[smem:$0x3FA2] =	sst s2  }
0xb: {  	[smem:$0x3FA3] =	sst s3  }
0xc: {  	[smem:$0x3FA4] =	sst s4  }
0xd: {  	[smem:$0x3FA5] =	sst s5  }
0xe: {  	[smem:$0x3FA6] =	sst s6  }
0xf: {  	[smem:$0x3FA7] =	sst s7  }
0x10: {  	[smem:$0x3FA8] =	sst s8  }
0x11: {  	[smem:$0x3FA9] =	sst s9;
	s0 =	simm.s32 @!p0 $0x0  }
0x12: {  	s1 =	sld [smem:$0x3F8F];
	s0 =	simm.s32 @p0 $0x1  }
0x13: {  	[smem:$0x3FAA] =	sst s0;
	s0 =	simm.s32 @!p1 $0x0  }
0x14: {  	s2 =	sld [smem:$0x3F8E];
	s0 =	simm.s32 @p1 $0x1  }
0x15: {  	[smem:$0x3FAB] =	sst s0;
	s0 =	simm.s32 @!p2 $0x0  }
0x16: {  	s3 =	sld [smem:$0x3FDB];
	s0 =	simm.s32 @p2 $0x1  }
0x17: {  	s4 =	simm.s32 $0x1BF5;
	[smem:$0x3FAD] =	sst s0  }
0x18: {  	s0 =	sld [smem:$0x3F90];
	_ =	swait.ge [sflag:s4], $0x0  }
0x19: {  	s7 =	sld [smem:$0x3F91]  }
0x1a: {  	s8 =	sadd.s32 $0xFFFFE003, lr  }
0x1b: {  	s9 =	sadd.s32 $0xFFFFFEF7, lr;
	s5 =	simm.s32 $0xFFFFFFFF;
	p2 =	slt.u32 s8, $0xFFFFF086  }
0x1c: {  	p1 =	slt.u32 s9, $0xF7A;
	s5 =	simm.s32 @!p2 $0x0  }
0x1d: {  	s5 =	simm.s32 @p1 $0x1;
	p0 =	seq.s32 s7, s2  }
0x1e: {  	s7 =	smul.u32 @!p0 $0xF7A, s2;
	p2 =	seq.s32 @!p0 s5, $0x0  }
0x1f: {  	s9 =	smul.u32 $0xF7A, s1;
	s8 =	simm.s32 @!p0 $0x1BF5;
	p2 =	por !p2, p0  }
0x20: {  	[sflag:s8] =	ssyncset.s32 @!p0 $0xFFFFF086;
	s6 =	sadd.s32 @!p0 s3, s7;
	s7 =	simm.s32 @!p0 $0x108  }
0x21: {  	s3 =	sadd.s32 s3, s9;
	s6 =	sadd.s32 @!p0 $0x88, s6;
	s7 =	simm.s32 @p2 $0x1082  }
0x22: {  	[simem:s7], [sflag:s8] =	dma.local @!p0 [hbm:s6], $0xF7A  }
0x23: {  	s9 =	sor.u32 $0xD0000000, s2;
	s6 =	simm.s32 $0x108;
	_ =	swait.ge @!p0 [sflag:s8], $0x0  }
0x24: {  	s3 =	sadd.s32 $0x88, s3;
	s6 =	simm.s32 @!p1 $0x1082;
	[sflag:s4] =	ssyncset.s32 $0xFFFFF086  }
0x25: {  	[simem:s6], [sflag:s4] =	dma.local [hbm:s3], $0xF7A  }
0x26: {  	[smem:$0x3F91] =	sst s1;
	(tag) =	ssettag s2;
	_ =	strace s9  }
0x27: {  	s1 =	sld [smem:$0x3FA1]  }
0x28: {  	s2 =	sld [smem:$0x3FA2]  }
0x29: {  	s4 =	sld [smem:$0x3FA4]  }
0x2a: {  	p0 =	seq.s32 s5, $0x0;
	s5 =	sld [smem:$0x3FA5]  }
0x2b: {  	s6 =	sld [smem:$0x3FA6]  }
0x2c: {  	s7 =	sld [smem:$0x3FA7]  }
0x2d: {  	s3 =	simm.s32 $0x108;
	s8 =	sld [smem:$0x3FA8]  }
0x2e: {  	s3 =	simm.s32 @!p0 $0x1082;
	s9 =	sld [smem:$0x3FA9]  }
0x2f: {  	lr =	sadd.s32 s0, s3;
	s0 =	sld [smem:$0x3FA0]  }
0x30: {  	s3 =	sld [smem:$0x3FA3]  }
0x31: {  	[smem:$0x3FAC] =	sst s10  }
0x32: {  	s10 =	sld [smem:$0x3FAA];
	_ =	sdelay $0x3  }
0x33: {  	p0 =	seq.s32 s10, $0x1;
	s10 =	sld [smem:$0x3FAC];
	_ =	sdelay $0x3  }
0x34: {  	[smem:$0x3FAC] =	sst s10  }
0x35: {  	s10 =	sld [smem:$0x3FAB];
	_ =	sdelay $0x3  }
0x36: {  	p1 =	seq.s32 s10, $0x1;
	s10 =	sld [smem:$0x3FAC];
	_ =	sdelay $0x3  }
0x37: {  	[smem:$0x3FAC] =	sst s10  }
0x38: {  	s10 =	sld [smem:$0x3FAD]  }
0x39: {  	_ = 	snop;
	(pc) =	sbr.ind lr, $3  }
0x3a: {  	_ = 	snop  }
0x3b: {  	_ = 	snop  }
0x3c: {  	p2 =	seq.s32 s10, $0x1;
	s10 =	sld [smem:$0x3FAC]  }
0x3d: {  	_ =	shalt  }
0x3e: {  	_ =	shalt  }
0x3f: {  	_ =	shalt  }
0x40: {  	_ =	shalt  }
0x41: {  	_ =	shalt  }
0x42: {  	_ =	shalt  }
0x43: {  	_ =	shalt  }
0x44: {  	_ =	shalt  }
0x45: {  	_ =	shalt  }
0x46: {  	_ =	shalt  }
0x47: {  	_ =	shalt  }
0x48: {  	_ =	shalt  }
0x49: {  	_ =	shalt  }
0x4a: {  	_ =	shalt  }
0x4b: {  	_ =	shalt  }
0x4c: {  	_ =	shalt  }
0x4d: {  	_ =	shalt  }
0x4e: {  	_ =	shalt  }
0x4f: {  	_ =	shalt  }
0x50: {  	_ =	shalt  }
0x51: {  	_ =	shalt  }
0x52: {  	_ =	shalt  }
0x53: {  	_ =	shalt  }
0x54: {  	_ =	shalt  }
0x55: {  	_ =	shalt  }
0x56: {  	_ =	shalt  }
0x57: {  	_ =	shalt  }
0x58: {  	_ =	shalt  }
0x59: {  	_ =	shalt  }
0x5a: {  	_ =	shalt  }
0x5b: {  	_ =	shalt  }
0x5c: {  	_ =	shalt  }
0x5d: {  	_ =	shalt  }
0x5e: {  	_ =	shalt  }
0x5f: {  	_ =	shalt  }
0x60: {  	_ =	shalt  }
0x61: {  	_ =	shalt  }
0x62: {  	_ =	shalt  }
0x63: {  	_ =	shalt  }
0x64: {  	_ =	shalt  }
0x65: {  	_ =	shalt  }
0x66: {  	_ =	shalt  }
0x67: {  	_ =	shalt  }
0x68: {  	_ =	shalt  }
0x69: {  	_ =	shalt  }
0x6a: {  	_ =	shalt  }
0x6b: {  	_ =	shalt  }
0x6c: {  	_ =	shalt  }
0x6d: {  	_ =	shalt  }
0x6e: {  	_ =	shalt  }
0x6f: {  	_ =	shalt  }
0x70: {  	_ =	shalt  }
0x71: {  	_ =	shalt  }
0x72: {  	_ =	shalt  }
0x73: {  	_ =	shalt  }
0x74: {  	_ =	shalt  }
0x75: {  	_ =	shalt  }
0x76: {  	_ =	shalt  }
0x77: {  	_ =	shalt  }
0x78: {  	_ =	shalt  }
0x79: {  	_ =	shalt  }
0x7a: {  	_ =	shalt  }
0x7b: {  	_ =	shalt  }
0x7c: {  	_ =	shalt  }
0x7d: {  	_ =	shalt  }
0x7e: {  	_ =	shalt  }
0x7f: {  	_ =	shalt  }
0x80: {  	_ =	shalt  }
0x81: {  	_ =	shalt  }
0x82: {  	_ =	shalt  }
0x83: {  	_ =	shalt  }
0x84: {  	_ =	shalt  }
0x85: {  	_ =	shalt  }
0x86: {  	_ =	shalt  }
0x87: {  	_ =	shalt  }
.Lfunc_end0:
.L_simem_size_0:
called_computation_lowered:
.L_overlay_start_0:
0x88: {  	s2 =	sld [smem:$0x3FD9]  }
0x89: {  	s3 =	sld [smem:$0x3FFE];
	_ =	sdelay $0x1  }
0x8a: {  	s1 =	srdreg.scid  }
0x8b: {  	s0 =	sand.u32 $0x1, s1  }
0x8c: {  	s15 =	sshll.u32 s0, $0xA;
	s2 =	sadd.s32 s3, s2  }
0x8d: {  	s2 =	sadd.s32 s2, s15  }
0x8e: {  	[smem:$0x3FB8] =	sst s2  }
0x8f: {  	_ = 	snop  }
0x90: {  	s2 =	sld [smem:$0x3FD0];
	_ =	sdelay $0x1  }
0x91: {  	s16 =	sld [smem:$0x3FC9]  }
0x92: {  	s5 =	simm.s32 $0xA;
	s6 =	simm.s32 $0x10;
	s4 =	sld [smem:$0x3FC8]  }
0x93: {  	[smem:s6], [sflag:s5] =	dma.local [hbm:s2], $0x1  }
0x94: {  	_ =	swait.eq [sflag:s5], $0x1  }
0x95: {  	[sflag:s5] =	ssyncset.done $0x0  }
0x96: {  	[sflag:s5] =	ssyncadd.s32 $0xFFFFFFFF  }
0x97: {  	s17 =	sld [smem:$0x10];
	(tm) =	ssettm $0x1  }
0x98: {  	s18 =	sld [smem:$0x3FFB];
	_ =	sdelay $0x3  }
0x99: {  	_ =	strace s18  }
0x9a: {  	s5 =	sld [smem:$0x3FFC];
	_ =	sdelay $0x3  }
0x9b: {  	_ =	strace s5  }
0x9c: {  	s5 =	sld [smem:$0x3FFD];
	_ =	sdelay $0x3  }
0x9d: {  	_ =	strace s5  }
0x9e: {  	_ =	strace $0x8FFFFFFF  }
0x9f: {  	s19 =	sld [smem:$0x3FDB];
	_ =	sdelay $0x1  }
0xa0: {  	s20 =	simm.s32 $_scs_section_size  }
0xa1: {  	s7 =	simm.s32 $_size__tile_overlayer_lowered;
	s8 =	simm.s32 $_tile_overlayer_lowered  }
0xa2: {  	s23 =	simm.s32 $0x1BFF;
	s22 =	sshll.u32 s8, $0x1;
	s5 =	sadd.s32 s20, s19  }
0xa3: {  	s9 =	simm.s32 $0x0;
	s21 =	sshll.u32 s7, $0x1;
	s7 =	sadd.s32 s22, s5  }
0xa4: {  	[timem:s9], [sflag:s23] =	dma.local [hbm:s7], s21  }
0xa5: {  	_ =	swait.ge [sflag:s23], s21  }
0xa6: {  	s6 =	ssub.s32 $0x0, s21;
	[sflag:s23] =	ssyncset.done $0x0  }
0xa7: {  	[sflag:s23] =	ssyncadd.s32 s6;
	_ =	sdelay $0x1  }
0xa8: {  	s24 =	simm.s32 $0x1B8B  }
0xa9: {  	_ =	swait.ge [sflag:s24], $0x1  }
0xaa: {  	[sflag:s24] =	ssyncset.done $0x0  }
0xab: {  	s25 =	simm.s32 $0x1B8E;
	[sflag:s24] =	ssyncadd.s32 $0xFFFFFFFF  }
0xac: {  	s26 =	simm.s32 $execute0_lowered;
	[smem:$0x3FD2] =	sst s25  }
0xad: {  	s6 =	sshll.u32 s26, $0x1;
	_ =	strace $0x80000046;
	[dreg:$0x1] =	wrdreg $0xFFFFFFFF  }
0xae: {  	s28 =	simm.s32 $_size_execute0_lowered;
	s5 =	sadd.s32 s5, s6;
	[dreg:$0x0] =	wrdreg $0x0  }
0xaf: {  	s6 =	sshll.u32 s28, $0x1;
	[dreg:$0x2] =	wrdreg s5  }
0xb0: {  	[dreg:$0x3] =	wrdreg s6  }
0xb1: {  	[dreg:$0x4] =	wrdreg $0xC0  }
0xb2: {  	_ =	task [dreg:s9], $0x5FFFF  }
0xb3: {  	[dreg:$0x1] =	wrdreg $0xFFFFFFFF  }
0xb4: {  	[dreg:$0x0] =	wrdreg $0x60  }
0xb5: {  	[dreg:$0x2] =	wrdreg s16  }
0xb6: {  	[dreg:$0x3] =	wrdreg s4  }
0xb7: {  	[dreg:$0x4] =	wrdreg s17  }
0xb8: {  	[dreg:$0x5] =	wrdreg $0x9  }
0xb9: {  	_ =	task.clear_ibuf [dreg:s9], $0x6FFFF;
	_ =	strace $0x90000046  }
0xba: {  	s29 =	simm.s32 $0x9;
	_ =	strace $0x80000048  }
0xbb: {  	_ =	swait.ge [sflag:s29], $0x1  }
0xbc: {  	[sflag:s29] =	ssyncadd.s32 $0xFFFFFFFF  }
0xbd: {  	_ =	strace $0x90000048  }
0xbe: {  	_ =	sfence  }
0xbf: {  	s30 =	sld [smem:$0x0];
	_ =	sdelay $0x2  }
0xc0: {  	s31 =	sshll.u32 s1, $0xD;
	s1 =	sshrl.u32 s1, $0x2  }
0xc1: {  	s3 =	sand.u32 $0x4000, s31;
	s1 =	sadd.s32 s1, s30  }
0xc2: {  	s0 =	sor.u32 s3, s0;
	s1 =	sshll.u32 s1, $0x11  }
0xc3: {  	s0 =	sor.u32 s1, s0  }
0xc4: {  	s0 =	sadd.s32 $0x8F2B, s0  }
0xc5: {  	[sflag:s0] =	ssyncadd.remote.s32 $0x1  }
0xc6: {  	_ =	sfence.sel $0xFFFF  }
0xc7: {  	[dreg:$0x0] =	wrdreg $0xFFFFFFFF;
	(pc) =	sbr.abs _section_cstart, $3  }
0xc8: {  	[dreg:$0x1] =	wrdreg $0xFFFFFFFF  }
0xc9: {  	_ =	task.clear_ibuf [dreg:s9], $0x2FFFF;
	_ =	strace $0x9FFFFFFF  }
0xca: {  	(tm) =	ssettm $0x7FFFFFFF  }
0xcb: {  	_ =	shalt  }
tec
execute0_lowered:
.L_overlay_start_1:
0x0: {  	(tag) =	ssettag $0x1  }
0x1: {  	s0 =	rddreg [dreg:$0x1]  }
0x2: {  	s5 =	rddreg [dreg:$0x2]  }
0x3: {  	s1 =	simm.s32 $0x0;
	s2 =	srdreg.scid;
	s8 =	stileid.u32  }
0x4: {  	s2 =	sand.u32 $0x1, s2;
	s19 =	sshll.u32 s8, $0x9;
	s3 =	sshll.u32 s8, $0x7  }
0x5: {  	[smem:$0x7FF] =	sst s1;
	s10 =	sshll.u32 s8, $0x11;
	s4 =	ssub.s32 $0x2, s2  }
0x6: {  	s6 =	sand.u32 $0x1000, s19;
	s3 =	sand.u32 $0x380, s3;
	s12 =	sshll.u32 s2, $0xC  }
0x7: {  	v0 =	vmov s19;
	s19 =	simm.s32 $0x3;
	s7 =	sshrl.u32 s4, $0x1;
	s3 =	sor.u32 s3, s6  }
0x8: {  	s8 =	sadd.s32 s5, s12;
	s12 =	sadd.s32 s5, s10;
	s11 =	ssub.s32 s4, s7  }
0x9: {  	s6 =	sshrl.u32 s3, $0x3;
	s3 =	sshll.u32 s2, $0x7;
	s14 =	sadd.s32 s10, s8  }
0xa: {  	s13 =	sor.u32 $0x100, s3;
	s0 =	sadd.s32 s0, s6;
	[dreg:$0x6] =	wrdreg s14  }
0xb: {  	s8 =	sor.u32 $0x200, s3;
	s10 =	sor.u32 $0x400, s3;
	s14 =	sor.u32 $0x500, s3  }
0xc: {  	s28 =	sor.u32 $0xC00, s3;
	s29 =	sor.u32 $0xD00, s3;
	[dreg:$0x4] =	wrdreg s13  }
0xd: {  	s9 =	sshll.u32 s13, $0x5;
	[dreg:$0x5] =	wrdreg s0;
	s16 =	sshll.u32 s8, $0x5  }
0xe: {  	s18 =	sshll.u32 s10, $0x5;
	s22 =	sshll.u32 s14, $0x5;
	s15 =	sadd.s32 s9, s12  }
0xf: {  	s9 =	sor.u32 $0x300, s3;
	s0 =	sadd.s32 s16, s12;
	[dreg:$0x7] =	wrdreg s15  }
0x10: {  	s21 =	sadd.s32 s18, s12;
	s16 =	sor.u32 $0x700, s3;
	[dreg:$0x8] =	wrdreg s0  }
0x11: {  	s18 =	sshll.u32 s29, $0x5;
	s17 =	sshll.u32 s9, $0x5;
	[dreg:$0xa] =	wrdreg s21  }
0x12: {  	s15 =	sor.u32 $0x600, s3;
	s24 =	sshll.u32 s16, $0x5;
	s0 =	sadd.s32 s22, s12  }
0x13: {  	s21 =	sor.u32 $0x900, s3;
	s20 =	sadd.s32 s17, s12;
	[dreg:$0xb] =	wrdreg s0  }
0x14: {  	s22 =	sor.u32 $0xA00, s3;
	s26 =	sadd.s32 s24, s12;
	[dreg:$0x9] =	wrdreg s20  }
0x15: {  	s23 =	sshll.u32 s15, $0x5;
	s24 =	sadd.s32 s18, s12;
	[dreg:$0xd] =	wrdreg s26  }
0x16: {  	s31 =	sshll.u32 s21, $0x5;
	s25 =	sadd.s32 s23, s12;
	[dreg:$0x13] =	wrdreg s24  }
0x17: {  	s4 =	sshll.u32 s22, $0x5;
	s5 =	sadd.s32 s31, s12;
	[dreg:$0xc] =	wrdreg s25  }
0x18: {  	s17 =	sshll.u32 s28, $0x5;
	s7 =	sadd.s32 s4, s12;
	[dreg:$0xf] =	wrdreg s5  }
0x19: {  	s6 =	sor.u32 $0xE00, s3;
	s23 =	sadd.s32 s17, s12;
	[dreg:$0x10] =	wrdreg s7  }
0x1a: {  	s20 =	sor.u32 $0x800, s3;
	s26 =	sor.u32 $0xB00, s3;
	[dreg:$0x12] =	wrdreg s23  }
0x1b: {  	s30 =	sshll.u32 s20, $0x5;
	s13 =	sshll.u32 s26, $0x5;
	s5 =	rddreg [dreg:$0x0]  }
0x1c: {  	s7 =	sor.u32 $0xF00, s3;
	s25 =	sshll.u32 s6, $0x5;
	s0 =	sadd.s32 s30, s12  }
.Ltmp0:
0x1d: {  	[dreg:$0xe] =	wrdreg s0;
	s0 =	sadd.s32 s13, s12;
	(pc) =	sbr.rel .LBB2_1-.Ltmp0, $4  }
0x1e: {  	v1 =	vlaneseq.u32;
	s13 =	sshll.u32 s7, $0x5;
	[dreg:$0x11] =	wrdreg s0;
	s0 =	sadd.s32 s25, s12  }
0x1f: {  	v3 =	vimm.s32 $0x0;
	v4 =	vimm.s32 $0x201;
	vm0 =	vmmov $0xffff;
	s18 =	simm.s32 $0x200;
	s30 =	sadd.s32 s13, s12;
	[dreg:$0x14] =	wrdreg s0  }
0x20: {  	v8 =	vimm.f32 $0.0e+00;
	v6 =	vshrl.u32 v1, $0x3;
	v5 =	vand.u32 $0x7, v1;
	s31 =	smax.u32 s11, $0x1;
	s24 =	simm.s32 $0x0;
	[dreg:$0x15] =	wrdreg s30  }
0x21: {  	v7 =	vor.u32 $0x8, v1;
	v6 =	vmul.u32 $0x8, v6;
	v2 =	vadd.s32 $0xFFFFFFFF, v0;
	s23 =	simm.s32 $0x4;
	_ =	strace $0x80000047;
	[dreg:$0x16] =	wrdreg s31  }
.LBB2_87:
0x22: {  	s31 =	simm.s32 @p0 $0x11A00  }
.LBB2_91:
0x23: {  	s0 =	rddreg [dreg:$0x15]  }
0x24: {  	[hbm4b:s0+s1] =	stream.linear.scatter [tilespmem:s31], [sflag:$0x4], $0x8000, $0x38;
	[tilespmem:$0x19A00] =	vst v63  }
0x25: {  	_ =	swait.ge [sflag:s19], $0x8000  }
0x26: {  	[sflag:s19] =	ssyncset.done $0x0  }
0x27: {  	[sflag:s19] =	ssyncadd.s32 $0xFFFF8000  }
0x28: {  	_ =	swait.ge [sflag:s23], $0x8000  }
0x29: {  	s24 =	sadd.s32 $0x1, s24;
	s31 =	rddreg [dreg:$0x16]  }
0x2a: {  	p0 =	sne.s32 s24, s31  }
.Ltmp1:
0x2b: {  	_ = 	snop;
	(pc) =	sbr.rel @!p0 .LBB2_92-.Ltmp1, $3  }
0x2c: {  	_ =	sdelay $0x1  }
0x2d: {  	[sflag:s23] =	ssyncset.done $0x0  }
0x2e: {  	[sflag:s23] =	ssyncadd.s32 $0xFFFF8000  }
.LBB2_1:
0x2f: {  	s0 =	rddreg [dreg:$0x5]  }
0x30: {  	s4 =	simm.s32 $0x80;
	s11 =	simm.s32 $0x400;
	s31 =	simm.s32 $0x5  }
0x31: {  	[tilespmem:s1], [sflag:$0x5] =	stream.strided.gather [hbm4b:s0+s4], $0x200, s11, s4, $0x38;
	[tilespmem:$0x19A00] =	vst v63  }
0x32: {  	_ =	swait.ge [sflag:s31], $0x200  }
0x33: {  	[sflag:s31] =	ssyncset.done $0x0  }
0x34: {  	s0 =	simm.s32 $0x0;
	[sflag:s31] =	ssyncadd.s32 $0xFFFFFE00  }
.LBB2_2:
0x35: {  	p0 =	sne.s32 s0, $0x3FC0  }
.Ltmp2:
0x36: {  	_ = 	snop;
	(pc) =	sbr.rel @p0 .LBB2_2-.Ltmp2, $3  }
0x37: {  	_ =	sdelay $0x1  }
0x38: {  	s11 =	sshra.s32 s0, $0x2  }
0x39: {  	s0 =	sadd.s32 $0x40, s0;
	[tilespmem:s11+$0x200] =	vst v3  }
0x3a: {  	s25 =	simm.s32 $0x0  }
0x3b: {  	v9 =	vld [tilespmem:s25+$0x0];
	_ =	sdelay $0x4  }
0x3c: {  	(xrf0) =	vadd.scan.msk.s32 $0xffff, v9;
	_ =	sdelay $0x5  }
0x3d: {  	vm1 =	vgt.s32 v9, $0x0;
	v9 =	vsub.s32 s25, v9;
	v10, _, _ =	vpop (xrf0)  }
0x3e: {  	v9 =	vadd.s32 v10, v9;
	(v2sf) =	vpush v10, $0xF;
	_ =	sdelay $0x2  }
0x3f: {  	s0 =	simm.s32 $0x1  }
0x40: {  	v11 =	vadd.s32 s0, v1  }
0x41: {  	s11 =	simm.s32 $0x10;
	[tilespmem:v9+s18+$0x0] =	vst.idx.msk vm1, v11  }
0x42: {  	s12 =	simm.s32 $0x21;
	s0 =	simm.s32 $0x11;
	v9 =	vld [tilespmem:s11+$0x0]  }
.LBB2_4:
0x43: {  	p0 =	sne.s32 s12, $0x1F1;
	_ =	sdelay $0x3  }
0x44: {  	vm1 =	vgt.s32 v9, $0x0;
	(xrf0) =	vadd.scan.msk.s32 $0xffff, v9;
	_ =	sdelay $0x3  }
0x45: {  	s30 =	spop (v2sf)  }
0x46: {  	s25 =	sadd.s32 s25, s30  }
0x47: {  	v9 =	vsub.s32 s25, v9;
	v10, _, _ =	vpop (xrf0)  }
0x48: {  	v9 =	vadd.s32 v10, v9;
	(v2sf) =	vpush v10, $0xF;
	_ =	sdelay $0x1  }
.Ltmp3:
0x49: {  	(pc) =	sbr.rel @p0 .LBB2_4-.Ltmp3, $4  }
0x4a: {  	_ = 	snop  }
0x4b: {  	v10 =	vadd.s32 s0, v1;
	s0 =	smov.u32 s12  }
0x4c: {  	s11 =	sadd.s32 $0x10, s11;
	[tilespmem:v9+s18+$0x0] =	vst.idx.msk vm1, v10  }
0x4d: {  	s12 =	sadd.s32 $0x10, s12;
	v9 =	vld [tilespmem:s11+$0x0]  }
0x4e: {  	_ =	sdelay $0x3  }
0x4f: {  	(xrf0) =	vadd.scan.msk.s32 $0xffff, v9;
	_ =	sdelay $0x5  }
0x50: {  	v10, _, _ =	vpop (xrf0)  }
0x51: {  	(v2sf) =	vpush v10, $0xF;
	_ =	sdelay $0xc  }
0x52: {  	s11 =	spop (v2sf)  }
0x53: {  	s11 =	sadd.s32 s25, s11  }
0x54: {  	vm1 =	vgt.s32 v9, $0x0;
	v9 =	vsub.s32 s11, v9;
	s12 =	spop (v2sf)  }
0x55: {  	v9 =	vadd.s32 v10, v9;
	s25 =	sadd.s32 s11, s12  }
0x56: {  	v10 =	vmov s25;
	_ =	sdelay $0x2  }
0x57: {  	v11 =	vadd.s32 s0, v1  }
0x58: {  	s13 =	simm.s32 $0x200;
	[tilespmem:v9+s18+$0x0] =	vst.idx.msk vm1, v11  }
0x59: {  	[tilespmem:v10+s13+$0x0] =	vst.idx.msk $0x1, v4  }
0x5a: {  	v9 =	vld [tilespmem:s13+$0x0];
	_ =	sdelay $0x4  }
0x5b: {  	v9 =	vxor.u32 $0x80000000, v9  }
0x5c: {  	(xrf0) =	vmax.scan.msk.u32 $0xffff, v9;
	_ =	sdelay $0x4  }
0x5d: {  	s17 =	simm.s32 $0x0  }
0x5e: {  	s0 =	sand.u32 $0x1, s17;
	v9, _, _ =	vpop (xrf0)  }
0x5f: {  	p0 =	sne.s32 s0, s2;
	s12 =	simm.s32 $0x0;
	v9 =	vxor.u32 $0x80000000, v9  }
0x60: {  	vm1 =	vgt.s32 @!p0 v9, s12  }
0x61: {  	(v2sf) =	vpush v9, $0xF;
	v10 =	vnsel @!p0 vm1, s12, v9  }
0x62: {  	s0 =	sand.u32 @!p0 $0x70, s12;
	s11 =	sand.u32 @!p0 $0x780, s12;
	vm1 =	veq.s32 @!p0 v10, $0x201;
	v10 =	vadd.s32 @!p0 v10, v2  }
0x63: {  	s30 =	simm.s32 $0x1;
	s0 =	sor.u32 @!p0 s0, s11;
	v10 =	vsel @!p0 vm1, v0, v10  }
0x64: {  	s31 =	simm.s32 $0x210;
	s11 =	simm.s32 $0x0;
	[tilespmem:s0+$0x1200] =	vst @!p0 v10;
	s0 =	simm.s32 $0x0  }
.LBB2_6:
0x65: {  	s13 =	smov.u32 s12  }
0x66: {  	s17 =	smov.u32 s30;
	s30 =	sadd.s32 $0x1, s30;
	v9 =	vld [tilespmem:s31+$0x0]  }
0x67: {  	p0 =	sne.s32 s30, $0x100;
	_ =	sdelay $0x3  }
0x68: {  	v9 =	vxor.u32 $0x80000000, v9  }
0x69: {  	(xrf0) =	vmax.scan.msk.u32 $0xffff, v9;
	_ =	sdelay $0x3  }
0x6a: {  	s12 =	spop (v2sf)  }
0x6b: {  	s17 =	sshrl.u32 s17, $0x3;
	p1 =	sgt.s32 s13, s12  }
0x6c: {  	s17 =	sand.u32 $0x1, s17;
	v9, _, _ =	vpop (xrf0);
	s12 =	smov.u32 @p1 s13  }
0x6d: {  	p1 =	sne.s32 s17, s2;
	v9 =	vxor.u32 $0x80000000, v9  }
.Ltmp4:
0x6e: {  	vm1 =	vgt.s32 @!p1 v9, s12;
	(v2sf) =	vpush v9, $0xF;
	(pc) =	sbr.rel @p0 .LBB2_6-.Ltmp4, $4  }
0x6f: {  	s0 =	sadd.s32 $0x8, s0;
	s11 =	sadd.s32 $0x10, s11;
	v9 =	vnsel @!p1 vm1, s12, v9  }
0x70: {  	s13 =	sand.u32 @!p1 $0x70, s11;
	s17 =	sand.u32 @!p1 $0x780, s0;
	vm1 =	veq.s32 @!p1 v9, $0x201;
	v9 =	vadd.s32 @!p1 v9, v2  }
0x71: {  	s13 =	sor.u32 @!p1 s13, s17;
	v9 =	vsel @!p1 vm1, v0, v9  }
0x72: {  	s31 =	sadd.s32 $0x10, s31;
	[tilespmem:s13+$0x1200] =	vst @!p1 v9  }
0x73: {  	_ =	sdelay $0x4  }
0x74: {  	p0 =	sle.s32 s25, s3  }
.Ltmp5:
0x75: {  	_ = 	snop;
	(pc) =	sbr.rel @p0 .LBB2_9-.Ltmp5, $2  }
0x76: {  	_ =	sdelay $0x2  }
0x77: {  	s0 =	spop (v2sf)  }
0x78: {  	v9 =	vld [tilespmem:$0x1200];
	_ =	sdelay $0x4  }
0x79: {  	v10 =	vshll.u32 v9, $0x1  }
0x7a: {  	v9 =	vand.u32 $0x7, v9;
	v10 =	vand.u32 $0xFFFFFFF0, v10  }
0x7b: {  	v9 =	vor.u32 v9, v10  }
0x7c: {  	v10 =	vperm.xlane v9, v5;
	_ =	sdelay $0x1  }
0x7d: {  	v9 =	vperm.xlane v9, v7;
	v10 =	vadd.s32 v6, v10;
	_ =	sdelay $0x1  }
0x7e: {  	v9 =	vadd.s32 v6, v9;
	_ =	sdelay $0x1  }
0x7f: {  	s0 =	simm.s32 $0x1A00  }
0x80: {  	[tilespmem:s0], [sflag:$0x1] =	stream.indirect_vreg.gather [hbm4b:s5+s1], $0x80, v10, vm0, $0xb8;
	[tilespmem:$0x19A00] =	vst v63  }
0x81: {  	s31 =	simm.s32 $0x2200  }
0x82: {  	[tilespmem:s31], [sflag:$0x1] =	stream.indirect_vreg.gather [hbm4b:s5+s1], $0x80, v9, vm0, $0xb8;
	[tilespmem:$0x19A00] =	vst v63  }
0x83: {  	v9 =	vld [tilespmem:$0x1210];
	_ =	sdelay $0x4  }
0x84: {  	v10 =	vshll.u32 v9, $0x1  }
0x85: {  	v9 =	vand.u32 $0x7, v9;
	v10 =	vand.u32 $0xFFFFFFF0, v10  }
0x86: {  	v9 =	vor.u32 v9, v10  }
0x87: {  	v10 =	vperm.xlane v9, v5;
	_ =	sdelay $0x1  }
0x88: {  	v9 =	vperm.xlane v9, v7;
	v10 =	vadd.s32 v6, v10;
	_ =	sdelay $0x1  }
0x89: {  	v9 =	vadd.s32 v6, v9;
	_ =	sdelay $0x1  }
0x8a: {  	s4 =	simm.s32 $0x2A00  }
0x8b: {  	[tilespmem:s4], [sflag:$0x1] =	stream.indirect_vreg.gather [hbm4b:s5+s1], $0x80, v10, vm0, $0xb8;
	[tilespmem:$0x19A00] =	vst v63  }
0x8c: {  	s11 =	simm.s32 $0x3200  }
0x8d: {  	[tilespmem:s11], [sflag:$0x1] =	stream.indirect_vreg.gather [hbm4b:s5+s1], $0x80, v9, vm0, $0xb8;
	[tilespmem:$0x19A00] =	vst v63  }
0x8e: {  	v9 =	vld [tilespmem:$0x1220];
	_ =	sdelay $0x4  }
0x8f: {  	v10 =	vshll.u32 v9, $0x1  }
0x90: {  	v9 =	vand.u32 $0x7, v9;
	v10 =	vand.u32 $0xFFFFFFF0, v10  }
0x91: {  	v9 =	vor.u32 v9, v10  }
0x92: {  	v10 =	vperm.xlane v9, v5;
	_ =	sdelay $0x1  }
0x93: {  	v9 =	vperm.xlane v9, v7;
	v10 =	vadd.s32 v6, v10;
	_ =	sdelay $0x1  }
0x94: {  	v9 =	vadd.s32 v6, v9;
	_ =	sdelay $0x1  }
0x95: {  	s12 =	simm.s32 $0x3A00  }
0x96: {  	[tilespmem:s12], [sflag:$0x1] =	stream.indirect_vreg.gather [hbm4b:s5+s1], $0x80, v10, vm0, $0xb8;
	[tilespmem:$0x19A00] =	vst v63  }
0x97: {  	s13 =	simm.s32 $0x4200  }
0x98: {  	[tilespmem:s13], [sflag:$0x1] =	stream.indirect_vreg.gather [hbm4b:s5+s1], $0x80, v9, vm0, $0xb8;
	[tilespmem:$0x19A00] =	vst v63  }
0x99: {  	v9 =	vld [tilespmem:$0x1230];
	_ =	sdelay $0x4  }
0x9a: {  	v10 =	vshll.u32 v9, $0x1  }
0x9b: {  	v9 =	vand.u32 $0x7, v9;
	v10 =	vand.u32 $0xFFFFFFF0, v10  }
0x9c: {  	v9 =	vor.u32 v9, v10  }
0x9d: {  	v10 =	vperm.xlane v9, v5;
	_ =	sdelay $0x1  }
0x9e: {  	v9 =	vperm.xlane v9, v7;
	v10 =	vadd.s32 v6, v10;
	_ =	sdelay $0x1  }
0x9f: {  	v9 =	vadd.s32 v6, v9;
	_ =	sdelay $0x1  }
0xa0: {  	s17 =	simm.s32 $0x4A00  }
0xa1: {  	[tilespmem:s17], [sflag:$0x1] =	stream.indirect_vreg.gather [hbm4b:s5+s1], $0x80, v10, vm0, $0xb8;
	[tilespmem:$0x19A00] =	vst v63  }
0xa2: {  	s30 =	simm.s32 $0x5200  }
0xa3: {  	[tilespmem:s30], [sflag:$0x1] =	stream.indirect_vreg.gather [hbm4b:s5+s1], $0x80, v9, vm0, $0xb8;
	[tilespmem:$0x19A00] =	vst v63  }
0xa4: {  	v9 =	vld [tilespmem:$0x1240];
	_ =	sdelay $0x4  }
0xa5: {  	v10 =	vshll.u32 v9, $0x1  }
0xa6: {  	v9 =	vand.u32 $0x7, v9;
	v10 =	vand.u32 $0xFFFFFFF0, v10  }
0xa7: {  	v9 =	vor.u32 v9, v10  }
0xa8: {  	v10 =	vperm.xlane v9, v5;
	_ =	sdelay $0x1  }
0xa9: {  	v9 =	vperm.xlane v9, v7;
	v10 =	vadd.s32 v6, v10;
	_ =	sdelay $0x1  }
0xaa: {  	v9 =	vadd.s32 v6, v9;
	_ =	sdelay $0x1  }
0xab: {  	s31 =	simm.s32 $0x5A00  }
0xac: {  	[tilespmem:s31], [sflag:$0x1] =	stream.indirect_vreg.gather [hbm4b:s5+s1], $0x80, v10, vm0, $0xb8;
	[tilespmem:$0x19A00] =	vst v63  }
0xad: {  	s4 =	simm.s32 $0x6200  }
0xae: {  	[tilespmem:s4], [sflag:$0x1] =	stream.indirect_vreg.gather [hbm4b:s5+s1], $0x80, v9, vm0, $0xb8;
	[tilespmem:$0x19A00] =	vst v63  }
0xaf: {  	v9 =	vld [tilespmem:$0x1250];
	_ =	sdelay $0x4  }
0xb0: {  	v10 =	vshll.u32 v9, $0x1  }
0xb1: {  	v9 =	vand.u32 $0x7, v9;
	v10 =	vand.u32 $0xFFFFFFF0, v10  }
0xb2: {  	v9 =	vor.u32 v9, v10  }
0xb3: {  	v10 =	vperm.xlane v9, v5;
	_ =	sdelay $0x1  }
0xb4: {  	v9 =	vperm.xlane v9, v7;
	v10 =	vadd.s32 v6, v10;
	_ =	sdelay $0x1  }
0xb5: {  	v9 =	vadd.s32 v6, v9;
	_ =	sdelay $0x1  }
0xb6: {  	s11 =	simm.s32 $0x6A00  }
0xb7: {  	[tilespmem:s11], [sflag:$0x1] =	stream.indirect_vreg.gather [hbm4b:s5+s1], $0x80, v10, vm0, $0xb8;
	[tilespmem:$0x19A00] =	vst v63  }
0xb8: {  	s12 =	simm.s32 $0x7200  }
0xb9: {  	[tilespmem:s12], [sflag:$0x1] =	stream.indirect_vreg.gather [hbm4b:s5+s1], $0x80, v9, vm0, $0xb8;
	[tilespmem:$0x19A00] =	vst v63  }
0xba: {  	v9 =	vld [tilespmem:$0x1260];
	_ =	sdelay $0x4  }
0xbb: {  	v10 =	vshll.u32 v9, $0x1  }
0xbc: {  	v9 =	vand.u32 $0x7, v9;
	v10 =	vand.u32 $0xFFFFFFF0, v10  }
0xbd: {  	v9 =	vor.u32 v9, v10  }
0xbe: {  	v10 =	vperm.xlane v9, v5;
	_ =	sdelay $0x1  }
0xbf: {  	v9 =	vperm.xlane v9, v7;
	v10 =	vadd.s32 v6, v10;
	_ =	sdelay $0x1  }
0xc0: {  	v9 =	vadd.s32 v6, v9;
	_ =	sdelay $0x1  }
0xc1: {  	s13 =	simm.s32 $0x7A00  }
0xc2: {  	[tilespmem:s13], [sflag:$0x1] =	stream.indirect_vreg.gather [hbm4b:s5+s1], $0x80, v10, vm0, $0xb8;
	[tilespmem:$0x19A00] =	vst v63  }
0xc3: {  	s17 =	simm.s32 $0x8200  }
0xc4: {  	[tilespmem:s17], [sflag:$0x1] =	stream.indirect_vreg.gather [hbm4b:s5+s1], $0x80, v9, vm0, $0xb8;
	[tilespmem:$0x19A00] =	vst v63  }
0xc5: {  	v9 =	vld [tilespmem:$0x1270];
	_ =	sdelay $0x4  }
0xc6: {  	v10 =	vshll.u32 v9, $0x1  }
0xc7: {  	v9 =	vand.u32 $0x7, v9;
	v10 =	vand.u32 $0xFFFFFFF0, v10  }
0xc8: {  	v9 =	vor.u32 v9, v10  }
0xc9: {  	v10 =	vperm.xlane v9, v5;
	_ =	sdelay $0x1  }
0xca: {  	v9 =	vperm.xlane v9, v7;
	v10 =	vadd.s32 v6, v10;
	_ =	sdelay $0x1  }
0xcb: {  	v9 =	vadd.s32 v6, v9;
	_ =	sdelay $0x1  }
0xcc: {  	s30 =	simm.s32 $0x8A00  }
0xcd: {  	[tilespmem:s30], [sflag:$0x1] =	stream.indirect_vreg.gather [hbm4b:s5+s1], $0x80, v10, vm0, $0xb8;
	[tilespmem:$0x19A00] =	vst v63  }
0xce: {  	s31 =	simm.s32 $0x9200  }
0xcf: {  	[tilespmem:s31], [sflag:$0x1] =	stream.indirect_vreg.gather [hbm4b:s5+s1], $0x80, v9, vm0, $0xb8;
	[tilespmem:$0x19A00] =	vst v63  }
.LBB2_9:
0xd0: {  	s0 =	simm.s32 $0x0;
	s11 =	simm.s32 $0x0  }
0xd1: {  	s13 =	simm.s32 $0x0;
	s11 =	sand.u32 $0x7800, s11;
	s12 =	sand.u32 $0x400, s0  }
0xd2: {  	s13 =	sand.u32 $0x380, s13;
	s11 =	sor.u32 s12, s11  }
0xd3: {  	s31 =	sand.u32 $0x70, s0;
	s11 =	sor.u32 s13, s11  }
0xd4: {  	s12 =	sor.u32 s31, s11  }
0xd5: {  	s11 =	simm.s32 $0x1;
	[tilespmem:s12+$0x11A00] =	vst v8;
	s12 =	simm.s32 $0x80  }
.LBB2_10:
0xd6: {  	s13 =	sshll.u32 s11, $0x4;
	p1 =	sne.s32 s11, $0x7FF  }
0xd7: {  	s17 =	smov.u32 s11;
	s11 =	sadd.s32 $0x1, s11;
	s30 =	sand.u32 $0x400, s12  }
.Ltmp6:
0xd8: {  	s13 =	sand.u32 $0x7800, s13;
	s17 =	sshll.u32 s17, $0x3;
	(pc) =	sbr.rel @p1 .LBB2_10-.Ltmp6, $4  }
0xd9: {  	s0 =	sadd.s32 $0x10, s0;
	s17 =	sand.u32 $0x380, s17;
	s13 =	sor.u32 s30, s13  }
0xda: {  	s30 =	sand.u32 $0x70, s0;
	s13 =	sor.u32 s17, s13  }
0xdb: {  	s13 =	sor.u32 s30, s13  }
0xdc: {  	s12 =	sadd.s32 $0x80, s12;
	[tilespmem:s13+$0x11A00] =	vst v8  }
0xdd: {  	s12 =	ssub.s32 @!p0 s25, s3  }
0xde: {  	p1 =	sgt.s32 @!p0 s12, $0x7F  }
0xdf: {  	p1 =	por p0, p1  }
.Ltmp7:
0xe0: {  	_ = 	snop;
	(pc) =	sbr.rel @p1 .LBB2_12-.Ltmp7, $4  }
0xe1: {  	s0 =	simm.s32 @!p0 $0x1  }
0xe2: {  	_ =	swait.ge @!p0 [sflag:s0], $0x8000  }
0xe3: {  	[sflag:s0] =	ssyncset.done @!p0 $0x0  }
0xe4: {  	[sflag:s0] =	ssyncadd.s32 @!p0 $0xFFFF8000  }
0xe5: {  	s13 =	sshll.u32 s12, $0x4  }
0xe6: {  	s0 =	smax.u32 s13, $0x7FF  }
0xe7: {  	s30 =	sadd.s32 $0x1, s13;
	s0 =	sadd.s32 $0x1, s0  }
0xe8: {  	p0 =	sne.s32 s0, s30  }
.Ltmp8:
0xe9: {  	s11 =	sshll.u32 s12, $0xB;
	s17 =	sshll.u32 s13, $0x4;
	(pc) =	sbr.rel @!p0 .LBB2_15-.Ltmp8, $4  }
0xea: {  	s31 =	sand.u32 $0x400, s11;
	s4 =	sshll.u32 s13, $0x3;
	s17 =	sand.u32 $0x7800, s17  }
0xeb: {  	s12 =	sshll.u32 s12, $0x8;
	s4 =	sand.u32 $0x380, s4;
	s13 =	sor.u32 s31, s17  }
0xec: {  	s17 =	sand.u32 $0x70, s12;
	s4 =	sor.u32 s4, s13  }
0xed: {  	s31 =	sor.u32 s17, s4  }
.LBB2_14:
0xee: {  	s4 =	smov.u32 s30;
	s30 =	sadd.s32 $0x1, s30  }
0xef: {  	[tilespmem:s31+$0x1A00] =	vst v8;
	s11 =	sadd.s32 $0x80, s11;
	s12 =	sadd.s32 $0x10, s12;
	p0 =	sne.s32 s0, s30  }
.Ltmp9:
0xf0: {  	s13 =	sshll.u32 s4, $0x4;
	(pc) =	sbr.rel @p0 .LBB2_14-.Ltmp9, $4  }
0xf1: {  	s17 =	sand.u32 $0x400, s11;
	s4 =	sshll.u32 s4, $0x3;
	s13 =	sand.u32 $0x7800, s13  }
0xf2: {  	s4 =	sand.u32 $0x380, s4;
	s13 =	sor.u32 s17, s13  }
0xf3: {  	s17 =	sand.u32 $0x70, s12;
	s4 =	sor.u32 s4, s13  }
0xf4: {  	s31 =	sor.u32 s17, s4  }
.LBB2_15:
.Ltmp10:
0xf5: {  	(pc) =	sbr.rel .LBB2_16-.Ltmp10, $2  }
0xf6: {  	_ =	sdelay $0x2  }
0xf7: {  	[tilespmem:s31+$0x1A00] =	vst v8;
	s0 =	simm.s32 $0x1A00  }
.LBB2_12:
0xf8: {  	s0 =	simm.s32 @!p0 $0x1A00  }
0xf9: {  	s0 =	simm.s32 @p0 $0x11A00  }
.LBB2_16:
0xfa: {  	s4 =	rddreg [dreg:$0x6]  }
0xfb: {  	[hbm4b:s4+s1] =	stream.linear.scatter [tilespmem:s0], [sflag:$0x3], $0x8000, $0x38;
	[tilespmem:$0x19A00] =	vst v63  }
0xfc: {  	s4 =	rddreg [dreg:$0x4]  }
0xfd: {  	p0 =	sle.s32 s25, s4  }
0xfe: {  	v9 =	vld @!p0 [tilespmem:$0x1280];
	_ =	sdelay $0x4  }
0xff: {  	v10 =	vshll.u32 @!p0 v9, $0x1  }
0x100: {  	v11 =	vlaneseq.u32 @!p0;
	v9 =	vand.u32 @!p0 $0x7, v9;
	v10 =	vand.u32 @!p0 $0xFFFFFFF0, v10  }
0x101: {  	v12 =	vshrl.u32 @!p0 v11, $0x3;
	v9 =	vor.u32 @!p0 v9, v10;
	v10 =	vand.u32 @!p0 $0x7, v11  }
0x102: {  	v12 =	vmul.u32 @!p0 $0x8, v12;
	v13 =	vperm.xlane @!p0 v9, v10  }
0x103: {  	v11 =	vor.u32 @!p0 $0x8, v11  }
0x104: {  	v9 =	vperm.xlane @!p0 v9, v11;
	v13 =	vadd.s32 @!p0 v12, v13;
	_ =	sdelay $0x1  }
0x105: {  	v9 =	vadd.s32 @!p0 v12, v9;
	_ =	sdelay $0x1  }
0x106: {  	vm1 =	vmmov @!p0 $0xffff;
	s30 =	simm.s32 @!p0 $0x0;
	s31 =	simm.s32 @!p0 $0x9A00  }
0x107: {  	[tilespmem:s31], [sflag:$0x2] =	stream.indirect_vreg.gather @!p0 [hbm4b:s5+s30], $0x80, v13, vm1, $0xb8;
	[tilespmem:$0x19A00] =	vst v63  }
0x108: {  	s0 =	simm.s32 @!p0 $0xA200  }
0x109: {  	[tilespmem:s0], [sflag:$0x2] =	stream.indirect_vreg.gather @!p0 [hbm4b:s5+s30], $0x80, v9, vm1, $0xb8;
	[tilespmem:$0x19A00] =	vst v63  }
0x10a: {  	v9 =	vld @!p0 [tilespmem:$0x1290];
	_ =	sdelay $0x4  }
0x10b: {  	v13 =	vshll.u32 @!p0 v9, $0x1  }
0x10c: {  	v9 =	vand.u32 @!p0 $0x7, v9;
	v13 =	vand.u32 @!p0 $0xFFFFFFF0, v13  }
0x10d: {  	v9 =	vor.u32 @!p0 v9, v13  }
0x10e: {  	v13 =	vperm.xlane @!p0 v9, v10;
	_ =	sdelay $0x1  }
0x10f: {  	v9 =	vperm.xlane @!p0 v9, v11;
	v13 =	vadd.s32 @!p0 v12, v13;
	_ =	sdelay $0x1  }
0x110: {  	v9 =	vadd.s32 @!p0 v12, v9;
	_ =	sdelay $0x1  }
0x111: {  	s0 =	simm.s32 @!p0 $0xAA00  }
0x112: {  	[tilespmem:s0], [sflag:$0x2] =	stream.indirect_vreg.gather @!p0 [hbm4b:s5+s30], $0x80, v13, vm1, $0xb8;
	[tilespmem:$0x19A00] =	vst v63  }
0x113: {  	s0 =	simm.s32 @!p0 $0xB200  }
0x114: {  	[tilespmem:s0], [sflag:$0x2] =	stream.indirect_vreg.gather @!p0 [hbm4b:s5+s30], $0x80, v9, vm1, $0xb8;
	[tilespmem:$0x19A00] =	vst v63  }
0x115: {  	v9 =	vld @!p0 [tilespmem:$0x12A0];
	_ =	sdelay $0x4  }
0x116: {  	v13 =	vshll.u32 @!p0 v9, $0x1  }
0x117: {  	v9 =	vand.u32 @!p0 $0x7, v9;
	v13 =	vand.u32 @!p0 $0xFFFFFFF0, v13  }
0x118: {  	v9 =	vor.u32 @!p0 v9, v13  }
0x119: {  	v13 =	vperm.xlane @!p0 v9, v10;
	_ =	sdelay $0x1  }
0x11a: {  	v9 =	vperm.xlane @!p0 v9, v11;
	v13 =	vadd.s32 @!p0 v12, v13;
	_ =	sdelay $0x1  }
0x11b: {  	v9 =	vadd.s32 @!p0 v12, v9;
	_ =	sdelay $0x1  }
0x11c: {  	s0 =	simm.s32 @!p0 $0xBA00  }
0x11d: {  	[tilespmem:s0], [sflag:$0x2] =	stream.indirect_vreg.gather @!p0 [hbm4b:s5+s30], $0x80, v13, vm1, $0xb8;
	[tilespmem:$0x19A00] =	vst v63  }
0x11e: {  	s0 =	simm.s32 @!p0 $0xC200  }
0x11f: {  	[tilespmem:s0], [sflag:$0x2] =	stream.indirect_vreg.gather @!p0 [hbm4b:s5+s30], $0x80, v9, vm1, $0xb8;
	[tilespmem:$0x19A00] =	vst v63  }
0x120: {  	v9 =	vld @!p0 [tilespmem:$0x12B0];
	_ =	sdelay $0x4  }
0x121: {  	v13 =	vshll.u32 @!p0 v9, $0x1  }
0x122: {  	v9 =	vand.u32 @!p0 $0x7, v9;
	v13 =	vand.u32 @!p0 $0xFFFFFFF0, v13  }
0x123: {  	v9 =	vor.u32 @!p0 v9, v13  }
0x124: {  	v13 =	vperm.xlane @!p0 v9, v10;
	_ =	sdelay $0x1  }
0x125: {  	v9 =	vperm.xlane @!p0 v9, v11;
	v13 =	vadd.s32 @!p0 v12, v13;
	_ =	sdelay $0x1  }
0x126: {  	v9 =	vadd.s32 @!p0 v12, v9;
	_ =	sdelay $0x1  }
0x127: {  	s0 =	simm.s32 @!p0 $0xCA00  }
0x128: {  	[tilespmem:s0], [sflag:$0x2] =	stream.indirect_vreg.gather @!p0 [hbm4b:s5+s30], $0x80, v13, vm1, $0xb8;
	[tilespmem:$0x19A00] =	vst v63  }
0x129: {  	s0 =	simm.s32 @!p0 $0xD200  }
0x12a: {  	[tilespmem:s0], [sflag:$0x2] =	stream.indirect_vreg.gather @!p0 [hbm4b:s5+s30], $0x80, v9, vm1, $0xb8;
	[tilespmem:$0x19A00] =	vst v63  }
0x12b: {  	v9 =	vld @!p0 [tilespmem:$0x12C0];
	_ =	sdelay $0x4  }
0x12c: {  	v13 =	vshll.u32 @!p0 v9, $0x1  }
0x12d: {  	v9 =	vand.u32 @!p0 $0x7, v9;
	v13 =	vand.u32 @!p0 $0xFFFFFFF0, v13  }
0x12e: {  	v9 =	vor.u32 @!p0 v9, v13  }
0x12f: {  	v13 =	vperm.xlane @!p0 v9, v10;
	_ =	sdelay $0x1  }
0x130: {  	v9 =	vperm.xlane @!p0 v9, v11;
	v13 =	vadd.s32 @!p0 v12, v13;
	_ =	sdelay $0x1  }
0x131: {  	v9 =	vadd.s32 @!p0 v12, v9;
	_ =	sdelay $0x1  }
0x132: {  	s0 =	simm.s32 @!p0 $0xDA00  }
0x133: {  	[tilespmem:s0], [sflag:$0x2] =	stream.indirect_vreg.gather @!p0 [hbm4b:s5+s30], $0x80, v13, vm1, $0xb8;
	[tilespmem:$0x19A00] =	vst v63  }
0x134: {  	s0 =	simm.s32 @!p0 $0xE200  }
0x135: {  	[tilespmem:s0], [sflag:$0x2] =	stream.indirect_vreg.gather @!p0 [hbm4b:s5+s30], $0x80, v9, vm1, $0xb8;
	[tilespmem:$0x19A00] =	vst v63  }
0x136: {  	v9 =	vld @!p0 [tilespmem:$0x12D0];
	_ =	sdelay $0x4  }
0x137: {  	v13 =	vshll.u32 @!p0 v9, $0x1  }
0x138: {  	v9 =	vand.u32 @!p0 $0x7, v9;
	v13 =	vand.u32 @!p0 $0xFFFFFFF0, v13  }
0x139: {  	v9 =	vor.u32 @!p0 v9, v13  }
0x13a: {  	v13 =	vperm.xlane @!p0 v9, v10;
	_ =	sdelay $0x1  }
0x13b: {  	v9 =	vperm.xlane @!p0 v9, v11;
	v13 =	vadd.s32 @!p0 v12, v13;
	_ =	sdelay $0x1  }
0x13c: {  	v9 =	vadd.s32 @!p0 v12, v9;
	_ =	sdelay $0x1  }
0x13d: {  	s0 =	simm.s32 @!p0 $0xEA00  }
0x13e: {  	[tilespmem:s0], [sflag:$0x2] =	stream.indirect_vreg.gather @!p0 [hbm4b:s5+s30], $0x80, v13, vm1, $0xb8;
	[tilespmem:$0x19A00] =	vst v63  }
0x13f: {  	s0 =	simm.s32 @!p0 $0xF200  }
0x140: {  	[tilespmem:s0], [sflag:$0x2] =	stream.indirect_vreg.gather @!p0 [hbm4b:s5+s30], $0x80, v9, vm1, $0xb8;
	[tilespmem:$0x19A00] =	vst v63  }
0x141: {  	v9 =	vld @!p0 [tilespmem:$0x12E0];
	_ =	sdelay $0x4  }
0x142: {  	v13 =	vshll.u32 @!p0 v9, $0x1  }
0x143: {  	v9 =	vand.u32 @!p0 $0x7, v9;
	v13 =	vand.u32 @!p0 $0xFFFFFFF0, v13  }
0x144: {  	v9 =	vor.u32 @!p0 v9, v13  }
0x145: {  	v13 =	vperm.xlane @!p0 v9, v10;
	_ =	sdelay $0x1  }
0x146: {  	v9 =	vperm.xlane @!p0 v9, v11;
	v13 =	vadd.s32 @!p0 v12, v13;
	_ =	sdelay $0x1  }
0x147: {  	v9 =	vadd.s32 @!p0 v12, v9;
	_ =	sdelay $0x1  }
0x148: {  	s0 =	simm.s32 @!p0 $0xFA00  }
0x149: {  	[tilespmem:s0], [sflag:$0x2] =	stream.indirect_vreg.gather @!p0 [hbm4b:s5+s30], $0x80, v13, vm1, $0xb8;
	[tilespmem:$0x19A00] =	vst v63  }
0x14a: {  	s0 =	simm.s32 @!p0 $0x10200  }
0x14b: {  	[tilespmem:s0], [sflag:$0x2] =	stream.indirect_vreg.gather @!p0 [hbm4b:s5+s30], $0x80, v9, vm1, $0xb8;
	[tilespmem:$0x19A00] =	vst v63  }
0x14c: {  	v9 =	vld @!p0 [tilespmem:$0x12F0];
	_ =	sdelay $0x4  }
0x14d: {  	v13 =	vshll.u32 @!p0 v9, $0x1  }
0x14e: {  	v9 =	vand.u32 @!p0 $0x7, v9;
	v13 =	vand.u32 @!p0 $0xFFFFFFF0, v13  }
0x14f: {  	v9 =	vor.u32 @!p0 v9, v13  }
0x150: {  	v10 =	vperm.xlane @!p0 v9, v10;
	_ =	sdelay $0x1  }
0x151: {  	v9 =	vperm.xlane @!p0 v9, v11;
	v10 =	vadd.s32 @!p0 v12, v10;
	_ =	sdelay $0x1  }
0x152: {  	v9 =	vadd.s32 @!p0 v12, v9  }
0x153: {  	s11 =	ssub.s32 @!p0 s25, s4  }
0x154: {  	p1 =	sgt.s32 @!p0 s11, $0x7F;
	s0 =	simm.s32 @!p0 $0x10A00  }
0x155: {  	[tilespmem:s0], [sflag:$0x2] =	stream.indirect_vreg.gather @!p0 [hbm4b:s5+s30], $0x80, v10, vm1, $0xb8;
	[tilespmem:$0x19A00] =	vst v63  }
0x156: {  	p1 =	por p0, p1;
	s0 =	simm.s32 @!p0 $0x11200  }
0x157: {  	[tilespmem:s0], [sflag:$0x2] =	stream.indirect_vreg.gather @!p0 [hbm4b:s5+s30], $0x80, v9, vm1, $0xb8;
	[tilespmem:$0x19A00] =	vst v63  }
.Ltmp11:
0x158: {  	_ = 	snop;
	(pc) =	sbr.rel @p1 .LBB2_17-.Ltmp11, $4  }
0x159: {  	s0 =	simm.s32 @!p0 $0x2  }
0x15a: {  	_ =	swait.ge @!p0 [sflag:s0], $0x8000  }
0x15b: {  	[sflag:s0] =	ssyncset.done @!p0 $0x0  }
0x15c: {  	[sflag:s0] =	ssyncadd.s32 @!p0 $0xFFFF8000  }
0x15d: {  	s4 =	sshll.u32 s11, $0x4  }
0x15e: {  	s0 =	sshll.u32 s11, $0xB;
	s12 =	sshll.u32 s4, $0x4  }
0x15f: {  	s13 =	sand.u32 $0x400, s0;
	s12 =	sand.u32 $0x7800, s12  }
0x160: {  	s13 =	sor.u32 s13, s12;
	s12 =	smax.u32 s4, $0x7FF  }
0x161: {  	p0 =	sne.s32 s4, s12  }
.Ltmp12:
0x162: {  	s17 =	sshll.u32 s4, $0x3;
	(pc) =	sbr.rel @!p0 .LBB2_20-.Ltmp12, $4  }
0x163: {  	s11 =	sshll.u32 s11, $0x8;
	s17 =	sand.u32 $0x380, s17  }
0x164: {  	s30 =	sand.u32 $0x70, s11;
	s13 =	sor.u32 s17, s13  }
0x165: {  	s13 =	sor.u32 s30, s13  }
0x166: {  	s30 =	sadd.s32 $0x1, s4;
	[tilespmem:s13+$0x9A00] =	vst v8  }
.LBB2_19:
0x167: {  	s4 =	sshll.u32 s30, $0x4  }
0x168: {  	p0 =	sne.s32 s30, s12;
	s0 =	sadd.s32 $0x80, s0;
	s17 =	sshll.u32 s30, $0x3  }
.Ltmp13:
0x169: {  	s4 =	sand.u32 $0x7800, s4;
	s13 =	sand.u32 $0x400, s0;
	(pc) =	sbr.rel @p0 .LBB2_19-.Ltmp13, $4  }
0x16a: {  	s11 =	sadd.s32 $0x10, s11;
	s17 =	sand.u32 $0x380, s17;
	s4 =	sor.u32 s13, s4  }
0x16b: {  	s13 =	sand.u32 $0x70, s11;
	s4 =	sor.u32 s17, s4  }
0x16c: {  	s4 =	sor.u32 s13, s4  }
0x16d: {  	s30 =	sadd.s32 $0x1, s30;
	[tilespmem:s4+$0x9A00] =	vst v8  }
.LBB2_20:
.Ltmp14:
0x16e: {  	(pc) =	sbr.rel .LBB2_21-.Ltmp14, $2  }
0x16f: {  	_ =	sdelay $0x2  }
0x170: {  	s31 =	simm.s32 $0x9A00  }
.LBB2_17:
0x171: {  	s31 =	simm.s32 @p0 $0x11A00  }
.LBB2_21:
0x172: {  	s0 =	rddreg [dreg:$0x7]  }
0x173: {  	[hbm4b:s0+s1] =	stream.linear.scatter [tilespmem:s31], [sflag:$0x4], $0x8000, $0x38;
	[tilespmem:$0x19A00] =	vst v63  }
0x174: {  	_ =	swait.ge [sflag:s19], $0x8000  }
0x175: {  	[sflag:s19] =	ssyncset.done $0x0  }
0x176: {  	p0 =	sle.s32 s25, s8;
	[sflag:s19] =	ssyncadd.s32 $0xFFFF8000  }
0x177: {  	v9 =	vld @!p0 [tilespmem:$0x1300];
	_ =	sdelay $0x4  }
0x178: {  	v10 =	vshll.u32 @!p0 v9, $0x1  }
0x179: {  	v11 =	vlaneseq.u32 @!p0;
	v9 =	vand.u32 @!p0 $0x7, v9;
	v10 =	vand.u32 @!p0 $0xFFFFFFF0, v10  }
0x17a: {  	v12 =	vshrl.u32 @!p0 v11, $0x3;
	v9 =	vor.u32 @!p0 v9, v10;
	v10 =	vand.u32 @!p0 $0x7, v11  }
0x17b: {  	v12 =	vmul.u32 @!p0 $0x8, v12;
	v13 =	vperm.xlane @!p0 v9, v10  }
0x17c: {  	v11 =	vor.u32 @!p0 $0x8, v11  }
0x17d: {  	v9 =	vperm.xlane @!p0 v9, v11;
	v13 =	vadd.s32 @!p0 v12, v13;
	_ =	sdelay $0x1  }
0x17e: {  	v9 =	vadd.s32 @!p0 v12, v9;
	_ =	sdelay $0x1  }
0x17f: {  	vm1 =	vmmov @!p0 $0xffff;
	s30 =	simm.s32 @!p0 $0x0;
	s31 =	simm.s32 @!p0 $0x1A00  }
0x180: {  	[tilespmem:s31], [sflag:$0x1] =	stream.indirect_vreg.gather @!p0 [hbm4b:s5+s30], $0x80, v13, vm1, $0xb8;
	[tilespmem:$0x19A00] =	vst v63  }
0x181: {  	s0 =	simm.s32 @!p0 $0x2200  }
0x182: {  	[tilespmem:s0], [sflag:$0x1] =	stream.indirect_vreg.gather @!p0 [hbm4b:s5+s30], $0x80, v9, vm1, $0xb8;
	[tilespmem:$0x19A00] =	vst v63  }
0x183: {  	v9 =	vld @!p0 [tilespmem:$0x1310];
	_ =	sdelay $0x4  }
0x184: {  	v13 =	vshll.u32 @!p0 v9, $0x1  }
0x185: {  	v9 =	vand.u32 @!p0 $0x7, v9;
	v13 =	vand.u32 @!p0 $0xFFFFFFF0, v13  }
0x186: {  	v9 =	vor.u32 @!p0 v9, v13  }
0x187: {  	v13 =	vperm.xlane @!p0 v9, v10;
	_ =	sdelay $0x1  }
0x188: {  	v9 =	vperm.xlane @!p0 v9, v11;
	v13 =	vadd.s32 @!p0 v12, v13;
	_ =	sdelay $0x1  }
0x189: {  	v9 =	vadd.s32 @!p0 v12, v9;
	_ =	sdelay $0x1  }
0x18a: {  	s0 =	simm.s32 @!p0 $0x2A00  }
0x18b: {  	[tilespmem:s0], [sflag:$0x1] =	stream.indirect_vreg.gather @!p0 [hbm4b:s5+s30], $0x80, v13, vm1, $0xb8;
	[tilespmem:$0x19A00] =	vst v63  }
0x18c: {  	s0 =	simm.s32 @!p0 $0x3200  }
0x18d: {  	[tilespmem:s0], [sflag:$0x1] =	stream.indirect_vreg.gather @!p0 [hbm4b:s5+s30], $0x80, v9, vm1, $0xb8;
	[tilespmem:$0x19A00] =	vst v63  }
0x18e: {  	v9 =	vld @!p0 [tilespmem:$0x1320];
	_ =	sdelay $0x4  }
0x18f: {  	v13 =	vshll.u32 @!p0 v9, $0x1  }
0x190: {  	v9 =	vand.u32 @!p0 $0x7, v9;
	v13 =	vand.u32 @!p0 $0xFFFFFFF0, v13  }
0x191: {  	v9 =	vor.u32 @!p0 v9, v13  }
0x192: {  	v13 =	vperm.xlane @!p0 v9, v10;
	_ =	sdelay $0x1  }
0x193: {  	v9 =	vperm.xlane @!p0 v9, v11;
	v13 =	vadd.s32 @!p0 v12, v13;
	_ =	sdelay $0x1  }
0x194: {  	v9 =	vadd.s32 @!p0 v12, v9;
	_ =	sdelay $0x1  }
0x195: {  	s0 =	simm.s32 @!p0 $0x3A00  }
0x196: {  	[tilespmem:s0], [sflag:$0x1] =	stream.indirect_vreg.gather @!p0 [hbm4b:s5+s30], $0x80, v13, vm1, $0xb8;
	[tilespmem:$0x19A00] =	vst v63  }
0x197: {  	s0 =	simm.s32 @!p0 $0x4200  }
0x198: {  	[tilespmem:s0], [sflag:$0x1] =	stream.indirect_vreg.gather @!p0 [hbm4b:s5+s30], $0x80, v9, vm1, $0xb8;
	[tilespmem:$0x19A00] =	vst v63  }
0x199: {  	v9 =	vld @!p0 [tilespmem:$0x1330];
	_ =	sdelay $0x4  }
0x19a: {  	v13 =	vshll.u32 @!p0 v9, $0x1  }
0x19b: {  	v9 =	vand.u32 @!p0 $0x7, v9;
	v13 =	vand.u32 @!p0 $0xFFFFFFF0, v13  }
0x19c: {  	v9 =	vor.u32 @!p0 v9, v13  }
0x19d: {  	v13 =	vperm.xlane @!p0 v9, v10;
	_ =	sdelay $0x1  }
0x19e: {  	v9 =	vperm.xlane @!p0 v9, v11;
	v13 =	vadd.s32 @!p0 v12, v13;
	_ =	sdelay $0x1  }
0x19f: {  	v9 =	vadd.s32 @!p0 v12, v9;
	_ =	sdelay $0x1  }
0x1a0: {  	s0 =	simm.s32 @!p0 $0x4A00  }
0x1a1: {  	[tilespmem:s0], [sflag:$0x1] =	stream.indirect_vreg.gather @!p0 [hbm4b:s5+s30], $0x80, v13, vm1, $0xb8;
	[tilespmem:$0x19A00] =	vst v63  }
0x1a2: {  	s0 =	simm.s32 @!p0 $0x5200  }
0x1a3: {  	[tilespmem:s0], [sflag:$0x1] =	stream.indirect_vreg.gather @!p0 [hbm4b:s5+s30], $0x80, v9, vm1, $0xb8;
	[tilespmem:$0x19A00] =	vst v63  }
0x1a4: {  	v9 =	vld @!p0 [tilespmem:$0x1340];
	_ =	sdelay $0x4  }
0x1a5: {  	v13 =	vshll.u32 @!p0 v9, $0x1  }
0x1a6: {  	v9 =	vand.u32 @!p0 $0x7, v9;
	v13 =	vand.u32 @!p0 $0xFFFFFFF0, v13  }
0x1a7: {  	v9 =	vor.u32 @!p0 v9, v13  }
0x1a8: {  	v13 =	vperm.xlane @!p0 v9, v10;
	_ =	sdelay $0x1  }
0x1a9: {  	v9 =	vperm.xlane @!p0 v9, v11;
	v13 =	vadd.s32 @!p0 v12, v13;
	_ =	sdelay $0x1  }
0x1aa: {  	v9 =	vadd.s32 @!p0 v12, v9;
	_ =	sdelay $0x1  }
0x1ab: {  	s0 =	simm.s32 @!p0 $0x5A00  }
0x1ac: {  	[tilespmem:s0], [sflag:$0x1] =	stream.indirect_vreg.gather @!p0 [hbm4b:s5+s30], $0x80, v13, vm1, $0xb8;
	[tilespmem:$0x19A00] =	vst v63  }
0x1ad: {  	s0 =	simm.s32 @!p0 $0x6200  }
0x1ae: {  	[tilespmem:s0], [sflag:$0x1] =	stream.indirect_vreg.gather @!p0 [hbm4b:s5+s30], $0x80, v9, vm1, $0xb8;
	[tilespmem:$0x19A00] =	vst v63  }
0x1af: {  	v9 =	vld @!p0 [tilespmem:$0x1350];
	_ =	sdelay $0x4  }
0x1b0: {  	v13 =	vshll.u32 @!p0 v9, $0x1  }
0x1b1: {  	v9 =	vand.u32 @!p0 $0x7, v9;
	v13 =	vand.u32 @!p0 $0xFFFFFFF0, v13  }
0x1b2: {  	v9 =	vor.u32 @!p0 v9, v13  }
0x1b3: {  	v13 =	vperm.xlane @!p0 v9, v10;
	_ =	sdelay $0x1  }
0x1b4: {  	v9 =	vperm.xlane @!p0 v9, v11;
	v13 =	vadd.s32 @!p0 v12, v13;
	_ =	sdelay $0x1  }
0x1b5: {  	v9 =	vadd.s32 @!p0 v12, v9;
	_ =	sdelay $0x1  }
0x1b6: {  	s0 =	simm.s32 @!p0 $0x6A00  }
0x1b7: {  	[tilespmem:s0], [sflag:$0x1] =	stream.indirect_vreg.gather @!p0 [hbm4b:s5+s30], $0x80, v13, vm1, $0xb8;
	[tilespmem:$0x19A00] =	vst v63  }
0x1b8: {  	s0 =	simm.s32 @!p0 $0x7200  }
0x1b9: {  	[tilespmem:s0], [sflag:$0x1] =	stream.indirect_vreg.gather @!p0 [hbm4b:s5+s30], $0x80, v9, vm1, $0xb8;
	[tilespmem:$0x19A00] =	vst v63  }
0x1ba: {  	v9 =	vld @!p0 [tilespmem:$0x1360];
	_ =	sdelay $0x4  }
0x1bb: {  	v13 =	vshll.u32 @!p0 v9, $0x1  }
0x1bc: {  	v9 =	vand.u32 @!p0 $0x7, v9;
	v13 =	vand.u32 @!p0 $0xFFFFFFF0, v13  }
0x1bd: {  	v9 =	vor.u32 @!p0 v9, v13  }
0x1be: {  	v13 =	vperm.xlane @!p0 v9, v10;
	_ =	sdelay $0x1  }
0x1bf: {  	v9 =	vperm.xlane @!p0 v9, v11;
	v13 =	vadd.s32 @!p0 v12, v13;
	_ =	sdelay $0x1  }
0x1c0: {  	v9 =	vadd.s32 @!p0 v12, v9;
	_ =	sdelay $0x1  }
0x1c1: {  	s0 =	simm.s32 @!p0 $0x7A00  }
0x1c2: {  	[tilespmem:s0], [sflag:$0x1] =	stream.indirect_vreg.gather @!p0 [hbm4b:s5+s30], $0x80, v13, vm1, $0xb8;
	[tilespmem:$0x19A00] =	vst v63  }
0x1c3: {  	s0 =	simm.s32 @!p0 $0x8200  }
0x1c4: {  	[tilespmem:s0], [sflag:$0x1] =	stream.indirect_vreg.gather @!p0 [hbm4b:s5+s30], $0x80, v9, vm1, $0xb8;
	[tilespmem:$0x19A00] =	vst v63  }
0x1c5: {  	v9 =	vld @!p0 [tilespmem:$0x1370];
	_ =	sdelay $0x4  }
0x1c6: {  	v13 =	vshll.u32 @!p0 v9, $0x1  }
0x1c7: {  	v9 =	vand.u32 @!p0 $0x7, v9;
	v13 =	vand.u32 @!p0 $0xFFFFFFF0, v13  }
0x1c8: {  	v9 =	vor.u32 @!p0 v9, v13  }
0x1c9: {  	v10 =	vperm.xlane @!p0 v9, v10;
	_ =	sdelay $0x1  }
0x1ca: {  	v9 =	vperm.xlane @!p0 v9, v11;
	v10 =	vadd.s32 @!p0 v12, v10;
	_ =	sdelay $0x1  }
0x1cb: {  	v9 =	vadd.s32 @!p0 v12, v9  }
0x1cc: {  	s11 =	ssub.s32 @!p0 s25, s8  }
0x1cd: {  	p1 =	sgt.s32 @!p0 s11, $0x7F;
	s0 =	simm.s32 @!p0 $0x8A00  }
0x1ce: {  	[tilespmem:s0], [sflag:$0x1] =	stream.indirect_vreg.gather @!p0 [hbm4b:s5+s30], $0x80, v10, vm1, $0xb8;
	[tilespmem:$0x19A00] =	vst v63  }
0x1cf: {  	p1 =	por p0, p1;
	s0 =	simm.s32 @!p0 $0x9200  }
0x1d0: {  	[tilespmem:s0], [sflag:$0x1] =	stream.indirect_vreg.gather @!p0 [hbm4b:s5+s30], $0x80, v9, vm1, $0xb8;
	[tilespmem:$0x19A00] =	vst v63  }
.Ltmp15:
0x1d1: {  	_ = 	snop;
	(pc) =	sbr.rel @p1 .LBB2_22-.Ltmp15, $4  }
0x1d2: {  	s0 =	simm.s32 @!p0 $0x1  }
0x1d3: {  	_ =	swait.ge @!p0 [sflag:s0], $0x8000  }
0x1d4: {  	[sflag:s0] =	ssyncset.done @!p0 $0x0  }
0x1d5: {  	[sflag:s0] =	ssyncadd.s32 @!p0 $0xFFFF8000  }
0x1d6: {  	s4 =	sshll.u32 s11, $0x4  }
0x1d7: {  	s0 =	sshll.u32 s11, $0xB;
	s12 =	sshll.u32 s4, $0x4  }
0x1d8: {  	s13 =	sand.u32 $0x400, s0;
	s12 =	sand.u32 $0x7800, s12  }
0x1d9: {  	s13 =	sor.u32 s13, s12;
	s12 =	smax.u32 s4, $0x7FF  }
0x1da: {  	p0 =	sne.s32 s4, s12  }
.Ltmp16:
0x1db: {  	s17 =	sshll.u32 s4, $0x3;
	(pc) =	sbr.rel @!p0 .LBB2_25-.Ltmp16, $4  }
0x1dc: {  	s11 =	sshll.u32 s11, $0x8;
	s17 =	sand.u32 $0x380, s17  }
0x1dd: {  	s30 =	sand.u32 $0x70, s11;
	s13 =	sor.u32 s17, s13  }
0x1de: {  	s13 =	sor.u32 s30, s13  }
0x1df: {  	s30 =	sadd.s32 $0x1, s4;
	[tilespmem:s13+$0x1A00] =	vst v8  }
.LBB2_24:
0x1e0: {  	s4 =	sshll.u32 s30, $0x4  }
0x1e1: {  	p0 =	sne.s32 s30, s12;
	s0 =	sadd.s32 $0x80, s0;
	s17 =	sshll.u32 s30, $0x3  }
.Ltmp17:
0x1e2: {  	s4 =	sand.u32 $0x7800, s4;
	s13 =	sand.u32 $0x400, s0;
	(pc) =	sbr.rel @p0 .LBB2_24-.Ltmp17, $4  }
0x1e3: {  	s11 =	sadd.s32 $0x10, s11;
	s17 =	sand.u32 $0x380, s17;
	s4 =	sor.u32 s13, s4  }
0x1e4: {  	s13 =	sand.u32 $0x70, s11;
	s4 =	sor.u32 s17, s4  }
0x1e5: {  	s4 =	sor.u32 s13, s4  }
0x1e6: {  	s30 =	sadd.s32 $0x1, s30;
	[tilespmem:s4+$0x1A00] =	vst v8  }
.LBB2_25:
.Ltmp18:
0x1e7: {  	(pc) =	sbr.rel .LBB2_26-.Ltmp18, $2  }
0x1e8: {  	_ =	sdelay $0x2  }
0x1e9: {  	s31 =	simm.s32 $0x1A00  }
.LBB2_22:
0x1ea: {  	s31 =	simm.s32 @p0 $0x11A00  }
.LBB2_26:
0x1eb: {  	s0 =	rddreg [dreg:$0x8]  }
0x1ec: {  	[hbm4b:s0+s1] =	stream.linear.scatter [tilespmem:s31], [sflag:$0x3], $0x8000, $0x38;
	[tilespmem:$0x19A00] =	vst v63  }
0x1ed: {  	_ =	swait.ge [sflag:s23], $0x8000  }
0x1ee: {  	[sflag:s23] =	ssyncset.done $0x0  }
0x1ef: {  	p0 =	sle.s32 s25, s9;
	[sflag:s23] =	ssyncadd.s32 $0xFFFF8000  }
0x1f0: {  	v9 =	vld @!p0 [tilespmem:$0x1380];
	_ =	sdelay $0x4  }
0x1f1: {  	v10 =	vshll.u32 @!p0 v9, $0x1  }
0x1f2: {  	v11 =	vlaneseq.u32 @!p0;
	v9 =	vand.u32 @!p0 $0x7, v9;
	v10 =	vand.u32 @!p0 $0xFFFFFFF0, v10  }
0x1f3: {  	v12 =	vshrl.u32 @!p0 v11, $0x3;
	v9 =	vor.u32 @!p0 v9, v10;
	v10 =	vand.u32 @!p0 $0x7, v11  }
0x1f4: {  	v12 =	vmul.u32 @!p0 $0x8, v12;
	v13 =	vperm.xlane @!p0 v9, v10  }
0x1f5: {  	v11 =	vor.u32 @!p0 $0x8, v11  }
0x1f6: {  	v9 =	vperm.xlane @!p0 v9, v11;
	v13 =	vadd.s32 @!p0 v12, v13;
	_ =	sdelay $0x1  }
0x1f7: {  	v9 =	vadd.s32 @!p0 v12, v9;
	_ =	sdelay $0x1  }
0x1f8: {  	vm1 =	vmmov @!p0 $0xffff;
	s30 =	simm.s32 @!p0 $0x0;
	s31 =	simm.s32 @!p0 $0x9A00  }
0x1f9: {  	[tilespmem:s31], [sflag:$0x2] =	stream.indirect_vreg.gather @!p0 [hbm4b:s5+s30], $0x80, v13, vm1, $0xb8;
	[tilespmem:$0x19A00] =	vst v63  }
0x1fa: {  	s0 =	simm.s32 @!p0 $0xA200  }
0x1fb: {  	[tilespmem:s0], [sflag:$0x2] =	stream.indirect_vreg.gather @!p0 [hbm4b:s5+s30], $0x80, v9, vm1, $0xb8;
	[tilespmem:$0x19A00] =	vst v63  }
0x1fc: {  	v9 =	vld @!p0 [tilespmem:$0x1390];
	_ =	sdelay $0x4  }
0x1fd: {  	v13 =	vshll.u32 @!p0 v9, $0x1  }
0x1fe: {  	v9 =	vand.u32 @!p0 $0x7, v9;
	v13 =	vand.u32 @!p0 $0xFFFFFFF0, v13  }
0x1ff: {  	v9 =	vor.u32 @!p0 v9, v13  }
0x200: {  	v13 =	vperm.xlane @!p0 v9, v10;
	_ =	sdelay $0x1  }
0x201: {  	v9 =	vperm.xlane @!p0 v9, v11;
	v13 =	vadd.s32 @!p0 v12, v13;
	_ =	sdelay $0x1  }
0x202: {  	v9 =	vadd.s32 @!p0 v12, v9;
	_ =	sdelay $0x1  }
0x203: {  	s0 =	simm.s32 @!p0 $0xAA00  }
0x204: {  	[tilespmem:s0], [sflag:$0x2] =	stream.indirect_vreg.gather @!p0 [hbm4b:s5+s30], $0x80, v13, vm1, $0xb8;
	[tilespmem:$0x19A00] =	vst v63  }
0x205: {  	s0 =	simm.s32 @!p0 $0xB200  }
0x206: {  	[tilespmem:s0], [sflag:$0x2] =	stream.indirect_vreg.gather @!p0 [hbm4b:s5+s30], $0x80, v9, vm1, $0xb8;
	[tilespmem:$0x19A00] =	vst v63  }
0x207: {  	v9 =	vld @!p0 [tilespmem:$0x13A0];
	_ =	sdelay $0x4  }
0x208: {  	v13 =	vshll.u32 @!p0 v9, $0x1  }
0x209: {  	v9 =	vand.u32 @!p0 $0x7, v9;
	v13 =	vand.u32 @!p0 $0xFFFFFFF0, v13  }
0x20a: {  	v9 =	vor.u32 @!p0 v9, v13  }
0x20b: {  	v13 =	vperm.xlane @!p0 v9, v10;
	_ =	sdelay $0x1  }
0x20c: {  	v9 =	vperm.xlane @!p0 v9, v11;
	v13 =	vadd.s32 @!p0 v12, v13;
	_ =	sdelay $0x1  }
0x20d: {  	v9 =	vadd.s32 @!p0 v12, v9;
	_ =	sdelay $0x1  }
0x20e: {  	s0 =	simm.s32 @!p0 $0xBA00  }
0x20f: {  	[tilespmem:s0], [sflag:$0x2] =	stream.indirect_vreg.gather @!p0 [hbm4b:s5+s30], $0x80, v13, vm1, $0xb8;
	[tilespmem:$0x19A00] =	vst v63  }
0x210: {  	s0 =	simm.s32 @!p0 $0xC200  }
0x211: {  	[tilespmem:s0], [sflag:$0x2] =	stream.indirect_vreg.gather @!p0 [hbm4b:s5+s30], $0x80, v9, vm1, $0xb8;
	[tilespmem:$0x19A00] =	vst v63  }
0x212: {  	v9 =	vld @!p0 [tilespmem:$0x13B0];
	_ =	sdelay $0x4  }
0x213: {  	v13 =	vshll.u32 @!p0 v9, $0x1  }
0x214: {  	v9 =	vand.u32 @!p0 $0x7, v9;
	v13 =	vand.u32 @!p0 $0xFFFFFFF0, v13  }
0x215: {  	v9 =	vor.u32 @!p0 v9, v13  }
0x216: {  	v13 =	vperm.xlane @!p0 v9, v10;
	_ =	sdelay $0x1  }
0x217: {  	v9 =	vperm.xlane @!p0 v9, v11;
	v13 =	vadd.s32 @!p0 v12, v13;
	_ =	sdelay $0x1  }
0x218: {  	v9 =	vadd.s32 @!p0 v12, v9;
	_ =	sdelay $0x1  }
0x219: {  	s0 =	simm.s32 @!p0 $0xCA00  }
0x21a: {  	[tilespmem:s0], [sflag:$0x2] =	stream.indirect_vreg.gather @!p0 [hbm4b:s5+s30], $0x80, v13, vm1, $0xb8;
	[tilespmem:$0x19A00] =	vst v63  }
0x21b: {  	s0 =	simm.s32 @!p0 $0xD200  }
0x21c: {  	[tilespmem:s0], [sflag:$0x2] =	stream.indirect_vreg.gather @!p0 [hbm4b:s5+s30], $0x80, v9, vm1, $0xb8;
	[tilespmem:$0x19A00] =	vst v63  }
0x21d: {  	v9 =	vld @!p0 [tilespmem:$0x13C0];
	_ =	sdelay $0x4  }
0x21e: {  	v13 =	vshll.u32 @!p0 v9, $0x1  }
0x21f: {  	v9 =	vand.u32 @!p0 $0x7, v9;
	v13 =	vand.u32 @!p0 $0xFFFFFFF0, v13  }
0x220: {  	v9 =	vor.u32 @!p0 v9, v13  }
0x221: {  	v13 =	vperm.xlane @!p0 v9, v10;
	_ =	sdelay $0x1  }
0x222: {  	v9 =	vperm.xlane @!p0 v9, v11;
	v13 =	vadd.s32 @!p0 v12, v13;
	_ =	sdelay $0x1  }
0x223: {  	v9 =	vadd.s32 @!p0 v12, v9;
	_ =	sdelay $0x1  }
0x224: {  	s0 =	simm.s32 @!p0 $0xDA00  }
0x225: {  	[tilespmem:s0], [sflag:$0x2] =	stream.indirect_vreg.gather @!p0 [hbm4b:s5+s30], $0x80, v13, vm1, $0xb8;
	[tilespmem:$0x19A00] =	vst v63  }
0x226: {  	s0 =	simm.s32 @!p0 $0xE200  }
0x227: {  	[tilespmem:s0], [sflag:$0x2] =	stream.indirect_vreg.gather @!p0 [hbm4b:s5+s30], $0x80, v9, vm1, $0xb8;
	[tilespmem:$0x19A00] =	vst v63  }
0x228: {  	v9 =	vld @!p0 [tilespmem:$0x13D0];
	_ =	sdelay $0x4  }
0x229: {  	v13 =	vshll.u32 @!p0 v9, $0x1  }
0x22a: {  	v9 =	vand.u32 @!p0 $0x7, v9;
	v13 =	vand.u32 @!p0 $0xFFFFFFF0, v13  }
0x22b: {  	v9 =	vor.u32 @!p0 v9, v13  }
0x22c: {  	v13 =	vperm.xlane @!p0 v9, v10;
	_ =	sdelay $0x1  }
0x22d: {  	v9 =	vperm.xlane @!p0 v9, v11;
	v13 =	vadd.s32 @!p0 v12, v13;
	_ =	sdelay $0x1  }
0x22e: {  	v9 =	vadd.s32 @!p0 v12, v9;
	_ =	sdelay $0x1  }
0x22f: {  	s0 =	simm.s32 @!p0 $0xEA00  }
0x230: {  	[tilespmem:s0], [sflag:$0x2] =	stream.indirect_vreg.gather @!p0 [hbm4b:s5+s30], $0x80, v13, vm1, $0xb8;
	[tilespmem:$0x19A00] =	vst v63  }
0x231: {  	s0 =	simm.s32 @!p0 $0xF200  }
0x232: {  	[tilespmem:s0], [sflag:$0x2] =	stream.indirect_vreg.gather @!p0 [hbm4b:s5+s30], $0x80, v9, vm1, $0xb8;
	[tilespmem:$0x19A00] =	vst v63  }
0x233: {  	v9 =	vld @!p0 [tilespmem:$0x13E0];
	_ =	sdelay $0x4  }
0x234: {  	v13 =	vshll.u32 @!p0 v9, $0x1  }
0x235: {  	v9 =	vand.u32 @!p0 $0x7, v9;
	v13 =	vand.u32 @!p0 $0xFFFFFFF0, v13  }
0x236: {  	v9 =	vor.u32 @!p0 v9, v13  }
0x237: {  	v13 =	vperm.xlane @!p0 v9, v10;
	_ =	sdelay $0x1  }
0x238: {  	v9 =	vperm.xlane @!p0 v9, v11;
	v13 =	vadd.s32 @!p0 v12, v13;
	_ =	sdelay $0x1  }
0x239: {  	v9 =	vadd.s32 @!p0 v12, v9;
	_ =	sdelay $0x1  }
0x23a: {  	s0 =	simm.s32 @!p0 $0xFA00  }
0x23b: {  	[tilespmem:s0], [sflag:$0x2] =	stream.indirect_vreg.gather @!p0 [hbm4b:s5+s30], $0x80, v13, vm1, $0xb8;
	[tilespmem:$0x19A00] =	vst v63  }
0x23c: {  	s0 =	simm.s32 @!p0 $0x10200  }
0x23d: {  	[tilespmem:s0], [sflag:$0x2] =	stream.indirect_vreg.gather @!p0 [hbm4b:s5+s30], $0x80, v9, vm1, $0xb8;
	[tilespmem:$0x19A00] =	vst v63  }
0x23e: {  	v9 =	vld @!p0 [tilespmem:$0x13F0];
	_ =	sdelay $0x4  }
0x23f: {  	v13 =	vshll.u32 @!p0 v9, $0x1  }
0x240: {  	v9 =	vand.u32 @!p0 $0x7, v9;
	v13 =	vand.u32 @!p0 $0xFFFFFFF0, v13  }
0x241: {  	v9 =	vor.u32 @!p0 v9, v13  }
0x242: {  	v10 =	vperm.xlane @!p0 v9, v10;
	_ =	sdelay $0x1  }
0x243: {  	v9 =	vperm.xlane @!p0 v9, v11;
	v10 =	vadd.s32 @!p0 v12, v10;
	_ =	sdelay $0x1  }
0x244: {  	v9 =	vadd.s32 @!p0 v12, v9  }
0x245: {  	s11 =	ssub.s32 @!p0 s25, s9  }
0x246: {  	p1 =	sgt.s32 @!p0 s11, $0x7F;
	s0 =	simm.s32 @!p0 $0x10A00  }
0x247: {  	[tilespmem:s0], [sflag:$0x2] =	stream.indirect_vreg.gather @!p0 [hbm4b:s5+s30], $0x80, v10, vm1, $0xb8;
	[tilespmem:$0x19A00] =	vst v63  }
0x248: {  	p1 =	por p0, p1;
	s0 =	simm.s32 @!p0 $0x11200  }
0x249: {  	[tilespmem:s0], [sflag:$0x2] =	stream.indirect_vreg.gather @!p0 [hbm4b:s5+s30], $0x80, v9, vm1, $0xb8;
	[tilespmem:$0x19A00] =	vst v63  }
.Ltmp19:
0x24a: {  	_ = 	snop;
	(pc) =	sbr.rel @p1 .LBB2_27-.Ltmp19, $4  }
0x24b: {  	s0 =	simm.s32 @!p0 $0x2  }
0x24c: {  	_ =	swait.ge @!p0 [sflag:s0], $0x8000  }
0x24d: {  	[sflag:s0] =	ssyncset.done @!p0 $0x0  }
0x24e: {  	[sflag:s0] =	ssyncadd.s32 @!p0 $0xFFFF8000  }
0x24f: {  	s4 =	sshll.u32 s11, $0x4  }
0x250: {  	s0 =	sshll.u32 s11, $0xB;
	s12 =	sshll.u32 s4, $0x4  }
0x251: {  	s13 =	sand.u32 $0x400, s0;
	s12 =	sand.u32 $0x7800, s12  }
0x252: {  	s13 =	sor.u32 s13, s12;
	s12 =	smax.u32 s4, $0x7FF  }
0x253: {  	p0 =	sne.s32 s4, s12  }
.Ltmp20:
0x254: {  	s17 =	sshll.u32 s4, $0x3;
	(pc) =	sbr.rel @!p0 .LBB2_30-.Ltmp20, $4  }
0x255: {  	s11 =	sshll.u32 s11, $0x8;
	s17 =	sand.u32 $0x380, s17  }
0x256: {  	s30 =	sand.u32 $0x70, s11;
	s13 =	sor.u32 s17, s13  }
0x257: {  	s13 =	sor.u32 s30, s13  }
0x258: {  	s30 =	sadd.s32 $0x1, s4;
	[tilespmem:s13+$0x9A00] =	vst v8  }
.LBB2_29:
0x259: {  	s4 =	sshll.u32 s30, $0x4  }
0x25a: {  	p0 =	sne.s32 s30, s12;
	s0 =	sadd.s32 $0x80, s0;
	s17 =	sshll.u32 s30, $0x3  }
.Ltmp21:
0x25b: {  	s4 =	sand.u32 $0x7800, s4;
	s13 =	sand.u32 $0x400, s0;
	(pc) =	sbr.rel @p0 .LBB2_29-.Ltmp21, $4  }
0x25c: {  	s11 =	sadd.s32 $0x10, s11;
	s17 =	sand.u32 $0x380, s17;
	s4 =	sor.u32 s13, s4  }
0x25d: {  	s13 =	sand.u32 $0x70, s11;
	s4 =	sor.u32 s17, s4  }
0x25e: {  	s4 =	sor.u32 s13, s4  }
0x25f: {  	s30 =	sadd.s32 $0x1, s30;
	[tilespmem:s4+$0x9A00] =	vst v8  }
.LBB2_30:
.Ltmp22:
0x260: {  	(pc) =	sbr.rel .LBB2_31-.Ltmp22, $2  }
0x261: {  	_ =	sdelay $0x2  }
0x262: {  	s31 =	simm.s32 $0x9A00  }
.LBB2_27:
0x263: {  	s31 =	simm.s32 @p0 $0x11A00  }
.LBB2_31:
0x264: {  	s0 =	rddreg [dreg:$0x9]  }
0x265: {  	[hbm4b:s0+s1] =	stream.linear.scatter [tilespmem:s31], [sflag:$0x4], $0x8000, $0x38;
	[tilespmem:$0x19A00] =	vst v63  }
0x266: {  	_ =	swait.ge [sflag:s19], $0x8000  }
0x267: {  	[sflag:s19] =	ssyncset.done $0x0  }
0x268: {  	p0 =	sle.s32 s25, s10;
	[sflag:s19] =	ssyncadd.s32 $0xFFFF8000  }
0x269: {  	v9 =	vld @!p0 [tilespmem:$0x1400];
	_ =	sdelay $0x4  }
0x26a: {  	v10 =	vshll.u32 @!p0 v9, $0x1  }
0x26b: {  	v11 =	vlaneseq.u32 @!p0;
	v9 =	vand.u32 @!p0 $0x7, v9;
	v10 =	vand.u32 @!p0 $0xFFFFFFF0, v10  }
0x26c: {  	v12 =	vshrl.u32 @!p0 v11, $0x3;
	v9 =	vor.u32 @!p0 v9, v10;
	v10 =	vand.u32 @!p0 $0x7, v11  }
0x26d: {  	v12 =	vmul.u32 @!p0 $0x8, v12;
	v13 =	vperm.xlane @!p0 v9, v10  }
0x26e: {  	v11 =	vor.u32 @!p0 $0x8, v11  }
0x26f: {  	v9 =	vperm.xlane @!p0 v9, v11;
	v13 =	vadd.s32 @!p0 v12, v13;
	_ =	sdelay $0x1  }
0x270: {  	v9 =	vadd.s32 @!p0 v12, v9;
	_ =	sdelay $0x1  }
0x271: {  	vm1 =	vmmov @!p0 $0xffff;
	s30 =	simm.s32 @!p0 $0x0;
	s31 =	simm.s32 @!p0 $0x1A00  }
0x272: {  	[tilespmem:s31], [sflag:$0x1] =	stream.indirect_vreg.gather @!p0 [hbm4b:s5+s30], $0x80, v13, vm1, $0xb8;
	[tilespmem:$0x19A00] =	vst v63  }
0x273: {  	s0 =	simm.s32 @!p0 $0x2200  }
0x274: {  	[tilespmem:s0], [sflag:$0x1] =	stream.indirect_vreg.gather @!p0 [hbm4b:s5+s30], $0x80, v9, vm1, $0xb8;
	[tilespmem:$0x19A00] =	vst v63  }
0x275: {  	v9 =	vld @!p0 [tilespmem:$0x1410];
	_ =	sdelay $0x4  }
0x276: {  	v13 =	vshll.u32 @!p0 v9, $0x1  }
0x277: {  	v9 =	vand.u32 @!p0 $0x7, v9;
	v13 =	vand.u32 @!p0 $0xFFFFFFF0, v13  }
0x278: {  	v9 =	vor.u32 @!p0 v9, v13  }
0x279: {  	v13 =	vperm.xlane @!p0 v9, v10;
	_ =	sdelay $0x1  }
0x27a: {  	v9 =	vperm.xlane @!p0 v9, v11;
	v13 =	vadd.s32 @!p0 v12, v13;
	_ =	sdelay $0x1  }
0x27b: {  	v9 =	vadd.s32 @!p0 v12, v9;
	_ =	sdelay $0x1  }
0x27c: {  	s0 =	simm.s32 @!p0 $0x2A00  }
0x27d: {  	[tilespmem:s0], [sflag:$0x1] =	stream.indirect_vreg.gather @!p0 [hbm4b:s5+s30], $0x80, v13, vm1, $0xb8;
	[tilespmem:$0x19A00] =	vst v63  }
0x27e: {  	s0 =	simm.s32 @!p0 $0x3200  }
0x27f: {  	[tilespmem:s0], [sflag:$0x1] =	stream.indirect_vreg.gather @!p0 [hbm4b:s5+s30], $0x80, v9, vm1, $0xb8;
	[tilespmem:$0x19A00] =	vst v63  }
0x280: {  	v9 =	vld @!p0 [tilespmem:$0x1420];
	_ =	sdelay $0x4  }
0x281: {  	v13 =	vshll.u32 @!p0 v9, $0x1  }
0x282: {  	v9 =	vand.u32 @!p0 $0x7, v9;
	v13 =	vand.u32 @!p0 $0xFFFFFFF0, v13  }
0x283: {  	v9 =	vor.u32 @!p0 v9, v13  }
0x284: {  	v13 =	vperm.xlane @!p0 v9, v10;
	_ =	sdelay $0x1  }
0x285: {  	v9 =	vperm.xlane @!p0 v9, v11;
	v13 =	vadd.s32 @!p0 v12, v13;
	_ =	sdelay $0x1  }
0x286: {  	v9 =	vadd.s32 @!p0 v12, v9;
	_ =	sdelay $0x1  }
0x287: {  	s0 =	simm.s32 @!p0 $0x3A00  }
0x288: {  	[tilespmem:s0], [sflag:$0x1] =	stream.indirect_vreg.gather @!p0 [hbm4b:s5+s30], $0x80, v13, vm1, $0xb8;
	[tilespmem:$0x19A00] =	vst v63  }
0x289: {  	s0 =	simm.s32 @!p0 $0x4200  }
0x28a: {  	[tilespmem:s0], [sflag:$0x1] =	stream.indirect_vreg.gather @!p0 [hbm4b:s5+s30], $0x80, v9, vm1, $0xb8;
	[tilespmem:$0x19A00] =	vst v63  }
0x28b: {  	v9 =	vld @!p0 [tilespmem:$0x1430];
	_ =	sdelay $0x4  }
0x28c: {  	v13 =	vshll.u32 @!p0 v9, $0x1  }
0x28d: {  	v9 =	vand.u32 @!p0 $0x7, v9;
	v13 =	vand.u32 @!p0 $0xFFFFFFF0, v13  }
0x28e: {  	v9 =	vor.u32 @!p0 v9, v13  }
0x28f: {  	v13 =	vperm.xlane @!p0 v9, v10;
	_ =	sdelay $0x1  }
0x290: {  	v9 =	vperm.xlane @!p0 v9, v11;
	v13 =	vadd.s32 @!p0 v12, v13;
	_ =	sdelay $0x1  }
0x291: {  	v9 =	vadd.s32 @!p0 v12, v9;
	_ =	sdelay $0x1  }
0x292: {  	s0 =	simm.s32 @!p0 $0x4A00  }
0x293: {  	[tilespmem:s0], [sflag:$0x1] =	stream.indirect_vreg.gather @!p0 [hbm4b:s5+s30], $0x80, v13, vm1, $0xb8;
	[tilespmem:$0x19A00] =	vst v63  }
0x294: {  	s0 =	simm.s32 @!p0 $0x5200  }
0x295: {  	[tilespmem:s0], [sflag:$0x1] =	stream.indirect_vreg.gather @!p0 [hbm4b:s5+s30], $0x80, v9, vm1, $0xb8;
	[tilespmem:$0x19A00] =	vst v63  }
0x296: {  	v9 =	vld @!p0 [tilespmem:$0x1440];
	_ =	sdelay $0x4  }
0x297: {  	v13 =	vshll.u32 @!p0 v9, $0x1  }
0x298: {  	v9 =	vand.u32 @!p0 $0x7, v9;
	v13 =	vand.u32 @!p0 $0xFFFFFFF0, v13  }
0x299: {  	v9 =	vor.u32 @!p0 v9, v13  }
0x29a: {  	v13 =	vperm.xlane @!p0 v9, v10;
	_ =	sdelay $0x1  }
0x29b: {  	v9 =	vperm.xlane @!p0 v9, v11;
	v13 =	vadd.s32 @!p0 v12, v13;
	_ =	sdelay $0x1  }
0x29c: {  	v9 =	vadd.s32 @!p0 v12, v9;
	_ =	sdelay $0x1  }
0x29d: {  	s0 =	simm.s32 @!p0 $0x5A00  }
0x29e: {  	[tilespmem:s0], [sflag:$0x1] =	stream.indirect_vreg.gather @!p0 [hbm4b:s5+s30], $0x80, v13, vm1, $0xb8;
	[tilespmem:$0x19A00] =	vst v63  }
0x29f: {  	s0 =	simm.s32 @!p0 $0x6200  }
0x2a0: {  	[tilespmem:s0], [sflag:$0x1] =	stream.indirect_vreg.gather @!p0 [hbm4b:s5+s30], $0x80, v9, vm1, $0xb8;
	[tilespmem:$0x19A00] =	vst v63  }
0x2a1: {  	v9 =	vld @!p0 [tilespmem:$0x1450];
	_ =	sdelay $0x4  }
0x2a2: {  	v13 =	vshll.u32 @!p0 v9, $0x1  }
0x2a3: {  	v9 =	vand.u32 @!p0 $0x7, v9;
	v13 =	vand.u32 @!p0 $0xFFFFFFF0, v13  }
0x2a4: {  	v9 =	vor.u32 @!p0 v9, v13  }
0x2a5: {  	v13 =	vperm.xlane @!p0 v9, v10;
	_ =	sdelay $0x1  }
0x2a6: {  	v9 =	vperm.xlane @!p0 v9, v11;
	v13 =	vadd.s32 @!p0 v12, v13;
	_ =	sdelay $0x1  }
0x2a7: {  	v9 =	vadd.s32 @!p0 v12, v9;
	_ =	sdelay $0x1  }
0x2a8: {  	s0 =	simm.s32 @!p0 $0x6A00  }
0x2a9: {  	[tilespmem:s0], [sflag:$0x1] =	stream.indirect_vreg.gather @!p0 [hbm4b:s5+s30], $0x80, v13, vm1, $0xb8;
	[tilespmem:$0x19A00] =	vst v63  }
0x2aa: {  	s0 =	simm.s32 @!p0 $0x7200  }
0x2ab: {  	[tilespmem:s0], [sflag:$0x1] =	stream.indirect_vreg.gather @!p0 [hbm4b:s5+s30], $0x80, v9, vm1, $0xb8;
	[tilespmem:$0x19A00] =	vst v63  }
0x2ac: {  	v9 =	vld @!p0 [tilespmem:$0x1460];
	_ =	sdelay $0x4  }
0x2ad: {  	v13 =	vshll.u32 @!p0 v9, $0x1  }
0x2ae: {  	v9 =	vand.u32 @!p0 $0x7, v9;
	v13 =	vand.u32 @!p0 $0xFFFFFFF0, v13  }
0x2af: {  	v9 =	vor.u32 @!p0 v9, v13  }
0x2b0: {  	v13 =	vperm.xlane @!p0 v9, v10;
	_ =	sdelay $0x1  }
0x2b1: {  	v9 =	vperm.xlane @!p0 v9, v11;
	v13 =	vadd.s32 @!p0 v12, v13;
	_ =	sdelay $0x1  }
0x2b2: {  	v9 =	vadd.s32 @!p0 v12, v9;
	_ =	sdelay $0x1  }
0x2b3: {  	s0 =	simm.s32 @!p0 $0x7A00  }
0x2b4: {  	[tilespmem:s0], [sflag:$0x1] =	stream.indirect_vreg.gather @!p0 [hbm4b:s5+s30], $0x80, v13, vm1, $0xb8;
	[tilespmem:$0x19A00] =	vst v63  }
0x2b5: {  	s0 =	simm.s32 @!p0 $0x8200  }
0x2b6: {  	[tilespmem:s0], [sflag:$0x1] =	stream.indirect_vreg.gather @!p0 [hbm4b:s5+s30], $0x80, v9, vm1, $0xb8;
	[tilespmem:$0x19A00] =	vst v63  }
0x2b7: {  	v9 =	vld @!p0 [tilespmem:$0x1470];
	_ =	sdelay $0x4  }
0x2b8: {  	v13 =	vshll.u32 @!p0 v9, $0x1  }
0x2b9: {  	v9 =	vand.u32 @!p0 $0x7, v9;
	v13 =	vand.u32 @!p0 $0xFFFFFFF0, v13  }
0x2ba: {  	v9 =	vor.u32 @!p0 v9, v13  }
0x2bb: {  	v10 =	vperm.xlane @!p0 v9, v10;
	_ =	sdelay $0x1  }
0x2bc: {  	v9 =	vperm.xlane @!p0 v9, v11;
	v10 =	vadd.s32 @!p0 v12, v10;
	_ =	sdelay $0x1  }
0x2bd: {  	v9 =	vadd.s32 @!p0 v12, v9  }
0x2be: {  	s11 =	ssub.s32 @!p0 s25, s10  }
0x2bf: {  	p1 =	sgt.s32 @!p0 s11, $0x7F;
	s0 =	simm.s32 @!p0 $0x8A00  }
0x2c0: {  	[tilespmem:s0], [sflag:$0x1] =	stream.indirect_vreg.gather @!p0 [hbm4b:s5+s30], $0x80, v10, vm1, $0xb8;
	[tilespmem:$0x19A00] =	vst v63  }
0x2c1: {  	p1 =	por p0, p1;
	s0 =	simm.s32 @!p0 $0x9200  }
0x2c2: {  	[tilespmem:s0], [sflag:$0x1] =	stream.indirect_vreg.gather @!p0 [hbm4b:s5+s30], $0x80, v9, vm1, $0xb8;
	[tilespmem:$0x19A00] =	vst v63  }
.Ltmp23:
0x2c3: {  	_ = 	snop;
	(pc) =	sbr.rel @p1 .LBB2_32-.Ltmp23, $4  }
0x2c4: {  	s0 =	simm.s32 @!p0 $0x1  }
0x2c5: {  	_ =	swait.ge @!p0 [sflag:s0], $0x8000  }
0x2c6: {  	[sflag:s0] =	ssyncset.done @!p0 $0x0  }
0x2c7: {  	[sflag:s0] =	ssyncadd.s32 @!p0 $0xFFFF8000  }
0x2c8: {  	s4 =	sshll.u32 s11, $0x4  }
0x2c9: {  	s0 =	sshll.u32 s11, $0xB;
	s12 =	sshll.u32 s4, $0x4  }
0x2ca: {  	s13 =	sand.u32 $0x400, s0;
	s12 =	sand.u32 $0x7800, s12  }
0x2cb: {  	s13 =	sor.u32 s13, s12;
	s12 =	smax.u32 s4, $0x7FF  }
0x2cc: {  	p0 =	sne.s32 s4, s12  }
.Ltmp24:
0x2cd: {  	s17 =	sshll.u32 s4, $0x3;
	(pc) =	sbr.rel @!p0 .LBB2_35-.Ltmp24, $4  }
0x2ce: {  	s11 =	sshll.u32 s11, $0x8;
	s17 =	sand.u32 $0x380, s17  }
0x2cf: {  	s30 =	sand.u32 $0x70, s11;
	s13 =	sor.u32 s17, s13  }
0x2d0: {  	s13 =	sor.u32 s30, s13  }
0x2d1: {  	s30 =	sadd.s32 $0x1, s4;
	[tilespmem:s13+$0x1A00] =	vst v8  }
.LBB2_34:
0x2d2: {  	s4 =	sshll.u32 s30, $0x4  }
0x2d3: {  	p0 =	sne.s32 s30, s12;
	s0 =	sadd.s32 $0x80, s0;
	s17 =	sshll.u32 s30, $0x3  }
.Ltmp25:
0x2d4: {  	s4 =	sand.u32 $0x7800, s4;
	s13 =	sand.u32 $0x400, s0;
	(pc) =	sbr.rel @p0 .LBB2_34-.Ltmp25, $4  }
0x2d5: {  	s11 =	sadd.s32 $0x10, s11;
	s17 =	sand.u32 $0x380, s17;
	s4 =	sor.u32 s13, s4  }
0x2d6: {  	s13 =	sand.u32 $0x70, s11;
	s4 =	sor.u32 s17, s4  }
0x2d7: {  	s4 =	sor.u32 s13, s4  }
0x2d8: {  	s30 =	sadd.s32 $0x1, s30;
	[tilespmem:s4+$0x1A00] =	vst v8  }
.LBB2_35:
.Ltmp26:
0x2d9: {  	(pc) =	sbr.rel .LBB2_36-.Ltmp26, $2  }
0x2da: {  	_ =	sdelay $0x2  }
0x2db: {  	s31 =	simm.s32 $0x1A00  }
.LBB2_32:
0x2dc: {  	s31 =	simm.s32 @p0 $0x11A00  }
.LBB2_36:
0x2dd: {  	s0 =	rddreg [dreg:$0xa]  }
0x2de: {  	[hbm4b:s0+s1] =	stream.linear.scatter [tilespmem:s31], [sflag:$0x3], $0x8000, $0x38;
	[tilespmem:$0x19A00] =	vst v63  }
0x2df: {  	_ =	swait.ge [sflag:s23], $0x8000  }
0x2e0: {  	[sflag:s23] =	ssyncset.done $0x0  }
0x2e1: {  	p0 =	sle.s32 s25, s14;
	[sflag:s23] =	ssyncadd.s32 $0xFFFF8000  }
0x2e2: {  	v9 =	vld @!p0 [tilespmem:$0x1480];
	_ =	sdelay $0x4  }
0x2e3: {  	v10 =	vshll.u32 @!p0 v9, $0x1  }
0x2e4: {  	v11 =	vlaneseq.u32 @!p0;
	v9 =	vand.u32 @!p0 $0x7, v9;
	v10 =	vand.u32 @!p0 $0xFFFFFFF0, v10  }
0x2e5: {  	v12 =	vshrl.u32 @!p0 v11, $0x3;
	v9 =	vor.u32 @!p0 v9, v10;
	v10 =	vand.u32 @!p0 $0x7, v11  }
0x2e6: {  	v12 =	vmul.u32 @!p0 $0x8, v12;
	v13 =	vperm.xlane @!p0 v9, v10  }
0x2e7: {  	v11 =	vor.u32 @!p0 $0x8, v11  }
0x2e8: {  	v9 =	vperm.xlane @!p0 v9, v11;
	v13 =	vadd.s32 @!p0 v12, v13;
	_ =	sdelay $0x1  }
0x2e9: {  	v9 =	vadd.s32 @!p0 v12, v9;
	_ =	sdelay $0x1  }
0x2ea: {  	vm1 =	vmmov @!p0 $0xffff;
	s30 =	simm.s32 @!p0 $0x0;
	s31 =	simm.s32 @!p0 $0x9A00  }
0x2eb: {  	[tilespmem:s31], [sflag:$0x2] =	stream.indirect_vreg.gather @!p0 [hbm4b:s5+s30], $0x80, v13, vm1, $0xb8;
	[tilespmem:$0x19A00] =	vst v63  }
0x2ec: {  	s0 =	simm.s32 @!p0 $0xA200  }
0x2ed: {  	[tilespmem:s0], [sflag:$0x2] =	stream.indirect_vreg.gather @!p0 [hbm4b:s5+s30], $0x80, v9, vm1, $0xb8;
	[tilespmem:$0x19A00] =	vst v63  }
0x2ee: {  	v9 =	vld @!p0 [tilespmem:$0x1490];
	_ =	sdelay $0x4  }
0x2ef: {  	v13 =	vshll.u32 @!p0 v9, $0x1  }
0x2f0: {  	v9 =	vand.u32 @!p0 $0x7, v9;
	v13 =	vand.u32 @!p0 $0xFFFFFFF0, v13  }
0x2f1: {  	v9 =	vor.u32 @!p0 v9, v13  }
0x2f2: {  	v13 =	vperm.xlane @!p0 v9, v10;
	_ =	sdelay $0x1  }
0x2f3: {  	v9 =	vperm.xlane @!p0 v9, v11;
	v13 =	vadd.s32 @!p0 v12, v13;
	_ =	sdelay $0x1  }
0x2f4: {  	v9 =	vadd.s32 @!p0 v12, v9;
	_ =	sdelay $0x1  }
0x2f5: {  	s0 =	simm.s32 @!p0 $0xAA00  }
0x2f6: {  	[tilespmem:s0], [sflag:$0x2] =	stream.indirect_vreg.gather @!p0 [hbm4b:s5+s30], $0x80, v13, vm1, $0xb8;
	[tilespmem:$0x19A00] =	vst v63  }
0x2f7: {  	s0 =	simm.s32 @!p0 $0xB200  }
0x2f8: {  	[tilespmem:s0], [sflag:$0x2] =	stream.indirect_vreg.gather @!p0 [hbm4b:s5+s30], $0x80, v9, vm1, $0xb8;
	[tilespmem:$0x19A00] =	vst v63  }
0x2f9: {  	v9 =	vld @!p0 [tilespmem:$0x14A0];
	_ =	sdelay $0x4  }
0x2fa: {  	v13 =	vshll.u32 @!p0 v9, $0x1  }
0x2fb: {  	v9 =	vand.u32 @!p0 $0x7, v9;
	v13 =	vand.u32 @!p0 $0xFFFFFFF0, v13  }
0x2fc: {  	v9 =	vor.u32 @!p0 v9, v13  }
0x2fd: {  	v13 =	vperm.xlane @!p0 v9, v10;
	_ =	sdelay $0x1  }
0x2fe: {  	v9 =	vperm.xlane @!p0 v9, v11;
	v13 =	vadd.s32 @!p0 v12, v13;
	_ =	sdelay $0x1  }
0x2ff: {  	v9 =	vadd.s32 @!p0 v12, v9;
	_ =	sdelay $0x1  }
0x300: {  	s0 =	simm.s32 @!p0 $0xBA00  }
0x301: {  	[tilespmem:s0], [sflag:$0x2] =	stream.indirect_vreg.gather @!p0 [hbm4b:s5+s30], $0x80, v13, vm1, $0xb8;
	[tilespmem:$0x19A00] =	vst v63  }
0x302: {  	s0 =	simm.s32 @!p0 $0xC200  }
0x303: {  	[tilespmem:s0], [sflag:$0x2] =	stream.indirect_vreg.gather @!p0 [hbm4b:s5+s30], $0x80, v9, vm1, $0xb8;
	[tilespmem:$0x19A00] =	vst v63  }
0x304: {  	v9 =	vld @!p0 [tilespmem:$0x14B0];
	_ =	sdelay $0x4  }
0x305: {  	v13 =	vshll.u32 @!p0 v9, $0x1  }
0x306: {  	v9 =	vand.u32 @!p0 $0x7, v9;
	v13 =	vand.u32 @!p0 $0xFFFFFFF0, v13  }
0x307: {  	v9 =	vor.u32 @!p0 v9, v13  }
0x308: {  	v13 =	vperm.xlane @!p0 v9, v10;
	_ =	sdelay $0x1  }
0x309: {  	v9 =	vperm.xlane @!p0 v9, v11;
	v13 =	vadd.s32 @!p0 v12, v13;
	_ =	sdelay $0x1  }
0x30a: {  	v9 =	vadd.s32 @!p0 v12, v9;
	_ =	sdelay $0x1  }
0x30b: {  	s0 =	simm.s32 @!p0 $0xCA00  }
0x30c: {  	[tilespmem:s0], [sflag:$0x2] =	stream.indirect_vreg.gather @!p0 [hbm4b:s5+s30], $0x80, v13, vm1, $0xb8;
	[tilespmem:$0x19A00] =	vst v63  }
0x30d: {  	s0 =	simm.s32 @!p0 $0xD200  }
0x30e: {  	[tilespmem:s0], [sflag:$0x2] =	stream.indirect_vreg.gather @!p0 [hbm4b:s5+s30], $0x80, v9, vm1, $0xb8;
	[tilespmem:$0x19A00] =	vst v63  }
0x30f: {  	v9 =	vld @!p0 [tilespmem:$0x14C0];
	_ =	sdelay $0x4  }
0x310: {  	v13 =	vshll.u32 @!p0 v9, $0x1  }
0x311: {  	v9 =	vand.u32 @!p0 $0x7, v9;
	v13 =	vand.u32 @!p0 $0xFFFFFFF0, v13  }
0x312: {  	v9 =	vor.u32 @!p0 v9, v13  }
0x313: {  	v13 =	vperm.xlane @!p0 v9, v10;
	_ =	sdelay $0x1  }
0x314: {  	v9 =	vperm.xlane @!p0 v9, v11;
	v13 =	vadd.s32 @!p0 v12, v13;
	_ =	sdelay $0x1  }
0x315: {  	v9 =	vadd.s32 @!p0 v12, v9;
	_ =	sdelay $0x1  }
0x316: {  	s0 =	simm.s32 @!p0 $0xDA00  }
0x317: {  	[tilespmem:s0], [sflag:$0x2] =	stream.indirect_vreg.gather @!p0 [hbm4b:s5+s30], $0x80, v13, vm1, $0xb8;
	[tilespmem:$0x19A00] =	vst v63  }
0x318: {  	s0 =	simm.s32 @!p0 $0xE200  }
0x319: {  	[tilespmem:s0], [sflag:$0x2] =	stream.indirect_vreg.gather @!p0 [hbm4b:s5+s30], $0x80, v9, vm1, $0xb8;
	[tilespmem:$0x19A00] =	vst v63  }
0x31a: {  	v9 =	vld @!p0 [tilespmem:$0x14D0];
	_ =	sdelay $0x4  }
0x31b: {  	v13 =	vshll.u32 @!p0 v9, $0x1  }
0x31c: {  	v9 =	vand.u32 @!p0 $0x7, v9;
	v13 =	vand.u32 @!p0 $0xFFFFFFF0, v13  }
0x31d: {  	v9 =	vor.u32 @!p0 v9, v13  }
0x31e: {  	v13 =	vperm.xlane @!p0 v9, v10;
	_ =	sdelay $0x1  }
0x31f: {  	v9 =	vperm.xlane @!p0 v9, v11;
	v13 =	vadd.s32 @!p0 v12, v13;
	_ =	sdelay $0x1  }
0x320: {  	v9 =	vadd.s32 @!p0 v12, v9;
	_ =	sdelay $0x1  }
0x321: {  	s0 =	simm.s32 @!p0 $0xEA00  }
0x322: {  	[tilespmem:s0], [sflag:$0x2] =	stream.indirect_vreg.gather @!p0 [hbm4b:s5+s30], $0x80, v13, vm1, $0xb8;
	[tilespmem:$0x19A00] =	vst v63  }
0x323: {  	s0 =	simm.s32 @!p0 $0xF200  }
0x324: {  	[tilespmem:s0], [sflag:$0x2] =	stream.indirect_vreg.gather @!p0 [hbm4b:s5+s30], $0x80, v9, vm1, $0xb8;
	[tilespmem:$0x19A00] =	vst v63  }
0x325: {  	v9 =	vld @!p0 [tilespmem:$0x14E0];
	_ =	sdelay $0x4  }
0x326: {  	v13 =	vshll.u32 @!p0 v9, $0x1  }
0x327: {  	v9 =	vand.u32 @!p0 $0x7, v9;
	v13 =	vand.u32 @!p0 $0xFFFFFFF0, v13  }
0x328: {  	v9 =	vor.u32 @!p0 v9, v13  }
0x329: {  	v13 =	vperm.xlane @!p0 v9, v10;
	_ =	sdelay $0x1  }
0x32a: {  	v9 =	vperm.xlane @!p0 v9, v11;
	v13 =	vadd.s32 @!p0 v12, v13;
	_ =	sdelay $0x1  }
0x32b: {  	v9 =	vadd.s32 @!p0 v12, v9;
	_ =	sdelay $0x1  }
0x32c: {  	s0 =	simm.s32 @!p0 $0xFA00  }
0x32d: {  	[tilespmem:s0], [sflag:$0x2] =	stream.indirect_vreg.gather @!p0 [hbm4b:s5+s30], $0x80, v13, vm1, $0xb8;
	[tilespmem:$0x19A00] =	vst v63  }
0x32e: {  	s0 =	simm.s32 @!p0 $0x10200  }
0x32f: {  	[tilespmem:s0], [sflag:$0x2] =	stream.indirect_vreg.gather @!p0 [hbm4b:s5+s30], $0x80, v9, vm1, $0xb8;
	[tilespmem:$0x19A00] =	vst v63  }
0x330: {  	v9 =	vld @!p0 [tilespmem:$0x14F0];
	_ =	sdelay $0x4  }
0x331: {  	v13 =	vshll.u32 @!p0 v9, $0x1  }
0x332: {  	v9 =	vand.u32 @!p0 $0x7, v9;
	v13 =	vand.u32 @!p0 $0xFFFFFFF0, v13  }
0x333: {  	v9 =	vor.u32 @!p0 v9, v13  }
0x334: {  	v10 =	vperm.xlane @!p0 v9, v10;
	_ =	sdelay $0x1  }
0x335: {  	v9 =	vperm.xlane @!p0 v9, v11;
	v10 =	vadd.s32 @!p0 v12, v10;
	_ =	sdelay $0x1  }
0x336: {  	v9 =	vadd.s32 @!p0 v12, v9  }
0x337: {  	s11 =	ssub.s32 @!p0 s25, s14  }
0x338: {  	p1 =	sgt.s32 @!p0 s11, $0x7F;
	s0 =	simm.s32 @!p0 $0x10A00  }
0x339: {  	[tilespmem:s0], [sflag:$0x2] =	stream.indirect_vreg.gather @!p0 [hbm4b:s5+s30], $0x80, v10, vm1, $0xb8;
	[tilespmem:$0x19A00] =	vst v63  }
0x33a: {  	p1 =	por p0, p1;
	s0 =	simm.s32 @!p0 $0x11200  }
0x33b: {  	[tilespmem:s0], [sflag:$0x2] =	stream.indirect_vreg.gather @!p0 [hbm4b:s5+s30], $0x80, v9, vm1, $0xb8;
	[tilespmem:$0x19A00] =	vst v63  }
.Ltmp27:
0x33c: {  	_ = 	snop;
	(pc) =	sbr.rel @p1 .LBB2_37-.Ltmp27, $4  }
0x33d: {  	s0 =	simm.s32 @!p0 $0x2  }
0x33e: {  	_ =	swait.ge @!p0 [sflag:s0], $0x8000  }
0x33f: {  	[sflag:s0] =	ssyncset.done @!p0 $0x0  }
0x340: {  	[sflag:s0] =	ssyncadd.s32 @!p0 $0xFFFF8000  }
0x341: {  	s4 =	sshll.u32 s11, $0x4  }
0x342: {  	s0 =	sshll.u32 s11, $0xB;
	s12 =	sshll.u32 s4, $0x4  }
0x343: {  	s13 =	sand.u32 $0x400, s0;
	s12 =	sand.u32 $0x7800, s12  }
0x344: {  	s13 =	sor.u32 s13, s12;
	s12 =	smax.u32 s4, $0x7FF  }
0x345: {  	p0 =	sne.s32 s4, s12  }
.Ltmp28:
0x346: {  	s17 =	sshll.u32 s4, $0x3;
	(pc) =	sbr.rel @!p0 .LBB2_40-.Ltmp28, $4  }
0x347: {  	s11 =	sshll.u32 s11, $0x8;
	s17 =	sand.u32 $0x380, s17  }
0x348: {  	s30 =	sand.u32 $0x70, s11;
	s13 =	sor.u32 s17, s13  }
0x349: {  	s13 =	sor.u32 s30, s13  }
0x34a: {  	s30 =	sadd.s32 $0x1, s4;
	[tilespmem:s13+$0x9A00] =	vst v8  }
.LBB2_39:
0x34b: {  	s4 =	sshll.u32 s30, $0x4  }
0x34c: {  	p0 =	sne.s32 s30, s12;
	s0 =	sadd.s32 $0x80, s0;
	s17 =	sshll.u32 s30, $0x3  }
.Ltmp29:
0x34d: {  	s4 =	sand.u32 $0x7800, s4;
	s13 =	sand.u32 $0x400, s0;
	(pc) =	sbr.rel @p0 .LBB2_39-.Ltmp29, $4  }
0x34e: {  	s11 =	sadd.s32 $0x10, s11;
	s17 =	sand.u32 $0x380, s17;
	s4 =	sor.u32 s13, s4  }
0x34f: {  	s13 =	sand.u32 $0x70, s11;
	s4 =	sor.u32 s17, s4  }
0x350: {  	s4 =	sor.u32 s13, s4  }
0x351: {  	s30 =	sadd.s32 $0x1, s30;
	[tilespmem:s4+$0x9A00] =	vst v8  }
.LBB2_40:
.Ltmp30:
0x352: {  	(pc) =	sbr.rel .LBB2_41-.Ltmp30, $2  }
0x353: {  	_ =	sdelay $0x2  }
0x354: {  	s31 =	simm.s32 $0x9A00  }
.LBB2_37:
0x355: {  	s31 =	simm.s32 @p0 $0x11A00  }
.LBB2_41:
0x356: {  	s0 =	rddreg [dreg:$0xb]  }
0x357: {  	[hbm4b:s0+s1] =	stream.linear.scatter [tilespmem:s31], [sflag:$0x4], $0x8000, $0x38;
	[tilespmem:$0x19A00] =	vst v63  }
0x358: {  	_ =	swait.ge [sflag:s19], $0x8000  }
0x359: {  	[sflag:s19] =	ssyncset.done $0x0  }
0x35a: {  	p0 =	sle.s32 s25, s15;
	[sflag:s19] =	ssyncadd.s32 $0xFFFF8000  }
0x35b: {  	v9 =	vld @!p0 [tilespmem:$0x1500];
	_ =	sdelay $0x4  }
0x35c: {  	v10 =	vshll.u32 @!p0 v9, $0x1  }
0x35d: {  	v11 =	vlaneseq.u32 @!p0;
	v9 =	vand.u32 @!p0 $0x7, v9;
	v10 =	vand.u32 @!p0 $0xFFFFFFF0, v10  }
0x35e: {  	v12 =	vshrl.u32 @!p0 v11, $0x3;
	v9 =	vor.u32 @!p0 v9, v10;
	v10 =	vand.u32 @!p0 $0x7, v11  }
0x35f: {  	v12 =	vmul.u32 @!p0 $0x8, v12;
	v13 =	vperm.xlane @!p0 v9, v10  }
0x360: {  	v11 =	vor.u32 @!p0 $0x8, v11  }
0x361: {  	v9 =	vperm.xlane @!p0 v9, v11;
	v13 =	vadd.s32 @!p0 v12, v13;
	_ =	sdelay $0x1  }
0x362: {  	v9 =	vadd.s32 @!p0 v12, v9;
	_ =	sdelay $0x1  }
0x363: {  	vm1 =	vmmov @!p0 $0xffff;
	s30 =	simm.s32 @!p0 $0x0;
	s31 =	simm.s32 @!p0 $0x1A00  }
0x364: {  	[tilespmem:s31], [sflag:$0x1] =	stream.indirect_vreg.gather @!p0 [hbm4b:s5+s30], $0x80, v13, vm1, $0xb8;
	[tilespmem:$0x19A00] =	vst v63  }
0x365: {  	s0 =	simm.s32 @!p0 $0x2200  }
0x366: {  	[tilespmem:s0], [sflag:$0x1] =	stream.indirect_vreg.gather @!p0 [hbm4b:s5+s30], $0x80, v9, vm1, $0xb8;
	[tilespmem:$0x19A00] =	vst v63  }
0x367: {  	v9 =	vld @!p0 [tilespmem:$0x1510];
	_ =	sdelay $0x4  }
0x368: {  	v13 =	vshll.u32 @!p0 v9, $0x1  }
0x369: {  	v9 =	vand.u32 @!p0 $0x7, v9;
	v13 =	vand.u32 @!p0 $0xFFFFFFF0, v13  }
0x36a: {  	v9 =	vor.u32 @!p0 v9, v13  }
0x36b: {  	v13 =	vperm.xlane @!p0 v9, v10;
	_ =	sdelay $0x1  }
0x36c: {  	v9 =	vperm.xlane @!p0 v9, v11;
	v13 =	vadd.s32 @!p0 v12, v13;
	_ =	sdelay $0x1  }
0x36d: {  	v9 =	vadd.s32 @!p0 v12, v9;
	_ =	sdelay $0x1  }
0x36e: {  	s0 =	simm.s32 @!p0 $0x2A00  }
0x36f: {  	[tilespmem:s0], [sflag:$0x1] =	stream.indirect_vreg.gather @!p0 [hbm4b:s5+s30], $0x80, v13, vm1, $0xb8;
	[tilespmem:$0x19A00] =	vst v63  }
0x370: {  	s0 =	simm.s32 @!p0 $0x3200  }
0x371: {  	[tilespmem:s0], [sflag:$0x1] =	stream.indirect_vreg.gather @!p0 [hbm4b:s5+s30], $0x80, v9, vm1, $0xb8;
	[tilespmem:$0x19A00] =	vst v63  }
0x372: {  	v9 =	vld @!p0 [tilespmem:$0x1520];
	_ =	sdelay $0x4  }
0x373: {  	v13 =	vshll.u32 @!p0 v9, $0x1  }
0x374: {  	v9 =	vand.u32 @!p0 $0x7, v9;
	v13 =	vand.u32 @!p0 $0xFFFFFFF0, v13  }
0x375: {  	v9 =	vor.u32 @!p0 v9, v13  }
0x376: {  	v13 =	vperm.xlane @!p0 v9, v10;
	_ =	sdelay $0x1  }
0x377: {  	v9 =	vperm.xlane @!p0 v9, v11;
	v13 =	vadd.s32 @!p0 v12, v13;
	_ =	sdelay $0x1  }
0x378: {  	v9 =	vadd.s32 @!p0 v12, v9;
	_ =	sdelay $0x1  }
0x379: {  	s0 =	simm.s32 @!p0 $0x3A00  }
0x37a: {  	[tilespmem:s0], [sflag:$0x1] =	stream.indirect_vreg.gather @!p0 [hbm4b:s5+s30], $0x80, v13, vm1, $0xb8;
	[tilespmem:$0x19A00] =	vst v63  }
0x37b: {  	s0 =	simm.s32 @!p0 $0x4200  }
0x37c: {  	[tilespmem:s0], [sflag:$0x1] =	stream.indirect_vreg.gather @!p0 [hbm4b:s5+s30], $0x80, v9, vm1, $0xb8;
	[tilespmem:$0x19A00] =	vst v63  }
0x37d: {  	v9 =	vld @!p0 [tilespmem:$0x1530];
	_ =	sdelay $0x4  }
0x37e: {  	v13 =	vshll.u32 @!p0 v9, $0x1  }
0x37f: {  	v9 =	vand.u32 @!p0 $0x7, v9;
	v13 =	vand.u32 @!p0 $0xFFFFFFF0, v13  }
0x380: {  	v9 =	vor.u32 @!p0 v9, v13  }
0x381: {  	v13 =	vperm.xlane @!p0 v9, v10;
	_ =	sdelay $0x1  }
0x382: {  	v9 =	vperm.xlane @!p0 v9, v11;
	v13 =	vadd.s32 @!p0 v12, v13;
	_ =	sdelay $0x1  }
0x383: {  	v9 =	vadd.s32 @!p0 v12, v9;
	_ =	sdelay $0x1  }
0x384: {  	s0 =	simm.s32 @!p0 $0x4A00  }
0x385: {  	[tilespmem:s0], [sflag:$0x1] =	stream.indirect_vreg.gather @!p0 [hbm4b:s5+s30], $0x80, v13, vm1, $0xb8;
	[tilespmem:$0x19A00] =	vst v63  }
0x386: {  	s0 =	simm.s32 @!p0 $0x5200  }
0x387: {  	[tilespmem:s0], [sflag:$0x1] =	stream.indirect_vreg.gather @!p0 [hbm4b:s5+s30], $0x80, v9, vm1, $0xb8;
	[tilespmem:$0x19A00] =	vst v63  }
0x388: {  	v9 =	vld @!p0 [tilespmem:$0x1540];
	_ =	sdelay $0x4  }
0x389: {  	v13 =	vshll.u32 @!p0 v9, $0x1  }
0x38a: {  	v9 =	vand.u32 @!p0 $0x7, v9;
	v13 =	vand.u32 @!p0 $0xFFFFFFF0, v13  }
0x38b: {  	v9 =	vor.u32 @!p0 v9, v13  }
0x38c: {  	v13 =	vperm.xlane @!p0 v9, v10;
	_ =	sdelay $0x1  }
0x38d: {  	v9 =	vperm.xlane @!p0 v9, v11;
	v13 =	vadd.s32 @!p0 v12, v13;
	_ =	sdelay $0x1  }
0x38e: {  	v9 =	vadd.s32 @!p0 v12, v9;
	_ =	sdelay $0x1  }
0x38f: {  	s0 =	simm.s32 @!p0 $0x5A00  }
0x390: {  	[tilespmem:s0], [sflag:$0x1] =	stream.indirect_vreg.gather @!p0 [hbm4b:s5+s30], $0x80, v13, vm1, $0xb8;
	[tilespmem:$0x19A00] =	vst v63  }
0x391: {  	s0 =	simm.s32 @!p0 $0x6200  }
0x392: {  	[tilespmem:s0], [sflag:$0x1] =	stream.indirect_vreg.gather @!p0 [hbm4b:s5+s30], $0x80, v9, vm1, $0xb8;
	[tilespmem:$0x19A00] =	vst v63  }
0x393: {  	v9 =	vld @!p0 [tilespmem:$0x1550];
	_ =	sdelay $0x4  }
0x394: {  	v13 =	vshll.u32 @!p0 v9, $0x1  }
0x395: {  	v9 =	vand.u32 @!p0 $0x7, v9;
	v13 =	vand.u32 @!p0 $0xFFFFFFF0, v13  }
0x396: {  	v9 =	vor.u32 @!p0 v9, v13  }
0x397: {  	v13 =	vperm.xlane @!p0 v9, v10;
	_ =	sdelay $0x1  }
0x398: {  	v9 =	vperm.xlane @!p0 v9, v11;
	v13 =	vadd.s32 @!p0 v12, v13;
	_ =	sdelay $0x1  }
0x399: {  	v9 =	vadd.s32 @!p0 v12, v9;
	_ =	sdelay $0x1  }
0x39a: {  	s0 =	simm.s32 @!p0 $0x6A00  }
0x39b: {  	[tilespmem:s0], [sflag:$0x1] =	stream.indirect_vreg.gather @!p0 [hbm4b:s5+s30], $0x80, v13, vm1, $0xb8;
	[tilespmem:$0x19A00] =	vst v63  }
0x39c: {  	s0 =	simm.s32 @!p0 $0x7200  }
0x39d: {  	[tilespmem:s0], [sflag:$0x1] =	stream.indirect_vreg.gather @!p0 [hbm4b:s5+s30], $0x80, v9, vm1, $0xb8;
	[tilespmem:$0x19A00] =	vst v63  }
0x39e: {  	v9 =	vld @!p0 [tilespmem:$0x1560];
	_ =	sdelay $0x4  }
0x39f: {  	v13 =	vshll.u32 @!p0 v9, $0x1  }
0x3a0: {  	v9 =	vand.u32 @!p0 $0x7, v9;
	v13 =	vand.u32 @!p0 $0xFFFFFFF0, v13  }
0x3a1: {  	v9 =	vor.u32 @!p0 v9, v13  }
0x3a2: {  	v13 =	vperm.xlane @!p0 v9, v10;
	_ =	sdelay $0x1  }
0x3a3: {  	v9 =	vperm.xlane @!p0 v9, v11;
	v13 =	vadd.s32 @!p0 v12, v13;
	_ =	sdelay $0x1  }
0x3a4: {  	v9 =	vadd.s32 @!p0 v12, v9;
	_ =	sdelay $0x1  }
0x3a5: {  	s0 =	simm.s32 @!p0 $0x7A00  }
0x3a6: {  	[tilespmem:s0], [sflag:$0x1] =	stream.indirect_vreg.gather @!p0 [hbm4b:s5+s30], $0x80, v13, vm1, $0xb8;
	[tilespmem:$0x19A00] =	vst v63  }
0x3a7: {  	s0 =	simm.s32 @!p0 $0x8200  }
0x3a8: {  	[tilespmem:s0], [sflag:$0x1] =	stream.indirect_vreg.gather @!p0 [hbm4b:s5+s30], $0x80, v9, vm1, $0xb8;
	[tilespmem:$0x19A00] =	vst v63  }
0x3a9: {  	v9 =	vld @!p0 [tilespmem:$0x1570];
	_ =	sdelay $0x4  }
0x3aa: {  	v13 =	vshll.u32 @!p0 v9, $0x1  }
0x3ab: {  	v9 =	vand.u32 @!p0 $0x7, v9;
	v13 =	vand.u32 @!p0 $0xFFFFFFF0, v13  }
0x3ac: {  	v9 =	vor.u32 @!p0 v9, v13  }
0x3ad: {  	v10 =	vperm.xlane @!p0 v9, v10;
	_ =	sdelay $0x1  }
0x3ae: {  	v9 =	vperm.xlane @!p0 v9, v11;
	v10 =	vadd.s32 @!p0 v12, v10;
	_ =	sdelay $0x1  }
0x3af: {  	v9 =	vadd.s32 @!p0 v12, v9  }
0x3b0: {  	s11 =	ssub.s32 @!p0 s25, s15  }
0x3b1: {  	p1 =	sgt.s32 @!p0 s11, $0x7F;
	s0 =	simm.s32 @!p0 $0x8A00  }
0x3b2: {  	[tilespmem:s0], [sflag:$0x1] =	stream.indirect_vreg.gather @!p0 [hbm4b:s5+s30], $0x80, v10, vm1, $0xb8;
	[tilespmem:$0x19A00] =	vst v63  }
0x3b3: {  	p1 =	por p0, p1;
	s0 =	simm.s32 @!p0 $0x9200  }
0x3b4: {  	[tilespmem:s0], [sflag:$0x1] =	stream.indirect_vreg.gather @!p0 [hbm4b:s5+s30], $0x80, v9, vm1, $0xb8;
	[tilespmem:$0x19A00] =	vst v63  }
.Ltmp31:
0x3b5: {  	_ = 	snop;
	(pc) =	sbr.rel @p1 .LBB2_42-.Ltmp31, $4  }
0x3b6: {  	s0 =	simm.s32 @!p0 $0x1  }
0x3b7: {  	_ =	swait.ge @!p0 [sflag:s0], $0x8000  }
0x3b8: {  	[sflag:s0] =	ssyncset.done @!p0 $0x0  }
0x3b9: {  	[sflag:s0] =	ssyncadd.s32 @!p0 $0xFFFF8000  }
0x3ba: {  	s4 =	sshll.u32 s11, $0x4  }
0x3bb: {  	s0 =	sshll.u32 s11, $0xB;
	s12 =	sshll.u32 s4, $0x4  }
0x3bc: {  	s13 =	sand.u32 $0x400, s0;
	s12 =	sand.u32 $0x7800, s12  }
0x3bd: {  	s13 =	sor.u32 s13, s12;
	s12 =	smax.u32 s4, $0x7FF  }
0x3be: {  	p0 =	sne.s32 s4, s12  }
.Ltmp32:
0x3bf: {  	s17 =	sshll.u32 s4, $0x3;
	(pc) =	sbr.rel @!p0 .LBB2_45-.Ltmp32, $4  }
0x3c0: {  	s11 =	sshll.u32 s11, $0x8;
	s17 =	sand.u32 $0x380, s17  }
0x3c1: {  	s30 =	sand.u32 $0x70, s11;
	s13 =	sor.u32 s17, s13  }
0x3c2: {  	s13 =	sor.u32 s30, s13  }
0x3c3: {  	s30 =	sadd.s32 $0x1, s4;
	[tilespmem:s13+$0x1A00] =	vst v8  }
.LBB2_44:
0x3c4: {  	s4 =	sshll.u32 s30, $0x4  }
0x3c5: {  	p0 =	sne.s32 s30, s12;
	s0 =	sadd.s32 $0x80, s0;
	s17 =	sshll.u32 s30, $0x3  }
.Ltmp33:
0x3c6: {  	s4 =	sand.u32 $0x7800, s4;
	s13 =	sand.u32 $0x400, s0;
	(pc) =	sbr.rel @p0 .LBB2_44-.Ltmp33, $4  }
0x3c7: {  	s11 =	sadd.s32 $0x10, s11;
	s17 =	sand.u32 $0x380, s17;
	s4 =	sor.u32 s13, s4  }
0x3c8: {  	s13 =	sand.u32 $0x70, s11;
	s4 =	sor.u32 s17, s4  }
0x3c9: {  	s4 =	sor.u32 s13, s4  }
0x3ca: {  	s30 =	sadd.s32 $0x1, s30;
	[tilespmem:s4+$0x1A00] =	vst v8  }
.LBB2_45:
.Ltmp34:
0x3cb: {  	(pc) =	sbr.rel .LBB2_46-.Ltmp34, $2  }
0x3cc: {  	_ =	sdelay $0x2  }
0x3cd: {  	s31 =	simm.s32 $0x1A00  }
.LBB2_42:
0x3ce: {  	s31 =	simm.s32 @p0 $0x11A00  }
.LBB2_46:
0x3cf: {  	s0 =	rddreg [dreg:$0xc]  }
0x3d0: {  	[hbm4b:s0+s1] =	stream.linear.scatter [tilespmem:s31], [sflag:$0x3], $0x8000, $0x38;
	[tilespmem:$0x19A00] =	vst v63  }
0x3d1: {  	_ =	swait.ge [sflag:s23], $0x8000  }
0x3d2: {  	[sflag:s23] =	ssyncset.done $0x0  }
0x3d3: {  	p0 =	sle.s32 s25, s16;
	[sflag:s23] =	ssyncadd.s32 $0xFFFF8000  }
0x3d4: {  	v9 =	vld @!p0 [tilespmem:$0x1580];
	_ =	sdelay $0x4  }
0x3d5: {  	v10 =	vshll.u32 @!p0 v9, $0x1  }
0x3d6: {  	v11 =	vlaneseq.u32 @!p0;
	v9 =	vand.u32 @!p0 $0x7, v9;
	v10 =	vand.u32 @!p0 $0xFFFFFFF0, v10  }
0x3d7: {  	v12 =	vshrl.u32 @!p0 v11, $0x3;
	v9 =	vor.u32 @!p0 v9, v10;
	v10 =	vand.u32 @!p0 $0x7, v11  }
0x3d8: {  	v12 =	vmul.u32 @!p0 $0x8, v12;
	v13 =	vperm.xlane @!p0 v9, v10  }
0x3d9: {  	v11 =	vor.u32 @!p0 $0x8, v11  }
0x3da: {  	v9 =	vperm.xlane @!p0 v9, v11;
	v13 =	vadd.s32 @!p0 v12, v13;
	_ =	sdelay $0x1  }
0x3db: {  	v9 =	vadd.s32 @!p0 v12, v9;
	_ =	sdelay $0x1  }
0x3dc: {  	vm1 =	vmmov @!p0 $0xffff;
	s30 =	simm.s32 @!p0 $0x0;
	s31 =	simm.s32 @!p0 $0x9A00  }
0x3dd: {  	[tilespmem:s31], [sflag:$0x2] =	stream.indirect_vreg.gather @!p0 [hbm4b:s5+s30], $0x80, v13, vm1, $0xb8;
	[tilespmem:$0x19A00] =	vst v63  }
0x3de: {  	s0 =	simm.s32 @!p0 $0xA200  }
0x3df: {  	[tilespmem:s0], [sflag:$0x2] =	stream.indirect_vreg.gather @!p0 [hbm4b:s5+s30], $0x80, v9, vm1, $0xb8;
	[tilespmem:$0x19A00] =	vst v63  }
0x3e0: {  	v9 =	vld @!p0 [tilespmem:$0x1590];
	_ =	sdelay $0x4  }
0x3e1: {  	v13 =	vshll.u32 @!p0 v9, $0x1  }
0x3e2: {  	v9 =	vand.u32 @!p0 $0x7, v9;
	v13 =	vand.u32 @!p0 $0xFFFFFFF0, v13  }
0x3e3: {  	v9 =	vor.u32 @!p0 v9, v13  }
0x3e4: {  	v13 =	vperm.xlane @!p0 v9, v10;
	_ =	sdelay $0x1  }
0x3e5: {  	v9 =	vperm.xlane @!p0 v9, v11;
	v13 =	vadd.s32 @!p0 v12, v13;
	_ =	sdelay $0x1  }
0x3e6: {  	v9 =	vadd.s32 @!p0 v12, v9;
	_ =	sdelay $0x1  }
0x3e7: {  	s0 =	simm.s32 @!p0 $0xAA00  }
0x3e8: {  	[tilespmem:s0], [sflag:$0x2] =	stream.indirect_vreg.gather @!p0 [hbm4b:s5+s30], $0x80, v13, vm1, $0xb8;
	[tilespmem:$0x19A00] =	vst v63  }
0x3e9: {  	s0 =	simm.s32 @!p0 $0xB200  }
0x3ea: {  	[tilespmem:s0], [sflag:$0x2] =	stream.indirect_vreg.gather @!p0 [hbm4b:s5+s30], $0x80, v9, vm1, $0xb8;
	[tilespmem:$0x19A00] =	vst v63  }
0x3eb: {  	v9 =	vld @!p0 [tilespmem:$0x15A0];
	_ =	sdelay $0x4  }
0x3ec: {  	v13 =	vshll.u32 @!p0 v9, $0x1  }
0x3ed: {  	v9 =	vand.u32 @!p0 $0x7, v9;
	v13 =	vand.u32 @!p0 $0xFFFFFFF0, v13  }
0x3ee: {  	v9 =	vor.u32 @!p0 v9, v13  }
0x3ef: {  	v13 =	vperm.xlane @!p0 v9, v10;
	_ =	sdelay $0x1  }
0x3f0: {  	v9 =	vperm.xlane @!p0 v9, v11;
	v13 =	vadd.s32 @!p0 v12, v13;
	_ =	sdelay $0x1  }
0x3f1: {  	v9 =	vadd.s32 @!p0 v12, v9;
	_ =	sdelay $0x1  }
0x3f2: {  	s0 =	simm.s32 @!p0 $0xBA00  }
0x3f3: {  	[tilespmem:s0], [sflag:$0x2] =	stream.indirect_vreg.gather @!p0 [hbm4b:s5+s30], $0x80, v13, vm1, $0xb8;
	[tilespmem:$0x19A00] =	vst v63  }
0x3f4: {  	s0 =	simm.s32 @!p0 $0xC200  }
0x3f5: {  	[tilespmem:s0], [sflag:$0x2] =	stream.indirect_vreg.gather @!p0 [hbm4b:s5+s30], $0x80, v9, vm1, $0xb8;
	[tilespmem:$0x19A00] =	vst v63  }
0x3f6: {  	v9 =	vld @!p0 [tilespmem:$0x15B0];
	_ =	sdelay $0x4  }
0x3f7: {  	v13 =	vshll.u32 @!p0 v9, $0x1  }
0x3f8: {  	v9 =	vand.u32 @!p0 $0x7, v9;
	v13 =	vand.u32 @!p0 $0xFFFFFFF0, v13  }
0x3f9: {  	v9 =	vor.u32 @!p0 v9, v13  }
0x3fa: {  	v13 =	vperm.xlane @!p0 v9, v10;
	_ =	sdelay $0x1  }
0x3fb: {  	v9 =	vperm.xlane @!p0 v9, v11;
	v13 =	vadd.s32 @!p0 v12, v13;
	_ =	sdelay $0x1  }
0x3fc: {  	v9 =	vadd.s32 @!p0 v12, v9;
	_ =	sdelay $0x1  }
0x3fd: {  	s0 =	simm.s32 @!p0 $0xCA00  }
0x3fe: {  	[tilespmem:s0], [sflag:$0x2] =	stream.indirect_vreg.gather @!p0 [hbm4b:s5+s30], $0x80, v13, vm1, $0xb8;
	[tilespmem:$0x19A00] =	vst v63  }
0x3ff: {  	s0 =	simm.s32 @!p0 $0xD200  }
0x400: {  	[tilespmem:s0], [sflag:$0x2] =	stream.indirect_vreg.gather @!p0 [hbm4b:s5+s30], $0x80, v9, vm1, $0xb8;
	[tilespmem:$0x19A00] =	vst v63  }
0x401: {  	v9 =	vld @!p0 [tilespmem:$0x15C0];
	_ =	sdelay $0x4  }
0x402: {  	v13 =	vshll.u32 @!p0 v9, $0x1  }
0x403: {  	v9 =	vand.u32 @!p0 $0x7, v9;
	v13 =	vand.u32 @!p0 $0xFFFFFFF0, v13  }
0x404: {  	v9 =	vor.u32 @!p0 v9, v13  }
0x405: {  	v13 =	vperm.xlane @!p0 v9, v10;
	_ =	sdelay $0x1  }
0x406: {  	v9 =	vperm.xlane @!p0 v9, v11;
	v13 =	vadd.s32 @!p0 v12, v13;
	_ =	sdelay $0x1  }
0x407: {  	v9 =	vadd.s32 @!p0 v12, v9;
	_ =	sdelay $0x1  }
0x408: {  	s0 =	simm.s32 @!p0 $0xDA00  }
0x409: {  	[tilespmem:s0], [sflag:$0x2] =	stream.indirect_vreg.gather @!p0 [hbm4b:s5+s30], $0x80, v13, vm1, $0xb8;
	[tilespmem:$0x19A00] =	vst v63  }
0x40a: {  	s0 =	simm.s32 @!p0 $0xE200  }
0x40b: {  	[tilespmem:s0], [sflag:$0x2] =	stream.indirect_vreg.gather @!p0 [hbm4b:s5+s30], $0x80, v9, vm1, $0xb8;
	[tilespmem:$0x19A00] =	vst v63  }
0x40c: {  	v9 =	vld @!p0 [tilespmem:$0x15D0];
	_ =	sdelay $0x4  }
0x40d: {  	v13 =	vshll.u32 @!p0 v9, $0x1  }
0x40e: {  	v9 =	vand.u32 @!p0 $0x7, v9;
	v13 =	vand.u32 @!p0 $0xFFFFFFF0, v13  }
0x40f: {  	v9 =	vor.u32 @!p0 v9, v13  }
0x410: {  	v13 =	vperm.xlane @!p0 v9, v10;
	_ =	sdelay $0x1  }
0x411: {  	v9 =	vperm.xlane @!p0 v9, v11;
	v13 =	vadd.s32 @!p0 v12, v13;
	_ =	sdelay $0x1  }
0x412: {  	v9 =	vadd.s32 @!p0 v12, v9;
	_ =	sdelay $0x1  }
0x413: {  	s0 =	simm.s32 @!p0 $0xEA00  }
0x414: {  	[tilespmem:s0], [sflag:$0x2] =	stream.indirect_vreg.gather @!p0 [hbm4b:s5+s30], $0x80, v13, vm1, $0xb8;
	[tilespmem:$0x19A00] =	vst v63  }
0x415: {  	s0 =	simm.s32 @!p0 $0xF200  }
0x416: {  	[tilespmem:s0], [sflag:$0x2] =	stream.indirect_vreg.gather @!p0 [hbm4b:s5+s30], $0x80, v9, vm1, $0xb8;
	[tilespmem:$0x19A00] =	vst v63  }
0x417: {  	v9 =	vld @!p0 [tilespmem:$0x15E0];
	_ =	sdelay $0x4  }
0x418: {  	v13 =	vshll.u32 @!p0 v9, $0x1  }
0x419: {  	v9 =	vand.u32 @!p0 $0x7, v9;
	v13 =	vand.u32 @!p0 $0xFFFFFFF0, v13  }
0x41a: {  	v9 =	vor.u32 @!p0 v9, v13  }
0x41b: {  	v13 =	vperm.xlane @!p0 v9, v10;
	_ =	sdelay $0x1  }
0x41c: {  	v9 =	vperm.xlane @!p0 v9, v11;
	v13 =	vadd.s32 @!p0 v12, v13;
	_ =	sdelay $0x1  }
0x41d: {  	v9 =	vadd.s32 @!p0 v12, v9;
	_ =	sdelay $0x1  }
0x41e: {  	s0 =	simm.s32 @!p0 $0xFA00  }
0x41f: {  	[tilespmem:s0], [sflag:$0x2] =	stream.indirect_vreg.gather @!p0 [hbm4b:s5+s30], $0x80, v13, vm1, $0xb8;
	[tilespmem:$0x19A00] =	vst v63  }
0x420: {  	s0 =	simm.s32 @!p0 $0x10200  }
0x421: {  	[tilespmem:s0], [sflag:$0x2] =	stream.indirect_vreg.gather @!p0 [hbm4b:s5+s30], $0x80, v9, vm1, $0xb8;
	[tilespmem:$0x19A00] =	vst v63  }
0x422: {  	v9 =	vld @!p0 [tilespmem:$0x15F0];
	_ =	sdelay $0x4  }
0x423: {  	v13 =	vshll.u32 @!p0 v9, $0x1  }
0x424: {  	v9 =	vand.u32 @!p0 $0x7, v9;
	v13 =	vand.u32 @!p0 $0xFFFFFFF0, v13  }
0x425: {  	v9 =	vor.u32 @!p0 v9, v13  }
0x426: {  	v10 =	vperm.xlane @!p0 v9, v10;
	_ =	sdelay $0x1  }
0x427: {  	v9 =	vperm.xlane @!p0 v9, v11;
	v10 =	vadd.s32 @!p0 v12, v10;
	_ =	sdelay $0x1  }
0x428: {  	v9 =	vadd.s32 @!p0 v12, v9  }
0x429: {  	s11 =	ssub.s32 @!p0 s25, s16  }
0x42a: {  	p1 =	sgt.s32 @!p0 s11, $0x7F;
	s0 =	simm.s32 @!p0 $0x10A00  }
0x42b: {  	[tilespmem:s0], [sflag:$0x2] =	stream.indirect_vreg.gather @!p0 [hbm4b:s5+s30], $0x80, v10, vm1, $0xb8;
	[tilespmem:$0x19A00] =	vst v63  }
0x42c: {  	p1 =	por p0, p1;
	s0 =	simm.s32 @!p0 $0x11200  }
0x42d: {  	[tilespmem:s0], [sflag:$0x2] =	stream.indirect_vreg.gather @!p0 [hbm4b:s5+s30], $0x80, v9, vm1, $0xb8;
	[tilespmem:$0x19A00] =	vst v63  }
.Ltmp35:
0x42e: {  	_ = 	snop;
	(pc) =	sbr.rel @p1 .LBB2_47-.Ltmp35, $4  }
0x42f: {  	s0 =	simm.s32 @!p0 $0x2  }
0x430: {  	_ =	swait.ge @!p0 [sflag:s0], $0x8000  }
0x431: {  	[sflag:s0] =	ssyncset.done @!p0 $0x0  }
0x432: {  	[sflag:s0] =	ssyncadd.s32 @!p0 $0xFFFF8000  }
0x433: {  	s4 =	sshll.u32 s11, $0x4  }
0x434: {  	s0 =	sshll.u32 s11, $0xB;
	s12 =	sshll.u32 s4, $0x4  }
0x435: {  	s13 =	sand.u32 $0x400, s0;
	s12 =	sand.u32 $0x7800, s12  }
0x436: {  	s13 =	sor.u32 s13, s12;
	s12 =	smax.u32 s4, $0x7FF  }
0x437: {  	p0 =	sne.s32 s4, s12  }
.Ltmp36:
0x438: {  	s17 =	sshll.u32 s4, $0x3;
	(pc) =	sbr.rel @!p0 .LBB2_50-.Ltmp36, $4  }
0x439: {  	s11 =	sshll.u32 s11, $0x8;
	s17 =	sand.u32 $0x380, s17  }
0x43a: {  	s30 =	sand.u32 $0x70, s11;
	s13 =	sor.u32 s17, s13  }
0x43b: {  	s13 =	sor.u32 s30, s13  }
0x43c: {  	s30 =	sadd.s32 $0x1, s4;
	[tilespmem:s13+$0x9A00] =	vst v8  }
.LBB2_49:
0x43d: {  	s4 =	sshll.u32 s30, $0x4  }
0x43e: {  	p0 =	sne.s32 s30, s12;
	s0 =	sadd.s32 $0x80, s0;
	s17 =	sshll.u32 s30, $0x3  }
.Ltmp37:
0x43f: {  	s4 =	sand.u32 $0x7800, s4;
	s13 =	sand.u32 $0x400, s0;
	(pc) =	sbr.rel @p0 .LBB2_49-.Ltmp37, $4  }
0x440: {  	s11 =	sadd.s32 $0x10, s11;
	s17 =	sand.u32 $0x380, s17;
	s4 =	sor.u32 s13, s4  }
0x441: {  	s13 =	sand.u32 $0x70, s11;
	s4 =	sor.u32 s17, s4  }
0x442: {  	s4 =	sor.u32 s13, s4  }
0x443: {  	s30 =	sadd.s32 $0x1, s30;
	[tilespmem:s4+$0x9A00] =	vst v8  }
.LBB2_50:
.Ltmp38:
0x444: {  	(pc) =	sbr.rel .LBB2_51-.Ltmp38, $2  }
0x445: {  	_ =	sdelay $0x2  }
0x446: {  	s31 =	simm.s32 $0x9A00  }
.LBB2_47:
0x447: {  	s31 =	simm.s32 @p0 $0x11A00  }
.LBB2_51:
0x448: {  	s0 =	rddreg [dreg:$0xd]  }
0x449: {  	[hbm4b:s0+s1] =	stream.linear.scatter [tilespmem:s31], [sflag:$0x4], $0x8000, $0x38;
	[tilespmem:$0x19A00] =	vst v63  }
0x44a: {  	_ =	swait.ge [sflag:s19], $0x8000  }
0x44b: {  	[sflag:s19] =	ssyncset.done $0x0  }
0x44c: {  	p0 =	sle.s32 s25, s20;
	[sflag:s19] =	ssyncadd.s32 $0xFFFF8000  }
0x44d: {  	v9 =	vld @!p0 [tilespmem:$0x1600];
	_ =	sdelay $0x4  }
0x44e: {  	v10 =	vshll.u32 @!p0 v9, $0x1  }
0x44f: {  	v11 =	vlaneseq.u32 @!p0;
	v9 =	vand.u32 @!p0 $0x7, v9;
	v10 =	vand.u32 @!p0 $0xFFFFFFF0, v10  }
0x450: {  	v12 =	vshrl.u32 @!p0 v11, $0x3;
	v9 =	vor.u32 @!p0 v9, v10;
	v10 =	vand.u32 @!p0 $0x7, v11  }
0x451: {  	v12 =	vmul.u32 @!p0 $0x8, v12;
	v13 =	vperm.xlane @!p0 v9, v10  }
0x452: {  	v11 =	vor.u32 @!p0 $0x8, v11  }
0x453: {  	v9 =	vperm.xlane @!p0 v9, v11;
	v13 =	vadd.s32 @!p0 v12, v13;
	_ =	sdelay $0x1  }
0x454: {  	v9 =	vadd.s32 @!p0 v12, v9;
	_ =	sdelay $0x1  }
0x455: {  	vm1 =	vmmov @!p0 $0xffff;
	s30 =	simm.s32 @!p0 $0x0;
	s31 =	simm.s32 @!p0 $0x1A00  }
0x456: {  	[tilespmem:s31], [sflag:$0x1] =	stream.indirect_vreg.gather @!p0 [hbm4b:s5+s30], $0x80, v13, vm1, $0xb8;
	[tilespmem:$0x19A00] =	vst v63  }
0x457: {  	s0 =	simm.s32 @!p0 $0x2200  }
0x458: {  	[tilespmem:s0], [sflag:$0x1] =	stream.indirect_vreg.gather @!p0 [hbm4b:s5+s30], $0x80, v9, vm1, $0xb8;
	[tilespmem:$0x19A00] =	vst v63  }
0x459: {  	v9 =	vld @!p0 [tilespmem:$0x1610];
	_ =	sdelay $0x4  }
0x45a: {  	v13 =	vshll.u32 @!p0 v9, $0x1  }
0x45b: {  	v9 =	vand.u32 @!p0 $0x7, v9;
	v13 =	vand.u32 @!p0 $0xFFFFFFF0, v13  }
0x45c: {  	v9 =	vor.u32 @!p0 v9, v13  }
0x45d: {  	v13 =	vperm.xlane @!p0 v9, v10;
	_ =	sdelay $0x1  }
0x45e: {  	v9 =	vperm.xlane @!p0 v9, v11;
	v13 =	vadd.s32 @!p0 v12, v13;
	_ =	sdelay $0x1  }
0x45f: {  	v9 =	vadd.s32 @!p0 v12, v9;
	_ =	sdelay $0x1  }
0x460: {  	s0 =	simm.s32 @!p0 $0x2A00  }
0x461: {  	[tilespmem:s0], [sflag:$0x1] =	stream.indirect_vreg.gather @!p0 [hbm4b:s5+s30], $0x80, v13, vm1, $0xb8;
	[tilespmem:$0x19A00] =	vst v63  }
0x462: {  	s0 =	simm.s32 @!p0 $0x3200  }
0x463: {  	[tilespmem:s0], [sflag:$0x1] =	stream.indirect_vreg.gather @!p0 [hbm4b:s5+s30], $0x80, v9, vm1, $0xb8;
	[tilespmem:$0x19A00] =	vst v63  }
0x464: {  	v9 =	vld @!p0 [tilespmem:$0x1620];
	_ =	sdelay $0x4  }
0x465: {  	v13 =	vshll.u32 @!p0 v9, $0x1  }
0x466: {  	v9 =	vand.u32 @!p0 $0x7, v9;
	v13 =	vand.u32 @!p0 $0xFFFFFFF0, v13  }
0x467: {  	v9 =	vor.u32 @!p0 v9, v13  }
0x468: {  	v13 =	vperm.xlane @!p0 v9, v10;
	_ =	sdelay $0x1  }
0x469: {  	v9 =	vperm.xlane @!p0 v9, v11;
	v13 =	vadd.s32 @!p0 v12, v13;
	_ =	sdelay $0x1  }
0x46a: {  	v9 =	vadd.s32 @!p0 v12, v9;
	_ =	sdelay $0x1  }
0x46b: {  	s0 =	simm.s32 @!p0 $0x3A00  }
0x46c: {  	[tilespmem:s0], [sflag:$0x1] =	stream.indirect_vreg.gather @!p0 [hbm4b:s5+s30], $0x80, v13, vm1, $0xb8;
	[tilespmem:$0x19A00] =	vst v63  }
0x46d: {  	s0 =	simm.s32 @!p0 $0x4200  }
0x46e: {  	[tilespmem:s0], [sflag:$0x1] =	stream.indirect_vreg.gather @!p0 [hbm4b:s5+s30], $0x80, v9, vm1, $0xb8;
	[tilespmem:$0x19A00] =	vst v63  }
0x46f: {  	v9 =	vld @!p0 [tilespmem:$0x1630];
	_ =	sdelay $0x4  }
0x470: {  	v13 =	vshll.u32 @!p0 v9, $0x1  }
0x471: {  	v9 =	vand.u32 @!p0 $0x7, v9;
	v13 =	vand.u32 @!p0 $0xFFFFFFF0, v13  }
0x472: {  	v9 =	vor.u32 @!p0 v9, v13  }
0x473: {  	v13 =	vperm.xlane @!p0 v9, v10;
	_ =	sdelay $0x1  }
0x474: {  	v9 =	vperm.xlane @!p0 v9, v11;
	v13 =	vadd.s32 @!p0 v12, v13;
	_ =	sdelay $0x1  }
0x475: {  	v9 =	vadd.s32 @!p0 v12, v9;
	_ =	sdelay $0x1  }
0x476: {  	s0 =	simm.s32 @!p0 $0x4A00  }
0x477: {  	[tilespmem:s0], [sflag:$0x1] =	stream.indirect_vreg.gather @!p0 [hbm4b:s5+s30], $0x80, v13, vm1, $0xb8;
	[tilespmem:$0x19A00] =	vst v63  }
0x478: {  	s0 =	simm.s32 @!p0 $0x5200  }
0x479: {  	[tilespmem:s0], [sflag:$0x1] =	stream.indirect_vreg.gather @!p0 [hbm4b:s5+s30], $0x80, v9, vm1, $0xb8;
	[tilespmem:$0x19A00] =	vst v63  }
0x47a: {  	v9 =	vld @!p0 [tilespmem:$0x1640];
	_ =	sdelay $0x4  }
0x47b: {  	v13 =	vshll.u32 @!p0 v9, $0x1  }
0x47c: {  	v9 =	vand.u32 @!p0 $0x7, v9;
	v13 =	vand.u32 @!p0 $0xFFFFFFF0, v13  }
0x47d: {  	v9 =	vor.u32 @!p0 v9, v13  }
0x47e: {  	v13 =	vperm.xlane @!p0 v9, v10;
	_ =	sdelay $0x1  }
0x47f: {  	v9 =	vperm.xlane @!p0 v9, v11;
	v13 =	vadd.s32 @!p0 v12, v13;
	_ =	sdelay $0x1  }
0x480: {  	v9 =	vadd.s32 @!p0 v12, v9;
	_ =	sdelay $0x1  }
0x481: {  	s0 =	simm.s32 @!p0 $0x5A00  }
0x482: {  	[tilespmem:s0], [sflag:$0x1] =	stream.indirect_vreg.gather @!p0 [hbm4b:s5+s30], $0x80, v13, vm1, $0xb8;
	[tilespmem:$0x19A00] =	vst v63  }
0x483: {  	s0 =	simm.s32 @!p0 $0x6200  }
0x484: {  	[tilespmem:s0], [sflag:$0x1] =	stream.indirect_vreg.gather @!p0 [hbm4b:s5+s30], $0x80, v9, vm1, $0xb8;
	[tilespmem:$0x19A00] =	vst v63  }
0x485: {  	v9 =	vld @!p0 [tilespmem:$0x1650];
	_ =	sdelay $0x4  }
0x486: {  	v13 =	vshll.u32 @!p0 v9, $0x1  }
0x487: {  	v9 =	vand.u32 @!p0 $0x7, v9;
	v13 =	vand.u32 @!p0 $0xFFFFFFF0, v13  }
0x488: {  	v9 =	vor.u32 @!p0 v9, v13  }
0x489: {  	v13 =	vperm.xlane @!p0 v9, v10;
	_ =	sdelay $0x1  }
0x48a: {  	v9 =	vperm.xlane @!p0 v9, v11;
	v13 =	vadd.s32 @!p0 v12, v13;
	_ =	sdelay $0x1  }
0x48b: {  	v9 =	vadd.s32 @!p0 v12, v9;
	_ =	sdelay $0x1  }
0x48c: {  	s0 =	simm.s32 @!p0 $0x6A00  }
0x48d: {  	[tilespmem:s0], [sflag:$0x1] =	stream.indirect_vreg.gather @!p0 [hbm4b:s5+s30], $0x80, v13, vm1, $0xb8;
	[tilespmem:$0x19A00] =	vst v63  }
0x48e: {  	s0 =	simm.s32 @!p0 $0x7200  }
0x48f: {  	[tilespmem:s0], [sflag:$0x1] =	stream.indirect_vreg.gather @!p0 [hbm4b:s5+s30], $0x80, v9, vm1, $0xb8;
	[tilespmem:$0x19A00] =	vst v63  }
0x490: {  	v9 =	vld @!p0 [tilespmem:$0x1660];
	_ =	sdelay $0x4  }
0x491: {  	v13 =	vshll.u32 @!p0 v9, $0x1  }
0x492: {  	v9 =	vand.u32 @!p0 $0x7, v9;
	v13 =	vand.u32 @!p0 $0xFFFFFFF0, v13  }
0x493: {  	v9 =	vor.u32 @!p0 v9, v13  }
0x494: {  	v13 =	vperm.xlane @!p0 v9, v10;
	_ =	sdelay $0x1  }
0x495: {  	v9 =	vperm.xlane @!p0 v9, v11;
	v13 =	vadd.s32 @!p0 v12, v13;
	_ =	sdelay $0x1  }
0x496: {  	v9 =	vadd.s32 @!p0 v12, v9;
	_ =	sdelay $0x1  }
0x497: {  	s0 =	simm.s32 @!p0 $0x7A00  }
0x498: {  	[tilespmem:s0], [sflag:$0x1] =	stream.indirect_vreg.gather @!p0 [hbm4b:s5+s30], $0x80, v13, vm1, $0xb8;
	[tilespmem:$0x19A00] =	vst v63  }
0x499: {  	s0 =	simm.s32 @!p0 $0x8200  }
0x49a: {  	[tilespmem:s0], [sflag:$0x1] =	stream.indirect_vreg.gather @!p0 [hbm4b:s5+s30], $0x80, v9, vm1, $0xb8;
	[tilespmem:$0x19A00] =	vst v63  }
0x49b: {  	v9 =	vld @!p0 [tilespmem:$0x1670];
	_ =	sdelay $0x4  }
0x49c: {  	v13 =	vshll.u32 @!p0 v9, $0x1  }
0x49d: {  	v9 =	vand.u32 @!p0 $0x7, v9;
	v13 =	vand.u32 @!p0 $0xFFFFFFF0, v13  }
0x49e: {  	v9 =	vor.u32 @!p0 v9, v13  }
0x49f: {  	v10 =	vperm.xlane @!p0 v9, v10;
	_ =	sdelay $0x1  }
0x4a0: {  	v9 =	vperm.xlane @!p0 v9, v11;
	v10 =	vadd.s32 @!p0 v12, v10;
	_ =	sdelay $0x1  }
0x4a1: {  	v9 =	vadd.s32 @!p0 v12, v9  }
0x4a2: {  	s11 =	ssub.s32 @!p0 s25, s20  }
0x4a3: {  	p1 =	sgt.s32 @!p0 s11, $0x7F;
	s0 =	simm.s32 @!p0 $0x8A00  }
0x4a4: {  	[tilespmem:s0], [sflag:$0x1] =	stream.indirect_vreg.gather @!p0 [hbm4b:s5+s30], $0x80, v10, vm1, $0xb8;
	[tilespmem:$0x19A00] =	vst v63  }
0x4a5: {  	p1 =	por p0, p1;
	s0 =	simm.s32 @!p0 $0x9200  }
0x4a6: {  	[tilespmem:s0], [sflag:$0x1] =	stream.indirect_vreg.gather @!p0 [hbm4b:s5+s30], $0x80, v9, vm1, $0xb8;
	[tilespmem:$0x19A00] =	vst v63  }
.Ltmp39:
0x4a7: {  	_ = 	snop;
	(pc) =	sbr.rel @p1 .LBB2_52-.Ltmp39, $4  }
0x4a8: {  	s0 =	simm.s32 @!p0 $0x1  }
0x4a9: {  	_ =	swait.ge @!p0 [sflag:s0], $0x8000  }
0x4aa: {  	[sflag:s0] =	ssyncset.done @!p0 $0x0  }
0x4ab: {  	[sflag:s0] =	ssyncadd.s32 @!p0 $0xFFFF8000  }
0x4ac: {  	s4 =	sshll.u32 s11, $0x4  }
0x4ad: {  	s0 =	sshll.u32 s11, $0xB;
	s12 =	sshll.u32 s4, $0x4  }
0x4ae: {  	s13 =	sand.u32 $0x400, s0;
	s12 =	sand.u32 $0x7800, s12  }
0x4af: {  	s13 =	sor.u32 s13, s12;
	s12 =	smax.u32 s4, $0x7FF  }
0x4b0: {  	p0 =	sne.s32 s4, s12  }
.Ltmp40:
0x4b1: {  	s17 =	sshll.u32 s4, $0x3;
	(pc) =	sbr.rel @!p0 .LBB2_55-.Ltmp40, $4  }
0x4b2: {  	s11 =	sshll.u32 s11, $0x8;
	s17 =	sand.u32 $0x380, s17  }
0x4b3: {  	s30 =	sand.u32 $0x70, s11;
	s13 =	sor.u32 s17, s13  }
0x4b4: {  	s13 =	sor.u32 s30, s13  }
0x4b5: {  	s30 =	sadd.s32 $0x1, s4;
	[tilespmem:s13+$0x1A00] =	vst v8  }
.LBB2_54:
0x4b6: {  	s4 =	sshll.u32 s30, $0x4  }
0x4b7: {  	p0 =	sne.s32 s30, s12;
	s0 =	sadd.s32 $0x80, s0;
	s17 =	sshll.u32 s30, $0x3  }
.Ltmp41:
0x4b8: {  	s4 =	sand.u32 $0x7800, s4;
	s13 =	sand.u32 $0x400, s0;
	(pc) =	sbr.rel @p0 .LBB2_54-.Ltmp41, $4  }
0x4b9: {  	s11 =	sadd.s32 $0x10, s11;
	s17 =	sand.u32 $0x380, s17;
	s4 =	sor.u32 s13, s4  }
0x4ba: {  	s13 =	sand.u32 $0x70, s11;
	s4 =	sor.u32 s17, s4  }
0x4bb: {  	s4 =	sor.u32 s13, s4  }
0x4bc: {  	s30 =	sadd.s32 $0x1, s30;
	[tilespmem:s4+$0x1A00] =	vst v8  }
.LBB2_55:
.Ltmp42:
0x4bd: {  	(pc) =	sbr.rel .LBB2_56-.Ltmp42, $2  }
0x4be: {  	_ =	sdelay $0x2  }
0x4bf: {  	s31 =	simm.s32 $0x1A00  }
.LBB2_52:
0x4c0: {  	s31 =	simm.s32 @p0 $0x11A00  }
.LBB2_56:
0x4c1: {  	s0 =	rddreg [dreg:$0xe]  }
0x4c2: {  	[hbm4b:s0+s1] =	stream.linear.scatter [tilespmem:s31], [sflag:$0x3], $0x8000, $0x38;
	[tilespmem:$0x19A00] =	vst v63  }
0x4c3: {  	_ =	swait.ge [sflag:s23], $0x8000  }
0x4c4: {  	[sflag:s23] =	ssyncset.done $0x0  }
0x4c5: {  	p0 =	sle.s32 s25, s21;
	[sflag:s23] =	ssyncadd.s32 $0xFFFF8000  }
0x4c6: {  	v9 =	vld @!p0 [tilespmem:$0x1680];
	_ =	sdelay $0x4  }
0x4c7: {  	v10 =	vshll.u32 @!p0 v9, $0x1  }
0x4c8: {  	v11 =	vlaneseq.u32 @!p0;
	v9 =	vand.u32 @!p0 $0x7, v9;
	v10 =	vand.u32 @!p0 $0xFFFFFFF0, v10  }
0x4c9: {  	v12 =	vshrl.u32 @!p0 v11, $0x3;
	v9 =	vor.u32 @!p0 v9, v10;
	v10 =	vand.u32 @!p0 $0x7, v11  }
0x4ca: {  	v12 =	vmul.u32 @!p0 $0x8, v12;
	v13 =	vperm.xlane @!p0 v9, v10  }
0x4cb: {  	v11 =	vor.u32 @!p0 $0x8, v11  }
0x4cc: {  	v9 =	vperm.xlane @!p0 v9, v11;
	v13 =	vadd.s32 @!p0 v12, v13;
	_ =	sdelay $0x1  }
0x4cd: {  	v9 =	vadd.s32 @!p0 v12, v9;
	_ =	sdelay $0x1  }
0x4ce: {  	vm1 =	vmmov @!p0 $0xffff;
	s30 =	simm.s32 @!p0 $0x0;
	s31 =	simm.s32 @!p0 $0x9A00  }
0x4cf: {  	[tilespmem:s31], [sflag:$0x2] =	stream.indirect_vreg.gather @!p0 [hbm4b:s5+s30], $0x80, v13, vm1, $0xb8;
	[tilespmem:$0x19A00] =	vst v63  }
0x4d0: {  	s0 =	simm.s32 @!p0 $0xA200  }
0x4d1: {  	[tilespmem:s0], [sflag:$0x2] =	stream.indirect_vreg.gather @!p0 [hbm4b:s5+s30], $0x80, v9, vm1, $0xb8;
	[tilespmem:$0x19A00] =	vst v63  }
0x4d2: {  	v9 =	vld @!p0 [tilespmem:$0x1690];
	_ =	sdelay $0x4  }
0x4d3: {  	v13 =	vshll.u32 @!p0 v9, $0x1  }
0x4d4: {  	v9 =	vand.u32 @!p0 $0x7, v9;
	v13 =	vand.u32 @!p0 $0xFFFFFFF0, v13  }
0x4d5: {  	v9 =	vor.u32 @!p0 v9, v13  }
0x4d6: {  	v13 =	vperm.xlane @!p0 v9, v10;
	_ =	sdelay $0x1  }
0x4d7: {  	v9 =	vperm.xlane @!p0 v9, v11;
	v13 =	vadd.s32 @!p0 v12, v13;
	_ =	sdelay $0x1  }
0x4d8: {  	v9 =	vadd.s32 @!p0 v12, v9;
	_ =	sdelay $0x1  }
0x4d9: {  	s0 =	simm.s32 @!p0 $0xAA00  }
0x4da: {  	[tilespmem:s0], [sflag:$0x2] =	stream.indirect_vreg.gather @!p0 [hbm4b:s5+s30], $0x80, v13, vm1, $0xb8;
	[tilespmem:$0x19A00] =	vst v63  }
0x4db: {  	s0 =	simm.s32 @!p0 $0xB200  }
0x4dc: {  	[tilespmem:s0], [sflag:$0x2] =	stream.indirect_vreg.gather @!p0 [hbm4b:s5+s30], $0x80, v9, vm1, $0xb8;
	[tilespmem:$0x19A00] =	vst v63  }
0x4dd: {  	v9 =	vld @!p0 [tilespmem:$0x16A0];
	_ =	sdelay $0x4  }
0x4de: {  	v13 =	vshll.u32 @!p0 v9, $0x1  }
0x4df: {  	v9 =	vand.u32 @!p0 $0x7, v9;
	v13 =	vand.u32 @!p0 $0xFFFFFFF0, v13  }
0x4e0: {  	v9 =	vor.u32 @!p0 v9, v13  }
0x4e1: {  	v13 =	vperm.xlane @!p0 v9, v10;
	_ =	sdelay $0x1  }
0x4e2: {  	v9 =	vperm.xlane @!p0 v9, v11;
	v13 =	vadd.s32 @!p0 v12, v13;
	_ =	sdelay $0x1  }
0x4e3: {  	v9 =	vadd.s32 @!p0 v12, v9;
	_ =	sdelay $0x1  }
0x4e4: {  	s0 =	simm.s32 @!p0 $0xBA00  }
0x4e5: {  	[tilespmem:s0], [sflag:$0x2] =	stream.indirect_vreg.gather @!p0 [hbm4b:s5+s30], $0x80, v13, vm1, $0xb8;
	[tilespmem:$0x19A00] =	vst v63  }
0x4e6: {  	s0 =	simm.s32 @!p0 $0xC200  }
0x4e7: {  	[tilespmem:s0], [sflag:$0x2] =	stream.indirect_vreg.gather @!p0 [hbm4b:s5+s30], $0x80, v9, vm1, $0xb8;
	[tilespmem:$0x19A00] =	vst v63  }
0x4e8: {  	v9 =	vld @!p0 [tilespmem:$0x16B0];
	_ =	sdelay $0x4  }
0x4e9: {  	v13 =	vshll.u32 @!p0 v9, $0x1  }
0x4ea: {  	v9 =	vand.u32 @!p0 $0x7, v9;
	v13 =	vand.u32 @!p0 $0xFFFFFFF0, v13  }
0x4eb: {  	v9 =	vor.u32 @!p0 v9, v13  }
0x4ec: {  	v13 =	vperm.xlane @!p0 v9, v10;
	_ =	sdelay $0x1  }
0x4ed: {  	v9 =	vperm.xlane @!p0 v9, v11;
	v13 =	vadd.s32 @!p0 v12, v13;
	_ =	sdelay $0x1  }
0x4ee: {  	v9 =	vadd.s32 @!p0 v12, v9;
	_ =	sdelay $0x1  }
0x4ef: {  	s0 =	simm.s32 @!p0 $0xCA00  }
0x4f0: {  	[tilespmem:s0], [sflag:$0x2] =	stream.indirect_vreg.gather @!p0 [hbm4b:s5+s30], $0x80, v13, vm1, $0xb8;
	[tilespmem:$0x19A00] =	vst v63  }
0x4f1: {  	s0 =	simm.s32 @!p0 $0xD200  }
0x4f2: {  	[tilespmem:s0], [sflag:$0x2] =	stream.indirect_vreg.gather @!p0 [hbm4b:s5+s30], $0x80, v9, vm1, $0xb8;
	[tilespmem:$0x19A00] =	vst v63  }
0x4f3: {  	v9 =	vld @!p0 [tilespmem:$0x16C0];
	_ =	sdelay $0x4  }
0x4f4: {  	v13 =	vshll.u32 @!p0 v9, $0x1  }
0x4f5: {  	v9 =	vand.u32 @!p0 $0x7, v9;
	v13 =	vand.u32 @!p0 $0xFFFFFFF0, v13  }
0x4f6: {  	v9 =	vor.u32 @!p0 v9, v13  }
0x4f7: {  	v13 =	vperm.xlane @!p0 v9, v10;
	_ =	sdelay $0x1  }
0x4f8: {  	v9 =	vperm.xlane @!p0 v9, v11;
	v13 =	vadd.s32 @!p0 v12, v13;
	_ =	sdelay $0x1  }
0x4f9: {  	v9 =	vadd.s32 @!p0 v12, v9;
	_ =	sdelay $0x1  }
0x4fa: {  	s0 =	simm.s32 @!p0 $0xDA00  }
0x4fb: {  	[tilespmem:s0], [sflag:$0x2] =	stream.indirect_vreg.gather @!p0 [hbm4b:s5+s30], $0x80, v13, vm1, $0xb8;
	[tilespmem:$0x19A00] =	vst v63  }
0x4fc: {  	s0 =	simm.s32 @!p0 $0xE200  }
0x4fd: {  	[tilespmem:s0], [sflag:$0x2] =	stream.indirect_vreg.gather @!p0 [hbm4b:s5+s30], $0x80, v9, vm1, $0xb8;
	[tilespmem:$0x19A00] =	vst v63  }
0x4fe: {  	v9 =	vld @!p0 [tilespmem:$0x16D0];
	_ =	sdelay $0x4  }
0x4ff: {  	v13 =	vshll.u32 @!p0 v9, $0x1  }
0x500: {  	v9 =	vand.u32 @!p0 $0x7, v9;
	v13 =	vand.u32 @!p0 $0xFFFFFFF0, v13  }
0x501: {  	v9 =	vor.u32 @!p0 v9, v13  }
0x502: {  	v13 =	vperm.xlane @!p0 v9, v10;
	_ =	sdelay $0x1  }
0x503: {  	v9 =	vperm.xlane @!p0 v9, v11;
	v13 =	vadd.s32 @!p0 v12, v13;
	_ =	sdelay $0x1  }
0x504: {  	v9 =	vadd.s32 @!p0 v12, v9;
	_ =	sdelay $0x1  }
0x505: {  	s0 =	simm.s32 @!p0 $0xEA00  }
0x506: {  	[tilespmem:s0], [sflag:$0x2] =	stream.indirect_vreg.gather @!p0 [hbm4b:s5+s30], $0x80, v13, vm1, $0xb8;
	[tilespmem:$0x19A00] =	vst v63  }
0x507: {  	s0 =	simm.s32 @!p0 $0xF200  }
0x508: {  	[tilespmem:s0], [sflag:$0x2] =	stream.indirect_vreg.gather @!p0 [hbm4b:s5+s30], $0x80, v9, vm1, $0xb8;
	[tilespmem:$0x19A00] =	vst v63  }
0x509: {  	v9 =	vld @!p0 [tilespmem:$0x16E0];
	_ =	sdelay $0x4  }
0x50a: {  	v13 =	vshll.u32 @!p0 v9, $0x1  }
0x50b: {  	v9 =	vand.u32 @!p0 $0x7, v9;
	v13 =	vand.u32 @!p0 $0xFFFFFFF0, v13  }
0x50c: {  	v9 =	vor.u32 @!p0 v9, v13  }
0x50d: {  	v13 =	vperm.xlane @!p0 v9, v10;
	_ =	sdelay $0x1  }
0x50e: {  	v9 =	vperm.xlane @!p0 v9, v11;
	v13 =	vadd.s32 @!p0 v12, v13;
	_ =	sdelay $0x1  }
0x50f: {  	v9 =	vadd.s32 @!p0 v12, v9;
	_ =	sdelay $0x1  }
0x510: {  	s0 =	simm.s32 @!p0 $0xFA00  }
0x511: {  	[tilespmem:s0], [sflag:$0x2] =	stream.indirect_vreg.gather @!p0 [hbm4b:s5+s30], $0x80, v13, vm1, $0xb8;
	[tilespmem:$0x19A00] =	vst v63  }
0x512: {  	s0 =	simm.s32 @!p0 $0x10200  }
0x513: {  	[tilespmem:s0], [sflag:$0x2] =	stream.indirect_vreg.gather @!p0 [hbm4b:s5+s30], $0x80, v9, vm1, $0xb8;
	[tilespmem:$0x19A00] =	vst v63  }
0x514: {  	v9 =	vld @!p0 [tilespmem:$0x16F0];
	_ =	sdelay $0x4  }
0x515: {  	v13 =	vshll.u32 @!p0 v9, $0x1  }
0x516: {  	v9 =	vand.u32 @!p0 $0x7, v9;
	v13 =	vand.u32 @!p0 $0xFFFFFFF0, v13  }
0x517: {  	v9 =	vor.u32 @!p0 v9, v13  }
0x518: {  	v10 =	vperm.xlane @!p0 v9, v10;
	_ =	sdelay $0x1  }
0x519: {  	v9 =	vperm.xlane @!p0 v9, v11;
	v10 =	vadd.s32 @!p0 v12, v10;
	_ =	sdelay $0x1  }
0x51a: {  	v9 =	vadd.s32 @!p0 v12, v9  }
0x51b: {  	s11 =	ssub.s32 @!p0 s25, s21  }
0x51c: {  	p1 =	sgt.s32 @!p0 s11, $0x7F;
	s0 =	simm.s32 @!p0 $0x10A00  }
0x51d: {  	[tilespmem:s0], [sflag:$0x2] =	stream.indirect_vreg.gather @!p0 [hbm4b:s5+s30], $0x80, v10, vm1, $0xb8;
	[tilespmem:$0x19A00] =	vst v63  }
0x51e: {  	p1 =	por p0, p1;
	s0 =	simm.s32 @!p0 $0x11200  }
0x51f: {  	[tilespmem:s0], [sflag:$0x2] =	stream.indirect_vreg.gather @!p0 [hbm4b:s5+s30], $0x80, v9, vm1, $0xb8;
	[tilespmem:$0x19A00] =	vst v63  }
.Ltmp43:
0x520: {  	_ = 	snop;
	(pc) =	sbr.rel @p1 .LBB2_57-.Ltmp43, $4  }
0x521: {  	s0 =	simm.s32 @!p0 $0x2  }
0x522: {  	_ =	swait.ge @!p0 [sflag:s0], $0x8000  }
0x523: {  	[sflag:s0] =	ssyncset.done @!p0 $0x0  }
0x524: {  	[sflag:s0] =	ssyncadd.s32 @!p0 $0xFFFF8000  }
0x525: {  	s4 =	sshll.u32 s11, $0x4  }
0x526: {  	s0 =	sshll.u32 s11, $0xB;
	s12 =	sshll.u32 s4, $0x4  }
0x527: {  	s13 =	sand.u32 $0x400, s0;
	s12 =	sand.u32 $0x7800, s12  }
0x528: {  	s13 =	sor.u32 s13, s12;
	s12 =	smax.u32 s4, $0x7FF  }
0x529: {  	p0 =	sne.s32 s4, s12  }
.Ltmp44:
0x52a: {  	s17 =	sshll.u32 s4, $0x3;
	(pc) =	sbr.rel @!p0 .LBB2_60-.Ltmp44, $4  }
0x52b: {  	s11 =	sshll.u32 s11, $0x8;
	s17 =	sand.u32 $0x380, s17  }
0x52c: {  	s30 =	sand.u32 $0x70, s11;
	s13 =	sor.u32 s17, s13  }
0x52d: {  	s13 =	sor.u32 s30, s13  }
0x52e: {  	s30 =	sadd.s32 $0x1, s4;
	[tilespmem:s13+$0x9A00] =	vst v8  }
.LBB2_59:
0x52f: {  	s4 =	sshll.u32 s30, $0x4  }
0x530: {  	p0 =	sne.s32 s30, s12;
	s0 =	sadd.s32 $0x80, s0;
	s17 =	sshll.u32 s30, $0x3  }
.Ltmp45:
0x531: {  	s4 =	sand.u32 $0x7800, s4;
	s13 =	sand.u32 $0x400, s0;
	(pc) =	sbr.rel @p0 .LBB2_59-.Ltmp45, $4  }
0x532: {  	s11 =	sadd.s32 $0x10, s11;
	s17 =	sand.u32 $0x380, s17;
	s4 =	sor.u32 s13, s4  }
0x533: {  	s13 =	sand.u32 $0x70, s11;
	s4 =	sor.u32 s17, s4  }
0x534: {  	s4 =	sor.u32 s13, s4  }
0x535: {  	s30 =	sadd.s32 $0x1, s30;
	[tilespmem:s4+$0x9A00] =	vst v8  }
.LBB2_60:
.Ltmp46:
0x536: {  	(pc) =	sbr.rel .LBB2_61-.Ltmp46, $2  }
0x537: {  	_ =	sdelay $0x2  }
0x538: {  	s31 =	simm.s32 $0x9A00  }
.LBB2_57:
0x539: {  	s31 =	simm.s32 @p0 $0x11A00  }
.LBB2_61:
0x53a: {  	s0 =	rddreg [dreg:$0xf]  }
0x53b: {  	[hbm4b:s0+s1] =	stream.linear.scatter [tilespmem:s31], [sflag:$0x4], $0x8000, $0x38;
	[tilespmem:$0x19A00] =	vst v63  }
0x53c: {  	_ =	swait.ge [sflag:s19], $0x8000  }
0x53d: {  	[sflag:s19] =	ssyncset.done $0x0  }
0x53e: {  	p0 =	sle.s32 s25, s22;
	[sflag:s19] =	ssyncadd.s32 $0xFFFF8000  }
0x53f: {  	v9 =	vld @!p0 [tilespmem:$0x1700];
	_ =	sdelay $0x4  }
0x540: {  	v10 =	vshll.u32 @!p0 v9, $0x1  }
0x541: {  	v11 =	vlaneseq.u32 @!p0;
	v9 =	vand.u32 @!p0 $0x7, v9;
	v10 =	vand.u32 @!p0 $0xFFFFFFF0, v10  }
0x542: {  	v12 =	vshrl.u32 @!p0 v11, $0x3;
	v9 =	vor.u32 @!p0 v9, v10;
	v10 =	vand.u32 @!p0 $0x7, v11  }
0x543: {  	v12 =	vmul.u32 @!p0 $0x8, v12;
	v13 =	vperm.xlane @!p0 v9, v10  }
0x544: {  	v11 =	vor.u32 @!p0 $0x8, v11  }
0x545: {  	v9 =	vperm.xlane @!p0 v9, v11;
	v13 =	vadd.s32 @!p0 v12, v13;
	_ =	sdelay $0x1  }
0x546: {  	v9 =	vadd.s32 @!p0 v12, v9;
	_ =	sdelay $0x1  }
0x547: {  	vm1 =	vmmov @!p0 $0xffff;
	s30 =	simm.s32 @!p0 $0x0;
	s31 =	simm.s32 @!p0 $0x1A00  }
0x548: {  	[tilespmem:s31], [sflag:$0x1] =	stream.indirect_vreg.gather @!p0 [hbm4b:s5+s30], $0x80, v13, vm1, $0xb8;
	[tilespmem:$0x19A00] =	vst v63  }
0x549: {  	s0 =	simm.s32 @!p0 $0x2200  }
0x54a: {  	[tilespmem:s0], [sflag:$0x1] =	stream.indirect_vreg.gather @!p0 [hbm4b:s5+s30], $0x80, v9, vm1, $0xb8;
	[tilespmem:$0x19A00] =	vst v63  }
0x54b: {  	v9 =	vld @!p0 [tilespmem:$0x1710];
	_ =	sdelay $0x4  }
0x54c: {  	v13 =	vshll.u32 @!p0 v9, $0x1  }
0x54d: {  	v9 =	vand.u32 @!p0 $0x7, v9;
	v13 =	vand.u32 @!p0 $0xFFFFFFF0, v13  }
0x54e: {  	v9 =	vor.u32 @!p0 v9, v13  }
0x54f: {  	v13 =	vperm.xlane @!p0 v9, v10;
	_ =	sdelay $0x1  }
0x550: {  	v9 =	vperm.xlane @!p0 v9, v11;
	v13 =	vadd.s32 @!p0 v12, v13;
	_ =	sdelay $0x1  }
0x551: {  	v9 =	vadd.s32 @!p0 v12, v9;
	_ =	sdelay $0x1  }
0x552: {  	s0 =	simm.s32 @!p0 $0x2A00  }
0x553: {  	[tilespmem:s0], [sflag:$0x1] =	stream.indirect_vreg.gather @!p0 [hbm4b:s5+s30], $0x80, v13, vm1, $0xb8;
	[tilespmem:$0x19A00] =	vst v63  }
0x554: {  	s0 =	simm.s32 @!p0 $0x3200  }
0x555: {  	[tilespmem:s0], [sflag:$0x1] =	stream.indirect_vreg.gather @!p0 [hbm4b:s5+s30], $0x80, v9, vm1, $0xb8;
	[tilespmem:$0x19A00] =	vst v63  }
0x556: {  	v9 =	vld @!p0 [tilespmem:$0x1720];
	_ =	sdelay $0x4  }
0x557: {  	v13 =	vshll.u32 @!p0 v9, $0x1  }
0x558: {  	v9 =	vand.u32 @!p0 $0x7, v9;
	v13 =	vand.u32 @!p0 $0xFFFFFFF0, v13  }
0x559: {  	v9 =	vor.u32 @!p0 v9, v13  }
0x55a: {  	v13 =	vperm.xlane @!p0 v9, v10;
	_ =	sdelay $0x1  }
0x55b: {  	v9 =	vperm.xlane @!p0 v9, v11;
	v13 =	vadd.s32 @!p0 v12, v13;
	_ =	sdelay $0x1  }
0x55c: {  	v9 =	vadd.s32 @!p0 v12, v9;
	_ =	sdelay $0x1  }
0x55d: {  	s0 =	simm.s32 @!p0 $0x3A00  }
0x55e: {  	[tilespmem:s0], [sflag:$0x1] =	stream.indirect_vreg.gather @!p0 [hbm4b:s5+s30], $0x80, v13, vm1, $0xb8;
	[tilespmem:$0x19A00] =	vst v63  }
0x55f: {  	s0 =	simm.s32 @!p0 $0x4200  }
0x560: {  	[tilespmem:s0], [sflag:$0x1] =	stream.indirect_vreg.gather @!p0 [hbm4b:s5+s30], $0x80, v9, vm1, $0xb8;
	[tilespmem:$0x19A00] =	vst v63  }
0x561: {  	v9 =	vld @!p0 [tilespmem:$0x1730];
	_ =	sdelay $0x4  }
0x562: {  	v13 =	vshll.u32 @!p0 v9, $0x1  }
0x563: {  	v9 =	vand.u32 @!p0 $0x7, v9;
	v13 =	vand.u32 @!p0 $0xFFFFFFF0, v13  }
0x564: {  	v9 =	vor.u32 @!p0 v9, v13  }
0x565: {  	v13 =	vperm.xlane @!p0 v9, v10;
	_ =	sdelay $0x1  }
0x566: {  	v9 =	vperm.xlane @!p0 v9, v11;
	v13 =	vadd.s32 @!p0 v12, v13;
	_ =	sdelay $0x1  }
0x567: {  	v9 =	vadd.s32 @!p0 v12, v9;
	_ =	sdelay $0x1  }
0x568: {  	s0 =	simm.s32 @!p0 $0x4A00  }
0x569: {  	[tilespmem:s0], [sflag:$0x1] =	stream.indirect_vreg.gather @!p0 [hbm4b:s5+s30], $0x80, v13, vm1, $0xb8;
	[tilespmem:$0x19A00] =	vst v63  }
0x56a: {  	s0 =	simm.s32 @!p0 $0x5200  }
0x56b: {  	[tilespmem:s0], [sflag:$0x1] =	stream.indirect_vreg.gather @!p0 [hbm4b:s5+s30], $0x80, v9, vm1, $0xb8;
	[tilespmem:$0x19A00] =	vst v63  }
0x56c: {  	v9 =	vld @!p0 [tilespmem:$0x1740];
	_ =	sdelay $0x4  }
0x56d: {  	v13 =	vshll.u32 @!p0 v9, $0x1  }
0x56e: {  	v9 =	vand.u32 @!p0 $0x7, v9;
	v13 =	vand.u32 @!p0 $0xFFFFFFF0, v13  }
0x56f: {  	v9 =	vor.u32 @!p0 v9, v13  }
0x570: {  	v13 =	vperm.xlane @!p0 v9, v10;
	_ =	sdelay $0x1  }
0x571: {  	v9 =	vperm.xlane @!p0 v9, v11;
	v13 =	vadd.s32 @!p0 v12, v13;
	_ =	sdelay $0x1  }
0x572: {  	v9 =	vadd.s32 @!p0 v12, v9;
	_ =	sdelay $0x1  }
0x573: {  	s0 =	simm.s32 @!p0 $0x5A00  }
0x574: {  	[tilespmem:s0], [sflag:$0x1] =	stream.indirect_vreg.gather @!p0 [hbm4b:s5+s30], $0x80, v13, vm1, $0xb8;
	[tilespmem:$0x19A00] =	vst v63  }
0x575: {  	s0 =	simm.s32 @!p0 $0x6200  }
0x576: {  	[tilespmem:s0], [sflag:$0x1] =	stream.indirect_vreg.gather @!p0 [hbm4b:s5+s30], $0x80, v9, vm1, $0xb8;
	[tilespmem:$0x19A00] =	vst v63  }
0x577: {  	v9 =	vld @!p0 [tilespmem:$0x1750];
	_ =	sdelay $0x4  }
0x578: {  	v13 =	vshll.u32 @!p0 v9, $0x1  }
0x579: {  	v9 =	vand.u32 @!p0 $0x7, v9;
	v13 =	vand.u32 @!p0 $0xFFFFFFF0, v13  }
0x57a: {  	v9 =	vor.u32 @!p0 v9, v13  }
0x57b: {  	v13 =	vperm.xlane @!p0 v9, v10;
	_ =	sdelay $0x1  }
0x57c: {  	v9 =	vperm.xlane @!p0 v9, v11;
	v13 =	vadd.s32 @!p0 v12, v13;
	_ =	sdelay $0x1  }
0x57d: {  	v9 =	vadd.s32 @!p0 v12, v9;
	_ =	sdelay $0x1  }
0x57e: {  	s0 =	simm.s32 @!p0 $0x6A00  }
0x57f: {  	[tilespmem:s0], [sflag:$0x1] =	stream.indirect_vreg.gather @!p0 [hbm4b:s5+s30], $0x80, v13, vm1, $0xb8;
	[tilespmem:$0x19A00] =	vst v63  }
0x580: {  	s0 =	simm.s32 @!p0 $0x7200  }
0x581: {  	[tilespmem:s0], [sflag:$0x1] =	stream.indirect_vreg.gather @!p0 [hbm4b:s5+s30], $0x80, v9, vm1, $0xb8;
	[tilespmem:$0x19A00] =	vst v63  }
0x582: {  	v9 =	vld @!p0 [tilespmem:$0x1760];
	_ =	sdelay $0x4  }
0x583: {  	v13 =	vshll.u32 @!p0 v9, $0x1  }
0x584: {  	v9 =	vand.u32 @!p0 $0x7, v9;
	v13 =	vand.u32 @!p0 $0xFFFFFFF0, v13  }
0x585: {  	v9 =	vor.u32 @!p0 v9, v13  }
0x586: {  	v13 =	vperm.xlane @!p0 v9, v10;
	_ =	sdelay $0x1  }
0x587: {  	v9 =	vperm.xlane @!p0 v9, v11;
	v13 =	vadd.s32 @!p0 v12, v13;
	_ =	sdelay $0x1  }
0x588: {  	v9 =	vadd.s32 @!p0 v12, v9;
	_ =	sdelay $0x1  }
0x589: {  	s0 =	simm.s32 @!p0 $0x7A00  }
0x58a: {  	[tilespmem:s0], [sflag:$0x1] =	stream.indirect_vreg.gather @!p0 [hbm4b:s5+s30], $0x80, v13, vm1, $0xb8;
	[tilespmem:$0x19A00] =	vst v63  }
0x58b: {  	s0 =	simm.s32 @!p0 $0x8200  }
0x58c: {  	[tilespmem:s0], [sflag:$0x1] =	stream.indirect_vreg.gather @!p0 [hbm4b:s5+s30], $0x80, v9, vm1, $0xb8;
	[tilespmem:$0x19A00] =	vst v63  }
0x58d: {  	v9 =	vld @!p0 [tilespmem:$0x1770];
	_ =	sdelay $0x4  }
0x58e: {  	v13 =	vshll.u32 @!p0 v9, $0x1  }
0x58f: {  	v9 =	vand.u32 @!p0 $0x7, v9;
	v13 =	vand.u32 @!p0 $0xFFFFFFF0, v13  }
0x590: {  	v9 =	vor.u32 @!p0 v9, v13  }
0x591: {  	v10 =	vperm.xlane @!p0 v9, v10;
	_ =	sdelay $0x1  }
0x592: {  	v9 =	vperm.xlane @!p0 v9, v11;
	v10 =	vadd.s32 @!p0 v12, v10;
	_ =	sdelay $0x1  }
0x593: {  	v9 =	vadd.s32 @!p0 v12, v9  }
0x594: {  	s11 =	ssub.s32 @!p0 s25, s22  }
0x595: {  	p1 =	sgt.s32 @!p0 s11, $0x7F;
	s0 =	simm.s32 @!p0 $0x8A00  }
0x596: {  	[tilespmem:s0], [sflag:$0x1] =	stream.indirect_vreg.gather @!p0 [hbm4b:s5+s30], $0x80, v10, vm1, $0xb8;
	[tilespmem:$0x19A00] =	vst v63  }
0x597: {  	p1 =	por p0, p1;
	s0 =	simm.s32 @!p0 $0x9200  }
0x598: {  	[tilespmem:s0], [sflag:$0x1] =	stream.indirect_vreg.gather @!p0 [hbm4b:s5+s30], $0x80, v9, vm1, $0xb8;
	[tilespmem:$0x19A00] =	vst v63  }
.Ltmp47:
0x599: {  	_ = 	snop;
	(pc) =	sbr.rel @p1 .LBB2_62-.Ltmp47, $4  }
0x59a: {  	s0 =	simm.s32 @!p0 $0x1  }
0x59b: {  	_ =	swait.ge @!p0 [sflag:s0], $0x8000  }
0x59c: {  	[sflag:s0] =	ssyncset.done @!p0 $0x0  }
0x59d: {  	[sflag:s0] =	ssyncadd.s32 @!p0 $0xFFFF8000  }
0x59e: {  	s4 =	sshll.u32 s11, $0x4  }
0x59f: {  	s0 =	sshll.u32 s11, $0xB;
	s12 =	sshll.u32 s4, $0x4  }
0x5a0: {  	s13 =	sand.u32 $0x400, s0;
	s12 =	sand.u32 $0x7800, s12  }
0x5a1: {  	s13 =	sor.u32 s13, s12;
	s12 =	smax.u32 s4, $0x7FF  }
0x5a2: {  	p0 =	sne.s32 s4, s12  }
.Ltmp48:
0x5a3: {  	s17 =	sshll.u32 s4, $0x3;
	(pc) =	sbr.rel @!p0 .LBB2_65-.Ltmp48, $4  }
0x5a4: {  	s11 =	sshll.u32 s11, $0x8;
	s17 =	sand.u32 $0x380, s17  }
0x5a5: {  	s30 =	sand.u32 $0x70, s11;
	s13 =	sor.u32 s17, s13  }
0x5a6: {  	s13 =	sor.u32 s30, s13  }
0x5a7: {  	s30 =	sadd.s32 $0x1, s4;
	[tilespmem:s13+$0x1A00] =	vst v8  }
.LBB2_64:
0x5a8: {  	s4 =	sshll.u32 s30, $0x4  }
0x5a9: {  	p0 =	sne.s32 s30, s12;
	s0 =	sadd.s32 $0x80, s0;
	s17 =	sshll.u32 s30, $0x3  }
.Ltmp49:
0x5aa: {  	s4 =	sand.u32 $0x7800, s4;
	s13 =	sand.u32 $0x400, s0;
	(pc) =	sbr.rel @p0 .LBB2_64-.Ltmp49, $4  }
0x5ab: {  	s11 =	sadd.s32 $0x10, s11;
	s17 =	sand.u32 $0x380, s17;
	s4 =	sor.u32 s13, s4  }
0x5ac: {  	s13 =	sand.u32 $0x70, s11;
	s4 =	sor.u32 s17, s4  }
0x5ad: {  	s4 =	sor.u32 s13, s4  }
0x5ae: {  	s30 =	sadd.s32 $0x1, s30;
	[tilespmem:s4+$0x1A00] =	vst v8  }
.LBB2_65:
.Ltmp50:
0x5af: {  	(pc) =	sbr.rel .LBB2_66-.Ltmp50, $2  }
0x5b0: {  	_ =	sdelay $0x2  }
0x5b1: {  	s31 =	simm.s32 $0x1A00  }
.LBB2_62:
0x5b2: {  	s31 =	simm.s32 @p0 $0x11A00  }
.LBB2_66:
0x5b3: {  	s0 =	rddreg [dreg:$0x10]  }
0x5b4: {  	[hbm4b:s0+s1] =	stream.linear.scatter [tilespmem:s31], [sflag:$0x3], $0x8000, $0x38;
	[tilespmem:$0x19A00] =	vst v63  }
0x5b5: {  	_ =	swait.ge [sflag:s23], $0x8000  }
0x5b6: {  	[sflag:s23] =	ssyncset.done $0x0  }
0x5b7: {  	p0 =	sle.s32 s25, s26;
	[sflag:s23] =	ssyncadd.s32 $0xFFFF8000  }
0x5b8: {  	v9 =	vld @!p0 [tilespmem:$0x1780];
	_ =	sdelay $0x4  }
0x5b9: {  	v10 =	vshll.u32 @!p0 v9, $0x1  }
0x5ba: {  	v11 =	vlaneseq.u32 @!p0;
	v9 =	vand.u32 @!p0 $0x7, v9;
	v10 =	vand.u32 @!p0 $0xFFFFFFF0, v10  }
0x5bb: {  	v12 =	vshrl.u32 @!p0 v11, $0x3;
	v9 =	vor.u32 @!p0 v9, v10;
	v10 =	vand.u32 @!p0 $0x7, v11  }
0x5bc: {  	v12 =	vmul.u32 @!p0 $0x8, v12;
	v13 =	vperm.xlane @!p0 v9, v10  }
0x5bd: {  	v11 =	vor.u32 @!p0 $0x8, v11  }
0x5be: {  	v9 =	vperm.xlane @!p0 v9, v11;
	v13 =	vadd.s32 @!p0 v12, v13;
	_ =	sdelay $0x1  }
0x5bf: {  	v9 =	vadd.s32 @!p0 v12, v9;
	_ =	sdelay $0x1  }
0x5c0: {  	vm1 =	vmmov @!p0 $0xffff;
	s30 =	simm.s32 @!p0 $0x0;
	s31 =	simm.s32 @!p0 $0x9A00  }
0x5c1: {  	[tilespmem:s31], [sflag:$0x2] =	stream.indirect_vreg.gather @!p0 [hbm4b:s5+s30], $0x80, v13, vm1, $0xb8;
	[tilespmem:$0x19A00] =	vst v63  }
0x5c2: {  	s0 =	simm.s32 @!p0 $0xA200  }
0x5c3: {  	[tilespmem:s0], [sflag:$0x2] =	stream.indirect_vreg.gather @!p0 [hbm4b:s5+s30], $0x80, v9, vm1, $0xb8;
	[tilespmem:$0x19A00] =	vst v63  }
0x5c4: {  	v9 =	vld @!p0 [tilespmem:$0x1790];
	_ =	sdelay $0x4  }
0x5c5: {  	v13 =	vshll.u32 @!p0 v9, $0x1  }
0x5c6: {  	v9 =	vand.u32 @!p0 $0x7, v9;
	v13 =	vand.u32 @!p0 $0xFFFFFFF0, v13  }
0x5c7: {  	v9 =	vor.u32 @!p0 v9, v13  }
0x5c8: {  	v13 =	vperm.xlane @!p0 v9, v10;
	_ =	sdelay $0x1  }
0x5c9: {  	v9 =	vperm.xlane @!p0 v9, v11;
	v13 =	vadd.s32 @!p0 v12, v13;
	_ =	sdelay $0x1  }
0x5ca: {  	v9 =	vadd.s32 @!p0 v12, v9;
	_ =	sdelay $0x1  }
0x5cb: {  	s0 =	simm.s32 @!p0 $0xAA00  }
0x5cc: {  	[tilespmem:s0], [sflag:$0x2] =	stream.indirect_vreg.gather @!p0 [hbm4b:s5+s30], $0x80, v13, vm1, $0xb8;
	[tilespmem:$0x19A00] =	vst v63  }
0x5cd: {  	s0 =	simm.s32 @!p0 $0xB200  }
0x5ce: {  	[tilespmem:s0], [sflag:$0x2] =	stream.indirect_vreg.gather @!p0 [hbm4b:s5+s30], $0x80, v9, vm1, $0xb8;
	[tilespmem:$0x19A00] =	vst v63  }
0x5cf: {  	v9 =	vld @!p0 [tilespmem:$0x17A0];
	_ =	sdelay $0x4  }
0x5d0: {  	v13 =	vshll.u32 @!p0 v9, $0x1  }
0x5d1: {  	v9 =	vand.u32 @!p0 $0x7, v9;
	v13 =	vand.u32 @!p0 $0xFFFFFFF0, v13  }
0x5d2: {  	v9 =	vor.u32 @!p0 v9, v13  }
0x5d3: {  	v13 =	vperm.xlane @!p0 v9, v10;
	_ =	sdelay $0x1  }
0x5d4: {  	v9 =	vperm.xlane @!p0 v9, v11;
	v13 =	vadd.s32 @!p0 v12, v13;
	_ =	sdelay $0x1  }
0x5d5: {  	v9 =	vadd.s32 @!p0 v12, v9;
	_ =	sdelay $0x1  }
0x5d6: {  	s0 =	simm.s32 @!p0 $0xBA00  }
0x5d7: {  	[tilespmem:s0], [sflag:$0x2] =	stream.indirect_vreg.gather @!p0 [hbm4b:s5+s30], $0x80, v13, vm1, $0xb8;
	[tilespmem:$0x19A00] =	vst v63  }
0x5d8: {  	s0 =	simm.s32 @!p0 $0xC200  }
0x5d9: {  	[tilespmem:s0], [sflag:$0x2] =	stream.indirect_vreg.gather @!p0 [hbm4b:s5+s30], $0x80, v9, vm1, $0xb8;
	[tilespmem:$0x19A00] =	vst v63  }
0x5da: {  	v9 =	vld @!p0 [tilespmem:$0x17B0];
	_ =	sdelay $0x4  }
0x5db: {  	v13 =	vshll.u32 @!p0 v9, $0x1  }
0x5dc: {  	v9 =	vand.u32 @!p0 $0x7, v9;
	v13 =	vand.u32 @!p0 $0xFFFFFFF0, v13  }
0x5dd: {  	v9 =	vor.u32 @!p0 v9, v13  }
0x5de: {  	v13 =	vperm.xlane @!p0 v9, v10;
	_ =	sdelay $0x1  }
0x5df: {  	v9 =	vperm.xlane @!p0 v9, v11;
	v13 =	vadd.s32 @!p0 v12, v13;
	_ =	sdelay $0x1  }
0x5e0: {  	v9 =	vadd.s32 @!p0 v12, v9;
	_ =	sdelay $0x1  }
0x5e1: {  	s0 =	simm.s32 @!p0 $0xCA00  }
0x5e2: {  	[tilespmem:s0], [sflag:$0x2] =	stream.indirect_vreg.gather @!p0 [hbm4b:s5+s30], $0x80, v13, vm1, $0xb8;
	[tilespmem:$0x19A00] =	vst v63  }
0x5e3: {  	s0 =	simm.s32 @!p0 $0xD200  }
0x5e4: {  	[tilespmem:s0], [sflag:$0x2] =	stream.indirect_vreg.gather @!p0 [hbm4b:s5+s30], $0x80, v9, vm1, $0xb8;
	[tilespmem:$0x19A00] =	vst v63  }
0x5e5: {  	v9 =	vld @!p0 [tilespmem:$0x17C0];
	_ =	sdelay $0x4  }
0x5e6: {  	v13 =	vshll.u32 @!p0 v9, $0x1  }
0x5e7: {  	v9 =	vand.u32 @!p0 $0x7, v9;
	v13 =	vand.u32 @!p0 $0xFFFFFFF0, v13  }
0x5e8: {  	v9 =	vor.u32 @!p0 v9, v13  }
0x5e9: {  	v13 =	vperm.xlane @!p0 v9, v10;
	_ =	sdelay $0x1  }
0x5ea: {  	v9 =	vperm.xlane @!p0 v9, v11;
	v13 =	vadd.s32 @!p0 v12, v13;
	_ =	sdelay $0x1  }
0x5eb: {  	v9 =	vadd.s32 @!p0 v12, v9;
	_ =	sdelay $0x1  }
0x5ec: {  	s0 =	simm.s32 @!p0 $0xDA00  }
0x5ed: {  	[tilespmem:s0], [sflag:$0x2] =	stream.indirect_vreg.gather @!p0 [hbm4b:s5+s30], $0x80, v13, vm1, $0xb8;
	[tilespmem:$0x19A00] =	vst v63  }
0x5ee: {  	s0 =	simm.s32 @!p0 $0xE200  }
0x5ef: {  	[tilespmem:s0], [sflag:$0x2] =	stream.indirect_vreg.gather @!p0 [hbm4b:s5+s30], $0x80, v9, vm1, $0xb8;
	[tilespmem:$0x19A00] =	vst v63  }
0x5f0: {  	v9 =	vld @!p0 [tilespmem:$0x17D0];
	_ =	sdelay $0x4  }
0x5f1: {  	v13 =	vshll.u32 @!p0 v9, $0x1  }
0x5f2: {  	v9 =	vand.u32 @!p0 $0x7, v9;
	v13 =	vand.u32 @!p0 $0xFFFFFFF0, v13  }
0x5f3: {  	v9 =	vor.u32 @!p0 v9, v13  }
0x5f4: {  	v13 =	vperm.xlane @!p0 v9, v10;
	_ =	sdelay $0x1  }
0x5f5: {  	v9 =	vperm.xlane @!p0 v9, v11;
	v13 =	vadd.s32 @!p0 v12, v13;
	_ =	sdelay $0x1  }
0x5f6: {  	v9 =	vadd.s32 @!p0 v12, v9;
	_ =	sdelay $0x1  }
0x5f7: {  	s0 =	simm.s32 @!p0 $0xEA00  }
0x5f8: {  	[tilespmem:s0], [sflag:$0x2] =	stream.indirect_vreg.gather @!p0 [hbm4b:s5+s30], $0x80, v13, vm1, $0xb8;
	[tilespmem:$0x19A00] =	vst v63  }
0x5f9: {  	s0 =	simm.s32 @!p0 $0xF200  }
0x5fa: {  	[tilespmem:s0], [sflag:$0x2] =	stream.indirect_vreg.gather @!p0 [hbm4b:s5+s30], $0x80, v9, vm1, $0xb8;
	[tilespmem:$0x19A00] =	vst v63  }
0x5fb: {  	v9 =	vld @!p0 [tilespmem:$0x17E0];
	_ =	sdelay $0x4  }
0x5fc: {  	v13 =	vshll.u32 @!p0 v9, $0x1  }
0x5fd: {  	v9 =	vand.u32 @!p0 $0x7, v9;
	v13 =	vand.u32 @!p0 $0xFFFFFFF0, v13  }
0x5fe: {  	v9 =	vor.u32 @!p0 v9, v13  }
0x5ff: {  	v13 =	vperm.xlane @!p0 v9, v10;
	_ =	sdelay $0x1  }
0x600: {  	v9 =	vperm.xlane @!p0 v9, v11;
	v13 =	vadd.s32 @!p0 v12, v13;
	_ =	sdelay $0x1  }
0x601: {  	v9 =	vadd.s32 @!p0 v12, v9;
	_ =	sdelay $0x1  }
0x602: {  	s0 =	simm.s32 @!p0 $0xFA00  }
0x603: {  	[tilespmem:s0], [sflag:$0x2] =	stream.indirect_vreg.gather @!p0 [hbm4b:s5+s30], $0x80, v13, vm1, $0xb8;
	[tilespmem:$0x19A00] =	vst v63  }
0x604: {  	s0 =	simm.s32 @!p0 $0x10200  }
0x605: {  	[tilespmem:s0], [sflag:$0x2] =	stream.indirect_vreg.gather @!p0 [hbm4b:s5+s30], $0x80, v9, vm1, $0xb8;
	[tilespmem:$0x19A00] =	vst v63  }
0x606: {  	v9 =	vld @!p0 [tilespmem:$0x17F0];
	_ =	sdelay $0x4  }
0x607: {  	v13 =	vshll.u32 @!p0 v9, $0x1  }
0x608: {  	v9 =	vand.u32 @!p0 $0x7, v9;
	v13 =	vand.u32 @!p0 $0xFFFFFFF0, v13  }
0x609: {  	v9 =	vor.u32 @!p0 v9, v13  }
0x60a: {  	v10 =	vperm.xlane @!p0 v9, v10;
	_ =	sdelay $0x1  }
0x60b: {  	v9 =	vperm.xlane @!p0 v9, v11;
	v10 =	vadd.s32 @!p0 v12, v10;
	_ =	sdelay $0x1  }
0x60c: {  	v9 =	vadd.s32 @!p0 v12, v9  }
0x60d: {  	s11 =	ssub.s32 @!p0 s25, s26  }
0x60e: {  	p1 =	sgt.s32 @!p0 s11, $0x7F;
	s0 =	simm.s32 @!p0 $0x10A00  }
0x60f: {  	[tilespmem:s0], [sflag:$0x2] =	stream.indirect_vreg.gather @!p0 [hbm4b:s5+s30], $0x80, v10, vm1, $0xb8;
	[tilespmem:$0x19A00] =	vst v63  }
0x610: {  	p1 =	por p0, p1;
	s0 =	simm.s32 @!p0 $0x11200  }
0x611: {  	[tilespmem:s0], [sflag:$0x2] =	stream.indirect_vreg.gather @!p0 [hbm4b:s5+s30], $0x80, v9, vm1, $0xb8;
	[tilespmem:$0x19A00] =	vst v63  }
.Ltmp51:
0x612: {  	_ = 	snop;
	(pc) =	sbr.rel @p1 .LBB2_67-.Ltmp51, $4  }
0x613: {  	s0 =	simm.s32 @!p0 $0x2  }
0x614: {  	_ =	swait.ge @!p0 [sflag:s0], $0x8000  }
0x615: {  	[sflag:s0] =	ssyncset.done @!p0 $0x0  }
0x616: {  	[sflag:s0] =	ssyncadd.s32 @!p0 $0xFFFF8000  }
0x617: {  	s4 =	sshll.u32 s11, $0x4  }
0x618: {  	s0 =	sshll.u32 s11, $0xB;
	s12 =	sshll.u32 s4, $0x4  }
0x619: {  	s13 =	sand.u32 $0x400, s0;
	s12 =	sand.u32 $0x7800, s12  }
0x61a: {  	s13 =	sor.u32 s13, s12;
	s12 =	smax.u32 s4, $0x7FF  }
0x61b: {  	p0 =	sne.s32 s4, s12  }
.Ltmp52:
0x61c: {  	s17 =	sshll.u32 s4, $0x3;
	(pc) =	sbr.rel @!p0 .LBB2_70-.Ltmp52, $4  }
0x61d: {  	s11 =	sshll.u32 s11, $0x8;
	s17 =	sand.u32 $0x380, s17  }
0x61e: {  	s30 =	sand.u32 $0x70, s11;
	s13 =	sor.u32 s17, s13  }
0x61f: {  	s13 =	sor.u32 s30, s13  }
0x620: {  	s30 =	sadd.s32 $0x1, s4;
	[tilespmem:s13+$0x9A00] =	vst v8  }
.LBB2_69:
0x621: {  	s4 =	sshll.u32 s30, $0x4  }
0x622: {  	p0 =	sne.s32 s30, s12;
	s0 =	sadd.s32 $0x80, s0;
	s17 =	sshll.u32 s30, $0x3  }
.Ltmp53:
0x623: {  	s4 =	sand.u32 $0x7800, s4;
	s13 =	sand.u32 $0x400, s0;
	(pc) =	sbr.rel @p0 .LBB2_69-.Ltmp53, $4  }
0x624: {  	s11 =	sadd.s32 $0x10, s11;
	s17 =	sand.u32 $0x380, s17;
	s4 =	sor.u32 s13, s4  }
0x625: {  	s13 =	sand.u32 $0x70, s11;
	s4 =	sor.u32 s17, s4  }
0x626: {  	s4 =	sor.u32 s13, s4  }
0x627: {  	s30 =	sadd.s32 $0x1, s30;
	[tilespmem:s4+$0x9A00] =	vst v8  }
.LBB2_70:
.Ltmp54:
0x628: {  	(pc) =	sbr.rel .LBB2_71-.Ltmp54, $2  }
0x629: {  	_ =	sdelay $0x2  }
0x62a: {  	s31 =	simm.s32 $0x9A00  }
.LBB2_67:
0x62b: {  	s31 =	simm.s32 @p0 $0x11A00  }
.LBB2_71:
0x62c: {  	s0 =	rddreg [dreg:$0x11]  }
0x62d: {  	[hbm4b:s0+s1] =	stream.linear.scatter [tilespmem:s31], [sflag:$0x4], $0x8000, $0x38;
	[tilespmem:$0x19A00] =	vst v63  }
0x62e: {  	_ =	swait.ge [sflag:s19], $0x8000  }
0x62f: {  	[sflag:s19] =	ssyncset.done $0x0  }
0x630: {  	p0 =	sle.s32 s25, s28;
	[sflag:s19] =	ssyncadd.s32 $0xFFFF8000  }
0x631: {  	v9 =	vld @!p0 [tilespmem:$0x1800];
	_ =	sdelay $0x4  }
0x632: {  	v10 =	vshll.u32 @!p0 v9, $0x1  }
0x633: {  	v11 =	vlaneseq.u32 @!p0;
	v9 =	vand.u32 @!p0 $0x7, v9;
	v10 =	vand.u32 @!p0 $0xFFFFFFF0, v10  }
0x634: {  	v12 =	vshrl.u32 @!p0 v11, $0x3;
	v9 =	vor.u32 @!p0 v9, v10;
	v10 =	vand.u32 @!p0 $0x7, v11  }
0x635: {  	v12 =	vmul.u32 @!p0 $0x8, v12;
	v13 =	vperm.xlane @!p0 v9, v10  }
0x636: {  	v11 =	vor.u32 @!p0 $0x8, v11  }
0x637: {  	v9 =	vperm.xlane @!p0 v9, v11;
	v13 =	vadd.s32 @!p0 v12, v13;
	_ =	sdelay $0x1  }
0x638: {  	v9 =	vadd.s32 @!p0 v12, v9;
	_ =	sdelay $0x1  }
0x639: {  	vm1 =	vmmov @!p0 $0xffff;
	s30 =	simm.s32 @!p0 $0x0;
	s31 =	simm.s32 @!p0 $0x1A00  }
0x63a: {  	[tilespmem:s31], [sflag:$0x1] =	stream.indirect_vreg.gather @!p0 [hbm4b:s5+s30], $0x80, v13, vm1, $0xb8;
	[tilespmem:$0x19A00] =	vst v63  }
0x63b: {  	s0 =	simm.s32 @!p0 $0x2200  }
0x63c: {  	[tilespmem:s0], [sflag:$0x1] =	stream.indirect_vreg.gather @!p0 [hbm4b:s5+s30], $0x80, v9, vm1, $0xb8;
	[tilespmem:$0x19A00] =	vst v63  }
0x63d: {  	v9 =	vld @!p0 [tilespmem:$0x1810];
	_ =	sdelay $0x4  }
0x63e: {  	v13 =	vshll.u32 @!p0 v9, $0x1  }
0x63f: {  	v9 =	vand.u32 @!p0 $0x7, v9;
	v13 =	vand.u32 @!p0 $0xFFFFFFF0, v13  }
0x640: {  	v9 =	vor.u32 @!p0 v9, v13  }
0x641: {  	v13 =	vperm.xlane @!p0 v9, v10;
	_ =	sdelay $0x1  }
0x642: {  	v9 =	vperm.xlane @!p0 v9, v11;
	v13 =	vadd.s32 @!p0 v12, v13;
	_ =	sdelay $0x1  }
0x643: {  	v9 =	vadd.s32 @!p0 v12, v9;
	_ =	sdelay $0x1  }
0x644: {  	s0 =	simm.s32 @!p0 $0x2A00  }
0x645: {  	[tilespmem:s0], [sflag:$0x1] =	stream.indirect_vreg.gather @!p0 [hbm4b:s5+s30], $0x80, v13, vm1, $0xb8;
	[tilespmem:$0x19A00] =	vst v63  }
0x646: {  	s0 =	simm.s32 @!p0 $0x3200  }
0x647: {  	[tilespmem:s0], [sflag:$0x1] =	stream.indirect_vreg.gather @!p0 [hbm4b:s5+s30], $0x80, v9, vm1, $0xb8;
	[tilespmem:$0x19A00] =	vst v63  }
0x648: {  	v9 =	vld @!p0 [tilespmem:$0x1820];
	_ =	sdelay $0x4  }
0x649: {  	v13 =	vshll.u32 @!p0 v9, $0x1  }
0x64a: {  	v9 =	vand.u32 @!p0 $0x7, v9;
	v13 =	vand.u32 @!p0 $0xFFFFFFF0, v13  }
0x64b: {  	v9 =	vor.u32 @!p0 v9, v13  }
0x64c: {  	v13 =	vperm.xlane @!p0 v9, v10;
	_ =	sdelay $0x1  }
0x64d: {  	v9 =	vperm.xlane @!p0 v9, v11;
	v13 =	vadd.s32 @!p0 v12, v13;
	_ =	sdelay $0x1  }
0x64e: {  	v9 =	vadd.s32 @!p0 v12, v9;
	_ =	sdelay $0x1  }
0x64f: {  	s0 =	simm.s32 @!p0 $0x3A00  }
0x650: {  	[tilespmem:s0], [sflag:$0x1] =	stream.indirect_vreg.gather @!p0 [hbm4b:s5+s30], $0x80, v13, vm1, $0xb8;
	[tilespmem:$0x19A00] =	vst v63  }
0x651: {  	s0 =	simm.s32 @!p0 $0x4200  }
0x652: {  	[tilespmem:s0], [sflag:$0x1] =	stream.indirect_vreg.gather @!p0 [hbm4b:s5+s30], $0x80, v9, vm1, $0xb8;
	[tilespmem:$0x19A00] =	vst v63  }
0x653: {  	v9 =	vld @!p0 [tilespmem:$0x1830];
	_ =	sdelay $0x4  }
0x654: {  	v13 =	vshll.u32 @!p0 v9, $0x1  }
0x655: {  	v9 =	vand.u32 @!p0 $0x7, v9;
	v13 =	vand.u32 @!p0 $0xFFFFFFF0, v13  }
0x656: {  	v9 =	vor.u32 @!p0 v9, v13  }
0x657: {  	v13 =	vperm.xlane @!p0 v9, v10;
	_ =	sdelay $0x1  }
0x658: {  	v9 =	vperm.xlane @!p0 v9, v11;
	v13 =	vadd.s32 @!p0 v12, v13;
	_ =	sdelay $0x1  }
0x659: {  	v9 =	vadd.s32 @!p0 v12, v9;
	_ =	sdelay $0x1  }
0x65a: {  	s0 =	simm.s32 @!p0 $0x4A00  }
0x65b: {  	[tilespmem:s0], [sflag:$0x1] =	stream.indirect_vreg.gather @!p0 [hbm4b:s5+s30], $0x80, v13, vm1, $0xb8;
	[tilespmem:$0x19A00] =	vst v63  }
0x65c: {  	s0 =	simm.s32 @!p0 $0x5200  }
0x65d: {  	[tilespmem:s0], [sflag:$0x1] =	stream.indirect_vreg.gather @!p0 [hbm4b:s5+s30], $0x80, v9, vm1, $0xb8;
	[tilespmem:$0x19A00] =	vst v63  }
0x65e: {  	v9 =	vld @!p0 [tilespmem:$0x1840];
	_ =	sdelay $0x4  }
0x65f: {  	v13 =	vshll.u32 @!p0 v9, $0x1  }
0x660: {  	v9 =	vand.u32 @!p0 $0x7, v9;
	v13 =	vand.u32 @!p0 $0xFFFFFFF0, v13  }
0x661: {  	v9 =	vor.u32 @!p0 v9, v13  }
0x662: {  	v13 =	vperm.xlane @!p0 v9, v10;
	_ =	sdelay $0x1  }
0x663: {  	v9 =	vperm.xlane @!p0 v9, v11;
	v13 =	vadd.s32 @!p0 v12, v13;
	_ =	sdelay $0x1  }
0x664: {  	v9 =	vadd.s32 @!p0 v12, v9;
	_ =	sdelay $0x1  }
0x665: {  	s0 =	simm.s32 @!p0 $0x5A00  }
0x666: {  	[tilespmem:s0], [sflag:$0x1] =	stream.indirect_vreg.gather @!p0 [hbm4b:s5+s30], $0x80, v13, vm1, $0xb8;
	[tilespmem:$0x19A00] =	vst v63  }
0x667: {  	s0 =	simm.s32 @!p0 $0x6200  }
0x668: {  	[tilespmem:s0], [sflag:$0x1] =	stream.indirect_vreg.gather @!p0 [hbm4b:s5+s30], $0x80, v9, vm1, $0xb8;
	[tilespmem:$0x19A00] =	vst v63  }
0x669: {  	v9 =	vld @!p0 [tilespmem:$0x1850];
	_ =	sdelay $0x4  }
0x66a: {  	v13 =	vshll.u32 @!p0 v9, $0x1  }
0x66b: {  	v9 =	vand.u32 @!p0 $0x7, v9;
	v13 =	vand.u32 @!p0 $0xFFFFFFF0, v13  }
0x66c: {  	v9 =	vor.u32 @!p0 v9, v13  }
0x66d: {  	v13 =	vperm.xlane @!p0 v9, v10;
	_ =	sdelay $0x1  }
0x66e: {  	v9 =	vperm.xlane @!p0 v9, v11;
	v13 =	vadd.s32 @!p0 v12, v13;
	_ =	sdelay $0x1  }
0x66f: {  	v9 =	vadd.s32 @!p0 v12, v9;
	_ =	sdelay $0x1  }
0x670: {  	s0 =	simm.s32 @!p0 $0x6A00  }
0x671: {  	[tilespmem:s0], [sflag:$0x1] =	stream.indirect_vreg.gather @!p0 [hbm4b:s5+s30], $0x80, v13, vm1, $0xb8;
	[tilespmem:$0x19A00] =	vst v63  }
0x672: {  	s0 =	simm.s32 @!p0 $0x7200  }
0x673: {  	[tilespmem:s0], [sflag:$0x1] =	stream.indirect_vreg.gather @!p0 [hbm4b:s5+s30], $0x80, v9, vm1, $0xb8;
	[tilespmem:$0x19A00] =	vst v63  }
0x674: {  	v9 =	vld @!p0 [tilespmem:$0x1860];
	_ =	sdelay $0x4  }
0x675: {  	v13 =	vshll.u32 @!p0 v9, $0x1  }
0x676: {  	v9 =	vand.u32 @!p0 $0x7, v9;
	v13 =	vand.u32 @!p0 $0xFFFFFFF0, v13  }
0x677: {  	v9 =	vor.u32 @!p0 v9, v13  }
0x678: {  	v13 =	vperm.xlane @!p0 v9, v10;
	_ =	sdelay $0x1  }
0x679: {  	v9 =	vperm.xlane @!p0 v9, v11;
	v13 =	vadd.s32 @!p0 v12, v13;
	_ =	sdelay $0x1  }
0x67a: {  	v9 =	vadd.s32 @!p0 v12, v9;
	_ =	sdelay $0x1  }
0x67b: {  	s0 =	simm.s32 @!p0 $0x7A00  }
0x67c: {  	[tilespmem:s0], [sflag:$0x1] =	stream.indirect_vreg.gather @!p0 [hbm4b:s5+s30], $0x80, v13, vm1, $0xb8;
	[tilespmem:$0x19A00] =	vst v63  }
0x67d: {  	s0 =	simm.s32 @!p0 $0x8200  }
0x67e: {  	[tilespmem:s0], [sflag:$0x1] =	stream.indirect_vreg.gather @!p0 [hbm4b:s5+s30], $0x80, v9, vm1, $0xb8;
	[tilespmem:$0x19A00] =	vst v63  }
0x67f: {  	v9 =	vld @!p0 [tilespmem:$0x1870];
	_ =	sdelay $0x4  }
0x680: {  	v13 =	vshll.u32 @!p0 v9, $0x1  }
0x681: {  	v9 =	vand.u32 @!p0 $0x7, v9;
	v13 =	vand.u32 @!p0 $0xFFFFFFF0, v13  }
0x682: {  	v9 =	vor.u32 @!p0 v9, v13  }
0x683: {  	v10 =	vperm.xlane @!p0 v9, v10;
	_ =	sdelay $0x1  }
0x684: {  	v9 =	vperm.xlane @!p0 v9, v11;
	v10 =	vadd.s32 @!p0 v12, v10;
	_ =	sdelay $0x1  }
0x685: {  	v9 =	vadd.s32 @!p0 v12, v9  }
0x686: {  	s11 =	ssub.s32 @!p0 s25, s28  }
0x687: {  	p1 =	sgt.s32 @!p0 s11, $0x7F;
	s0 =	simm.s32 @!p0 $0x8A00  }
0x688: {  	[tilespmem:s0], [sflag:$0x1] =	stream.indirect_vreg.gather @!p0 [hbm4b:s5+s30], $0x80, v10, vm1, $0xb8;
	[tilespmem:$0x19A00] =	vst v63  }
0x689: {  	p1 =	por p0, p1;
	s0 =	simm.s32 @!p0 $0x9200  }
0x68a: {  	[tilespmem:s0], [sflag:$0x1] =	stream.indirect_vreg.gather @!p0 [hbm4b:s5+s30], $0x80, v9, vm1, $0xb8;
	[tilespmem:$0x19A00] =	vst v63  }
.Ltmp55:
0x68b: {  	_ = 	snop;
	(pc) =	sbr.rel @p1 .LBB2_72-.Ltmp55, $4  }
0x68c: {  	s0 =	simm.s32 @!p0 $0x1  }
0x68d: {  	_ =	swait.ge @!p0 [sflag:s0], $0x8000  }
0x68e: {  	[sflag:s0] =	ssyncset.done @!p0 $0x0  }
0x68f: {  	[sflag:s0] =	ssyncadd.s32 @!p0 $0xFFFF8000  }
0x690: {  	s4 =	sshll.u32 s11, $0x4  }
0x691: {  	s0 =	sshll.u32 s11, $0xB;
	s12 =	sshll.u32 s4, $0x4  }
0x692: {  	s13 =	sand.u32 $0x400, s0;
	s12 =	sand.u32 $0x7800, s12  }
0x693: {  	s13 =	sor.u32 s13, s12;
	s12 =	smax.u32 s4, $0x7FF  }
0x694: {  	p0 =	sne.s32 s4, s12  }
.Ltmp56:
0x695: {  	s17 =	sshll.u32 s4, $0x3;
	(pc) =	sbr.rel @!p0 .LBB2_75-.Ltmp56, $4  }
0x696: {  	s11 =	sshll.u32 s11, $0x8;
	s17 =	sand.u32 $0x380, s17  }
0x697: {  	s30 =	sand.u32 $0x70, s11;
	s13 =	sor.u32 s17, s13  }
0x698: {  	s13 =	sor.u32 s30, s13  }
0x699: {  	s30 =	sadd.s32 $0x1, s4;
	[tilespmem:s13+$0x1A00] =	vst v8  }
.LBB2_74:
0x69a: {  	s4 =	sshll.u32 s30, $0x4  }
0x69b: {  	p0 =	sne.s32 s30, s12;
	s0 =	sadd.s32 $0x80, s0;
	s17 =	sshll.u32 s30, $0x3  }
.Ltmp57:
0x69c: {  	s4 =	sand.u32 $0x7800, s4;
	s13 =	sand.u32 $0x400, s0;
	(pc) =	sbr.rel @p0 .LBB2_74-.Ltmp57, $4  }
0x69d: {  	s11 =	sadd.s32 $0x10, s11;
	s17 =	sand.u32 $0x380, s17;
	s4 =	sor.u32 s13, s4  }
0x69e: {  	s13 =	sand.u32 $0x70, s11;
	s4 =	sor.u32 s17, s4  }
0x69f: {  	s4 =	sor.u32 s13, s4  }
0x6a0: {  	s30 =	sadd.s32 $0x1, s30;
	[tilespmem:s4+$0x1A00] =	vst v8  }
.LBB2_75:
.Ltmp58:
0x6a1: {  	(pc) =	sbr.rel .LBB2_76-.Ltmp58, $2  }
0x6a2: {  	_ =	sdelay $0x2  }
0x6a3: {  	s31 =	simm.s32 $0x1A00  }
.LBB2_72:
0x6a4: {  	s31 =	simm.s32 @p0 $0x11A00  }
.LBB2_76:
0x6a5: {  	s0 =	rddreg [dreg:$0x12]  }
0x6a6: {  	[hbm4b:s0+s1] =	stream.linear.scatter [tilespmem:s31], [sflag:$0x3], $0x8000, $0x38;
	[tilespmem:$0x19A00] =	vst v63  }
0x6a7: {  	_ =	swait.ge [sflag:s23], $0x8000  }
0x6a8: {  	[sflag:s23] =	ssyncset.done $0x0  }
0x6a9: {  	p0 =	sle.s32 s25, s29;
	[sflag:s23] =	ssyncadd.s32 $0xFFFF8000  }
0x6aa: {  	v9 =	vld @!p0 [tilespmem:$0x1880];
	_ =	sdelay $0x4  }
0x6ab: {  	v10 =	vshll.u32 @!p0 v9, $0x1  }
0x6ac: {  	v11 =	vlaneseq.u32 @!p0;
	v9 =	vand.u32 @!p0 $0x7, v9;
	v10 =	vand.u32 @!p0 $0xFFFFFFF0, v10  }
0x6ad: {  	v12 =	vshrl.u32 @!p0 v11, $0x3;
	v9 =	vor.u32 @!p0 v9, v10;
	v10 =	vand.u32 @!p0 $0x7, v11  }
0x6ae: {  	v12 =	vmul.u32 @!p0 $0x8, v12;
	v13 =	vperm.xlane @!p0 v9, v10  }
0x6af: {  	v11 =	vor.u32 @!p0 $0x8, v11  }
0x6b0: {  	v9 =	vperm.xlane @!p0 v9, v11;
	v13 =	vadd.s32 @!p0 v12, v13;
	_ =	sdelay $0x1  }
0x6b1: {  	v9 =	vadd.s32 @!p0 v12, v9;
	_ =	sdelay $0x1  }
0x6b2: {  	vm1 =	vmmov @!p0 $0xffff;
	s30 =	simm.s32 @!p0 $0x0;
	s31 =	simm.s32 @!p0 $0x9A00  }
0x6b3: {  	[tilespmem:s31], [sflag:$0x2] =	stream.indirect_vreg.gather @!p0 [hbm4b:s5+s30], $0x80, v13, vm1, $0xb8;
	[tilespmem:$0x19A00] =	vst v63  }
0x6b4: {  	s0 =	simm.s32 @!p0 $0xA200  }
0x6b5: {  	[tilespmem:s0], [sflag:$0x2] =	stream.indirect_vreg.gather @!p0 [hbm4b:s5+s30], $0x80, v9, vm1, $0xb8;
	[tilespmem:$0x19A00] =	vst v63  }
0x6b6: {  	v9 =	vld @!p0 [tilespmem:$0x1890];
	_ =	sdelay $0x4  }
0x6b7: {  	v13 =	vshll.u32 @!p0 v9, $0x1  }
0x6b8: {  	v9 =	vand.u32 @!p0 $0x7, v9;
	v13 =	vand.u32 @!p0 $0xFFFFFFF0, v13  }
0x6b9: {  	v9 =	vor.u32 @!p0 v9, v13  }
0x6ba: {  	v13 =	vperm.xlane @!p0 v9, v10;
	_ =	sdelay $0x1  }
0x6bb: {  	v9 =	vperm.xlane @!p0 v9, v11;
	v13 =	vadd.s32 @!p0 v12, v13;
	_ =	sdelay $0x1  }
0x6bc: {  	v9 =	vadd.s32 @!p0 v12, v9;
	_ =	sdelay $0x1  }
0x6bd: {  	s0 =	simm.s32 @!p0 $0xAA00  }
0x6be: {  	[tilespmem:s0], [sflag:$0x2] =	stream.indirect_vreg.gather @!p0 [hbm4b:s5+s30], $0x80, v13, vm1, $0xb8;
	[tilespmem:$0x19A00] =	vst v63  }
0x6bf: {  	s0 =	simm.s32 @!p0 $0xB200  }
0x6c0: {  	[tilespmem:s0], [sflag:$0x2] =	stream.indirect_vreg.gather @!p0 [hbm4b:s5+s30], $0x80, v9, vm1, $0xb8;
	[tilespmem:$0x19A00] =	vst v63  }
0x6c1: {  	v9 =	vld @!p0 [tilespmem:$0x18A0];
	_ =	sdelay $0x4  }
0x6c2: {  	v13 =	vshll.u32 @!p0 v9, $0x1  }
0x6c3: {  	v9 =	vand.u32 @!p0 $0x7, v9;
	v13 =	vand.u32 @!p0 $0xFFFFFFF0, v13  }
0x6c4: {  	v9 =	vor.u32 @!p0 v9, v13  }
0x6c5: {  	v13 =	vperm.xlane @!p0 v9, v10;
	_ =	sdelay $0x1  }
0x6c6: {  	v9 =	vperm.xlane @!p0 v9, v11;
	v13 =	vadd.s32 @!p0 v12, v13;
	_ =	sdelay $0x1  }
0x6c7: {  	v9 =	vadd.s32 @!p0 v12, v9;
	_ =	sdelay $0x1  }
0x6c8: {  	s0 =	simm.s32 @!p0 $0xBA00  }
0x6c9: {  	[tilespmem:s0], [sflag:$0x2] =	stream.indirect_vreg.gather @!p0 [hbm4b:s5+s30], $0x80, v13, vm1, $0xb8;
	[tilespmem:$0x19A00] =	vst v63  }
0x6ca: {  	s0 =	simm.s32 @!p0 $0xC200  }
0x6cb: {  	[tilespmem:s0], [sflag:$0x2] =	stream.indirect_vreg.gather @!p0 [hbm4b:s5+s30], $0x80, v9, vm1, $0xb8;
	[tilespmem:$0x19A00] =	vst v63  }
0x6cc: {  	v9 =	vld @!p0 [tilespmem:$0x18B0];
	_ =	sdelay $0x4  }
0x6cd: {  	v13 =	vshll.u32 @!p0 v9, $0x1  }
0x6ce: {  	v9 =	vand.u32 @!p0 $0x7, v9;
	v13 =	vand.u32 @!p0 $0xFFFFFFF0, v13  }
0x6cf: {  	v9 =	vor.u32 @!p0 v9, v13  }
0x6d0: {  	v13 =	vperm.xlane @!p0 v9, v10;
	_ =	sdelay $0x1  }
0x6d1: {  	v9 =	vperm.xlane @!p0 v9, v11;
	v13 =	vadd.s32 @!p0 v12, v13;
	_ =	sdelay $0x1  }
0x6d2: {  	v9 =	vadd.s32 @!p0 v12, v9;
	_ =	sdelay $0x1  }
0x6d3: {  	s0 =	simm.s32 @!p0 $0xCA00  }
0x6d4: {  	[tilespmem:s0], [sflag:$0x2] =	stream.indirect_vreg.gather @!p0 [hbm4b:s5+s30], $0x80, v13, vm1, $0xb8;
	[tilespmem:$0x19A00] =	vst v63  }
0x6d5: {  	s0 =	simm.s32 @!p0 $0xD200  }
0x6d6: {  	[tilespmem:s0], [sflag:$0x2] =	stream.indirect_vreg.gather @!p0 [hbm4b:s5+s30], $0x80, v9, vm1, $0xb8;
	[tilespmem:$0x19A00] =	vst v63  }
0x6d7: {  	v9 =	vld @!p0 [tilespmem:$0x18C0];
	_ =	sdelay $0x4  }
0x6d8: {  	v13 =	vshll.u32 @!p0 v9, $0x1  }
0x6d9: {  	v9 =	vand.u32 @!p0 $0x7, v9;
	v13 =	vand.u32 @!p0 $0xFFFFFFF0, v13  }
0x6da: {  	v9 =	vor.u32 @!p0 v9, v13  }
0x6db: {  	v13 =	vperm.xlane @!p0 v9, v10;
	_ =	sdelay $0x1  }
0x6dc: {  	v9 =	vperm.xlane @!p0 v9, v11;
	v13 =	vadd.s32 @!p0 v12, v13;
	_ =	sdelay $0x1  }
0x6dd: {  	v9 =	vadd.s32 @!p0 v12, v9;
	_ =	sdelay $0x1  }
0x6de: {  	s0 =	simm.s32 @!p0 $0xDA00  }
0x6df: {  	[tilespmem:s0], [sflag:$0x2] =	stream.indirect_vreg.gather @!p0 [hbm4b:s5+s30], $0x80, v13, vm1, $0xb8;
	[tilespmem:$0x19A00] =	vst v63  }
0x6e0: {  	s0 =	simm.s32 @!p0 $0xE200  }
0x6e1: {  	[tilespmem:s0], [sflag:$0x2] =	stream.indirect_vreg.gather @!p0 [hbm4b:s5+s30], $0x80, v9, vm1, $0xb8;
	[tilespmem:$0x19A00] =	vst v63  }
0x6e2: {  	v9 =	vld @!p0 [tilespmem:$0x18D0];
	_ =	sdelay $0x4  }
0x6e3: {  	v13 =	vshll.u32 @!p0 v9, $0x1  }
0x6e4: {  	v9 =	vand.u32 @!p0 $0x7, v9;
	v13 =	vand.u32 @!p0 $0xFFFFFFF0, v13  }
0x6e5: {  	v9 =	vor.u32 @!p0 v9, v13  }
0x6e6: {  	v13 =	vperm.xlane @!p0 v9, v10;
	_ =	sdelay $0x1  }
0x6e7: {  	v9 =	vperm.xlane @!p0 v9, v11;
	v13 =	vadd.s32 @!p0 v12, v13;
	_ =	sdelay $0x1  }
0x6e8: {  	v9 =	vadd.s32 @!p0 v12, v9;
	_ =	sdelay $0x1  }
0x6e9: {  	s0 =	simm.s32 @!p0 $0xEA00  }
0x6ea: {  	[tilespmem:s0], [sflag:$0x2] =	stream.indirect_vreg.gather @!p0 [hbm4b:s5+s30], $0x80, v13, vm1, $0xb8;
	[tilespmem:$0x19A00] =	vst v63  }
0x6eb: {  	s0 =	simm.s32 @!p0 $0xF200  }
0x6ec: {  	[tilespmem:s0], [sflag:$0x2] =	stream.indirect_vreg.gather @!p0 [hbm4b:s5+s30], $0x80, v9, vm1, $0xb8;
	[tilespmem:$0x19A00] =	vst v63  }
0x6ed: {  	v9 =	vld @!p0 [tilespmem:$0x18E0];
	_ =	sdelay $0x4  }
0x6ee: {  	v13 =	vshll.u32 @!p0 v9, $0x1  }
0x6ef: {  	v9 =	vand.u32 @!p0 $0x7, v9;
	v13 =	vand.u32 @!p0 $0xFFFFFFF0, v13  }
0x6f0: {  	v9 =	vor.u32 @!p0 v9, v13  }
0x6f1: {  	v13 =	vperm.xlane @!p0 v9, v10;
	_ =	sdelay $0x1  }
0x6f2: {  	v9 =	vperm.xlane @!p0 v9, v11;
	v13 =	vadd.s32 @!p0 v12, v13;
	_ =	sdelay $0x1  }
0x6f3: {  	v9 =	vadd.s32 @!p0 v12, v9;
	_ =	sdelay $0x1  }
0x6f4: {  	s0 =	simm.s32 @!p0 $0xFA00  }
0x6f5: {  	[tilespmem:s0], [sflag:$0x2] =	stream.indirect_vreg.gather @!p0 [hbm4b:s5+s30], $0x80, v13, vm1, $0xb8;
	[tilespmem:$0x19A00] =	vst v63  }
0x6f6: {  	s0 =	simm.s32 @!p0 $0x10200  }
0x6f7: {  	[tilespmem:s0], [sflag:$0x2] =	stream.indirect_vreg.gather @!p0 [hbm4b:s5+s30], $0x80, v9, vm1, $0xb8;
	[tilespmem:$0x19A00] =	vst v63  }
0x6f8: {  	v9 =	vld @!p0 [tilespmem:$0x18F0];
	_ =	sdelay $0x4  }
0x6f9: {  	v13 =	vshll.u32 @!p0 v9, $0x1  }
0x6fa: {  	v9 =	vand.u32 @!p0 $0x7, v9;
	v13 =	vand.u32 @!p0 $0xFFFFFFF0, v13  }
0x6fb: {  	v9 =	vor.u32 @!p0 v9, v13  }
0x6fc: {  	v10 =	vperm.xlane @!p0 v9, v10;
	_ =	sdelay $0x1  }
0x6fd: {  	v9 =	vperm.xlane @!p0 v9, v11;
	v10 =	vadd.s32 @!p0 v12, v10;
	_ =	sdelay $0x1  }
0x6fe: {  	v9 =	vadd.s32 @!p0 v12, v9  }
0x6ff: {  	s11 =	ssub.s32 @!p0 s25, s29  }
0x700: {  	p1 =	sgt.s32 @!p0 s11, $0x7F;
	s0 =	simm.s32 @!p0 $0x10A00  }
0x701: {  	[tilespmem:s0], [sflag:$0x2] =	stream.indirect_vreg.gather @!p0 [hbm4b:s5+s30], $0x80, v10, vm1, $0xb8;
	[tilespmem:$0x19A00] =	vst v63  }
0x702: {  	p1 =	por p0, p1;
	s0 =	simm.s32 @!p0 $0x11200  }
0x703: {  	[tilespmem:s0], [sflag:$0x2] =	stream.indirect_vreg.gather @!p0 [hbm4b:s5+s30], $0x80, v9, vm1, $0xb8;
	[tilespmem:$0x19A00] =	vst v63  }
.Ltmp59:
0x704: {  	_ = 	snop;
	(pc) =	sbr.rel @p1 .LBB2_77-.Ltmp59, $4  }
0x705: {  	s0 =	simm.s32 @!p0 $0x2  }
0x706: {  	_ =	swait.ge @!p0 [sflag:s0], $0x8000  }
0x707: {  	[sflag:s0] =	ssyncset.done @!p0 $0x0  }
0x708: {  	[sflag:s0] =	ssyncadd.s32 @!p0 $0xFFFF8000  }
0x709: {  	s4 =	sshll.u32 s11, $0x4  }
0x70a: {  	s0 =	sshll.u32 s11, $0xB;
	s12 =	sshll.u32 s4, $0x4  }
0x70b: {  	s13 =	sand.u32 $0x400, s0;
	s12 =	sand.u32 $0x7800, s12  }
0x70c: {  	s13 =	sor.u32 s13, s12;
	s12 =	smax.u32 s4, $0x7FF  }
0x70d: {  	p0 =	sne.s32 s4, s12  }
.Ltmp60:
0x70e: {  	s17 =	sshll.u32 s4, $0x3;
	(pc) =	sbr.rel @!p0 .LBB2_80-.Ltmp60, $4  }
0x70f: {  	s11 =	sshll.u32 s11, $0x8;
	s17 =	sand.u32 $0x380, s17  }
0x710: {  	s30 =	sand.u32 $0x70, s11;
	s13 =	sor.u32 s17, s13  }
0x711: {  	s13 =	sor.u32 s30, s13  }
0x712: {  	s30 =	sadd.s32 $0x1, s4;
	[tilespmem:s13+$0x9A00] =	vst v8  }
.LBB2_79:
0x713: {  	s4 =	sshll.u32 s30, $0x4  }
0x714: {  	p0 =	sne.s32 s30, s12;
	s0 =	sadd.s32 $0x80, s0;
	s17 =	sshll.u32 s30, $0x3  }
.Ltmp61:
0x715: {  	s4 =	sand.u32 $0x7800, s4;
	s13 =	sand.u32 $0x400, s0;
	(pc) =	sbr.rel @p0 .LBB2_79-.Ltmp61, $4  }
0x716: {  	s11 =	sadd.s32 $0x10, s11;
	s17 =	sand.u32 $0x380, s17;
	s4 =	sor.u32 s13, s4  }
0x717: {  	s13 =	sand.u32 $0x70, s11;
	s4 =	sor.u32 s17, s4  }
0x718: {  	s4 =	sor.u32 s13, s4  }
0x719: {  	s30 =	sadd.s32 $0x1, s30;
	[tilespmem:s4+$0x9A00] =	vst v8  }
.LBB2_80:
.Ltmp62:
0x71a: {  	(pc) =	sbr.rel .LBB2_81-.Ltmp62, $2  }
0x71b: {  	_ =	sdelay $0x2  }
0x71c: {  	s31 =	simm.s32 $0x9A00  }
.LBB2_77:
0x71d: {  	s31 =	simm.s32 @p0 $0x11A00  }
.LBB2_81:
0x71e: {  	s0 =	rddreg [dreg:$0x13]  }
0x71f: {  	[hbm4b:s0+s1] =	stream.linear.scatter [tilespmem:s31], [sflag:$0x4], $0x8000, $0x38;
	[tilespmem:$0x19A00] =	vst v63  }
0x720: {  	_ =	swait.ge [sflag:s19], $0x8000  }
0x721: {  	[sflag:s19] =	ssyncset.done $0x0  }
0x722: {  	p0 =	sle.s32 s25, s6;
	[sflag:s19] =	ssyncadd.s32 $0xFFFF8000  }
0x723: {  	v9 =	vld @!p0 [tilespmem:$0x1900];
	_ =	sdelay $0x4  }
0x724: {  	v10 =	vshll.u32 @!p0 v9, $0x1  }
0x725: {  	v11 =	vlaneseq.u32 @!p0;
	v9 =	vand.u32 @!p0 $0x7, v9;
	v10 =	vand.u32 @!p0 $0xFFFFFFF0, v10  }
0x726: {  	v12 =	vshrl.u32 @!p0 v11, $0x3;
	v9 =	vor.u32 @!p0 v9, v10;
	v10 =	vand.u32 @!p0 $0x7, v11  }
0x727: {  	v12 =	vmul.u32 @!p0 $0x8, v12;
	v13 =	vperm.xlane @!p0 v9, v10  }
0x728: {  	v11 =	vor.u32 @!p0 $0x8, v11  }
0x729: {  	v9 =	vperm.xlane @!p0 v9, v11;
	v13 =	vadd.s32 @!p0 v12, v13;
	_ =	sdelay $0x1  }
0x72a: {  	v9 =	vadd.s32 @!p0 v12, v9;
	_ =	sdelay $0x1  }
0x72b: {  	vm1 =	vmmov @!p0 $0xffff;
	s30 =	simm.s32 @!p0 $0x0;
	s31 =	simm.s32 @!p0 $0x1A00  }
0x72c: {  	[tilespmem:s31], [sflag:$0x1] =	stream.indirect_vreg.gather @!p0 [hbm4b:s5+s30], $0x80, v13, vm1, $0xb8;
	[tilespmem:$0x19A00] =	vst v63  }
0x72d: {  	s0 =	simm.s32 @!p0 $0x2200  }
0x72e: {  	[tilespmem:s0], [sflag:$0x1] =	stream.indirect_vreg.gather @!p0 [hbm4b:s5+s30], $0x80, v9, vm1, $0xb8;
	[tilespmem:$0x19A00] =	vst v63  }
0x72f: {  	v9 =	vld @!p0 [tilespmem:$0x1910];
	_ =	sdelay $0x4  }
0x730: {  	v13 =	vshll.u32 @!p0 v9, $0x1  }
0x731: {  	v9 =	vand.u32 @!p0 $0x7, v9;
	v13 =	vand.u32 @!p0 $0xFFFFFFF0, v13  }
0x732: {  	v9 =	vor.u32 @!p0 v9, v13  }
0x733: {  	v13 =	vperm.xlane @!p0 v9, v10;
	_ =	sdelay $0x1  }
0x734: {  	v9 =	vperm.xlane @!p0 v9, v11;
	v13 =	vadd.s32 @!p0 v12, v13;
	_ =	sdelay $0x1  }
0x735: {  	v9 =	vadd.s32 @!p0 v12, v9;
	_ =	sdelay $0x1  }
0x736: {  	s0 =	simm.s32 @!p0 $0x2A00  }
0x737: {  	[tilespmem:s0], [sflag:$0x1] =	stream.indirect_vreg.gather @!p0 [hbm4b:s5+s30], $0x80, v13, vm1, $0xb8;
	[tilespmem:$0x19A00] =	vst v63  }
0x738: {  	s0 =	simm.s32 @!p0 $0x3200  }
0x739: {  	[tilespmem:s0], [sflag:$0x1] =	stream.indirect_vreg.gather @!p0 [hbm4b:s5+s30], $0x80, v9, vm1, $0xb8;
	[tilespmem:$0x19A00] =	vst v63  }
0x73a: {  	v9 =	vld @!p0 [tilespmem:$0x1920];
	_ =	sdelay $0x4  }
0x73b: {  	v13 =	vshll.u32 @!p0 v9, $0x1  }
0x73c: {  	v9 =	vand.u32 @!p0 $0x7, v9;
	v13 =	vand.u32 @!p0 $0xFFFFFFF0, v13  }
0x73d: {  	v9 =	vor.u32 @!p0 v9, v13  }
0x73e: {  	v13 =	vperm.xlane @!p0 v9, v10;
	_ =	sdelay $0x1  }
0x73f: {  	v9 =	vperm.xlane @!p0 v9, v11;
	v13 =	vadd.s32 @!p0 v12, v13;
	_ =	sdelay $0x1  }
0x740: {  	v9 =	vadd.s32 @!p0 v12, v9;
	_ =	sdelay $0x1  }
0x741: {  	s0 =	simm.s32 @!p0 $0x3A00  }
0x742: {  	[tilespmem:s0], [sflag:$0x1] =	stream.indirect_vreg.gather @!p0 [hbm4b:s5+s30], $0x80, v13, vm1, $0xb8;
	[tilespmem:$0x19A00] =	vst v63  }
0x743: {  	s0 =	simm.s32 @!p0 $0x4200  }
0x744: {  	[tilespmem:s0], [sflag:$0x1] =	stream.indirect_vreg.gather @!p0 [hbm4b:s5+s30], $0x80, v9, vm1, $0xb8;
	[tilespmem:$0x19A00] =	vst v63  }
0x745: {  	v9 =	vld @!p0 [tilespmem:$0x1930];
	_ =	sdelay $0x4  }
0x746: {  	v13 =	vshll.u32 @!p0 v9, $0x1  }
0x747: {  	v9 =	vand.u32 @!p0 $0x7, v9;
	v13 =	vand.u32 @!p0 $0xFFFFFFF0, v13  }
0x748: {  	v9 =	vor.u32 @!p0 v9, v13  }
0x749: {  	v13 =	vperm.xlane @!p0 v9, v10;
	_ =	sdelay $0x1  }
0x74a: {  	v9 =	vperm.xlane @!p0 v9, v11;
	v13 =	vadd.s32 @!p0 v12, v13;
	_ =	sdelay $0x1  }
0x74b: {  	v9 =	vadd.s32 @!p0 v12, v9;
	_ =	sdelay $0x1  }
0x74c: {  	s0 =	simm.s32 @!p0 $0x4A00  }
0x74d: {  	[tilespmem:s0], [sflag:$0x1] =	stream.indirect_vreg.gather @!p0 [hbm4b:s5+s30], $0x80, v13, vm1, $0xb8;
	[tilespmem:$0x19A00] =	vst v63  }
0x74e: {  	s0 =	simm.s32 @!p0 $0x5200  }
0x74f: {  	[tilespmem:s0], [sflag:$0x1] =	stream.indirect_vreg.gather @!p0 [hbm4b:s5+s30], $0x80, v9, vm1, $0xb8;
	[tilespmem:$0x19A00] =	vst v63  }
0x750: {  	v9 =	vld @!p0 [tilespmem:$0x1940];
	_ =	sdelay $0x4  }
0x751: {  	v13 =	vshll.u32 @!p0 v9, $0x1  }
0x752: {  	v9 =	vand.u32 @!p0 $0x7, v9;
	v13 =	vand.u32 @!p0 $0xFFFFFFF0, v13  }
0x753: {  	v9 =	vor.u32 @!p0 v9, v13  }
0x754: {  	v13 =	vperm.xlane @!p0 v9, v10;
	_ =	sdelay $0x1  }
0x755: {  	v9 =	vperm.xlane @!p0 v9, v11;
	v13 =	vadd.s32 @!p0 v12, v13;
	_ =	sdelay $0x1  }
0x756: {  	v9 =	vadd.s32 @!p0 v12, v9;
	_ =	sdelay $0x1  }
0x757: {  	s0 =	simm.s32 @!p0 $0x5A00  }
0x758: {  	[tilespmem:s0], [sflag:$0x1] =	stream.indirect_vreg.gather @!p0 [hbm4b:s5+s30], $0x80, v13, vm1, $0xb8;
	[tilespmem:$0x19A00] =	vst v63  }
0x759: {  	s0 =	simm.s32 @!p0 $0x6200  }
0x75a: {  	[tilespmem:s0], [sflag:$0x1] =	stream.indirect_vreg.gather @!p0 [hbm4b:s5+s30], $0x80, v9, vm1, $0xb8;
	[tilespmem:$0x19A00] =	vst v63  }
0x75b: {  	v9 =	vld @!p0 [tilespmem:$0x1950];
	_ =	sdelay $0x4  }
0x75c: {  	v13 =	vshll.u32 @!p0 v9, $0x1  }
0x75d: {  	v9 =	vand.u32 @!p0 $0x7, v9;
	v13 =	vand.u32 @!p0 $0xFFFFFFF0, v13  }
0x75e: {  	v9 =	vor.u32 @!p0 v9, v13  }
0x75f: {  	v13 =	vperm.xlane @!p0 v9, v10;
	_ =	sdelay $0x1  }
0x760: {  	v9 =	vperm.xlane @!p0 v9, v11;
	v13 =	vadd.s32 @!p0 v12, v13;
	_ =	sdelay $0x1  }
0x761: {  	v9 =	vadd.s32 @!p0 v12, v9;
	_ =	sdelay $0x1  }
0x762: {  	s0 =	simm.s32 @!p0 $0x6A00  }
0x763: {  	[tilespmem:s0], [sflag:$0x1] =	stream.indirect_vreg.gather @!p0 [hbm4b:s5+s30], $0x80, v13, vm1, $0xb8;
	[tilespmem:$0x19A00] =	vst v63  }
0x764: {  	s0 =	simm.s32 @!p0 $0x7200  }
0x765: {  	[tilespmem:s0], [sflag:$0x1] =	stream.indirect_vreg.gather @!p0 [hbm4b:s5+s30], $0x80, v9, vm1, $0xb8;
	[tilespmem:$0x19A00] =	vst v63  }
0x766: {  	v9 =	vld @!p0 [tilespmem:$0x1960];
	_ =	sdelay $0x4  }
0x767: {  	v13 =	vshll.u32 @!p0 v9, $0x1  }
0x768: {  	v9 =	vand.u32 @!p0 $0x7, v9;
	v13 =	vand.u32 @!p0 $0xFFFFFFF0, v13  }
0x769: {  	v9 =	vor.u32 @!p0 v9, v13  }
0x76a: {  	v13 =	vperm.xlane @!p0 v9, v10;
	_ =	sdelay $0x1  }
0x76b: {  	v9 =	vperm.xlane @!p0 v9, v11;
	v13 =	vadd.s32 @!p0 v12, v13;
	_ =	sdelay $0x1  }
0x76c: {  	v9 =	vadd.s32 @!p0 v12, v9;
	_ =	sdelay $0x1  }
0x76d: {  	s0 =	simm.s32 @!p0 $0x7A00  }
0x76e: {  	[tilespmem:s0], [sflag:$0x1] =	stream.indirect_vreg.gather @!p0 [hbm4b:s5+s30], $0x80, v13, vm1, $0xb8;
	[tilespmem:$0x19A00] =	vst v63  }
0x76f: {  	s0 =	simm.s32 @!p0 $0x8200  }
0x770: {  	[tilespmem:s0], [sflag:$0x1] =	stream.indirect_vreg.gather @!p0 [hbm4b:s5+s30], $0x80, v9, vm1, $0xb8;
	[tilespmem:$0x19A00] =	vst v63  }
0x771: {  	v9 =	vld @!p0 [tilespmem:$0x1970];
	_ =	sdelay $0x4  }
0x772: {  	v13 =	vshll.u32 @!p0 v9, $0x1  }
0x773: {  	v9 =	vand.u32 @!p0 $0x7, v9;
	v13 =	vand.u32 @!p0 $0xFFFFFFF0, v13  }
0x774: {  	v9 =	vor.u32 @!p0 v9, v13  }
0x775: {  	v10 =	vperm.xlane @!p0 v9, v10;
	_ =	sdelay $0x1  }
0x776: {  	v9 =	vperm.xlane @!p0 v9, v11;
	v10 =	vadd.s32 @!p0 v12, v10;
	_ =	sdelay $0x1  }
0x777: {  	v9 =	vadd.s32 @!p0 v12, v9  }
0x778: {  	s11 =	ssub.s32 @!p0 s25, s6  }
0x779: {  	p1 =	sgt.s32 @!p0 s11, $0x7F;
	s0 =	simm.s32 @!p0 $0x8A00  }
0x77a: {  	[tilespmem:s0], [sflag:$0x1] =	stream.indirect_vreg.gather @!p0 [hbm4b:s5+s30], $0x80, v10, vm1, $0xb8;
	[tilespmem:$0x19A00] =	vst v63  }
0x77b: {  	p1 =	por p0, p1;
	s0 =	simm.s32 @!p0 $0x9200  }
0x77c: {  	[tilespmem:s0], [sflag:$0x1] =	stream.indirect_vreg.gather @!p0 [hbm4b:s5+s30], $0x80, v9, vm1, $0xb8;
	[tilespmem:$0x19A00] =	vst v63  }
.Ltmp63:
0x77d: {  	_ = 	snop;
	(pc) =	sbr.rel @p1 .LBB2_82-.Ltmp63, $4  }
0x77e: {  	s0 =	simm.s32 @!p0 $0x1  }
0x77f: {  	_ =	swait.ge @!p0 [sflag:s0], $0x8000  }
0x780: {  	[sflag:s0] =	ssyncset.done @!p0 $0x0  }
0x781: {  	[sflag:s0] =	ssyncadd.s32 @!p0 $0xFFFF8000  }
0x782: {  	s4 =	sshll.u32 s11, $0x4  }
0x783: {  	s0 =	sshll.u32 s11, $0xB;
	s12 =	sshll.u32 s4, $0x4  }
0x784: {  	s13 =	sand.u32 $0x400, s0;
	s12 =	sand.u32 $0x7800, s12  }
0x785: {  	s13 =	sor.u32 s13, s12;
	s12 =	smax.u32 s4, $0x7FF  }
0x786: {  	p0 =	sne.s32 s4, s12  }
.Ltmp64:
0x787: {  	s17 =	sshll.u32 s4, $0x3;
	(pc) =	sbr.rel @!p0 .LBB2_85-.Ltmp64, $4  }
0x788: {  	s11 =	sshll.u32 s11, $0x8;
	s17 =	sand.u32 $0x380, s17  }
0x789: {  	s30 =	sand.u32 $0x70, s11;
	s13 =	sor.u32 s17, s13  }
0x78a: {  	s13 =	sor.u32 s30, s13  }
0x78b: {  	s30 =	sadd.s32 $0x1, s4;
	[tilespmem:s13+$0x1A00] =	vst v8  }
.LBB2_84:
0x78c: {  	s4 =	sshll.u32 s30, $0x4  }
0x78d: {  	p0 =	sne.s32 s30, s12;
	s0 =	sadd.s32 $0x80, s0;
	s17 =	sshll.u32 s30, $0x3  }
.Ltmp65:
0x78e: {  	s4 =	sand.u32 $0x7800, s4;
	s13 =	sand.u32 $0x400, s0;
	(pc) =	sbr.rel @p0 .LBB2_84-.Ltmp65, $4  }
0x78f: {  	s11 =	sadd.s32 $0x10, s11;
	s17 =	sand.u32 $0x380, s17;
	s4 =	sor.u32 s13, s4  }
0x790: {  	s13 =	sand.u32 $0x70, s11;
	s4 =	sor.u32 s17, s4  }
0x791: {  	s4 =	sor.u32 s13, s4  }
0x792: {  	s30 =	sadd.s32 $0x1, s30;
	[tilespmem:s4+$0x1A00] =	vst v8  }
.LBB2_85:
.Ltmp66:
0x793: {  	(pc) =	sbr.rel .LBB2_86-.Ltmp66, $2  }
0x794: {  	_ =	sdelay $0x2  }
0x795: {  	s31 =	simm.s32 $0x1A00  }
.LBB2_82:
0x796: {  	s31 =	simm.s32 @p0 $0x11A00  }
.LBB2_86:
0x797: {  	s0 =	rddreg [dreg:$0x14]  }
0x798: {  	[hbm4b:s0+s1] =	stream.linear.scatter [tilespmem:s31], [sflag:$0x3], $0x8000, $0x38;
	[tilespmem:$0x19A00] =	vst v63  }
0x799: {  	_ =	swait.ge [sflag:s23], $0x8000  }
0x79a: {  	[sflag:s23] =	ssyncset.done $0x0  }
0x79b: {  	p0 =	sle.s32 s25, s7;
	[sflag:s23] =	ssyncadd.s32 $0xFFFF8000  }
0x79c: {  	v9 =	vld @!p0 [tilespmem:$0x1980];
	_ =	sdelay $0x4  }
0x79d: {  	v10 =	vshll.u32 @!p0 v9, $0x1  }
0x79e: {  	v11 =	vlaneseq.u32 @!p0;
	v9 =	vand.u32 @!p0 $0x7, v9;
	v10 =	vand.u32 @!p0 $0xFFFFFFF0, v10  }
0x79f: {  	v12 =	vshrl.u32 @!p0 v11, $0x3;
	v9 =	vor.u32 @!p0 v9, v10;
	v10 =	vand.u32 @!p0 $0x7, v11  }
0x7a0: {  	v12 =	vmul.u32 @!p0 $0x8, v12;
	v13 =	vperm.xlane @!p0 v9, v10  }
0x7a1: {  	v11 =	vor.u32 @!p0 $0x8, v11  }
0x7a2: {  	v9 =	vperm.xlane @!p0 v9, v11;
	v13 =	vadd.s32 @!p0 v12, v13;
	_ =	sdelay $0x1  }
0x7a3: {  	v9 =	vadd.s32 @!p0 v12, v9;
	_ =	sdelay $0x1  }
0x7a4: {  	vm1 =	vmmov @!p0 $0xffff;
	s30 =	simm.s32 @!p0 $0x0;
	s31 =	simm.s32 @!p0 $0x9A00  }
0x7a5: {  	[tilespmem:s31], [sflag:$0x2] =	stream.indirect_vreg.gather @!p0 [hbm4b:s5+s30], $0x80, v13, vm1, $0xb8;
	[tilespmem:$0x19A00] =	vst v63  }
0x7a6: {  	s0 =	simm.s32 @!p0 $0xA200  }
0x7a7: {  	[tilespmem:s0], [sflag:$0x2] =	stream.indirect_vreg.gather @!p0 [hbm4b:s5+s30], $0x80, v9, vm1, $0xb8;
	[tilespmem:$0x19A00] =	vst v63  }
0x7a8: {  	v9 =	vld @!p0 [tilespmem:$0x1990];
	_ =	sdelay $0x4  }
0x7a9: {  	v13 =	vshll.u32 @!p0 v9, $0x1  }
0x7aa: {  	v9 =	vand.u32 @!p0 $0x7, v9;
	v13 =	vand.u32 @!p0 $0xFFFFFFF0, v13  }
0x7ab: {  	v9 =	vor.u32 @!p0 v9, v13  }
0x7ac: {  	v13 =	vperm.xlane @!p0 v9, v10;
	_ =	sdelay $0x1  }
0x7ad: {  	v9 =	vperm.xlane @!p0 v9, v11;
	v13 =	vadd.s32 @!p0 v12, v13;
	_ =	sdelay $0x1  }
0x7ae: {  	v9 =	vadd.s32 @!p0 v12, v9;
	_ =	sdelay $0x1  }
0x7af: {  	s0 =	simm.s32 @!p0 $0xAA00  }
0x7b0: {  	[tilespmem:s0], [sflag:$0x2] =	stream.indirect_vreg.gather @!p0 [hbm4b:s5+s30], $0x80, v13, vm1, $0xb8;
	[tilespmem:$0x19A00] =	vst v63  }
0x7b1: {  	s0 =	simm.s32 @!p0 $0xB200  }
0x7b2: {  	[tilespmem:s0], [sflag:$0x2] =	stream.indirect_vreg.gather @!p0 [hbm4b:s5+s30], $0x80, v9, vm1, $0xb8;
	[tilespmem:$0x19A00] =	vst v63  }
0x7b3: {  	v9 =	vld @!p0 [tilespmem:$0x19A0];
	_ =	sdelay $0x4  }
0x7b4: {  	v13 =	vshll.u32 @!p0 v9, $0x1  }
0x7b5: {  	v9 =	vand.u32 @!p0 $0x7, v9;
	v13 =	vand.u32 @!p0 $0xFFFFFFF0, v13  }
0x7b6: {  	v9 =	vor.u32 @!p0 v9, v13  }
0x7b7: {  	v13 =	vperm.xlane @!p0 v9, v10;
	_ =	sdelay $0x1  }
0x7b8: {  	v9 =	vperm.xlane @!p0 v9, v11;
	v13 =	vadd.s32 @!p0 v12, v13;
	_ =	sdelay $0x1  }
0x7b9: {  	v9 =	vadd.s32 @!p0 v12, v9;
	_ =	sdelay $0x1  }
0x7ba: {  	s0 =	simm.s32 @!p0 $0xBA00  }
0x7bb: {  	[tilespmem:s0], [sflag:$0x2] =	stream.indirect_vreg.gather @!p0 [hbm4b:s5+s30], $0x80, v13, vm1, $0xb8;
	[tilespmem:$0x19A00] =	vst v63  }
0x7bc: {  	s0 =	simm.s32 @!p0 $0xC200  }
0x7bd: {  	[tilespmem:s0], [sflag:$0x2] =	stream.indirect_vreg.gather @!p0 [hbm4b:s5+s30], $0x80, v9, vm1, $0xb8;
	[tilespmem:$0x19A00] =	vst v63  }
0x7be: {  	v9 =	vld @!p0 [tilespmem:$0x19B0];
	_ =	sdelay $0x4  }
0x7bf: {  	v13 =	vshll.u32 @!p0 v9, $0x1  }
0x7c0: {  	v9 =	vand.u32 @!p0 $0x7, v9;
	v13 =	vand.u32 @!p0 $0xFFFFFFF0, v13  }
0x7c1: {  	v9 =	vor.u32 @!p0 v9, v13  }
0x7c2: {  	v13 =	vperm.xlane @!p0 v9, v10;
	_ =	sdelay $0x1  }
0x7c3: {  	v9 =	vperm.xlane @!p0 v9, v11;
	v13 =	vadd.s32 @!p0 v12, v13;
	_ =	sdelay $0x1  }
0x7c4: {  	v9 =	vadd.s32 @!p0 v12, v9;
	_ =	sdelay $0x1  }
0x7c5: {  	s0 =	simm.s32 @!p0 $0xCA00  }
0x7c6: {  	[tilespmem:s0], [sflag:$0x2] =	stream.indirect_vreg.gather @!p0 [hbm4b:s5+s30], $0x80, v13, vm1, $0xb8;
	[tilespmem:$0x19A00] =	vst v63  }
0x7c7: {  	s0 =	simm.s32 @!p0 $0xD200  }
0x7c8: {  	[tilespmem:s0], [sflag:$0x2] =	stream.indirect_vreg.gather @!p0 [hbm4b:s5+s30], $0x80, v9, vm1, $0xb8;
	[tilespmem:$0x19A00] =	vst v63  }
0x7c9: {  	v9 =	vld @!p0 [tilespmem:$0x19C0];
	_ =	sdelay $0x4  }
0x7ca: {  	v13 =	vshll.u32 @!p0 v9, $0x1  }
0x7cb: {  	v9 =	vand.u32 @!p0 $0x7, v9;
	v13 =	vand.u32 @!p0 $0xFFFFFFF0, v13  }
0x7cc: {  	v9 =	vor.u32 @!p0 v9, v13  }
0x7cd: {  	v13 =	vperm.xlane @!p0 v9, v10;
	_ =	sdelay $0x1  }
0x7ce: {  	v9 =	vperm.xlane @!p0 v9, v11;
	v13 =	vadd.s32 @!p0 v12, v13;
	_ =	sdelay $0x1  }
0x7cf: {  	v9 =	vadd.s32 @!p0 v12, v9;
	_ =	sdelay $0x1  }
0x7d0: {  	s0 =	simm.s32 @!p0 $0xDA00  }
0x7d1: {  	[tilespmem:s0], [sflag:$0x2] =	stream.indirect_vreg.gather @!p0 [hbm4b:s5+s30], $0x80, v13, vm1, $0xb8;
	[tilespmem:$0x19A00] =	vst v63  }
0x7d2: {  	s0 =	simm.s32 @!p0 $0xE200  }
0x7d3: {  	[tilespmem:s0], [sflag:$0x2] =	stream.indirect_vreg.gather @!p0 [hbm4b:s5+s30], $0x80, v9, vm1, $0xb8;
	[tilespmem:$0x19A00] =	vst v63  }
0x7d4: {  	v9 =	vld @!p0 [tilespmem:$0x19D0];
	_ =	sdelay $0x4  }
0x7d5: {  	v13 =	vshll.u32 @!p0 v9, $0x1  }
0x7d6: {  	v9 =	vand.u32 @!p0 $0x7, v9;
	v13 =	vand.u32 @!p0 $0xFFFFFFF0, v13  }
0x7d7: {  	v9 =	vor.u32 @!p0 v9, v13  }
0x7d8: {  	v13 =	vperm.xlane @!p0 v9, v10;
	_ =	sdelay $0x1  }
0x7d9: {  	v9 =	vperm.xlane @!p0 v9, v11;
	v13 =	vadd.s32 @!p0 v12, v13;
	_ =	sdelay $0x1  }
0x7da: {  	v9 =	vadd.s32 @!p0 v12, v9;
	_ =	sdelay $0x1  }
0x7db: {  	s0 =	simm.s32 @!p0 $0xEA00  }
0x7dc: {  	[tilespmem:s0], [sflag:$0x2] =	stream.indirect_vreg.gather @!p0 [hbm4b:s5+s30], $0x80, v13, vm1, $0xb8;
	[tilespmem:$0x19A00] =	vst v63  }
0x7dd: {  	s0 =	simm.s32 @!p0 $0xF200  }
0x7de: {  	[tilespmem:s0], [sflag:$0x2] =	stream.indirect_vreg.gather @!p0 [hbm4b:s5+s30], $0x80, v9, vm1, $0xb8;
	[tilespmem:$0x19A00] =	vst v63  }
0x7df: {  	v9 =	vld @!p0 [tilespmem:$0x19E0];
	_ =	sdelay $0x4  }
0x7e0: {  	v13 =	vshll.u32 @!p0 v9, $0x1  }
0x7e1: {  	v9 =	vand.u32 @!p0 $0x7, v9;
	v13 =	vand.u32 @!p0 $0xFFFFFFF0, v13  }
0x7e2: {  	v9 =	vor.u32 @!p0 v9, v13  }
0x7e3: {  	v13 =	vperm.xlane @!p0 v9, v10;
	_ =	sdelay $0x1  }
0x7e4: {  	v9 =	vperm.xlane @!p0 v9, v11;
	v13 =	vadd.s32 @!p0 v12, v13;
	_ =	sdelay $0x1  }
0x7e5: {  	v9 =	vadd.s32 @!p0 v12, v9;
	_ =	sdelay $0x1  }
0x7e6: {  	s0 =	simm.s32 @!p0 $0xFA00  }
0x7e7: {  	[tilespmem:s0], [sflag:$0x2] =	stream.indirect_vreg.gather @!p0 [hbm4b:s5+s30], $0x80, v13, vm1, $0xb8;
	[tilespmem:$0x19A00] =	vst v63  }
0x7e8: {  	s0 =	simm.s32 @!p0 $0x10200  }
0x7e9: {  	[tilespmem:s0], [sflag:$0x2] =	stream.indirect_vreg.gather @!p0 [hbm4b:s5+s30], $0x80, v9, vm1, $0xb8;
	[tilespmem:$0x19A00] =	vst v63  }
0x7ea: {  	v9 =	vld @!p0 [tilespmem:$0x19F0];
	_ =	sdelay $0x4  }
0x7eb: {  	v13 =	vshll.u32 @!p0 v9, $0x1  }
0x7ec: {  	v9 =	vand.u32 @!p0 $0x7, v9;
	v13 =	vand.u32 @!p0 $0xFFFFFFF0, v13  }
0x7ed: {  	v9 =	vor.u32 @!p0 v9, v13  }
0x7ee: {  	v10 =	vperm.xlane @!p0 v9, v10;
	_ =	sdelay $0x1  }
0x7ef: {  	v9 =	vperm.xlane @!p0 v9, v11;
	v10 =	vadd.s32 @!p0 v12, v10;
	_ =	sdelay $0x1  }
0x7f0: {  	v9 =	vadd.s32 @!p0 v12, v9  }
0x7f1: {  	s11 =	ssub.s32 @!p0 s25, s7  }
0x7f2: {  	p1 =	sgt.s32 @!p0 s11, $0x7F;
	s0 =	simm.s32 @!p0 $0x10A00  }
0x7f3: {  	[tilespmem:s0], [sflag:$0x2] =	stream.indirect_vreg.gather @!p0 [hbm4b:s5+s30], $0x80, v10, vm1, $0xb8;
	[tilespmem:$0x19A00] =	vst v63  }
0x7f4: {  	p1 =	por p0, p1;
	s0 =	simm.s32 @!p0 $0x11200  }
0x7f5: {  	[tilespmem:s0], [sflag:$0x2] =	stream.indirect_vreg.gather @!p0 [hbm4b:s5+s30], $0x80, v9, vm1, $0xb8;
	[tilespmem:$0x19A00] =	vst v63  }
.Ltmp67:
0x7f6: {  	_ = 	snop;
	(pc) =	sbr.rel @p1 .LBB2_87-.Ltmp67, $4  }
0x7f7: {  	s0 =	simm.s32 @!p0 $0x2  }
0x7f8: {  	_ =	swait.ge @!p0 [sflag:s0], $0x8000  }
0x7f9: {  	[sflag:s0] =	ssyncset.done @!p0 $0x0  }
0x7fa: {  	[sflag:s0] =	ssyncadd.s32 @!p0 $0xFFFF8000  }
0x7fb: {  	s4 =	sshll.u32 s11, $0x4  }
0x7fc: {  	s0 =	sshll.u32 s11, $0xB;
	s12 =	sshll.u32 s4, $0x4  }
0x7fd: {  	s13 =	sand.u32 $0x400, s0;
	s12 =	sand.u32 $0x7800, s12  }
0x7fe: {  	s13 =	sor.u32 s13, s12;
	s12 =	smax.u32 s4, $0x7FF  }
0x7ff: {  	p0 =	sne.s32 s4, s12  }
.Ltmp68:
0x800: {  	s17 =	sshll.u32 s4, $0x3;
	(pc) =	sbr.rel @!p0 .LBB2_90-.Ltmp68, $4  }
0x801: {  	s11 =	sshll.u32 s11, $0x8;
	s17 =	sand.u32 $0x380, s17  }
0x802: {  	s25 =	sand.u32 $0x70, s11;
	s13 =	sor.u32 s17, s13  }
0x803: {  	s13 =	sor.u32 s25, s13  }
0x804: {  	s25 =	sadd.s32 $0x1, s4;
	[tilespmem:s13+$0x9A00] =	vst v8  }
.LBB2_89:
0x805: {  	s4 =	sshll.u32 s25, $0x4  }
0x806: {  	p0 =	sne.s32 s25, s12;
	s0 =	sadd.s32 $0x80, s0;
	s17 =	sshll.u32 s25, $0x3  }
.Ltmp69:
0x807: {  	s4 =	sand.u32 $0x7800, s4;
	s13 =	sand.u32 $0x400, s0;
	(pc) =	sbr.rel @p0 .LBB2_89-.Ltmp69, $4  }
0x808: {  	s11 =	sadd.s32 $0x10, s11;
	s17 =	sand.u32 $0x380, s17;
	s4 =	sor.u32 s13, s4  }
0x809: {  	s13 =	sand.u32 $0x70, s11;
	s4 =	sor.u32 s17, s4  }
0x80a: {  	s4 =	sor.u32 s13, s4  }
0x80b: {  	s25 =	sadd.s32 $0x1, s25;
	[tilespmem:s4+$0x9A00] =	vst v8  }
.LBB2_90:
.Ltmp70:
0x80c: {  	(pc) =	sbr.rel .LBB2_91-.Ltmp70, $2  }
0x80d: {  	_ =	sdelay $0x2  }
0x80e: {  	s31 =	simm.s32 $0x9A00  }
.LBB2_92:
0x80f: {  	_ =	sfence.sel $0x180000  }
0x810: {  	[bflag:$0x0] =	sbarrier.arrive $0xFFFF  }
0x811: {  	_ =	strace $0x90000047  }
0x812: {  	s0 =	stileid.u32;
	[bflag:$0x2] =	sbarrier.arrive $0xFFFF  }
0x813: {  	p0 =	sne.s32 s0, $0x0;
	s0 =	rddreg [dreg:$0x3]  }
0x814: {  	s0 =	sadd.s32 @!p0 $0x100000, s0  }
0x815: {  	[sflag:s0] =	ssyncadd.tile.s32 @!p0 $0x1;
	_ =	shalt  }
.Lfunc_end2:
_tile_overlayer_lowered:
.L_overlay_start_2:
0x816: {  	(tag) =	ssettag $0x2  }
0x817: {  	s0 =	rddreg [dreg:$0x0];
	s2 =	stileid.u32  }
0x818: {  	s1 =	rddreg [dreg:$0x1];
	p0 =	sne.s32 s2, $0x0  }
0x819: {  	s3 =	rddreg [dreg:$0x2];
	[bflag:$0x3] =	sbarrier.arrive $0xFFFF;
	s2 =	simm.s32 @!p0 $0x1C05  }
0x81a: {  	[timem:s3], [sflag:s2] =	dma.local @!p0 [hbm:s0], s1  }
0x81b: {  	s0 =	simm.s32 @!p0 $0x5  }
0x81c: {  	_ =	swait.ge @!p0 [sflag:s0], s1  }
0x81d: {  	s1 =	ssub.s32 @!p0 $0x0, s1;
	[sflag:s0] =	ssyncset.done @!p0 $0x0  }
0x81e: {  	[sflag:s0] =	ssyncadd.s32 @!p0 s1  }
0x81f: {  	[bflag:$0x3] =	sbarrier.arrive $0xFFFF  }
0x820: {  	_ =	shalt  }

</sc_bundles>
